<compile_context>
chip_gen: v7x
topology: tpu7x:2x2x1
jax: 0.10.2.dev20260603
libtpu: 0.0.44.dev20260713+nightly
codegen_flags: <defaults>
</compile_context>

<pallas_src>
import functools

import jax
import jax.numpy as jnp
from jax.experimental import pallas as pl
from jax.experimental.pallas import tpu as pltpu

_N = 1024
_NP = 8
_NL = _N // _NP
_BR = 32
_CR = 32

_roll = pltpu.roll


def _lane_iota():
    return jax.lax.broadcasted_iota(jnp.int32, (1, _NL), 1)


def _sort_planes(planes):
    li = _lane_iota()

    def flip(pls, k):
        if k >= _N:
            return pls
        if k < _NP:
            return [(-p if (i & k) else p) for i, p in enumerate(pls)]
        sgn = jnp.where((li & (k // _NP)) == 0, 1.0, -1.0).astype(pls[0].dtype)
        return [p * sgn for p in pls]

    k = 2
    while k <= _N:
        planes = flip(planes, k)
        j = k // 2
        while j >= 1:
            if j < _NP:
                out = list(planes)
                for p in range(_NP):
                    if p & j:
                        continue
                    a, b = planes[p], planes[p | j]
                    out[p] = jnp.minimum(a, b)
                    out[p | j] = jnp.maximum(a, b)
                planes = out
            else:
                m = j // _NP
                upper = (li & m) != 0
                nxt = []
                for p in planes:
                    down = _roll(p, _NL - m, axis=1)
                    mn = jnp.minimum(p, down)
                    mx = jnp.maximum(p, down)
                    nxt.append(jnp.where(upper, _roll(mx, m, axis=1), mn))
                planes = nxt
            j //= 2
        planes = flip(planes, k)
        k *= 2
    return planes


def _body(x_ref, y_ref, o_ref):
    for c in range(_BR // _CR):
        r0 = c * _CR
        xs = _sort_planes(
            [x_ref[r0:r0 + _CR, _NL * p:_NL * (p + 1)] for p in range(_NP)])
        ys = _sort_planes(
            [y_ref[r0:r0 + _CR, _NL * p:_NL * (p + 1)] for p in range(_NP)])
        for p in range(_NP):
            d = ys[p] - xs[p]
            o_ref[p, r0:r0 + _CR, :] = (
                4.0 * jax.nn.sigmoid(2.0 * d) * jax.nn.sigmoid(-2.0 * d))


@jax.jit
def kernel(x, y):
    b, s, n = x.shape
    rows = b * s
    xf = x.reshape(rows, n)
    yf = y.reshape(rows, n)
    out = pl.pallas_call(
        _body,
        grid=(rows // _BR,),
        in_specs=[
            pl.BlockSpec((_BR, n), lambda i: (i, 0)),
            pl.BlockSpec((_BR, n), lambda i: (i, 0)),
        ],
        out_specs=pl.BlockSpec((_NP, _BR, _NL), lambda i: (0, i, 0)),
        out_shape=jax.ShapeDtypeStruct((_NP, rows, _NL), jnp.float32),
    )(xf, yf)
    return out.transpose(1, 2, 0).reshape(b, s, n)

# --- scband reference (transcript-rebuilt; emitter-appended) ---
"""Pipeline reference for scband-equals-26980984553778 (READ-ONLY COPY).

The authoritative reference and input builder live on the scoring server;
editing this copy changes nothing except your own understanding.
"""

import jax, jax.numpy as jnp
import numpy as np

ALPHA = 0.001
MINMULT = 1.0
MAXMULT = 1.0
SCHEME = 'constant'


def setup_inputs(seed: int = 0) -> dict:
    key = jax.random.key(seed)
    k1, k2 = jax.random.split(key)
    x = jax.random.normal(k1, (4, 8192, 1024), dtype=jnp.float32)
    y = jax.random.normal(k2, (4, 8192, 1024), dtype=jnp.float32)
    return {"x": x, "y": y}


def _standardise(t):
    t = t.astype(jnp.float32)
    while t.ndim < 3:
        t = jnp.expand_dims(t, axis=-1)
    return t


def _multiplier(counter):
    if SCHEME == 'tanh':
        return MINMULT + (MAXMULT - MINMULT) * jnp.tanh(jnp.float32(counter) * ALPHA)
    return MAXMULT


def _squared_sech(diff):
    return 4.0 * jax.nn.sigmoid(2.0 * diff) * jax.nn.sigmoid(-2.0 * diff)


def reference(x, y):
    # counter increments per call; value only matters for scheme='tanh'
    counter = 1
    x = _standardise(x)
    y = _standardise(y)
    x = jnp.sort(x, axis=-1)
    y = jnp.sort(y, axis=-1)
    diff = _multiplier(counter) * (y - x)
    if diff.ndim == 4:
        diff = jnp.sum(diff, axis=-2)
    loss = _squared_sech(diff)
    return loss

if __name__ == "__main__":
    import jax
    _d = setup_inputs()
    print(jax.jit(kernel)(*tuple(_d.values())))

</pallas_src>

<mosaic_0001>
module attributes {stable_mosaic.version = 14 : i64} {
  func.func @_body(%arg0: i32, %arg1: memref<32x1024xf32, #tpu.memory_space<vmem>>, %arg2: memref<32x1024xf32, #tpu.memory_space<vmem>>, %arg3: memref<8x32x128xf32, #tpu.memory_space<vmem>>) attributes {dimension_semantics = [#tpu.dimension_semantics<arbitrary>], iteration_bounds = array<i64: 1024>, scalar_prefetch = 0 : i64, scratch_operands = 0 : i64, tpu.core_type = #tpu.core_type<tc>, window_params = [{transform_indices = @transform_0, window_bounds = array<i64: 32, 1024>}, {transform_indices = @transform_1, window_bounds = array<i64: 32, 1024>}, {transform_indices = @transform_2, window_bounds = array<i64: 8, 32, 128>}]} {
    %get3A = arith.constant 0 : index
    %get3A_0 = arith.constant 0 : index
    %get3A_1 = vector.load %arg1[%get3A, %get3A_0] : memref<32x1024xf32, #tpu.memory_space<vmem>>, vector<32x128xf32>
    %get3A_2 = arith.constant 0 : index
    %get3A_3 = arith.constant 128 : index
    %get3A_4 = vector.load %arg1[%get3A_2, %get3A_3] : memref<32x1024xf32, #tpu.memory_space<vmem>>, vector<32x128xf32>
    %get3A_5 = arith.constant 0 : index
    %get3A_6 = arith.constant 256 : index
    %get3A_7 = vector.load %arg1[%get3A_5, %get3A_6] : memref<32x1024xf32, #tpu.memory_space<vmem>>, vector<32x128xf32>
    %get3A_8 = arith.constant 0 : index
    %get3A_9 = arith.constant 384 : index
    %get3A_10 = vector.load %arg1[%get3A_8, %get3A_9] : memref<32x1024xf32, #tpu.memory_space<vmem>>, vector<32x128xf32>
    %get3A_11 = arith.constant 0 : index
    %get3A_12 = arith.constant 512 : index
    %get3A_13 = vector.load %arg1[%get3A_11, %get3A_12] : memref<32x1024xf32, #tpu.memory_space<vmem>>, vector<32x128xf32>
    %get3A_14 = arith.constant 0 : index
    %get3A_15 = arith.constant 640 : index
    %get3A_16 = vector.load %arg1[%get3A_14, %get3A_15] : memref<32x1024xf32, #tpu.memory_space<vmem>>, vector<32x128xf32>
    %get3A_17 = arith.constant 0 : index
    %get3A_18 = arith.constant 768 : index
    %get3A_19 = vector.load %arg1[%get3A_17, %get3A_18] : memref<32x1024xf32, #tpu.memory_space<vmem>>, vector<32x128xf32>
    %get3A_20 = arith.constant 0 : index
    %get3A_21 = arith.constant 896 : index
    %get3A_22 = vector.load %arg1[%get3A_20, %get3A_21] : memref<32x1024xf32, #tpu.memory_space<vmem>>, vector<32x128xf32>
    %iota3A = tpu.iota {dimensions = array<i32: 1>} : vector<1x128xi32>
    %neg3A = arith.constant 0.000000e+00 : f32
    %neg3A_23 = vector.broadcast %neg3A : f32 to vector<32x128xf32>
    %neg3A_24 = arith.subf %neg3A_23, %get3A_7 : vector<32x128xf32>
    %neg3A_25 = arith.constant 0.000000e+00 : f32
    %neg3A_26 = vector.broadcast %neg3A_25 : f32 to vector<32x128xf32>
    %neg3A_27 = arith.subf %neg3A_26, %get3A_10 : vector<32x128xf32>
    %neg3A_28 = arith.constant 0.000000e+00 : f32
    %neg3A_29 = vector.broadcast %neg3A_28 : f32 to vector<32x128xf32>
    %neg3A_30 = arith.subf %neg3A_29, %get3A_19 : vector<32x128xf32>
    %neg3A_31 = arith.constant 0.000000e+00 : f32
    %neg3A_32 = vector.broadcast %neg3A_31 : f32 to vector<32x128xf32>
    %neg3A_33 = arith.subf %neg3A_32, %get3A_22 : vector<32x128xf32>
    %min3A = arith.minimumf %get3A_1, %get3A_4 : vector<32x128xf32>
    %max3A = arith.maximumf %get3A_1, %get3A_4 : vector<32x128xf32>
    %min3A_34 = arith.minimumf %neg3A_24, %neg3A_27 : vector<32x128xf32>
    %max3A_35 = arith.maximumf %neg3A_24, %neg3A_27 : vector<32x128xf32>
    %min3A_36 = arith.minimumf %get3A_13, %get3A_16 : vector<32x128xf32>
    %max3A_37 = arith.maximumf %get3A_13, %get3A_16 : vector<32x128xf32>
    %min3A_38 = arith.minimumf %neg3A_30, %neg3A_33 : vector<32x128xf32>
    %max3A_39 = arith.maximumf %neg3A_30, %neg3A_33 : vector<32x128xf32>
    %neg3A_40 = arith.constant 0.000000e+00 : f32
    %neg3A_41 = vector.broadcast %neg3A_40 : f32 to vector<32x128xf32>
    %neg3A_42 = arith.subf %neg3A_41, %min3A_34 : vector<32x128xf32>
    %neg3A_43 = arith.constant 0.000000e+00 : f32
    %neg3A_44 = vector.broadcast %neg3A_43 : f32 to vector<32x128xf32>
    %neg3A_45 = arith.subf %neg3A_44, %max3A_35 : vector<32x128xf32>
    %neg3A_46 = arith.constant 0.000000e+00 : f32
    %neg3A_47 = vector.broadcast %neg3A_46 : f32 to vector<32x128xf32>
    %neg3A_48 = arith.subf %neg3A_47, %min3A_38 : vector<32x128xf32>
    %neg3A_49 = arith.constant 0.000000e+00 : f32
    %neg3A_50 = vector.broadcast %neg3A_49 : f32 to vector<32x128xf32>
    %neg3A_51 = arith.subf %neg3A_50, %max3A_39 : vector<32x128xf32>
    %neg3A_52 = arith.constant 0.000000e+00 : f32
    %neg3A_53 = vector.broadcast %neg3A_52 : f32 to vector<32x128xf32>
    %neg3A_54 = arith.subf %neg3A_53, %min3A_36 : vector<32x128xf32>
    %neg3A_55 = arith.constant 0.000000e+00 : f32
    %neg3A_56 = vector.broadcast %neg3A_55 : f32 to vector<32x128xf32>
    %neg3A_57 = arith.subf %neg3A_56, %max3A_37 : vector<32x128xf32>
    %neg3A_58 = arith.constant 0.000000e+00 : f32
    %neg3A_59 = vector.broadcast %neg3A_58 : f32 to vector<32x128xf32>
    %neg3A_60 = arith.subf %neg3A_59, %neg3A_48 : vector<32x128xf32>
    %neg3A_61 = arith.constant 0.000000e+00 : f32
    %neg3A_62 = vector.broadcast %neg3A_61 : f32 to vector<32x128xf32>
    %neg3A_63 = arith.subf %neg3A_62, %neg3A_51 : vector<32x128xf32>
    %min3A_64 = arith.minimumf %min3A, %neg3A_42 : vector<32x128xf32>
    %max3A_65 = arith.maximumf %min3A, %neg3A_42 : vector<32x128xf32>
    %min3A_66 = arith.minimumf %max3A, %neg3A_45 : vector<32x128xf32>
    %max3A_67 = arith.maximumf %max3A, %neg3A_45 : vector<32x128xf32>
    %min3A_68 = arith.minimumf %neg3A_54, %neg3A_60 : vector<32x128xf32>
    %max3A_69 = arith.maximumf %neg3A_54, %neg3A_60 : vector<32x128xf32>
    %min3A_70 = arith.minimumf %neg3A_57, %neg3A_63 : vector<32x128xf32>
    %max3A_71 = arith.maximumf %neg3A_57, %neg3A_63 : vector<32x128xf32>
    %min3A_72 = arith.minimumf %min3A_64, %min3A_66 : vector<32x128xf32>
    %max3A_73 = arith.maximumf %min3A_64, %min3A_66 : vector<32x128xf32>
    %min3A_74 = arith.minimumf %max3A_65, %max3A_67 : vector<32x128xf32>
    %max3A_75 = arith.maximumf %max3A_65, %max3A_67 : vector<32x128xf32>
    %min3A_76 = arith.minimumf %min3A_68, %min3A_70 : vector<32x128xf32>
    %max3A_77 = arith.maximumf %min3A_68, %min3A_70 : vector<32x128xf32>
    %min3A_78 = arith.minimumf %max3A_69, %max3A_71 : vector<32x128xf32>
    %max3A_79 = arith.maximumf %max3A_69, %max3A_71 : vector<32x128xf32>
    %neg3A_80 = arith.constant 0.000000e+00 : f32
    %neg3A_81 = vector.broadcast %neg3A_80 : f32 to vector<32x128xf32>
    %neg3A_82 = arith.subf %neg3A_81, %min3A_76 : vector<32x128xf32>
    %neg3A_83 = arith.constant 0.000000e+00 : f32
    %neg3A_84 = vector.broadcast %neg3A_83 : f32 to vector<32x128xf32>
    %neg3A_85 = arith.subf %neg3A_84, %max3A_77 : vector<32x128xf32>
    %neg3A_86 = arith.constant 0.000000e+00 : f32
    %neg3A_87 = vector.broadcast %neg3A_86 : f32 to vector<32x128xf32>
    %neg3A_88 = arith.subf %neg3A_87, %min3A_78 : vector<32x128xf32>
    %neg3A_89 = arith.constant 0.000000e+00 : f32
    %neg3A_90 = vector.broadcast %neg3A_89 : f32 to vector<32x128xf32>
    %neg3A_91 = arith.subf %neg3A_90, %max3A_79 : vector<32x128xf32>
    %and3A = arith.constant 1 : i32
    %and3A_92 = vector.broadcast %and3A : i32 to vector<1x128xi32>
    %and3A_93 = arith.andi %iota3A, %and3A_92 : vector<1x128xi32>
    %eq3A = arith.constant 0 : i32
    %eq3A_94 = vector.broadcast %eq3A : i32 to vector<1x128xi32>
    %eq3A_95 = arith.cmpi eq, %and3A_93, %eq3A_94 : vector<1x128xi32>
    %jit3A = arith.constant 1.000000e+00 : f32
    %jit3A_96 = arith.constant -1.000000e+00 : f32
    %broadcast_in_dim3A = vector.broadcast %jit3A : f32 to vector<1x128xf32>
    %broadcast_in_dim3A_97 = vector.broadcast %jit3A_96 : f32 to vector<1x128xf32>
    %select_n3A = arith.select %eq3A_95, %broadcast_in_dim3A, %broadcast_in_dim3A_97 : vector<1x128xi1>, vector<1x128xf32>
    %mul3A = vector.broadcast %select_n3A : vector<1x128xf32> to vector<32x128xf32>
    %mul3A_98 = arith.mulf %min3A_72, %mul3A : vector<32x128xf32>
    %mul3A_99 = vector.broadcast %select_n3A : vector<1x128xf32> to vector<32x128xf32>
    %mul3A_100 = arith.mulf %max3A_73, %mul3A_99 : vector<32x128xf32>
    %mul3A_101 = vector.broadcast %select_n3A : vector<1x128xf32> to vector<32x128xf32>
    %mul3A_102 = arith.mulf %min3A_74, %mul3A_101 : vector<32x128xf32>
    %mul3A_103 = vector.broadcast %select_n3A : vector<1x128xf32> to vector<32x128xf32>
    %mul3A_104 = arith.mulf %max3A_75, %mul3A_103 : vector<32x128xf32>
    %mul3A_105 = vector.broadcast %select_n3A : vector<1x128xf32> to vector<32x128xf32>
    %mul3A_106 = arith.mulf %neg3A_82, %mul3A_105 : vector<32x128xf32>
    %mul3A_107 = vector.broadcast %select_n3A : vector<1x128xf32> to vector<32x128xf32>
    %mul3A_108 = arith.mulf %neg3A_85, %mul3A_107 : vector<32x128xf32>
    %mul3A_109 = vector.broadcast %select_n3A : vector<1x128xf32> to vector<32x128xf32>
    %mul3A_110 = arith.mulf %neg3A_88, %mul3A_109 : vector<32x128xf32>
    %mul3A_111 = vector.broadcast %select_n3A : vector<1x128xf32> to vector<32x128xf32>
    %mul3A_112 = arith.mulf %neg3A_91, %mul3A_111 : vector<32x128xf32>
    %min3A_113 = arith.minimumf %mul3A_98, %mul3A_106 : vector<32x128xf32>
    %max3A_114 = arith.maximumf %mul3A_98, %mul3A_106 : vector<32x128xf32>
    %min3A_115 = arith.minimumf %mul3A_100, %mul3A_108 : vector<32x128xf32>
    %max3A_116 = arith.maximumf %mul3A_100, %mul3A_108 : vector<32x128xf32>
    %min3A_117 = arith.minimumf %mul3A_102, %mul3A_110 : vector<32x128xf32>
    %max3A_118 = arith.maximumf %mul3A_102, %mul3A_110 : vector<32x128xf32>
    %min3A_119 = arith.minimumf %mul3A_104, %mul3A_112 : vector<32x128xf32>
    %max3A_120 = arith.maximumf %mul3A_104, %mul3A_112 : vector<32x128xf32>
    %min3A_121 = arith.minimumf %min3A_113, %min3A_117 : vector<32x128xf32>
    %max3A_122 = arith.maximumf %min3A_113, %min3A_117 : vector<32x128xf32>
    %min3A_123 = arith.minimumf %min3A_115, %min3A_119 : vector<32x128xf32>
    %max3A_124 = arith.maximumf %min3A_115, %min3A_119 : vector<32x128xf32>
    %min3A_125 = arith.minimumf %max3A_114, %max3A_118 : vector<32x128xf32>
    %max3A_126 = arith.maximumf %max3A_114, %max3A_118 : vector<32x128xf32>
    %min3A_127 = arith.minimumf %max3A_116, %max3A_120 : vector<32x128xf32>
    %max3A_128 = arith.maximumf %max3A_116, %max3A_120 : vector<32x128xf32>
    %min3A_129 = arith.minimumf %min3A_121, %min3A_123 : vector<32x128xf32>
    %max3A_130 = arith.maximumf %min3A_121, %min3A_123 : vector<32x128xf32>
    %min3A_131 = arith.minimumf %max3A_122, %max3A_124 : vector<32x128xf32>
    %max3A_132 = arith.maximumf %max3A_122, %max3A_124 : vector<32x128xf32>
    %min3A_133 = arith.minimumf %min3A_125, %min3A_127 : vector<32x128xf32>
    %max3A_134 = arith.maximumf %min3A_125, %min3A_127 : vector<32x128xf32>
    %min3A_135 = arith.minimumf %max3A_126, %max3A_128 : vector<32x128xf32>
    %max3A_136 = arith.maximumf %max3A_126, %max3A_128 : vector<32x128xf32>
    %and3A_137 = arith.constant 1 : i32
    %and3A_138 = vector.broadcast %and3A_137 : i32 to vector<1x128xi32>
    %and3A_139 = arith.andi %iota3A, %and3A_138 : vector<1x128xi32>
    %eq3A_140 = arith.constant 0 : i32
    %eq3A_141 = vector.broadcast %eq3A_140 : i32 to vector<1x128xi32>
    %eq3A_142 = arith.cmpi eq, %and3A_139, %eq3A_141 : vector<1x128xi32>
    %jit3A_143 = arith.constant 1.000000e+00 : f32
    %jit3A_144 = arith.constant -1.000000e+00 : f32
    %broadcast_in_dim3A_145 = vector.broadcast %jit3A_143 : f32 to vector<1x128xf32>
    %broadcast_in_dim3A_146 = vector.broadcast %jit3A_144 : f32 to vector<1x128xf32>
    %select_n3A_147 = arith.select %eq3A_142, %broadcast_in_dim3A_145, %broadcast_in_dim3A_146 : vector<1x128xi1>, vector<1x128xf32>
    %mul3A_148 = vector.broadcast %select_n3A_147 : vector<1x128xf32> to vector<32x128xf32>
    %mul3A_149 = arith.mulf %min3A_129, %mul3A_148 : vector<32x128xf32>
    %mul3A_150 = vector.broadcast %select_n3A_147 : vector<1x128xf32> to vector<32x128xf32>
    %mul3A_151 = arith.mulf %max3A_130, %mul3A_150 : vector<32x128xf32>
    %mul3A_152 = vector.broadcast %select_n3A_147 : vector<1x128xf32> to vector<32x128xf32>
    %mul3A_153 = arith.mulf %min3A_131, %mul3A_152 : vector<32x128xf32>
    %mul3A_154 = vector.broadcast %select_n3A_147 : vector<1x128xf32> to vector<32x128xf32>
    %mul3A_155 = arith.mulf %max3A_132, %mul3A_154 : vector<32x128xf32>
    %mul3A_156 = vector.broadcast %select_n3A_147 : vector<1x128xf32> to vector<32x128xf32>
    %mul3A_157 = arith.mulf %min3A_133, %mul3A_156 : vector<32x128xf32>
    %mul3A_158 = vector.broadcast %select_n3A_147 : vector<1x128xf32> to vector<32x128xf32>
    %mul3A_159 = arith.mulf %max3A_134, %mul3A_158 : vector<32x128xf32>
    %mul3A_160 = vector.broadcast %select_n3A_147 : vector<1x128xf32> to vector<32x128xf32>
    %mul3A_161 = arith.mulf %min3A_135, %mul3A_160 : vector<32x128xf32>
    %mul3A_162 = vector.broadcast %select_n3A_147 : vector<1x128xf32> to vector<32x128xf32>
    %mul3A_163 = arith.mulf %max3A_136, %mul3A_162 : vector<32x128xf32>
    %and3A_164 = arith.constant 2 : i32
    %and3A_165 = vector.broadcast %and3A_164 : i32 to vector<1x128xi32>
    %and3A_166 = arith.andi %iota3A, %and3A_165 : vector<1x128xi32>
    %eq3A_167 = arith.constant 0 : i32
    %eq3A_168 = vector.broadcast %eq3A_167 : i32 to vector<1x128xi32>
    %eq3A_169 = arith.cmpi eq, %and3A_166, %eq3A_168 : vector<1x128xi32>
    %jit3A_170 = arith.constant 1.000000e+00 : f32
    %jit3A_171 = arith.constant -1.000000e+00 : f32
    %broadcast_in_dim3A_172 = vector.broadcast %jit3A_170 : f32 to vector<1x128xf32>
    %broadcast_in_dim3A_173 = vector.broadcast %jit3A_171 : f32 to vector<1x128xf32>
    %select_n3A_174 = arith.select %eq3A_169, %broadcast_in_dim3A_172, %broadcast_in_dim3A_173 : vector<1x128xi1>, vector<1x128xf32>
    %mul3A_175 = vector.broadcast %select_n3A_174 : vector<1x128xf32> to vector<32x128xf32>
    %mul3A_176 = arith.mulf %mul3A_149, %mul3A_175 : vector<32x128xf32>
    %mul3A_177 = vector.broadcast %select_n3A_174 : vector<1x128xf32> to vector<32x128xf32>
    %mul3A_178 = arith.mulf %mul3A_151, %mul3A_177 : vector<32x128xf32>
    %mul3A_179 = vector.broadcast %select_n3A_174 : vector<1x128xf32> to vector<32x128xf32>
    %mul3A_180 = arith.mulf %mul3A_153, %mul3A_179 : vector<32x128xf32>
    %mul3A_181 = vector.broadcast %select_n3A_174 : vector<1x128xf32> to vector<32x128xf32>
    %mul3A_182 = arith.mulf %mul3A_155, %mul3A_181 : vector<32x128xf32>
    %mul3A_183 = vector.broadcast %select_n3A_174 : vector<1x128xf32> to vector<32x128xf32>
    %mul3A_184 = arith.mulf %mul3A_157, %mul3A_183 : vector<32x128xf32>
    %mul3A_185 = vector.broadcast %select_n3A_174 : vector<1x128xf32> to vector<32x128xf32>
    %mul3A_186 = arith.mulf %mul3A_159, %mul3A_185 : vector<32x128xf32>
    %mul3A_187 = vector.broadcast %select_n3A_174 : vector<1x128xf32> to vector<32x128xf32>
    %mul3A_188 = arith.mulf %mul3A_161, %mul3A_187 : vector<32x128xf32>
    %mul3A_189 = vector.broadcast %select_n3A_174 : vector<1x128xf32> to vector<32x128xf32>
    %mul3A_190 = arith.mulf %mul3A_163, %mul3A_189 : vector<32x128xf32>
    %and3A_191 = arith.constant 1 : i32
    %and3A_192 = vector.broadcast %and3A_191 : i32 to vector<1x128xi32>
    %and3A_193 = arith.andi %iota3A, %and3A_192 : vector<1x128xi32>
    %ne3A = arith.constant 0 : i32
    %ne3A_194 = vector.broadcast %ne3A : i32 to vector<1x128xi32>
    %ne3A_195 = arith.cmpi ne, %and3A_193, %ne3A_194 : vector<1x128xi32>
    %roll3A = arith.constant 127 : i32
    %roll3A_196 = tpu.dynamic_rotate %mul3A_176 by %roll3A dim 1 : vector<32x128xf32>, i32 -> vector<32x128xf32>
    %min3A_197 = arith.minimumf %mul3A_176, %roll3A_196 : vector<32x128xf32>
    %max3A_198 = arith.maximumf %mul3A_176, %roll3A_196 : vector<32x128xf32>
    %roll3A_199 = arith.constant 1 : i32
    %roll3A_200 = tpu.dynamic_rotate %max3A_198 by %roll3A_199 dim 1 : vector<32x128xf32>, i32 -> vector<32x128xf32>
    %broadcast_in_dim3A_201 = vector.shape_cast %ne3A_195 : vector<1x128xi1> to vector<1x128xi1>
    %broadcast_in_dim3A_202 = vector.broadcast %broadcast_in_dim3A_201 : vector<1x128xi1> to vector<32x128xi1>
    %select_n3A_203 = arith.select %broadcast_in_dim3A_202, %roll3A_200, %min3A_197 : vector<32x128xi1>, vector<32x128xf32>
    %roll3A_204 = arith.constant 127 : i32
    %roll3A_205 = tpu.dynamic_rotate %mul3A_178 by %roll3A_204 dim 1 : vector<32x128xf32>, i32 -> vector<32x128xf32>
    %min3A_206 = arith.minimumf %mul3A_178, %roll3A_205 : vector<32x128xf32>
    %max3A_207 = arith.maximumf %mul3A_178, %roll3A_205 : vector<32x128xf32>
    %roll3A_208 = arith.constant 1 : i32
    %roll3A_209 = tpu.dynamic_rotate %max3A_207 by %roll3A_208 dim 1 : vector<32x128xf32>, i32 -> vector<32x128xf32>
    %broadcast_in_dim3A_210 = vector.shape_cast %ne3A_195 : vector<1x128xi1> to vector<1x128xi1>
    %broadcast_in_dim3A_211 = vector.broadcast %broadcast_in_dim3A_210 : vector<1x128xi1> to vector<32x128xi1>
    %select_n3A_212 = arith.select %broadcast_in_dim3A_211, %roll3A_209, %min3A_206 : vector<32x128xi1>, vector<32x128xf32>
    %roll3A_213 = arith.constant 127 : i32
    %roll3A_214 = tpu.dynamic_rotate %mul3A_180 by %roll3A_213 dim 1 : vector<32x128xf32>, i32 -> vector<32x128xf32>
    %min3A_215 = arith.minimumf %mul3A_180, %roll3A_214 : vector<32x128xf32>
    %max3A_216 = arith.maximumf %mul3A_180, %roll3A_214 : vector<32x128xf32>
    %roll3A_217 = arith.constant 1 : i32
    %roll3A_218 = tpu.dynamic_rotate %max3A_216 by %roll3A_217 dim 1 : vector<32x128xf32>, i32 -> vector<32x128xf32>
    %broadcast_in_dim3A_219 = vector.shape_cast %ne3A_195 : vector<1x128xi1> to vector<1x128xi1>
    %broadcast_in_dim3A_220 = vector.broadcast %broadcast_in_dim3A_219 : vector<1x128xi1> to vector<32x128xi1>
    %select_n3A_221 = arith.select %broadcast_in_dim3A_220, %roll3A_218, %min3A_215 : vector<32x128xi1>, vector<32x128xf32>
    %roll3A_222 = arith.constant 127 : i32
    %roll3A_223 = tpu.dynamic_rotate %mul3A_182 by %roll3A_222 dim 1 : vector<32x128xf32>, i32 -> vector<32x128xf32>
    %min3A_224 = arith.minimumf %mul3A_182, %roll3A_223 : vector<32x128xf32>
    %max3A_225 = arith.maximumf %mul3A_182, %roll3A_223 : vector<32x128xf32>
    %roll3A_226 = arith.constant 1 : i32
    %roll3A_227 = tpu.dynamic_rotate %max3A_225 by %roll3A_226 dim 1 : vector<32x128xf32>, i32 -> vector<32x128xf32>
    %broadcast_in_dim3A_228 = vector.shape_cast %ne3A_195 : vector<1x128xi1> to vector<1x128xi1>
    %broadcast_in_dim3A_229 = vector.broadcast %broadcast_in_dim3A_228 : vector<1x128xi1> to vector<32x128xi1>
    %select_n3A_230 = arith.select %broadcast_in_dim3A_229, %roll3A_227, %min3A_224 : vector<32x128xi1>, vector<32x128xf32>
    %roll3A_231 = arith.constant 127 : i32
    %roll3A_232 = tpu.dynamic_rotate %mul3A_184 by %roll3A_231 dim 1 : vector<32x128xf32>, i32 -> vector<32x128xf32>
    %min3A_233 = arith.minimumf %mul3A_184, %roll3A_232 : vector<32x128xf32>
    %max3A_234 = arith.maximumf %mul3A_184, %roll3A_232 : vector<32x128xf32>
    %roll3A_235 = arith.constant 1 : i32
    %roll3A_236 = tpu.dynamic_rotate %max3A_234 by %roll3A_235 dim 1 : vector<32x128xf32>, i32 -> vector<32x128xf32>
    %broadcast_in_dim3A_237 = vector.shape_cast %ne3A_195 : vector<1x128xi1> to vector<1x128xi1>
    %broadcast_in_dim3A_238 = vector.broadcast %broadcast_in_dim3A_237 : vector<1x128xi1> to vector<32x128xi1>
    %select_n3A_239 = arith.select %broadcast_in_dim3A_238, %roll3A_236, %min3A_233 : vector<32x128xi1>, vector<32x128xf32>
    %roll3A_240 = arith.constant 127 : i32
    %roll3A_241 = tpu.dynamic_rotate %mul3A_186 by %roll3A_240 dim 1 : vector<32x128xf32>, i32 -> vector<32x128xf32>
    %min3A_242 = arith.minimumf %mul3A_186, %roll3A_241 : vector<32x128xf32>
    %max3A_243 = arith.maximumf %mul3A_186, %roll3A_241 : vector<32x128xf32>
    %roll3A_244 = arith.constant 1 : i32
    %roll3A_245 = tpu.dynamic_rotate %max3A_243 by %roll3A_244 dim 1 : vector<32x128xf32>, i32 -> vector<32x128xf32>
    %broadcast_in_dim3A_246 = vector.shape_cast %ne3A_195 : vector<1x128xi1> to vector<1x128xi1>
    %broadcast_in_dim3A_247 = vector.broadcast %broadcast_in_dim3A_246 : vector<1x128xi1> to vector<32x128xi1>
    %select_n3A_248 = arith.select %broadcast_in_dim3A_247, %roll3A_245, %min3A_242 : vector<32x128xi1>, vector<32x128xf32>
    %roll3A_249 = arith.constant 127 : i32
    %roll3A_250 = tpu.dynamic_rotate %mul3A_188 by %roll3A_249 dim 1 : vector<32x128xf32>, i32 -> vector<32x128xf32>
    %min3A_251 = arith.minimumf %mul3A_188, %roll3A_250 : vector<32x128xf32>
    %max3A_252 = arith.maximumf %mul3A_188, %roll3A_250 : vector<32x128xf32>
    %roll3A_253 = arith.constant 1 : i32
    %roll3A_254 = tpu.dynamic_rotate %max3A_252 by %roll3A_253 dim 1 : vector<32x128xf32>, i32 -> vector<32x128xf32>
    %broadcast_in_dim3A_255 = vector.shape_cast %ne3A_195 : vector<1x128xi1> to vector<1x128xi1>
    %broadcast_in_dim3A_256 = vector.broadcast %broadcast_in_dim3A_255 : vector<1x128xi1> to vector<32x128xi1>
    %select_n3A_257 = arith.select %broadcast_in_dim3A_256, %roll3A_254, %min3A_251 : vector<32x128xi1>, vector<32x128xf32>
    %roll3A_258 = arith.constant 127 : i32
    %roll3A_259 = tpu.dynamic_rotate %mul3A_190 by %roll3A_258 dim 1 : vector<32x128xf32>, i32 -> vector<32x128xf32>
    %min3A_260 = arith.minimumf %mul3A_190, %roll3A_259 : vector<32x128xf32>
    %max3A_261 = arith.maximumf %mul3A_190, %roll3A_259 : vector<32x128xf32>
    %roll3A_262 = arith.constant 1 : i32
    %roll3A_263 = tpu.dynamic_rotate %max3A_261 by %roll3A_262 dim 1 : vector<32x128xf32>, i32 -> vector<32x128xf32>
    %broadcast_in_dim3A_264 = vector.shape_cast %ne3A_195 : vector<1x128xi1> to vector<1x128xi1>
    %broadcast_in_dim3A_265 = vector.broadcast %broadcast_in_dim3A_264 : vector<1x128xi1> to vector<32x128xi1>
    %select_n3A_266 = arith.select %broadcast_in_dim3A_265, %roll3A_263, %min3A_260 : vector<32x128xi1>, vector<32x128xf32>
    %min3A_267 = arith.minimumf %select_n3A_203, %select_n3A_239 : vector<32x128xf32>
    %max3A_268 = arith.maximumf %select_n3A_203, %select_n3A_239 : vector<32x128xf32>
    %min3A_269 = arith.minimumf %select_n3A_212, %select_n3A_248 : vector<32x128xf32>
    %max3A_270 = arith.maximumf %select_n3A_212, %select_n3A_248 : vector<32x128xf32>
    %min3A_271 = arith.minimumf %select_n3A_221, %select_n3A_257 : vector<32x128xf32>
    %max3A_272 = arith.maximumf %select_n3A_221, %select_n3A_257 : vector<32x128xf32>
    %min3A_273 = arith.minimumf %select_n3A_230, %select_n3A_266 : vector<32x128xf32>
    %max3A_274 = arith.maximumf %select_n3A_230, %select_n3A_266 : vector<32x128xf32>
    %min3A_275 = arith.minimumf %min3A_267, %min3A_271 : vector<32x128xf32>
    %max3A_276 = arith.maximumf %min3A_267, %min3A_271 : vector<32x128xf32>
    %min3A_277 = arith.minimumf %min3A_269, %min3A_273 : vector<32x128xf32>
    %max3A_278 = arith.maximumf %min3A_269, %min3A_273 : vector<32x128xf32>
    %min3A_279 = arith.minimumf %max3A_268, %max3A_272 : vector<32x128xf32>
    %max3A_280 = arith.maximumf %max3A_268, %max3A_272 : vector<32x128xf32>
    %min3A_281 = arith.minimumf %max3A_270, %max3A_274 : vector<32x128xf32>
    %max3A_282 = arith.maximumf %max3A_270, %max3A_274 : vector<32x128xf32>
    %min3A_283 = arith.minimumf %min3A_275, %min3A_277 : vector<32x128xf32>
    %max3A_284 = arith.maximumf %min3A_275, %min3A_277 : vector<32x128xf32>
    %min3A_285 = arith.minimumf %max3A_276, %max3A_278 : vector<32x128xf32>
    %max3A_286 = arith.maximumf %max3A_276, %max3A_278 : vector<32x128xf32>
    %min3A_287 = arith.minimumf %min3A_279, %min3A_281 : vector<32x128xf32>
    %max3A_288 = arith.maximumf %min3A_279, %min3A_281 : vector<32x128xf32>
    %min3A_289 = arith.minimumf %max3A_280, %max3A_282 : vector<32x128xf32>
    %max3A_290 = arith.maximumf %max3A_280, %max3A_282 : vector<32x128xf32>
    %and3A_291 = arith.constant 2 : i32
    %and3A_292 = vector.broadcast %and3A_291 : i32 to vector<1x128xi32>
    %and3A_293 = arith.andi %iota3A, %and3A_292 : vector<1x128xi32>
    %eq3A_294 = arith.constant 0 : i32
    %eq3A_295 = vector.broadcast %eq3A_294 : i32 to vector<1x128xi32>
    %eq3A_296 = arith.cmpi eq, %and3A_293, %eq3A_295 : vector<1x128xi32>
    %jit3A_297 = arith.constant 1.000000e+00 : f32
    %jit3A_298 = arith.constant -1.000000e+00 : f32
    %broadcast_in_dim3A_299 = vector.broadcast %jit3A_297 : f32 to vector<1x128xf32>
    %broadcast_in_dim3A_300 = vector.broadcast %jit3A_298 : f32 to vector<1x128xf32>
    %select_n3A_301 = arith.select %eq3A_296, %broadcast_in_dim3A_299, %broadcast_in_dim3A_300 : vector<1x128xi1>, vector<1x128xf32>
    %mul3A_302 = vector.broadcast %select_n3A_301 : vector<1x128xf32> to vector<32x128xf32>
    %mul3A_303 = arith.mulf %min3A_283, %mul3A_302 : vector<32x128xf32>
    %mul3A_304 = vector.broadcast %select_n3A_301 : vector<1x128xf32> to vector<32x128xf32>
    %mul3A_305 = arith.mulf %max3A_284, %mul3A_304 : vector<32x128xf32>
    %mul3A_306 = vector.broadcast %select_n3A_301 : vector<1x128xf32> to vector<32x128xf32>
    %mul3A_307 = arith.mulf %min3A_285, %mul3A_306 : vector<32x128xf32>
    %mul3A_308 = vector.broadcast %select_n3A_301 : vector<1x128xf32> to vector<32x128xf32>
    %mul3A_309 = arith.mulf %max3A_286, %mul3A_308 : vector<32x128xf32>
    %mul3A_310 = vector.broadcast %select_n3A_301 : vector<1x128xf32> to vector<32x128xf32>
    %mul3A_311 = arith.mulf %min3A_287, %mul3A_310 : vector<32x128xf32>
    %mul3A_312 = vector.broadcast %select_n3A_301 : vector<1x128xf32> to vector<32x128xf32>
    %mul3A_313 = arith.mulf %max3A_288, %mul3A_312 : vector<32x128xf32>
    %mul3A_314 = vector.broadcast %select_n3A_301 : vector<1x128xf32> to vector<32x128xf32>
    %mul3A_315 = arith.mulf %min3A_289, %mul3A_314 : vector<32x128xf32>
    %mul3A_316 = vector.broadcast %select_n3A_301 : vector<1x128xf32> to vector<32x128xf32>
    %mul3A_317 = arith.mulf %max3A_290, %mul3A_316 : vector<32x128xf32>
    %and3A_318 = arith.constant 4 : i32
    %and3A_319 = vector.broadcast %and3A_318 : i32 to vector<1x128xi32>
    %and3A_320 = arith.andi %iota3A, %and3A_319 : vector<1x128xi32>
    %eq3A_321 = arith.constant 0 : i32
    %eq3A_322 = vector.broadcast %eq3A_321 : i32 to vector<1x128xi32>
    %eq3A_323 = arith.cmpi eq, %and3A_320, %eq3A_322 : vector<1x128xi32>
    %jit3A_324 = arith.constant 1.000000e+00 : f32
    %jit3A_325 = arith.constant -1.000000e+00 : f32
    %broadcast_in_dim3A_326 = vector.broadcast %jit3A_324 : f32 to vector<1x128xf32>
    %broadcast_in_dim3A_327 = vector.broadcast %jit3A_325 : f32 to vector<1x128xf32>
    %select_n3A_328 = arith.select %eq3A_323, %broadcast_in_dim3A_326, %broadcast_in_dim3A_327 : vector<1x128xi1>, vector<1x128xf32>
    %mul3A_329 = vector.broadcast %select_n3A_328 : vector<1x128xf32> to vector<32x128xf32>
    %mul3A_330 = arith.mulf %mul3A_303, %mul3A_329 : vector<32x128xf32>
    %mul3A_331 = vector.broadcast %select_n3A_328 : vector<1x128xf32> to vector<32x128xf32>
    %mul3A_332 = arith.mulf %mul3A_305, %mul3A_331 : vector<32x128xf32>
    %mul3A_333 = vector.broadcast %select_n3A_328 : vector<1x128xf32> to vector<32x128xf32>
    %mul3A_334 = arith.mulf %mul3A_307, %mul3A_333 : vector<32x128xf32>
    %mul3A_335 = vector.broadcast %select_n3A_328 : vector<1x128xf32> to vector<32x128xf32>
    %mul3A_336 = arith.mulf %mul3A_309, %mul3A_335 : vector<32x128xf32>
    %mul3A_337 = vector.broadcast %select_n3A_328 : vector<1x128xf32> to vector<32x128xf32>
    %mul3A_338 = arith.mulf %mul3A_311, %mul3A_337 : vector<32x128xf32>
    %mul3A_339 = vector.broadcast %select_n3A_328 : vector<1x128xf32> to vector<32x128xf32>
    %mul3A_340 = arith.mulf %mul3A_313, %mul3A_339 : vector<32x128xf32>
    %mul3A_341 = vector.broadcast %select_n3A_328 : vector<1x128xf32> to vector<32x128xf32>
    %mul3A_342 = arith.mulf %mul3A_315, %mul3A_341 : vector<32x128xf32>
    %mul3A_343 = vector.broadcast %select_n3A_328 : vector<1x128xf32> to vector<32x128xf32>
    %mul3A_344 = arith.mulf %mul3A_317, %mul3A_343 : vector<32x128xf32>
    %and3A_345 = arith.constant 2 : i32
    %and3A_346 = vector.broadcast %and3A_345 : i32 to vector<1x128xi32>
    %and3A_347 = arith.andi %iota3A, %and3A_346 : vector<1x128xi32>
    %ne3A_348 = arith.constant 0 : i32
    %ne3A_349 = vector.broadcast %ne3A_348 : i32 to vector<1x128xi32>
    %ne3A_350 = arith.cmpi ne, %and3A_347, %ne3A_349 : vector<1x128xi32>
    %roll3A_351 = arith.constant 126 : i32
    %roll3A_352 = tpu.dynamic_rotate %mul3A_330 by %roll3A_351 dim 1 : vector<32x128xf32>, i32 -> vector<32x128xf32>
    %min3A_353 = arith.minimumf %mul3A_330, %roll3A_352 : vector<32x128xf32>
    %max3A_354 = arith.maximumf %mul3A_330, %roll3A_352 : vector<32x128xf32>
    %roll3A_355 = arith.constant 2 : i32
    %roll3A_356 = tpu.dynamic_rotate %max3A_354 by %roll3A_355 dim 1 : vector<32x128xf32>, i32 -> vector<32x128xf32>
    %broadcast_in_dim3A_357 = vector.shape_cast %ne3A_350 : vector<1x128xi1> to vector<1x128xi1>
    %broadcast_in_dim3A_358 = vector.broadcast %broadcast_in_dim3A_357 : vector<1x128xi1> to vector<32x128xi1>
    %select_n3A_359 = arith.select %broadcast_in_dim3A_358, %roll3A_356, %min3A_353 : vector<32x128xi1>, vector<32x128xf32>
    %roll3A_360 = arith.constant 126 : i32
    %roll3A_361 = tpu.dynamic_rotate %mul3A_332 by %roll3A_360 dim 1 : vector<32x128xf32>, i32 -> vector<32x128xf32>
    %min3A_362 = arith.minimumf %mul3A_332, %roll3A_361 : vector<32x128xf32>
    %max3A_363 = arith.maximumf %mul3A_332, %roll3A_361 : vector<32x128xf32>
    %roll3A_364 = arith.constant 2 : i32
    %roll3A_365 = tpu.dynamic_rotate %max3A_363 by %roll3A_364 dim 1 : vector<32x128xf32>, i32 -> vector<32x128xf32>
    %broadcast_in_dim3A_366 = vector.shape_cast %ne3A_350 : vector<1x128xi1> to vector<1x128xi1>
    %broadcast_in_dim3A_367 = vector.broadcast %broadcast_in_dim3A_366 : vector<1x128xi1> to vector<32x128xi1>
    %select_n3A_368 = arith.select %broadcast_in_dim3A_367, %roll3A_365, %min3A_362 : vector<32x128xi1>, vector<32x128xf32>
    %roll3A_369 = arith.constant 126 : i32
    %roll3A_370 = tpu.dynamic_rotate %mul3A_334 by %roll3A_369 dim 1 : vector<32x128xf32>, i32 -> vector<32x128xf32>
    %min3A_371 = arith.minimumf %mul3A_334, %roll3A_370 : vector<32x128xf32>
    %max3A_372 = arith.maximumf %mul3A_334, %roll3A_370 : vector<32x128xf32>
    %roll3A_373 = arith.constant 2 : i32
    %roll3A_374 = tpu.dynamic_rotate %max3A_372 by %roll3A_373 dim 1 : vector<32x128xf32>, i32 -> vector<32x128xf32>
    %broadcast_in_dim3A_375 = vector.shape_cast %ne3A_350 : vector<1x128xi1> to vector<1x128xi1>
    %broadcast_in_dim3A_376 = vector.broadcast %broadcast_in_dim3A_375 : vector<1x128xi1> to vector<32x128xi1>
    %select_n3A_377 = arith.select %broadcast_in_dim3A_376, %roll3A_374, %min3A_371 : vector<32x128xi1>, vector<32x128xf32>
    %roll3A_378 = arith.constant 126 : i32
    %roll3A_379 = tpu.dynamic_rotate %mul3A_336 by %roll3A_378 dim 1 : vector<32x128xf32>, i32 -> vector<32x128xf32>
    %min3A_380 = arith.minimumf %mul3A_336, %roll3A_379 : vector<32x128xf32>
    %max3A_381 = arith.maximumf %mul3A_336, %roll3A_379 : vector<32x128xf32>
    %roll3A_382 = arith.constant 2 : i32
    %roll3A_383 = tpu.dynamic_rotate %max3A_381 by %roll3A_382 dim 1 : vector<32x128xf32>, i32 -> vector<32x128xf32>
    %broadcast_in_dim3A_384 = vector.shape_cast %ne3A_350 : vector<1x128xi1> to vector<1x128xi1>
    %broadcast_in_dim3A_385 = vector.broadcast %broadcast_in_dim3A_384 : vector<1x128xi1> to vector<32x128xi1>
    %select_n3A_386 = arith.select %broadcast_in_dim3A_385, %roll3A_383, %min3A_380 : vector<32x128xi1>, vector<32x128xf32>
    %roll3A_387 = arith.constant 126 : i32
    %roll3A_388 = tpu.dynamic_rotate %mul3A_338 by %roll3A_387 dim 1 : vector<32x128xf32>, i32 -> vector<32x128xf32>
    %min3A_389 = arith.minimumf %mul3A_338, %roll3A_388 : vector<32x128xf32>
    %max3A_390 = arith.maximumf %mul3A_338, %roll3A_388 : vector<32x128xf32>
    %roll3A_391 = arith.constant 2 : i32
    %roll3A_392 = tpu.dynamic_rotate %max3A_390 by %roll3A_391 dim 1 : vector<32x128xf32>, i32 -> vector<32x128xf32>
    %broadcast_in_dim3A_393 = vector.shape_cast %ne3A_350 : vector<1x128xi1> to vector<1x128xi1>
    %broadcast_in_dim3A_394 = vector.broadcast %broadcast_in_dim3A_393 : vector<1x128xi1> to vector<32x128xi1>
    %select_n3A_395 = arith.select %broadcast_in_dim3A_394, %roll3A_392, %min3A_389 : vector<32x128xi1>, vector<32x128xf32>
    %roll3A_396 = arith.constant 126 : i32
    %roll3A_397 = tpu.dynamic_rotate %mul3A_340 by %roll3A_396 dim 1 : vector<32x128xf32>, i32 -> vector<32x128xf32>
    %min3A_398 = arith.minimumf %mul3A_340, %roll3A_397 : vector<32x128xf32>
    %max3A_399 = arith.maximumf %mul3A_340, %roll3A_397 : vector<32x128xf32>
    %roll3A_400 = arith.constant 2 : i32
    %roll3A_401 = tpu.dynamic_rotate %max3A_399 by %roll3A_400 dim 1 : vector<32x128xf32>, i32 -> vector<32x128xf32>
    %broadcast_in_dim3A_402 = vector.shape_cast %ne3A_350 : vector<1x128xi1> to vector<1x128xi1>
    %broadcast_in_dim3A_403 = vector.broadcast %broadcast_in_dim3A_402 : vector<1x128xi1> to vector<32x128xi1>
    %select_n3A_404 = arith.select %broadcast_in_dim3A_403, %roll3A_401, %min3A_398 : vector<32x128xi1>, vector<32x128xf32>
    %roll3A_405 = arith.constant 126 : i32
    %roll3A_406 = tpu.dynamic_rotate %mul3A_342 by %roll3A_405 dim 1 : vector<32x128xf32>, i32 -> vector<32x128xf32>
    %min3A_407 = arith.minimumf %mul3A_342, %roll3A_406 : vector<32x128xf32>
    %max3A_408 = arith.maximumf %mul3A_342, %roll3A_406 : vector<32x128xf32>
    %roll3A_409 = arith.constant 2 : i32
    %roll3A_410 = tpu.dynamic_rotate %max3A_408 by %roll3A_409 dim 1 : vector<32x128xf32>, i32 -> vector<32x128xf32>
    %broadcast_in_dim3A_411 = vector.shape_cast %ne3A_350 : vector<1x128xi1> to vector<1x128xi1>
    %broadcast_in_dim3A_412 = vector.broadcast %broadcast_in_dim3A_411 : vector<1x128xi1> to vector<32x128xi1>
    %select_n3A_413 = arith.select %broadcast_in_dim3A_412, %roll3A_410, %min3A_407 : vector<32x128xi1>, vector<32x128xf32>
    %roll3A_414 = arith.constant 126 : i32
    %roll3A_415 = tpu.dynamic_rotate %mul3A_344 by %roll3A_414 dim 1 : vector<32x128xf32>, i32 -> vector<32x128xf32>
    %min3A_416 = arith.minimumf %mul3A_344, %roll3A_415 : vector<32x128xf32>
    %max3A_417 = arith.maximumf %mul3A_344, %roll3A_415 : vector<32x128xf32>
    %roll3A_418 = arith.constant 2 : i32
    %roll3A_419 = tpu.dynamic_rotate %max3A_417 by %roll3A_418 dim 1 : vector<32x128xf32>, i32 -> vector<32x128xf32>
    %broadcast_in_dim3A_420 = vector.shape_cast %ne3A_350 : vector<1x128xi1> to vector<1x128xi1>
    %broadcast_in_dim3A_421 = vector.broadcast %broadcast_in_dim3A_420 : vector<1x128xi1> to vector<32x128xi1>
    %select_n3A_422 = arith.select %broadcast_in_dim3A_421, %roll3A_419, %min3A_416 : vector<32x128xi1>, vector<32x128xf32>
    %and3A_423 = arith.constant 1 : i32
    %and3A_424 = vector.broadcast %and3A_423 : i32 to vector<1x128xi32>
    %and3A_425 = arith.andi %iota3A, %and3A_424 : vector<1x128xi32>
    %ne3A_426 = arith.constant 0 : i32
    %ne3A_427 = vector.broadcast %ne3A_426 : i32 to vector<1x128xi32>
    %ne3A_428 = arith.cmpi ne, %and3A_425, %ne3A_427 : vector<1x128xi32>
    %roll3A_429 = arith.constant 127 : i32
    %roll3A_430 = tpu.dynamic_rotate %select_n3A_359 by %roll3A_429 dim 1 : vector<32x128xf32>, i32 -> vector<32x128xf32>
    %min3A_431 = arith.minimumf %select_n3A_359, %roll3A_430 : vector<32x128xf32>
    %max3A_432 = arith.maximumf %select_n3A_359, %roll3A_430 : vector<32x128xf32>
    %roll3A_433 = arith.constant 1 : i32
    %roll3A_434 = tpu.dynamic_rotate %max3A_432 by %roll3A_433 dim 1 : vector<32x128xf32>, i32 -> vector<32x128xf32>
    %broadcast_in_dim3A_435 = vector.shape_cast %ne3A_428 : vector<1x128xi1> to vector<1x128xi1>
    %broadcast_in_dim3A_436 = vector.broadcast %broadcast_in_dim3A_435 : vector<1x128xi1> to vector<32x128xi1>
    %select_n3A_437 = arith.select %broadcast_in_dim3A_436, %roll3A_434, %min3A_431 : vector<32x128xi1>, vector<32x128xf32>
    %roll3A_438 = arith.constant 127 : i32
    %roll3A_439 = tpu.dynamic_rotate %select_n3A_368 by %roll3A_438 dim 1 : vector<32x128xf32>, i32 -> vector<32x128xf32>
    %min3A_440 = arith.minimumf %select_n3A_368, %roll3A_439 : vector<32x128xf32>
    %max3A_441 = arith.maximumf %select_n3A_368, %roll3A_439 : vector<32x128xf32>
    %roll3A_442 = arith.constant 1 : i32
    %roll3A_443 = tpu.dynamic_rotate %max3A_441 by %roll3A_442 dim 1 : vector<32x128xf32>, i32 -> vector<32x128xf32>
    %broadcast_in_dim3A_444 = vector.shape_cast %ne3A_428 : vector<1x128xi1> to vector<1x128xi1>
    %broadcast_in_dim3A_445 = vector.broadcast %broadcast_in_dim3A_444 : vector<1x128xi1> to vector<32x128xi1>
    %select_n3A_446 = arith.select %broadcast_in_dim3A_445, %roll3A_443, %min3A_440 : vector<32x128xi1>, vector<32x128xf32>
    %roll3A_447 = arith.constant 127 : i32
    %roll3A_448 = tpu.dynamic_rotate %select_n3A_377 by %roll3A_447 dim 1 : vector<32x128xf32>, i32 -> vector<32x128xf32>
    %min3A_449 = arith.minimumf %select_n3A_377, %roll3A_448 : vector<32x128xf32>
    %max3A_450 = arith.maximumf %select_n3A_377, %roll3A_448 : vector<32x128xf32>
    %roll3A_451 = arith.constant 1 : i32
    %roll3A_452 = tpu.dynamic_rotate %max3A_450 by %roll3A_451 dim 1 : vector<32x128xf32>, i32 -> vector<32x128xf32>
    %broadcast_in_dim3A_453 = vector.shape_cast %ne3A_428 : vector<1x128xi1> to vector<1x128xi1>
    %broadcast_in_dim3A_454 = vector.broadcast %broadcast_in_dim3A_453 : vector<1x128xi1> to vector<32x128xi1>
    %select_n3A_455 = arith.select %broadcast_in_dim3A_454, %roll3A_452, %min3A_449 : vector<32x128xi1>, vector<32x128xf32>
    %roll3A_456 = arith.constant 127 : i32
    %roll3A_457 = tpu.dynamic_rotate %select_n3A_386 by %roll3A_456 dim 1 : vector<32x128xf32>, i32 -> vector<32x128xf32>
    %min3A_458 = arith.minimumf %select_n3A_386, %roll3A_457 : vector<32x128xf32>
    %max3A_459 = arith.maximumf %select_n3A_386, %roll3A_457 : vector<32x128xf32>
    %roll3A_460 = arith.constant 1 : i32
    %roll3A_461 = tpu.dynamic_rotate %max3A_459 by %roll3A_460 dim 1 : vector<32x128xf32>, i32 -> vector<32x128xf32>
    %broadcast_in_dim3A_462 = vector.shape_cast %ne3A_428 : vector<1x128xi1> to vector<1x128xi1>
    %broadcast_in_dim3A_463 = vector.broadcast %broadcast_in_dim3A_462 : vector<1x128xi1> to vector<32x128xi1>
    %select_n3A_464 = arith.select %broadcast_in_dim3A_463, %roll3A_461, %min3A_458 : vector<32x128xi1>, vector<32x128xf32>
    %roll3A_465 = arith.constant 127 : i32
    %roll3A_466 = tpu.dynamic_rotate %select_n3A_395 by %roll3A_465 dim 1 : vector<32x128xf32>, i32 -> vector<32x128xf32>
    %min3A_467 = arith.minimumf %select_n3A_395, %roll3A_466 : vector<32x128xf32>
    %max3A_468 = arith.maximumf %select_n3A_395, %roll3A_466 : vector<32x128xf32>
    %roll3A_469 = arith.constant 1 : i32
    %roll3A_470 = tpu.dynamic_rotate %max3A_468 by %roll3A_469 dim 1 : vector<32x128xf32>, i32 -> vector<32x128xf32>
    %broadcast_in_dim3A_471 = vector.shape_cast %ne3A_428 : vector<1x128xi1> to vector<1x128xi1>
    %broadcast_in_dim3A_472 = vector.broadcast %broadcast_in_dim3A_471 : vector<1x128xi1> to vector<32x128xi1>
    %select_n3A_473 = arith.select %broadcast_in_dim3A_472, %roll3A_470, %min3A_467 : vector<32x128xi1>, vector<32x128xf32>
    %roll3A_474 = arith.constant 127 : i32
    %roll3A_475 = tpu.dynamic_rotate %select_n3A_404 by %roll3A_474 dim 1 : vector<32x128xf32>, i32 -> vector<32x128xf32>
    %min3A_476 = arith.minimumf %select_n3A_404, %roll3A_475 : vector<32x128xf32>
    %max3A_477 = arith.maximumf %select_n3A_404, %roll3A_475 : vector<32x128xf32>
    %roll3A_478 = arith.constant 1 : i32
    %roll3A_479 = tpu.dynamic_rotate %max3A_477 by %roll3A_478 dim 1 : vector<32x128xf32>, i32 -> vector<32x128xf32>
    %broadcast_in_dim3A_480 = vector.shape_cast %ne3A_428 : vector<1x128xi1> to vector<1x128xi1>
    %broadcast_in_dim3A_481 = vector.broadcast %broadcast_in_dim3A_480 : vector<1x128xi1> to vector<32x128xi1>
    %select_n3A_482 = arith.select %broadcast_in_dim3A_481, %roll3A_479, %min3A_476 : vector<32x128xi1>, vector<32x128xf32>
    %roll3A_483 = arith.constant 127 : i32
    %roll3A_484 = tpu.dynamic_rotate %select_n3A_413 by %roll3A_483 dim 1 : vector<32x128xf32>, i32 -> vector<32x128xf32>
    %min3A_485 = arith.minimumf %select_n3A_413, %roll3A_484 : vector<32x128xf32>
    %max3A_486 = arith.maximumf %select_n3A_413, %roll3A_484 : vector<32x128xf32>
    %roll3A_487 = arith.constant 1 : i32
    %roll3A_488 = tpu.dynamic_rotate %max3A_486 by %roll3A_487 dim 1 : vector<32x128xf32>, i32 -> vector<32x128xf32>
    %broadcast_in_dim3A_489 = vector.shape_cast %ne3A_428 : vector<1x128xi1> to vector<1x128xi1>
    %broadcast_in_dim3A_490 = vector.broadcast %broadcast_in_dim3A_489 : vector<1x128xi1> to vector<32x128xi1>
    %select_n3A_491 = arith.select %broadcast_in_dim3A_490, %roll3A_488, %min3A_485 : vector<32x128xi1>, vector<32x128xf32>
    %roll3A_492 = arith.constant 127 : i32
    %roll3A_493 = tpu.dynamic_rotate %select_n3A_422 by %roll3A_492 dim 1 : vector<32x128xf32>, i32 -> vector<32x128xf32>
    %min3A_494 = arith.minimumf %select_n3A_422, %roll3A_493 : vector<32x128xf32>
    %max3A_495 = arith.maximumf %select_n3A_422, %roll3A_493 : vector<32x128xf32>
    %roll3A_496 = arith.constant 1 : i32
    %roll3A_497 = tpu.dynamic_rotate %max3A_495 by %roll3A_496 dim 1 : vector<32x128xf32>, i32 -> vector<32x128xf32>
    %broadcast_in_dim3A_498 = vector.shape_cast %ne3A_428 : vector<1x128xi1> to vector<1x128xi1>
    %broadcast_in_dim3A_499 = vector.broadcast %broadcast_in_dim3A_498 : vector<1x128xi1> to vector<32x128xi1>
    %select_n3A_500 = arith.select %broadcast_in_dim3A_499, %roll3A_497, %min3A_494 : vector<32x128xi1>, vector<32x128xf32>
    %min3A_501 = arith.minimumf %select_n3A_437, %select_n3A_473 : vector<32x128xf32>
    %max3A_502 = arith.maximumf %select_n3A_437, %select_n3A_473 : vector<32x128xf32>
    %min3A_503 = arith.minimumf %select_n3A_446, %select_n3A_482 : vector<32x128xf32>
    %max3A_504 = arith.maximumf %select_n3A_446, %select_n3A_482 : vector<32x128xf32>
    %min3A_505 = arith.minimumf %select_n3A_455, %select_n3A_491 : vector<32x128xf32>
    %max3A_506 = arith.maximumf %select_n3A_455, %select_n3A_491 : vector<32x128xf32>
    %min3A_507 = arith.minimumf %select_n3A_464, %select_n3A_500 : vector<32x128xf32>
    %max3A_508 = arith.maximumf %select_n3A_464, %select_n3A_500 : vector<32x128xf32>
    %min3A_509 = arith.minimumf %min3A_501, %min3A_505 : vector<32x128xf32>
    %max3A_510 = arith.maximumf %min3A_501, %min3A_505 : vector<32x128xf32>
    %min3A_511 = arith.minimumf %min3A_503, %min3A_507 : vector<32x128xf32>
    %max3A_512 = arith.maximumf %min3A_503, %min3A_507 : vector<32x128xf32>
    %min3A_513 = arith.minimumf %max3A_502, %max3A_506 : vector<32x128xf32>
    %max3A_514 = arith.maximumf %max3A_502, %max3A_506 : vector<32x128xf32>
    %min3A_515 = arith.minimumf %max3A_504, %max3A_508 : vector<32x128xf32>
    %max3A_516 = arith.maximumf %max3A_504, %max3A_508 : vector<32x128xf32>
    %min3A_517 = arith.minimumf %min3A_509, %min3A_511 : vector<32x128xf32>
    %max3A_518 = arith.maximumf %min3A_509, %min3A_511 : vector<32x128xf32>
    %min3A_519 = arith.minimumf %max3A_510, %max3A_512 : vector<32x128xf32>
    %max3A_520 = arith.maximumf %max3A_510, %max3A_512 : vector<32x128xf32>
    %min3A_521 = arith.minimumf %min3A_513, %min3A_515 : vector<32x128xf32>
    %max3A_522 = arith.maximumf %min3A_513, %min3A_515 : vector<32x128xf32>
    %min3A_523 = arith.minimumf %max3A_514, %max3A_516 : vector<32x128xf32>
    %max3A_524 = arith.maximumf %max3A_514, %max3A_516 : vector<32x128xf32>
    %and3A_525 = arith.constant 4 : i32
    %and3A_526 = vector.broadcast %and3A_525 : i32 to vector<1x128xi32>
    %and3A_527 = arith.andi %iota3A, %and3A_526 : vector<1x128xi32>
    %eq3A_528 = arith.constant 0 : i32
    %eq3A_529 = vector.broadcast %eq3A_528 : i32 to vector<1x128xi32>
    %eq3A_530 = arith.cmpi eq, %and3A_527, %eq3A_529 : vector<1x128xi32>
    %jit3A_531 = arith.constant 1.000000e+00 : f32
    %jit3A_532 = arith.constant -1.000000e+00 : f32
    %broadcast_in_dim3A_533 = vector.broadcast %jit3A_531 : f32 to vector<1x128xf32>
    %broadcast_in_dim3A_534 = vector.broadcast %jit3A_532 : f32 to vector<1x128xf32>
    %select_n3A_535 = arith.select %eq3A_530, %broadcast_in_dim3A_533, %broadcast_in_dim3A_534 : vector<1x128xi1>, vector<1x128xf32>
    %mul3A_536 = vector.broadcast %select_n3A_535 : vector<1x128xf32> to vector<32x128xf32>
    %mul3A_537 = arith.mulf %min3A_517, %mul3A_536 : vector<32x128xf32>
    %mul3A_538 = vector.broadcast %select_n3A_535 : vector<1x128xf32> to vector<32x128xf32>
    %mul3A_539 = arith.mulf %max3A_518, %mul3A_538 : vector<32x128xf32>
    %mul3A_540 = vector.broadcast %select_n3A_535 : vector<1x128xf32> to vector<32x128xf32>
    %mul3A_541 = arith.mulf %min3A_519, %mul3A_540 : vector<32x128xf32>
    %mul3A_542 = vector.broadcast %select_n3A_535 : vector<1x128xf32> to vector<32x128xf32>
    %mul3A_543 = arith.mulf %max3A_520, %mul3A_542 : vector<32x128xf32>
    %mul3A_544 = vector.broadcast %select_n3A_535 : vector<1x128xf32> to vector<32x128xf32>
    %mul3A_545 = arith.mulf %min3A_521, %mul3A_544 : vector<32x128xf32>
    %mul3A_546 = vector.broadcast %select_n3A_535 : vector<1x128xf32> to vector<32x128xf32>
    %mul3A_547 = arith.mulf %max3A_522, %mul3A_546 : vector<32x128xf32>
    %mul3A_548 = vector.broadcast %select_n3A_535 : vector<1x128xf32> to vector<32x128xf32>
    %mul3A_549 = arith.mulf %min3A_523, %mul3A_548 : vector<32x128xf32>
    %mul3A_550 = vector.broadcast %select_n3A_535 : vector<1x128xf32> to vector<32x128xf32>
    %mul3A_551 = arith.mulf %max3A_524, %mul3A_550 : vector<32x128xf32>
    %and3A_552 = arith.constant 8 : i32
    %and3A_553 = vector.broadcast %and3A_552 : i32 to vector<1x128xi32>
    %and3A_554 = arith.andi %iota3A, %and3A_553 : vector<1x128xi32>
    %eq3A_555 = arith.constant 0 : i32
    %eq3A_556 = vector.broadcast %eq3A_555 : i32 to vector<1x128xi32>
    %eq3A_557 = arith.cmpi eq, %and3A_554, %eq3A_556 : vector<1x128xi32>
    %jit3A_558 = arith.constant 1.000000e+00 : f32
    %jit3A_559 = arith.constant -1.000000e+00 : f32
    %broadcast_in_dim3A_560 = vector.broadcast %jit3A_558 : f32 to vector<1x128xf32>
    %broadcast_in_dim3A_561 = vector.broadcast %jit3A_559 : f32 to vector<1x128xf32>
    %select_n3A_562 = arith.select %eq3A_557, %broadcast_in_dim3A_560, %broadcast_in_dim3A_561 : vector<1x128xi1>, vector<1x128xf32>
    %mul3A_563 = vector.broadcast %select_n3A_562 : vector<1x128xf32> to vector<32x128xf32>
    %mul3A_564 = arith.mulf %mul3A_537, %mul3A_563 : vector<32x128xf32>
    %mul3A_565 = vector.broadcast %select_n3A_562 : vector<1x128xf32> to vector<32x128xf32>
    %mul3A_566 = arith.mulf %mul3A_539, %mul3A_565 : vector<32x128xf32>
    %mul3A_567 = vector.broadcast %select_n3A_562 : vector<1x128xf32> to vector<32x128xf32>
    %mul3A_568 = arith.mulf %mul3A_541, %mul3A_567 : vector<32x128xf32>
    %mul3A_569 = vector.broadcast %select_n3A_562 : vector<1x128xf32> to vector<32x128xf32>
    %mul3A_570 = arith.mulf %mul3A_543, %mul3A_569 : vector<32x128xf32>
    %mul3A_571 = vector.broadcast %select_n3A_562 : vector<1x128xf32> to vector<32x128xf32>
    %mul3A_572 = arith.mulf %mul3A_545, %mul3A_571 : vector<32x128xf32>
    %mul3A_573 = vector.broadcast %select_n3A_562 : vector<1x128xf32> to vector<32x128xf32>
    %mul3A_574 = arith.mulf %mul3A_547, %mul3A_573 : vector<32x128xf32>
    %mul3A_575 = vector.broadcast %select_n3A_562 : vector<1x128xf32> to vector<32x128xf32>
    %mul3A_576 = arith.mulf %mul3A_549, %mul3A_575 : vector<32x128xf32>
    %mul3A_577 = vector.broadcast %select_n3A_562 : vector<1x128xf32> to vector<32x128xf32>
    %mul3A_578 = arith.mulf %mul3A_551, %mul3A_577 : vector<32x128xf32>
    %and3A_579 = arith.constant 4 : i32
    %and3A_580 = vector.broadcast %and3A_579 : i32 to vector<1x128xi32>
    %and3A_581 = arith.andi %iota3A, %and3A_580 : vector<1x128xi32>
    %ne3A_582 = arith.constant 0 : i32
    %ne3A_583 = vector.broadcast %ne3A_582 : i32 to vector<1x128xi32>
    %ne3A_584 = arith.cmpi ne, %and3A_581, %ne3A_583 : vector<1x128xi32>
    %roll3A_585 = arith.constant 124 : i32
    %roll3A_586 = tpu.dynamic_rotate %mul3A_564 by %roll3A_585 dim 1 : vector<32x128xf32>, i32 -> vector<32x128xf32>
    %min3A_587 = arith.minimumf %mul3A_564, %roll3A_586 : vector<32x128xf32>
    %max3A_588 = arith.maximumf %mul3A_564, %roll3A_586 : vector<32x128xf32>
    %roll3A_589 = arith.constant 4 : i32
    %roll3A_590 = tpu.dynamic_rotate %max3A_588 by %roll3A_589 dim 1 : vector<32x128xf32>, i32 -> vector<32x128xf32>
    %broadcast_in_dim3A_591 = vector.shape_cast %ne3A_584 : vector<1x128xi1> to vector<1x128xi1>
    %broadcast_in_dim3A_592 = vector.broadcast %broadcast_in_dim3A_591 : vector<1x128xi1> to vector<32x128xi1>
    %select_n3A_593 = arith.select %broadcast_in_dim3A_592, %roll3A_590, %min3A_587 : vector<32x128xi1>, vector<32x128xf32>
    %roll3A_594 = arith.constant 124 : i32
    %roll3A_595 = tpu.dynamic_rotate %mul3A_566 by %roll3A_594 dim 1 : vector<32x128xf32>, i32 -> vector<32x128xf32>
    %min3A_596 = arith.minimumf %mul3A_566, %roll3A_595 : vector<32x128xf32>
    %max3A_597 = arith.maximumf %mul3A_566, %roll3A_595 : vector<32x128xf32>
    %roll3A_598 = arith.constant 4 : i32
    %roll3A_599 = tpu.dynamic_rotate %max3A_597 by %roll3A_598 dim 1 : vector<32x128xf32>, i32 -> vector<32x128xf32>
    %broadcast_in_dim3A_600 = vector.shape_cast %ne3A_584 : vector<1x128xi1> to vector<1x128xi1>
    %broadcast_in_dim3A_601 = vector.broadcast %broadcast_in_dim3A_600 : vector<1x128xi1> to vector<32x128xi1>
    %select_n3A_602 = arith.select %broadcast_in_dim3A_601, %roll3A_599, %min3A_596 : vector<32x128xi1>, vector<32x128xf32>
    %roll3A_603 = arith.constant 124 : i32
    %roll3A_604 = tpu.dynamic_rotate %mul3A_568 by %roll3A_603 dim 1 : vector<32x128xf32>, i32 -> vector<32x128xf32>
    %min3A_605 = arith.minimumf %mul3A_568, %roll3A_604 : vector<32x128xf32>
    %max3A_606 = arith.maximumf %mul3A_568, %roll3A_604 : vector<32x128xf32>
    %roll3A_607 = arith.constant 4 : i32
    %roll3A_608 = tpu.dynamic_rotate %max3A_606 by %roll3A_607 dim 1 : vector<32x128xf32>, i32 -> vector<32x128xf32>
    %broadcast_in_dim3A_609 = vector.shape_cast %ne3A_584 : vector<1x128xi1> to vector<1x128xi1>
    %broadcast_in_dim3A_610 = vector.broadcast %broadcast_in_dim3A_609 : vector<1x128xi1> to vector<32x128xi1>
    %select_n3A_611 = arith.select %broadcast_in_dim3A_610, %roll3A_608, %min3A_605 : vector<32x128xi1>, vector<32x128xf32>
    %roll3A_612 = arith.constant 124 : i32
    %roll3A_613 = tpu.dynamic_rotate %mul3A_570 by %roll3A_612 dim 1 : vector<32x128xf32>, i32 -> vector<32x128xf32>
    %min3A_614 = arith.minimumf %mul3A_570, %roll3A_613 : vector<32x128xf32>
    %max3A_615 = arith.maximumf %mul3A_570, %roll3A_613 : vector<32x128xf32>
    %roll3A_616 = arith.constant 4 : i32
    %roll3A_617 = tpu.dynamic_rotate %max3A_615 by %roll3A_616 dim 1 : vector<32x128xf32>, i32 -> vector<32x128xf32>
    %broadcast_in_dim3A_618 = vector.shape_cast %ne3A_584 : vector<1x128xi1> to vector<1x128xi1>
    %broadcast_in_dim3A_619 = vector.broadcast %broadcast_in_dim3A_618 : vector<1x128xi1> to vector<32x128xi1>
    %select_n3A_620 = arith.select %broadcast_in_dim3A_619, %roll3A_617, %min3A_614 : vector<32x128xi1>, vector<32x128xf32>
    %roll3A_621 = arith.constant 124 : i32
    %roll3A_622 = tpu.dynamic_rotate %mul3A_572 by %roll3A_621 dim 1 : vector<32x128xf32>, i32 -> vector<32x128xf32>
    %min3A_623 = arith.minimumf %mul3A_572, %roll3A_622 : vector<32x128xf32>
    %max3A_624 = arith.maximumf %mul3A_572, %roll3A_622 : vector<32x128xf32>
    %roll3A_625 = arith.constant 4 : i32
    %roll3A_626 = tpu.dynamic_rotate %max3A_624 by %roll3A_625 dim 1 : vector<32x128xf32>, i32 -> vector<32x128xf32>
    %broadcast_in_dim3A_627 = vector.shape_cast %ne3A_584 : vector<1x128xi1> to vector<1x128xi1>
    %broadcast_in_dim3A_628 = vector.broadcast %broadcast_in_dim3A_627 : vector<1x128xi1> to vector<32x128xi1>
    %select_n3A_629 = arith.select %broadcast_in_dim3A_628, %roll3A_626, %min3A_623 : vector<32x128xi1>, vector<32x128xf32>
    %roll3A_630 = arith.constant 124 : i32
    %roll3A_631 = tpu.dynamic_rotate %mul3A_574 by %roll3A_630 dim 1 : vector<32x128xf32>, i32 -> vector<32x128xf32>
    %min3A_632 = arith.minimumf %mul3A_574, %roll3A_631 : vector<32x128xf32>
    %max3A_633 = arith.maximumf %mul3A_574, %roll3A_631 : vector<32x128xf32>
    %roll3A_634 = arith.constant 4 : i32
    %roll3A_635 = tpu.dynamic_rotate %max3A_633 by %roll3A_634 dim 1 : vector<32x128xf32>, i32 -> vector<32x128xf32>
    %broadcast_in_dim3A_636 = vector.shape_cast %ne3A_584 : vector<1x128xi1> to vector<1x128xi1>
    %broadcast_in_dim3A_637 = vector.broadcast %broadcast_in_dim3A_636 : vector<1x128xi1> to vector<32x128xi1>
    %select_n3A_638 = arith.select %broadcast_in_dim3A_637, %roll3A_635, %min3A_632 : vector<32x128xi1>, vector<32x128xf32>
    %roll3A_639 = arith.constant 124 : i32
    %roll3A_640 = tpu.dynamic_rotate %mul3A_576 by %roll3A_639 dim 1 : vector<32x128xf32>, i32 -> vector<32x128xf32>
    %min3A_641 = arith.minimumf %mul3A_576, %roll3A_640 : vector<32x128xf32>
    %max3A_642 = arith.maximumf %mul3A_576, %roll3A_640 : vector<32x128xf32>
    %roll3A_643 = arith.constant 4 : i32
    %roll3A_644 = tpu.dynamic_rotate %max3A_642 by %roll3A_643 dim 1 : vector<32x128xf32>, i32 -> vector<32x128xf32>
    %broadcast_in_dim3A_645 = vector.shape_cast %ne3A_584 : vector<1x128xi1> to vector<1x128xi1>
    %broadcast_in_dim3A_646 = vector.broadcast %broadcast_in_dim3A_645 : vector<1x128xi1> to vector<32x128xi1>
    %select_n3A_647 = arith.select %broadcast_in_dim3A_646, %roll3A_644, %min3A_641 : vector<32x128xi1>, vector<32x128xf32>
    %roll3A_648 = arith.constant 124 : i32
    %roll3A_649 = tpu.dynamic_rotate %mul3A_578 by %roll3A_648 dim 1 : vector<32x128xf32>, i32 -> vector<32x128xf32>
    %min3A_650 = arith.minimumf %mul3A_578, %roll3A_649 : vector<32x128xf32>
    %max3A_651 = arith.maximumf %mul3A_578, %roll3A_649 : vector<32x128xf32>
    %roll3A_652 = arith.constant 4 : i32
    %roll3A_653 = tpu.dynamic_rotate %max3A_651 by %roll3A_652 dim 1 : vector<32x128xf32>, i32 -> vector<32x128xf32>
    %broadcast_in_dim3A_654 = vector.shape_cast %ne3A_584 : vector<1x128xi1> to vector<1x128xi1>
    %broadcast_in_dim3A_655 = vector.broadcast %broadcast_in_dim3A_654 : vector<1x128xi1> to vector<32x128xi1>
    %select_n3A_656 = arith.select %broadcast_in_dim3A_655, %roll3A_653, %min3A_650 : vector<32x128xi1>, vector<32x128xf32>
    %and3A_657 = arith.constant 2 : i32
    %and3A_658 = vector.broadcast %and3A_657 : i32 to vector<1x128xi32>
    %and3A_659 = arith.andi %iota3A, %and3A_658 : vector<1x128xi32>
    %ne3A_660 = arith.constant 0 : i32
    %ne3A_661 = vector.broadcast %ne3A_660 : i32 to vector<1x128xi32>
    %ne3A_662 = arith.cmpi ne, %and3A_659, %ne3A_661 : vector<1x128xi32>
    %roll3A_663 = arith.constant 126 : i32
    %roll3A_664 = tpu.dynamic_rotate %select_n3A_593 by %roll3A_663 dim 1 : vector<32x128xf32>, i32 -> vector<32x128xf32>
    %min3A_665 = arith.minimumf %select_n3A_593, %roll3A_664 : vector<32x128xf32>
    %max3A_666 = arith.maximumf %select_n3A_593, %roll3A_664 : vector<32x128xf32>
    %roll3A_667 = arith.constant 2 : i32
    %roll3A_668 = tpu.dynamic_rotate %max3A_666 by %roll3A_667 dim 1 : vector<32x128xf32>, i32 -> vector<32x128xf32>
    %broadcast_in_dim3A_669 = vector.shape_cast %ne3A_662 : vector<1x128xi1> to vector<1x128xi1>
    %broadcast_in_dim3A_670 = vector.broadcast %broadcast_in_dim3A_669 : vector<1x128xi1> to vector<32x128xi1>
    %select_n3A_671 = arith.select %broadcast_in_dim3A_670, %roll3A_668, %min3A_665 : vector<32x128xi1>, vector<32x128xf32>
    %roll3A_672 = arith.constant 126 : i32
    %roll3A_673 = tpu.dynamic_rotate %select_n3A_602 by %roll3A_672 dim 1 : vector<32x128xf32>, i32 -> vector<32x128xf32>
    %min3A_674 = arith.minimumf %select_n3A_602, %roll3A_673 : vector<32x128xf32>
    %max3A_675 = arith.maximumf %select_n3A_602, %roll3A_673 : vector<32x128xf32>
    %roll3A_676 = arith.constant 2 : i32
    %roll3A_677 = tpu.dynamic_rotate %max3A_675 by %roll3A_676 dim 1 : vector<32x128xf32>, i32 -> vector<32x128xf32>
    %broadcast_in_dim3A_678 = vector.shape_cast %ne3A_662 : vector<1x128xi1> to vector<1x128xi1>
    %broadcast_in_dim3A_679 = vector.broadcast %broadcast_in_dim3A_678 : vector<1x128xi1> to vector<32x128xi1>
    %select_n3A_680 = arith.select %broadcast_in_dim3A_679, %roll3A_677, %min3A_674 : vector<32x128xi1>, vector<32x128xf32>
    %roll3A_681 = arith.constant 126 : i32
    %roll3A_682 = tpu.dynamic_rotate %select_n3A_611 by %roll3A_681 dim 1 : vector<32x128xf32>, i32 -> vector<32x128xf32>
    %min3A_683 = arith.minimumf %select_n3A_611, %roll3A_682 : vector<32x128xf32>
    %max3A_684 = arith.maximumf %select_n3A_611, %roll3A_682 : vector<32x128xf32>
    %roll3A_685 = arith.constant 2 : i32
    %roll3A_686 = tpu.dynamic_rotate %max3A_684 by %roll3A_685 dim 1 : vector<32x128xf32>, i32 -> vector<32x128xf32>
    %broadcast_in_dim3A_687 = vector.shape_cast %ne3A_662 : vector<1x128xi1> to vector<1x128xi1>
    %broadcast_in_dim3A_688 = vector.broadcast %broadcast_in_dim3A_687 : vector<1x128xi1> to vector<32x128xi1>
    %select_n3A_689 = arith.select %broadcast_in_dim3A_688, %roll3A_686, %min3A_683 : vector<32x128xi1>, vector<32x128xf32>
    %roll3A_690 = arith.constant 126 : i32
    %roll3A_691 = tpu.dynamic_rotate %select_n3A_620 by %roll3A_690 dim 1 : vector<32x128xf32>, i32 -> vector<32x128xf32>
    %min3A_692 = arith.minimumf %select_n3A_620, %roll3A_691 : vector<32x128xf32>
    %max3A_693 = arith.maximumf %select_n3A_620, %roll3A_691 : vector<32x128xf32>
    %roll3A_694 = arith.constant 2 : i32
    %roll3A_695 = tpu.dynamic_rotate %max3A_693 by %roll3A_694 dim 1 : vector<32x128xf32>, i32 -> vector<32x128xf32>
    %broadcast_in_dim3A_696 = vector.shape_cast %ne3A_662 : vector<1x128xi1> to vector<1x128xi1>
    %broadcast_in_dim3A_697 = vector.broadcast %broadcast_in_dim3A_696 : vector<1x128xi1> to vector<32x128xi1>
    %select_n3A_698 = arith.select %broadcast_in_dim3A_697, %roll3A_695, %min3A_692 : vector<32x128xi1>, vector<32x128xf32>
    %roll3A_699 = arith.constant 126 : i32
    %roll3A_700 = tpu.dynamic_rotate %select_n3A_629 by %roll3A_699 dim 1 : vector<32x128xf32>, i32 -> vector<32x128xf32>
    %min3A_701 = arith.minimumf %select_n3A_629, %roll3A_700 : vector<32x128xf32>
    %max3A_702 = arith.maximumf %select_n3A_629, %roll3A_700 : vector<32x128xf32>
    %roll3A_703 = arith.constant 2 : i32
    %roll3A_704 = tpu.dynamic_rotate %max3A_702 by %roll3A_703 dim 1 : vector<32x128xf32>, i32 -> vector<32x128xf32>
    %broadcast_in_dim3A_705 = vector.shape_cast %ne3A_662 : vector<1x128xi1> to vector<1x128xi1>
    %broadcast_in_dim3A_706 = vector.broadcast %broadcast_in_dim3A_705 : vector<1x128xi1> to vector<32x128xi1>
    %select_n3A_707 = arith.select %broadcast_in_dim3A_706, %roll3A_704, %min3A_701 : vector<32x128xi1>, vector<32x128xf32>
    %roll3A_708 = arith.constant 126 : i32
    %roll3A_709 = tpu.dynamic_rotate %select_n3A_638 by %roll3A_708 dim 1 : vector<32x128xf32>, i32 -> vector<32x128xf32>
    %min3A_710 = arith.minimumf %select_n3A_638, %roll3A_709 : vector<32x128xf32>
    %max3A_711 = arith.maximumf %select_n3A_638, %roll3A_709 : vector<32x128xf32>
    %roll3A_712 = arith.constant 2 : i32
    %roll3A_713 = tpu.dynamic_rotate %max3A_711 by %roll3A_712 dim 1 : vector<32x128xf32>, i32 -> vector<32x128xf32>
    %broadcast_in_dim3A_714 = vector.shape_cast %ne3A_662 : vector<1x128xi1> to vector<1x128xi1>
    %broadcast_in_dim3A_715 = vector.broadcast %broadcast_in_dim3A_714 : vector<1x128xi1> to vector<32x128xi1>
    %select_n3A_716 = arith.select %broadcast_in_dim3A_715, %roll3A_713, %min3A_710 : vector<32x128xi1>, vector<32x128xf32>
    %roll3A_717 = arith.constant 126 : i32
    %roll3A_718 = tpu.dynamic_rotate %select_n3A_647 by %roll3A_717 dim 1 : vector<32x128xf32>, i32 -> vector<32x128xf32>
    %min3A_719 = arith.minimumf %select_n3A_647, %roll3A_718 : vector<32x128xf32>
    %max3A_720 = arith.maximumf %select_n3A_647, %roll3A_718 : vector<32x128xf32>
    %roll3A_721 = arith.constant 2 : i32
    %roll3A_722 = tpu.dynamic_rotate %max3A_720 by %roll3A_721 dim 1 : vector<32x128xf32>, i32 -> vector<32x128xf32>
    %broadcast_in_dim3A_723 = vector.shape_cast %ne3A_662 : vector<1x128xi1> to vector<1x128xi1>
    %broadcast_in_dim3A_724 = vector.broadcast %broadcast_in_dim3A_723 : vector<1x128xi1> to vector<32x128xi1>
    %select_n3A_725 = arith.select %broadcast_in_dim3A_724, %roll3A_722, %min3A_719 : vector<32x128xi1>, vector<32x128xf32>
    %roll3A_726 = arith.constant 126 : i32
    %roll3A_727 = tpu.dynamic_rotate %select_n3A_656 by %roll3A_726 dim 1 : vector<32x128xf32>, i32 -> vector<32x128xf32>
    %min3A_728 = arith.minimumf %select_n3A_656, %roll3A_727 : vector<32x128xf32>
    %max3A_729 = arith.maximumf %select_n3A_656, %roll3A_727 : vector<32x128xf32>
    %roll3A_730 = arith.constant 2 : i32
    %roll3A_731 = tpu.dynamic_rotate %max3A_729 by %roll3A_730 dim 1 : vector<32x128xf32>, i32 -> vector<32x128xf32>
    %broadcast_in_dim3A_732 = vector.shape_cast %ne3A_662 : vector<1x128xi1> to vector<1x128xi1>
    %broadcast_in_dim3A_733 = vector.broadcast %broadcast_in_dim3A_732 : vector<1x128xi1> to vector<32x128xi1>
    %select_n3A_734 = arith.select %broadcast_in_dim3A_733, %roll3A_731, %min3A_728 : vector<32x128xi1>, vector<32x128xf32>
    %and3A_735 = arith.constant 1 : i32
    %and3A_736 = vector.broadcast %and3A_735 : i32 to vector<1x128xi32>
    %and3A_737 = arith.andi %iota3A, %and3A_736 : vector<1x128xi32>
    %ne3A_738 = arith.constant 0 : i32
    %ne3A_739 = vector.broadcast %ne3A_738 : i32 to vector<1x128xi32>
    %ne3A_740 = arith.cmpi ne, %and3A_737, %ne3A_739 : vector<1x128xi32>
    %roll3A_741 = arith.constant 127 : i32
    %roll3A_742 = tpu.dynamic_rotate %select_n3A_671 by %roll3A_741 dim 1 : vector<32x128xf32>, i32 -> vector<32x128xf32>
    %min3A_743 = arith.minimumf %select_n3A_671, %roll3A_742 : vector<32x128xf32>
    %max3A_744 = arith.maximumf %select_n3A_671, %roll3A_742 : vector<32x128xf32>
    %roll3A_745 = arith.constant 1 : i32
    %roll3A_746 = tpu.dynamic_rotate %max3A_744 by %roll3A_745 dim 1 : vector<32x128xf32>, i32 -> vector<32x128xf32>
    %broadcast_in_dim3A_747 = vector.shape_cast %ne3A_740 : vector<1x128xi1> to vector<1x128xi1>
    %broadcast_in_dim3A_748 = vector.broadcast %broadcast_in_dim3A_747 : vector<1x128xi1> to vector<32x128xi1>
    %select_n3A_749 = arith.select %broadcast_in_dim3A_748, %roll3A_746, %min3A_743 : vector<32x128xi1>, vector<32x128xf32>
    %roll3A_750 = arith.constant 127 : i32
    %roll3A_751 = tpu.dynamic_rotate %select_n3A_680 by %roll3A_750 dim 1 : vector<32x128xf32>, i32 -> vector<32x128xf32>
    %min3A_752 = arith.minimumf %select_n3A_680, %roll3A_751 : vector<32x128xf32>
    %max3A_753 = arith.maximumf %select_n3A_680, %roll3A_751 : vector<32x128xf32>
    %roll3A_754 = arith.constant 1 : i32
    %roll3A_755 = tpu.dynamic_rotate %max3A_753 by %roll3A_754 dim 1 : vector<32x128xf32>, i32 -> vector<32x128xf32>
    %broadcast_in_dim3A_756 = vector.shape_cast %ne3A_740 : vector<1x128xi1> to vector<1x128xi1>
    %broadcast_in_dim3A_757 = vector.broadcast %broadcast_in_dim3A_756 : vector<1x128xi1> to vector<32x128xi1>
    %select_n3A_758 = arith.select %broadcast_in_dim3A_757, %roll3A_755, %min3A_752 : vector<32x128xi1>, vector<32x128xf32>
    %roll3A_759 = arith.constant 127 : i32
    %roll3A_760 = tpu.dynamic_rotate %select_n3A_689 by %roll3A_759 dim 1 : vector<32x128xf32>, i32 -> vector<32x128xf32>
    %min3A_761 = arith.minimumf %select_n3A_689, %roll3A_760 : vector<32x128xf32>
    %max3A_762 = arith.maximumf %select_n3A_689, %roll3A_760 : vector<32x128xf32>
    %roll3A_763 = arith.constant 1 : i32
    %roll3A_764 = tpu.dynamic_rotate %max3A_762 by %roll3A_763 dim 1 : vector<32x128xf32>, i32 -> vector<32x128xf32>
    %broadcast_in_dim3A_765 = vector.shape_cast %ne3A_740 : vector<1x128xi1> to vector<1x128xi1>
    %broadcast_in_dim3A_766 = vector.broadcast %broadcast_in_dim3A_765 : vector<1x128xi1> to vector<32x128xi1>
    %select_n3A_767 = arith.select %broadcast_in_dim3A_766, %roll3A_764, %min3A_761 : vector<32x128xi1>, vector<32x128xf32>
    %roll3A_768 = arith.constant 127 : i32
    %roll3A_769 = tpu.dynamic_rotate %select_n3A_698 by %roll3A_768 dim 1 : vector<32x128xf32>, i32 -> vector<32x128xf32>
    %min3A_770 = arith.minimumf %select_n3A_698, %roll3A_769 : vector<32x128xf32>
    %max3A_771 = arith.maximumf %select_n3A_698, %roll3A_769 : vector<32x128xf32>
    %roll3A_772 = arith.constant 1 : i32
    %roll3A_773 = tpu.dynamic_rotate %max3A_771 by %roll3A_772 dim 1 : vector<32x128xf32>, i32 -> vector<32x128xf32>
    %broadcast_in_dim3A_774 = vector.shape_cast %ne3A_740 : vector<1x128xi1> to vector<1x128xi1>
    %broadcast_in_dim3A_775 = vector.broadcast %broadcast_in_dim3A_774 : vector<1x128xi1> to vector<32x128xi1>
    %select_n3A_776 = arith.select %broadcast_in_dim3A_775, %roll3A_773, %min3A_770 : vector<32x128xi1>, vector<32x128xf32>
    %roll3A_777 = arith.constant 127 : i32
    %roll3A_778 = tpu.dynamic_rotate %select_n3A_707 by %roll3A_777 dim 1 : vector<32x128xf32>, i32 -> vector<32x128xf32>
    %min3A_779 = arith.minimumf %select_n3A_707, %roll3A_778 : vector<32x128xf32>
    %max3A_780 = arith.maximumf %select_n3A_707, %roll3A_778 : vector<32x128xf32>
    %roll3A_781 = arith.constant 1 : i32
    %roll3A_782 = tpu.dynamic_rotate %max3A_780 by %roll3A_781 dim 1 : vector<32x128xf32>, i32 -> vector<32x128xf32>
    %broadcast_in_dim3A_783 = vector.shape_cast %ne3A_740 : vector<1x128xi1> to vector<1x128xi1>
    %broadcast_in_dim3A_784 = vector.broadcast %broadcast_in_dim3A_783 : vector<1x128xi1> to vector<32x128xi1>
    %select_n3A_785 = arith.select %broadcast_in_dim3A_784, %roll3A_782, %min3A_779 : vector<32x128xi1>, vector<32x128xf32>
    %roll3A_786 = arith.constant 127 : i32
    %roll3A_787 = tpu.dynamic_rotate %select_n3A_716 by %roll3A_786 dim 1 : vector<32x128xf32>, i32 -> vector<32x128xf32>
    %min3A_788 = arith.minimumf %select_n3A_716, %roll3A_787 : vector<32x128xf32>
    %max3A_789 = arith.maximumf %select_n3A_716, %roll3A_787 : vector<32x128xf32>
    %roll3A_790 = arith.constant 1 : i32
    %roll3A_791 = tpu.dynamic_rotate %max3A_789 by %roll3A_790 dim 1 : vector<32x128xf32>, i32 -> vector<32x128xf32>
    %broadcast_in_dim3A_792 = vector.shape_cast %ne3A_740 : vector<1x128xi1> to vector<1x128xi1>
    %broadcast_in_dim3A_793 = vector.broadcast %broadcast_in_dim3A_792 : vector<1x128xi1> to vector<32x128xi1>
    %select_n3A_794 = arith.select %broadcast_in_dim3A_793, %roll3A_791, %min3A_788 : vector<32x128xi1>, vector<32x128xf32>
    %roll3A_795 = arith.constant 127 : i32
    %roll3A_796 = tpu.dynamic_rotate %select_n3A_725 by %roll3A_795 dim 1 : vector<32x128xf32>, i32 -> vector<32x128xf32>
    %min3A_797 = arith.minimumf %select_n3A_725, %roll3A_796 : vector<32x128xf32>
    %max3A_798 = arith.maximumf %select_n3A_725, %roll3A_796 : vector<32x128xf32>
    %roll3A_799 = arith.constant 1 : i32
    %roll3A_800 = tpu.dynamic_rotate %max3A_798 by %roll3A_799 dim 1 : vector<32x128xf32>, i32 -> vector<32x128xf32>
    %broadcast_in_dim3A_801 = vector.shape_cast %ne3A_740 : vector<1x128xi1> to vector<1x128xi1>
    %broadcast_in_dim3A_802 = vector.broadcast %broadcast_in_dim3A_801 : vector<1x128xi1> to vector<32x128xi1>
    %select_n3A_803 = arith.select %broadcast_in_dim3A_802, %roll3A_800, %min3A_797 : vector<32x128xi1>, vector<32x128xf32>
    %roll3A_804 = arith.constant 127 : i32
    %roll3A_805 = tpu.dynamic_rotate %select_n3A_734 by %roll3A_804 dim 1 : vector<32x128xf32>, i32 -> vector<32x128xf32>
    %min3A_806 = arith.minimumf %select_n3A_734, %roll3A_805 : vector<32x128xf32>
    %max3A_807 = arith.maximumf %select_n3A_734, %roll3A_805 : vector<32x128xf32>
    %roll3A_808 = arith.constant 1 : i32
    %roll3A_809 = tpu.dynamic_rotate %max3A_807 by %roll3A_808 dim 1 : vector<32x128xf32>, i32 -> vector<32x128xf32>
    %broadcast_in_dim3A_810 = vector.shape_cast %ne3A_740 : vector<1x128xi1> to vector<1x128xi1>
    %broadcast_in_dim3A_811 = vector.broadcast %broadcast_in_dim3A_810 : vector<1x128xi1> to vector<32x128xi1>
    %select_n3A_812 = arith.select %broadcast_in_dim3A_811, %roll3A_809, %min3A_806 : vector<32x128xi1>, vector<32x128xf32>
    %min3A_813 = arith.minimumf %select_n3A_749, %select_n3A_785 : vector<32x128xf32>
    %max3A_814 = arith.maximumf %select_n3A_749, %select_n3A_785 : vector<32x128xf32>
    %min3A_815 = arith.minimumf %select_n3A_758, %select_n3A_794 : vector<32x128xf32>
    %max3A_816 = arith.maximumf %select_n3A_758, %select_n3A_794 : vector<32x128xf32>
    %min3A_817 = arith.minimumf %select_n3A_767, %select_n3A_803 : vector<32x128xf32>
    %max3A_818 = arith.maximumf %select_n3A_767, %select_n3A_803 : vector<32x128xf32>
    %min3A_819 = arith.minimumf %select_n3A_776, %select_n3A_812 : vector<32x128xf32>
    %max3A_820 = arith.maximumf %select_n3A_776, %select_n3A_812 : vector<32x128xf32>
    %min3A_821 = arith.minimumf %min3A_813, %min3A_817 : vector<32x128xf32>
    %max3A_822 = arith.maximumf %min3A_813, %min3A_817 : vector<32x128xf32>
    %min3A_823 = arith.minimumf %min3A_815, %min3A_819 : vector<32x128xf32>
    %max3A_824 = arith.maximumf %min3A_815, %min3A_819 : vector<32x128xf32>
    %min3A_825 = arith.minimumf %max3A_814, %max3A_818 : vector<32x128xf32>
    %max3A_826 = arith.maximumf %max3A_814, %max3A_818 : vector<32x128xf32>
    %min3A_827 = arith.minimumf %max3A_816, %max3A_820 : vector<32x128xf32>
    %max3A_828 = arith.maximumf %max3A_816, %max3A_820 : vector<32x128xf32>
    %min3A_829 = arith.minimumf %min3A_821, %min3A_823 : vector<32x128xf32>
    %max3A_830 = arith.maximumf %min3A_821, %min3A_823 : vector<32x128xf32>
    %min3A_831 = arith.minimumf %max3A_822, %max3A_824 : vector<32x128xf32>
    %max3A_832 = arith.maximumf %max3A_822, %max3A_824 : vector<32x128xf32>
    %min3A_833 = arith.minimumf %min3A_825, %min3A_827 : vector<32x128xf32>
    %max3A_834 = arith.maximumf %min3A_825, %min3A_827 : vector<32x128xf32>
    %min3A_835 = arith.minimumf %max3A_826, %max3A_828 : vector<32x128xf32>
    %max3A_836 = arith.maximumf %max3A_826, %max3A_828 : vector<32x128xf32>
    %and3A_837 = arith.constant 8 : i32
    %and3A_838 = vector.broadcast %and3A_837 : i32 to vector<1x128xi32>
    %and3A_839 = arith.andi %iota3A, %and3A_838 : vector<1x128xi32>
    %eq3A_840 = arith.constant 0 : i32
    %eq3A_841 = vector.broadcast %eq3A_840 : i32 to vector<1x128xi32>
    %eq3A_842 = arith.cmpi eq, %and3A_839, %eq3A_841 : vector<1x128xi32>
    %jit3A_843 = arith.constant 1.000000e+00 : f32
    %jit3A_844 = arith.constant -1.000000e+00 : f32
    %broadcast_in_dim3A_845 = vector.broadcast %jit3A_843 : f32 to vector<1x128xf32>
    %broadcast_in_dim3A_846 = vector.broadcast %jit3A_844 : f32 to vector<1x128xf32>
    %select_n3A_847 = arith.select %eq3A_842, %broadcast_in_dim3A_845, %broadcast_in_dim3A_846 : vector<1x128xi1>, vector<1x128xf32>
    %mul3A_848 = vector.broadcast %select_n3A_847 : vector<1x128xf32> to vector<32x128xf32>
    %mul3A_849 = arith.mulf %min3A_829, %mul3A_848 : vector<32x128xf32>
    %mul3A_850 = vector.broadcast %select_n3A_847 : vector<1x128xf32> to vector<32x128xf32>
    %mul3A_851 = arith.mulf %max3A_830, %mul3A_850 : vector<32x128xf32>
    %mul3A_852 = vector.broadcast %select_n3A_847 : vector<1x128xf32> to vector<32x128xf32>
    %mul3A_853 = arith.mulf %min3A_831, %mul3A_852 : vector<32x128xf32>
    %mul3A_854 = vector.broadcast %select_n3A_847 : vector<1x128xf32> to vector<32x128xf32>
    %mul3A_855 = arith.mulf %max3A_832, %mul3A_854 : vector<32x128xf32>
    %mul3A_856 = vector.broadcast %select_n3A_847 : vector<1x128xf32> to vector<32x128xf32>
    %mul3A_857 = arith.mulf %min3A_833, %mul3A_856 : vector<32x128xf32>
    %mul3A_858 = vector.broadcast %select_n3A_847 : vector<1x128xf32> to vector<32x128xf32>
    %mul3A_859 = arith.mulf %max3A_834, %mul3A_858 : vector<32x128xf32>
    %mul3A_860 = vector.broadcast %select_n3A_847 : vector<1x128xf32> to vector<32x128xf32>
    %mul3A_861 = arith.mulf %min3A_835, %mul3A_860 : vector<32x128xf32>
    %mul3A_862 = vector.broadcast %select_n3A_847 : vector<1x128xf32> to vector<32x128xf32>
    %mul3A_863 = arith.mulf %max3A_836, %mul3A_862 : vector<32x128xf32>
    %and3A_864 = arith.constant 16 : i32
    %and3A_865 = vector.broadcast %and3A_864 : i32 to vector<1x128xi32>
    %and3A_866 = arith.andi %iota3A, %and3A_865 : vector<1x128xi32>
    %eq3A_867 = arith.constant 0 : i32
    %eq3A_868 = vector.broadcast %eq3A_867 : i32 to vector<1x128xi32>
    %eq3A_869 = arith.cmpi eq, %and3A_866, %eq3A_868 : vector<1x128xi32>
    %jit3A_870 = arith.constant 1.000000e+00 : f32
    %jit3A_871 = arith.constant -1.000000e+00 : f32
    %broadcast_in_dim3A_872 = vector.broadcast %jit3A_870 : f32 to vector<1x128xf32>
    %broadcast_in_dim3A_873 = vector.broadcast %jit3A_871 : f32 to vector<1x128xf32>
    %select_n3A_874 = arith.select %eq3A_869, %broadcast_in_dim3A_872, %broadcast_in_dim3A_873 : vector<1x128xi1>, vector<1x128xf32>
    %mul3A_875 = vector.broadcast %select_n3A_874 : vector<1x128xf32> to vector<32x128xf32>
    %mul3A_876 = arith.mulf %mul3A_849, %mul3A_875 : vector<32x128xf32>
    %mul3A_877 = vector.broadcast %select_n3A_874 : vector<1x128xf32> to vector<32x128xf32>
    %mul3A_878 = arith.mulf %mul3A_851, %mul3A_877 : vector<32x128xf32>
    %mul3A_879 = vector.broadcast %select_n3A_874 : vector<1x128xf32> to vector<32x128xf32>
    %mul3A_880 = arith.mulf %mul3A_853, %mul3A_879 : vector<32x128xf32>
    %mul3A_881 = vector.broadcast %select_n3A_874 : vector<1x128xf32> to vector<32x128xf32>
    %mul3A_882 = arith.mulf %mul3A_855, %mul3A_881 : vector<32x128xf32>
    %mul3A_883 = vector.broadcast %select_n3A_874 : vector<1x128xf32> to vector<32x128xf32>
    %mul3A_884 = arith.mulf %mul3A_857, %mul3A_883 : vector<32x128xf32>
    %mul3A_885 = vector.broadcast %select_n3A_874 : vector<1x128xf32> to vector<32x128xf32>
    %mul3A_886 = arith.mulf %mul3A_859, %mul3A_885 : vector<32x128xf32>
    %mul3A_887 = vector.broadcast %select_n3A_874 : vector<1x128xf32> to vector<32x128xf32>
    %mul3A_888 = arith.mulf %mul3A_861, %mul3A_887 : vector<32x128xf32>
    %mul3A_889 = vector.broadcast %select_n3A_874 : vector<1x128xf32> to vector<32x128xf32>
    %mul3A_890 = arith.mulf %mul3A_863, %mul3A_889 : vector<32x128xf32>
    %and3A_891 = arith.constant 8 : i32
    %and3A_892 = vector.broadcast %and3A_891 : i32 to vector<1x128xi32>
    %and3A_893 = arith.andi %iota3A, %and3A_892 : vector<1x128xi32>
    %ne3A_894 = arith.constant 0 : i32
    %ne3A_895 = vector.broadcast %ne3A_894 : i32 to vector<1x128xi32>
    %ne3A_896 = arith.cmpi ne, %and3A_893, %ne3A_895 : vector<1x128xi32>
    %roll3A_897 = arith.constant 120 : i32
    %roll3A_898 = tpu.dynamic_rotate %mul3A_876 by %roll3A_897 dim 1 : vector<32x128xf32>, i32 -> vector<32x128xf32>
    %min3A_899 = arith.minimumf %mul3A_876, %roll3A_898 : vector<32x128xf32>
    %max3A_900 = arith.maximumf %mul3A_876, %roll3A_898 : vector<32x128xf32>
    %roll3A_901 = arith.constant 8 : i32
    %roll3A_902 = tpu.dynamic_rotate %max3A_900 by %roll3A_901 dim 1 : vector<32x128xf32>, i32 -> vector<32x128xf32>
    %broadcast_in_dim3A_903 = vector.shape_cast %ne3A_896 : vector<1x128xi1> to vector<1x128xi1>
    %broadcast_in_dim3A_904 = vector.broadcast %broadcast_in_dim3A_903 : vector<1x128xi1> to vector<32x128xi1>
    %select_n3A_905 = arith.select %broadcast_in_dim3A_904, %roll3A_902, %min3A_899 : vector<32x128xi1>, vector<32x128xf32>
    %roll3A_906 = arith.constant 120 : i32
    %roll3A_907 = tpu.dynamic_rotate %mul3A_878 by %roll3A_906 dim 1 : vector<32x128xf32>, i32 -> vector<32x128xf32>
    %min3A_908 = arith.minimumf %mul3A_878, %roll3A_907 : vector<32x128xf32>
    %max3A_909 = arith.maximumf %mul3A_878, %roll3A_907 : vector<32x128xf32>
    %roll3A_910 = arith.constant 8 : i32
    %roll3A_911 = tpu.dynamic_rotate %max3A_909 by %roll3A_910 dim 1 : vector<32x128xf32>, i32 -> vector<32x128xf32>
    %broadcast_in_dim3A_912 = vector.shape_cast %ne3A_896 : vector<1x128xi1> to vector<1x128xi1>
    %broadcast_in_dim3A_913 = vector.broadcast %broadcast_in_dim3A_912 : vector<1x128xi1> to vector<32x128xi1>
    %select_n3A_914 = arith.select %broadcast_in_dim3A_913, %roll3A_911, %min3A_908 : vector<32x128xi1>, vector<32x128xf32>
    %roll3A_915 = arith.constant 120 : i32
    %roll3A_916 = tpu.dynamic_rotate %mul3A_880 by %roll3A_915 dim 1 : vector<32x128xf32>, i32 -> vector<32x128xf32>
    %min3A_917 = arith.minimumf %mul3A_880, %roll3A_916 : vector<32x128xf32>
    %max3A_918 = arith.maximumf %mul3A_880, %roll3A_916 : vector<32x128xf32>
    %roll3A_919 = arith.constant 8 : i32
    %roll3A_920 = tpu.dynamic_rotate %max3A_918 by %roll3A_919 dim 1 : vector<32x128xf32>, i32 -> vector<32x128xf32>
    %broadcast_in_dim3A_921 = vector.shape_cast %ne3A_896 : vector<1x128xi1> to vector<1x128xi1>
    %broadcast_in_dim3A_922 = vector.broadcast %broadcast_in_dim3A_921 : vector<1x128xi1> to vector<32x128xi1>
    %select_n3A_923 = arith.select %broadcast_in_dim3A_922, %roll3A_920, %min3A_917 : vector<32x128xi1>, vector<32x128xf32>
    %roll3A_924 = arith.constant 120 : i32
    %roll3A_925 = tpu.dynamic_rotate %mul3A_882 by %roll3A_924 dim 1 : vector<32x128xf32>, i32 -> vector<32x128xf32>
    %min3A_926 = arith.minimumf %mul3A_882, %roll3A_925 : vector<32x128xf32>
    %max3A_927 = arith.maximumf %mul3A_882, %roll3A_925 : vector<32x128xf32>
    %roll3A_928 = arith.constant 8 : i32
    %roll3A_929 = tpu.dynamic_rotate %max3A_927 by %roll3A_928 dim 1 : vector<32x128xf32>, i32 -> vector<32x128xf32>
    %broadcast_in_dim3A_930 = vector.shape_cast %ne3A_896 : vector<1x128xi1> to vector<1x128xi1>
    %broadcast_in_dim3A_931 = vector.broadcast %broadcast_in_dim3A_930 : vector<1x128xi1> to vector<32x128xi1>
    %select_n3A_932 = arith.select %broadcast_in_dim3A_931, %roll3A_929, %min3A_926 : vector<32x128xi1>, vector<32x128xf32>
    %roll3A_933 = arith.constant 120 : i32
    %roll3A_934 = tpu.dynamic_rotate %mul3A_884 by %roll3A_933 dim 1 : vector<32x128xf32>, i32 -> vector<32x128xf32>
    %min3A_935 = arith.minimumf %mul3A_884, %roll3A_934 : vector<32x128xf32>
    %max3A_936 = arith.maximumf %mul3A_884, %roll3A_934 : vector<32x128xf32>
    %roll3A_937 = arith.constant 8 : i32
    %roll3A_938 = tpu.dynamic_rotate %max3A_936 by %roll3A_937 dim 1 : vector<32x128xf32>, i32 -> vector<32x128xf32>
    %broadcast_in_dim3A_939 = vector.shape_cast %ne3A_896 : vector<1x128xi1> to vector<1x128xi1>
    %broadcast_in_dim3A_940 = vector.broadcast %broadcast_in_dim3A_939 : vector<1x128xi1> to vector<32x128xi1>
    %select_n3A_941 = arith.select %broadcast_in_dim3A_940, %roll3A_938, %min3A_935 : vector<32x128xi1>, vector<32x128xf32>
    %roll3A_942 = arith.constant 120 : i32
    %roll3A_943 = tpu.dynamic_rotate %mul3A_886 by %roll3A_942 dim 1 : vector<32x128xf32>, i32 -> vector<32x128xf32>
    %min3A_944 = arith.minimumf %mul3A_886, %roll3A_943 : vector<32x128xf32>
    %max3A_945 = arith.maximumf %mul3A_886, %roll3A_943 : vector<32x128xf32>
    %roll3A_946 = arith.constant 8 : i32
    %roll3A_947 = tpu.dynamic_rotate %max3A_945 by %roll3A_946 dim 1 : vector<32x128xf32>, i32 -> vector<32x128xf32>
    %broadcast_in_dim3A_948 = vector.shape_cast %ne3A_896 : vector<1x128xi1> to vector<1x128xi1>
    %broadcast_in_dim3A_949 = vector.broadcast %broadcast_in_dim3A_948 : vector<1x128xi1> to vector<32x128xi1>
    %select_n3A_950 = arith.select %broadcast_in_dim3A_949, %roll3A_947, %min3A_944 : vector<32x128xi1>, vector<32x128xf32>
    %roll3A_951 = arith.constant 120 : i32
    %roll3A_952 = tpu.dynamic_rotate %mul3A_888 by %roll3A_951 dim 1 : vector<32x128xf32>, i32 -> vector<32x128xf32>
    %min3A_953 = arith.minimumf %mul3A_888, %roll3A_952 : vector<32x128xf32>
    %max3A_954 = arith.maximumf %mul3A_888, %roll3A_952 : vector<32x128xf32>
    %roll3A_955 = arith.constant 8 : i32
    %roll3A_956 = tpu.dynamic_rotate %max3A_954 by %roll3A_955 dim 1 : vector<32x128xf32>, i32 -> vector<32x128xf32>
    %broadcast_in_dim3A_957 = vector.shape_cast %ne3A_896 : vector<1x128xi1> to vector<1x128xi1>
    %broadcast_in_dim3A_958 = vector.broadcast %broadcast_in_dim3A_957 : vector<1x128xi1> to vector<32x128xi1>
    %select_n3A_959 = arith.select %broadcast_in_dim3A_958, %roll3A_956, %min3A_953 : vector<32x128xi1>, vector<32x128xf32>
    %roll3A_960 = arith.constant 120 : i32
    %roll3A_961 = tpu.dynamic_rotate %mul3A_890 by %roll3A_960 dim 1 : vector<32x128xf32>, i32 -> vector<32x128xf32>
    %min3A_962 = arith.minimumf %mul3A_890, %roll3A_961 : vector<32x128xf32>
    %max3A_963 = arith.maximumf %mul3A_890, %roll3A_961 : vector<32x128xf32>
    %roll3A_964 = arith.constant 8 : i32
    %roll3A_965 = tpu.dynamic_rotate %max3A_963 by %roll3A_964 dim 1 : vector<32x128xf32>, i32 -> vector<32x128xf32>
    %broadcast_in_dim3A_966 = vector.shape_cast %ne3A_896 : vector<1x128xi1> to vector<1x128xi1>
    %broadcast_in_dim3A_967 = vector.broadcast %broadcast_in_dim3A_966 : vector<1x128xi1> to vector<32x128xi1>
    %select_n3A_968 = arith.select %broadcast_in_dim3A_967, %roll3A_965, %min3A_962 : vector<32x128xi1>, vector<32x128xf32>
    %and3A_969 = arith.constant 4 : i32
    %and3A_970 = vector.broadcast %and3A_969 : i32 to vector<1x128xi32>
    %and3A_971 = arith.andi %iota3A, %and3A_970 : vector<1x128xi32>
    %ne3A_972 = arith.constant 0 : i32
    %ne3A_973 = vector.broadcast %ne3A_972 : i32 to vector<1x128xi32>
    %ne3A_974 = arith.cmpi ne, %and3A_971, %ne3A_973 : vector<1x128xi32>
    %roll3A_975 = arith.constant 124 : i32
    %roll3A_976 = tpu.dynamic_rotate %select_n3A_905 by %roll3A_975 dim 1 : vector<32x128xf32>, i32 -> vector<32x128xf32>
    %min3A_977 = arith.minimumf %select_n3A_905, %roll3A_976 : vector<32x128xf32>
    %max3A_978 = arith.maximumf %select_n3A_905, %roll3A_976 : vector<32x128xf32>
    %roll3A_979 = arith.constant 4 : i32
    %roll3A_980 = tpu.dynamic_rotate %max3A_978 by %roll3A_979 dim 1 : vector<32x128xf32>, i32 -> vector<32x128xf32>
    %broadcast_in_dim3A_981 = vector.shape_cast %ne3A_974 : vector<1x128xi1> to vector<1x128xi1>
    %broadcast_in_dim3A_982 = vector.broadcast %broadcast_in_dim3A_981 : vector<1x128xi1> to vector<32x128xi1>
    %select_n3A_983 = arith.select %broadcast_in_dim3A_982, %roll3A_980, %min3A_977 : vector<32x128xi1>, vector<32x128xf32>
    %roll3A_984 = arith.constant 124 : i32
    %roll3A_985 = tpu.dynamic_rotate %select_n3A_914 by %roll3A_984 dim 1 : vector<32x128xf32>, i32 -> vector<32x128xf32>
    %min3A_986 = arith.minimumf %select_n3A_914, %roll3A_985 : vector<32x128xf32>
    %max3A_987 = arith.maximumf %select_n3A_914, %roll3A_985 : vector<32x128xf32>
    %roll3A_988 = arith.constant 4 : i32
    %roll3A_989 = tpu.dynamic_rotate %max3A_987 by %roll3A_988 dim 1 : vector<32x128xf32>, i32 -> vector<32x128xf32>
    %broadcast_in_dim3A_990 = vector.shape_cast %ne3A_974 : vector<1x128xi1> to vector<1x128xi1>
    %broadcast_in_dim3A_991 = vector.broadcast %broadcast_in_dim3A_990 : vector<1x128xi1> to vector<32x128xi1>
    %select_n3A_992 = arith.select %broadcast_in_dim3A_991, %roll3A_989, %min3A_986 : vector<32x128xi1>, vector<32x128xf32>
    %roll3A_993 = arith.constant 124 : i32
    %roll3A_994 = tpu.dynamic_rotate %select_n3A_923 by %roll3A_993 dim 1 : vector<32x128xf32>, i32 -> vector<32x128xf32>
    %min3A_995 = arith.minimumf %select_n3A_923, %roll3A_994 : vector<32x128xf32>
    %max3A_996 = arith.maximumf %select_n3A_923, %roll3A_994 : vector<32x128xf32>
    %roll3A_997 = arith.constant 4 : i32
    %roll3A_998 = tpu.dynamic_rotate %max3A_996 by %roll3A_997 dim 1 : vector<32x128xf32>, i32 -> vector<32x128xf32>
    %broadcast_in_dim3A_999 = vector.shape_cast %ne3A_974 : vector<1x128xi1> to vector<1x128xi1>
    %broadcast_in_dim3A_1000 = vector.broadcast %broadcast_in_dim3A_999 : vector<1x128xi1> to vector<32x128xi1>
    %select_n3A_1001 = arith.select %broadcast_in_dim3A_1000, %roll3A_998, %min3A_995 : vector<32x128xi1>, vector<32x128xf32>
    %roll3A_1002 = arith.constant 124 : i32
    %roll3A_1003 = tpu.dynamic_rotate %select_n3A_932 by %roll3A_1002 dim 1 : vector<32x128xf32>, i32 -> vector<32x128xf32>
    %min3A_1004 = arith.minimumf %select_n3A_932, %roll3A_1003 : vector<32x128xf32>
    %max3A_1005 = arith.maximumf %select_n3A_932, %roll3A_1003 : vector<32x128xf32>
    %roll3A_1006 = arith.constant 4 : i32
    %roll3A_1007 = tpu.dynamic_rotate %max3A_1005 by %roll3A_1006 dim 1 : vector<32x128xf32>, i32 -> vector<32x128xf32>
    %broadcast_in_dim3A_1008 = vector.shape_cast %ne3A_974 : vector<1x128xi1> to vector<1x128xi1>
    %broadcast_in_dim3A_1009 = vector.broadcast %broadcast_in_dim3A_1008 : vector<1x128xi1> to vector<32x128xi1>
    %select_n3A_1010 = arith.select %broadcast_in_dim3A_1009, %roll3A_1007, %min3A_1004 : vector<32x128xi1>, vector<32x128xf32>
    %roll3A_1011 = arith.constant 124 : i32
    %roll3A_1012 = tpu.dynamic_rotate %select_n3A_941 by %roll3A_1011 dim 1 : vector<32x128xf32>, i32 -> vector<32x128xf32>
    %min3A_1013 = arith.minimumf %select_n3A_941, %roll3A_1012 : vector<32x128xf32>
    %max3A_1014 = arith.maximumf %select_n3A_941, %roll3A_1012 : vector<32x128xf32>
    %roll3A_1015 = arith.constant 4 : i32
    %roll3A_1016 = tpu.dynamic_rotate %max3A_1014 by %roll3A_1015 dim 1 : vector<32x128xf32>, i32 -> vector<32x128xf32>
    %broadcast_in_dim3A_1017 = vector.shape_cast %ne3A_974 : vector<1x128xi1> to vector<1x128xi1>
    %broadcast_in_dim3A_1018 = vector.broadcast %broadcast_in_dim3A_1017 : vector<1x128xi1> to vector<32x128xi1>
    %select_n3A_1019 = arith.select %broadcast_in_dim3A_1018, %roll3A_1016, %min3A_1013 : vector<32x128xi1>, vector<32x128xf32>
    %roll3A_1020 = arith.constant 124 : i32
    %roll3A_1021 = tpu.dynamic_rotate %select_n3A_950 by %roll3A_1020 dim 1 : vector<32x128xf32>, i32 -> vector<32x128xf32>
    %min3A_1022 = arith.minimumf %select_n3A_950, %roll3A_1021 : vector<32x128xf32>
    %max3A_1023 = arith.maximumf %select_n3A_950, %roll3A_1021 : vector<32x128xf32>
    %roll3A_1024 = arith.constant 4 : i32
    %roll3A_1025 = tpu.dynamic_rotate %max3A_1023 by %roll3A_1024 dim 1 : vector<32x128xf32>, i32 -> vector<32x128xf32>
    %broadcast_in_dim3A_1026 = vector.shape_cast %ne3A_974 : vector<1x128xi1> to vector<1x128xi1>
    %broadcast_in_dim3A_1027 = vector.broadcast %broadcast_in_dim3A_1026 : vector<1x128xi1> to vector<32x128xi1>
    %select_n3A_1028 = arith.select %broadcast_in_dim3A_1027, %roll3A_1025, %min3A_1022 : vector<32x128xi1>, vector<32x128xf32>
    %roll3A_1029 = arith.constant 124 : i32
    %roll3A_1030 = tpu.dynamic_rotate %select_n3A_959 by %roll3A_1029 dim 1 : vector<32x128xf32>, i32 -> vector<32x128xf32>
    %min3A_1031 = arith.minimumf %select_n3A_959, %roll3A_1030 : vector<32x128xf32>
    %max3A_1032 = arith.maximumf %select_n3A_959, %roll3A_1030 : vector<32x128xf32>
    %roll3A_1033 = arith.constant 4 : i32
    %roll3A_1034 = tpu.dynamic_rotate %max3A_1032 by %roll3A_1033 dim 1 : vector<32x128xf32>, i32 -> vector<32x128xf32>
    %broadcast_in_dim3A_1035 = vector.shape_cast %ne3A_974 : vector<1x128xi1> to vector<1x128xi1>
    %broadcast_in_dim3A_1036 = vector.broadcast %broadcast_in_dim3A_1035 : vector<1x128xi1> to vector<32x128xi1>
    %select_n3A_1037 = arith.select %broadcast_in_dim3A_1036, %roll3A_1034, %min3A_1031 : vector<32x128xi1>, vector<32x128xf32>
    %roll3A_1038 = arith.constant 124 : i32
    %roll3A_1039 = tpu.dynamic_rotate %select_n3A_968 by %roll3A_1038 dim 1 : vector<32x128xf32>, i32 -> vector<32x128xf32>
    %min3A_1040 = arith.minimumf %select_n3A_968, %roll3A_1039 : vector<32x128xf32>
    %max3A_1041 = arith.maximumf %select_n3A_968, %roll3A_1039 : vector<32x128xf32>
    %roll3A_1042 = arith.constant 4 : i32
    %roll3A_1043 = tpu.dynamic_rotate %max3A_1041 by %roll3A_1042 dim 1 : vector<32x128xf32>, i32 -> vector<32x128xf32>
    %broadcast_in_dim3A_1044 = vector.shape_cast %ne3A_974 : vector<1x128xi1> to vector<1x128xi1>
    %broadcast_in_dim3A_1045 = vector.broadcast %broadcast_in_dim3A_1044 : vector<1x128xi1> to vector<32x128xi1>
    %select_n3A_1046 = arith.select %broadcast_in_dim3A_1045, %roll3A_1043, %min3A_1040 : vector<32x128xi1>, vector<32x128xf32>
    %and3A_1047 = arith.constant 2 : i32
    %and3A_1048 = vector.broadcast %and3A_1047 : i32 to vector<1x128xi32>
    %and3A_1049 = arith.andi %iota3A, %and3A_1048 : vector<1x128xi32>
    %ne3A_1050 = arith.constant 0 : i32
    %ne3A_1051 = vector.broadcast %ne3A_1050 : i32 to vector<1x128xi32>
    %ne3A_1052 = arith.cmpi ne, %and3A_1049, %ne3A_1051 : vector<1x128xi32>
    %roll3A_1053 = arith.constant 126 : i32
    %roll3A_1054 = tpu.dynamic_rotate %select_n3A_983 by %roll3A_1053 dim 1 : vector<32x128xf32>, i32 -> vector<32x128xf32>
    %min3A_1055 = arith.minimumf %select_n3A_983, %roll3A_1054 : vector<32x128xf32>
    %max3A_1056 = arith.maximumf %select_n3A_983, %roll3A_1054 : vector<32x128xf32>
    %roll3A_1057 = arith.constant 2 : i32
    %roll3A_1058 = tpu.dynamic_rotate %max3A_1056 by %roll3A_1057 dim 1 : vector<32x128xf32>, i32 -> vector<32x128xf32>
    %broadcast_in_dim3A_1059 = vector.shape_cast %ne3A_1052 : vector<1x128xi1> to vector<1x128xi1>
    %broadcast_in_dim3A_1060 = vector.broadcast %broadcast_in_dim3A_1059 : vector<1x128xi1> to vector<32x128xi1>
    %select_n3A_1061 = arith.select %broadcast_in_dim3A_1060, %roll3A_1058, %min3A_1055 : vector<32x128xi1>, vector<32x128xf32>
    %roll3A_1062 = arith.constant 126 : i32
    %roll3A_1063 = tpu.dynamic_rotate %select_n3A_992 by %roll3A_1062 dim 1 : vector<32x128xf32>, i32 -> vector<32x128xf32>
    %min3A_1064 = arith.minimumf %select_n3A_992, %roll3A_1063 : vector<32x128xf32>
    %max3A_1065 = arith.maximumf %select_n3A_992, %roll3A_1063 : vector<32x128xf32>
    %roll3A_1066 = arith.constant 2 : i32
    %roll3A_1067 = tpu.dynamic_rotate %max3A_1065 by %roll3A_1066 dim 1 : vector<32x128xf32>, i32 -> vector<32x128xf32>
    %broadcast_in_dim3A_1068 = vector.shape_cast %ne3A_1052 : vector<1x128xi1> to vector<1x128xi1>
    %broadcast_in_dim3A_1069 = vector.broadcast %broadcast_in_dim3A_1068 : vector<1x128xi1> to vector<32x128xi1>
    %select_n3A_1070 = arith.select %broadcast_in_dim3A_1069, %roll3A_1067, %min3A_1064 : vector<32x128xi1>, vector<32x128xf32>
    %roll3A_1071 = arith.constant 126 : i32
    %roll3A_1072 = tpu.dynamic_rotate %select_n3A_1001 by %roll3A_1071 dim 1 : vector<32x128xf32>, i32 -> vector<32x128xf32>
    %min3A_1073 = arith.minimumf %select_n3A_1001, %roll3A_1072 : vector<32x128xf32>
    %max3A_1074 = arith.maximumf %select_n3A_1001, %roll3A_1072 : vector<32x128xf32>
    %roll3A_1075 = arith.constant 2 : i32
    %roll3A_1076 = tpu.dynamic_rotate %max3A_1074 by %roll3A_1075 dim 1 : vector<32x128xf32>, i32 -> vector<32x128xf32>
    %broadcast_in_dim3A_1077 = vector.shape_cast %ne3A_1052 : vector<1x128xi1> to vector<1x128xi1>
    %broadcast_in_dim3A_1078 = vector.broadcast %broadcast_in_dim3A_1077 : vector<1x128xi1> to vector<32x128xi1>
    %select_n3A_1079 = arith.select %broadcast_in_dim3A_1078, %roll3A_1076, %min3A_1073 : vector<32x128xi1>, vector<32x128xf32>
    %roll3A_1080 = arith.constant 126 : i32
    %roll3A_1081 = tpu.dynamic_rotate %select_n3A_1010 by %roll3A_1080 dim 1 : vector<32x128xf32>, i32 -> vector<32x128xf32>
    %min3A_1082 = arith.minimumf %select_n3A_1010, %roll3A_1081 : vector<32x128xf32>
    %max3A_1083 = arith.maximumf %select_n3A_1010, %roll3A_1081 : vector<32x128xf32>
    %roll3A_1084 = arith.constant 2 : i32
    %roll3A_1085 = tpu.dynamic_rotate %max3A_1083 by %roll3A_1084 dim 1 : vector<32x128xf32>, i32 -> vector<32x128xf32>
    %broadcast_in_dim3A_1086 = vector.shape_cast %ne3A_1052 : vector<1x128xi1> to vector<1x128xi1>
    %broadcast_in_dim3A_1087 = vector.broadcast %broadcast_in_dim3A_1086 : vector<1x128xi1> to vector<32x128xi1>
    %select_n3A_1088 = arith.select %broadcast_in_dim3A_1087, %roll3A_1085, %min3A_1082 : vector<32x128xi1>, vector<32x128xf32>
    %roll3A_1089 = arith.constant 126 : i32
    %roll3A_1090 = tpu.dynamic_rotate %select_n3A_1019 by %roll3A_1089 dim 1 : vector<32x128xf32>, i32 -> vector<32x128xf32>
    %min3A_1091 = arith.minimumf %select_n3A_1019, %roll3A_1090 : vector<32x128xf32>
    %max3A_1092 = arith.maximumf %select_n3A_1019, %roll3A_1090 : vector<32x128xf32>
    %roll3A_1093 = arith.constant 2 : i32
    %roll3A_1094 = tpu.dynamic_rotate %max3A_1092 by %roll3A_1093 dim 1 : vector<32x128xf32>, i32 -> vector<32x128xf32>
    %broadcast_in_dim3A_1095 = vector.shape_cast %ne3A_1052 : vector<1x128xi1> to vector<1x128xi1>
    %broadcast_in_dim3A_1096 = vector.broadcast %broadcast_in_dim3A_1095 : vector<1x128xi1> to vector<32x128xi1>
    %select_n3A_1097 = arith.select %broadcast_in_dim3A_1096, %roll3A_1094, %min3A_1091 : vector<32x128xi1>, vector<32x128xf32>
    %roll3A_1098 = arith.constant 126 : i32
    %roll3A_1099 = tpu.dynamic_rotate %select_n3A_1028 by %roll3A_1098 dim 1 : vector<32x128xf32>, i32 -> vector<32x128xf32>
    %min3A_1100 = arith.minimumf %select_n3A_1028, %roll3A_1099 : vector<32x128xf32>
    %max3A_1101 = arith.maximumf %select_n3A_1028, %roll3A_1099 : vector<32x128xf32>
    %roll3A_1102 = arith.constant 2 : i32
    %roll3A_1103 = tpu.dynamic_rotate %max3A_1101 by %roll3A_1102 dim 1 : vector<32x128xf32>, i32 -> vector<32x128xf32>
    %broadcast_in_dim3A_1104 = vector.shape_cast %ne3A_1052 : vector<1x128xi1> to vector<1x128xi1>
    %broadcast_in_dim3A_1105 = vector.broadcast %broadcast_in_dim3A_1104 : vector<1x128xi1> to vector<32x128xi1>
    %select_n3A_1106 = arith.select %broadcast_in_dim3A_1105, %roll3A_1103, %min3A_1100 : vector<32x128xi1>, vector<32x128xf32>
    %roll3A_1107 = arith.constant 126 : i32
    %roll3A_1108 = tpu.dynamic_rotate %select_n3A_1037 by %roll3A_1107 dim 1 : vector<32x128xf32>, i32 -> vector<32x128xf32>
    %min3A_1109 = arith.minimumf %select_n3A_1037, %roll3A_1108 : vector<32x128xf32>
    %max3A_1110 = arith.maximumf %select_n3A_1037, %roll3A_1108 : vector<32x128xf32>
    %roll3A_1111 = arith.constant 2 : i32
    %roll3A_1112 = tpu.dynamic_rotate %max3A_1110 by %roll3A_1111 dim 1 : vector<32x128xf32>, i32 -> vector<32x128xf32>
    %broadcast_in_dim3A_1113 = vector.shape_cast %ne3A_1052 : vector<1x128xi1> to vector<1x128xi1>
    %broadcast_in_dim3A_1114 = vector.broadcast %broadcast_in_dim3A_1113 : vector<1x128xi1> to vector<32x128xi1>
    %select_n3A_1115 = arith.select %broadcast_in_dim3A_1114, %roll3A_1112, %min3A_1109 : vector<32x128xi1>, vector<32x128xf32>
    %roll3A_1116 = arith.constant 126 : i32
    %roll3A_1117 = tpu.dynamic_rotate %select_n3A_1046 by %roll3A_1116 dim 1 : vector<32x128xf32>, i32 -> vector<32x128xf32>
    %min3A_1118 = arith.minimumf %select_n3A_1046, %roll3A_1117 : vector<32x128xf32>
    %max3A_1119 = arith.maximumf %select_n3A_1046, %roll3A_1117 : vector<32x128xf32>
    %roll3A_1120 = arith.constant 2 : i32
    %roll3A_1121 = tpu.dynamic_rotate %max3A_1119 by %roll3A_1120 dim 1 : vector<32x128xf32>, i32 -> vector<32x128xf32>
    %broadcast_in_dim3A_1122 = vector.shape_cast %ne3A_1052 : vector<1x128xi1> to vector<1x128xi1>
    %broadcast_in_dim3A_1123 = vector.broadcast %broadcast_in_dim3A_1122 : vector<1x128xi1> to vector<32x128xi1>
    %select_n3A_1124 = arith.select %broadcast_in_dim3A_1123, %roll3A_1121, %min3A_1118 : vector<32x128xi1>, vector<32x128xf32>
    %and3A_1125 = arith.constant 1 : i32
    %and3A_1126 = vector.broadcast %and3A_1125 : i32 to vector<1x128xi32>
    %and3A_1127 = arith.andi %iota3A, %and3A_1126 : vector<1x128xi32>
    %ne3A_1128 = arith.constant 0 : i32
    %ne3A_1129 = vector.broadcast %ne3A_1128 : i32 to vector<1x128xi32>
    %ne3A_1130 = arith.cmpi ne, %and3A_1127, %ne3A_1129 : vector<1x128xi32>
    %roll3A_1131 = arith.constant 127 : i32
    %roll3A_1132 = tpu.dynamic_rotate %select_n3A_1061 by %roll3A_1131 dim 1 : vector<32x128xf32>, i32 -> vector<32x128xf32>
    %min3A_1133 = arith.minimumf %select_n3A_1061, %roll3A_1132 : vector<32x128xf32>
    %max3A_1134 = arith.maximumf %select_n3A_1061, %roll3A_1132 : vector<32x128xf32>
    %roll3A_1135 = arith.constant 1 : i32
    %roll3A_1136 = tpu.dynamic_rotate %max3A_1134 by %roll3A_1135 dim 1 : vector<32x128xf32>, i32 -> vector<32x128xf32>
    %broadcast_in_dim3A_1137 = vector.shape_cast %ne3A_1130 : vector<1x128xi1> to vector<1x128xi1>
    %broadcast_in_dim3A_1138 = vector.broadcast %broadcast_in_dim3A_1137 : vector<1x128xi1> to vector<32x128xi1>
    %select_n3A_1139 = arith.select %broadcast_in_dim3A_1138, %roll3A_1136, %min3A_1133 : vector<32x128xi1>, vector<32x128xf32>
    %roll3A_1140 = arith.constant 127 : i32
    %roll3A_1141 = tpu.dynamic_rotate %select_n3A_1070 by %roll3A_1140 dim 1 : vector<32x128xf32>, i32 -> vector<32x128xf32>
    %min3A_1142 = arith.minimumf %select_n3A_1070, %roll3A_1141 : vector<32x128xf32>
    %max3A_1143 = arith.maximumf %select_n3A_1070, %roll3A_1141 : vector<32x128xf32>
    %roll3A_1144 = arith.constant 1 : i32
    %roll3A_1145 = tpu.dynamic_rotate %max3A_1143 by %roll3A_1144 dim 1 : vector<32x128xf32>, i32 -> vector<32x128xf32>
    %broadcast_in_dim3A_1146 = vector.shape_cast %ne3A_1130 : vector<1x128xi1> to vector<1x128xi1>
    %broadcast_in_dim3A_1147 = vector.broadcast %broadcast_in_dim3A_1146 : vector<1x128xi1> to vector<32x128xi1>
    %select_n3A_1148 = arith.select %broadcast_in_dim3A_1147, %roll3A_1145, %min3A_1142 : vector<32x128xi1>, vector<32x128xf32>
    %roll3A_1149 = arith.constant 127 : i32
    %roll3A_1150 = tpu.dynamic_rotate %select_n3A_1079 by %roll3A_1149 dim 1 : vector<32x128xf32>, i32 -> vector<32x128xf32>
    %min3A_1151 = arith.minimumf %select_n3A_1079, %roll3A_1150 : vector<32x128xf32>
    %max3A_1152 = arith.maximumf %select_n3A_1079, %roll3A_1150 : vector<32x128xf32>
    %roll3A_1153 = arith.constant 1 : i32
    %roll3A_1154 = tpu.dynamic_rotate %max3A_1152 by %roll3A_1153 dim 1 : vector<32x128xf32>, i32 -> vector<32x128xf32>
    %broadcast_in_dim3A_1155 = vector.shape_cast %ne3A_1130 : vector<1x128xi1> to vector<1x128xi1>
    %broadcast_in_dim3A_1156 = vector.broadcast %broadcast_in_dim3A_1155 : vector<1x128xi1> to vector<32x128xi1>
    %select_n3A_1157 = arith.select %broadcast_in_dim3A_1156, %roll3A_1154, %min3A_1151 : vector<32x128xi1>, vector<32x128xf32>
    %roll3A_1158 = arith.constant 127 : i32
    %roll3A_1159 = tpu.dynamic_rotate %select_n3A_1088 by %roll3A_1158 dim 1 : vector<32x128xf32>, i32 -> vector<32x128xf32>
    %min3A_1160 = arith.minimumf %select_n3A_1088, %roll3A_1159 : vector<32x128xf32>
    %max3A_1161 = arith.maximumf %select_n3A_1088, %roll3A_1159 : vector<32x128xf32>
    %roll3A_1162 = arith.constant 1 : i32
    %roll3A_1163 = tpu.dynamic_rotate %max3A_1161 by %roll3A_1162 dim 1 : vector<32x128xf32>, i32 -> vector<32x128xf32>
    %broadcast_in_dim3A_1164 = vector.shape_cast %ne3A_1130 : vector<1x128xi1> to vector<1x128xi1>
    %broadcast_in_dim3A_1165 = vector.broadcast %broadcast_in_dim3A_1164 : vector<1x128xi1> to vector<32x128xi1>
    %select_n3A_1166 = arith.select %broadcast_in_dim3A_1165, %roll3A_1163, %min3A_1160 : vector<32x128xi1>, vector<32x128xf32>
    %roll3A_1167 = arith.constant 127 : i32
    %roll3A_1168 = tpu.dynamic_rotate %select_n3A_1097 by %roll3A_1167 dim 1 : vector<32x128xf32>, i32 -> vector<32x128xf32>
    %min3A_1169 = arith.minimumf %select_n3A_1097, %roll3A_1168 : vector<32x128xf32>
    %max3A_1170 = arith.maximumf %select_n3A_1097, %roll3A_1168 : vector<32x128xf32>
    %roll3A_1171 = arith.constant 1 : i32
    %roll3A_1172 = tpu.dynamic_rotate %max3A_1170 by %roll3A_1171 dim 1 : vector<32x128xf32>, i32 -> vector<32x128xf32>
    %broadcast_in_dim3A_1173 = vector.shape_cast %ne3A_1130 : vector<1x128xi1> to vector<1x128xi1>
    %broadcast_in_dim3A_1174 = vector.broadcast %broadcast_in_dim3A_1173 : vector<1x128xi1> to vector<32x128xi1>
    %select_n3A_1175 = arith.select %broadcast_in_dim3A_1174, %roll3A_1172, %min3A_1169 : vector<32x128xi1>, vector<32x128xf32>
    %roll3A_1176 = arith.constant 127 : i32
    %roll3A_1177 = tpu.dynamic_rotate %select_n3A_1106 by %roll3A_1176 dim 1 : vector<32x128xf32>, i32 -> vector<32x128xf32>
    %min3A_1178 = arith.minimumf %select_n3A_1106, %roll3A_1177 : vector<32x128xf32>
    %max3A_1179 = arith.maximumf %select_n3A_1106, %roll3A_1177 : vector<32x128xf32>
    %roll3A_1180 = arith.constant 1 : i32
    %roll3A_1181 = tpu.dynamic_rotate %max3A_1179 by %roll3A_1180 dim 1 : vector<32x128xf32>, i32 -> vector<32x128xf32>
    %broadcast_in_dim3A_1182 = vector.shape_cast %ne3A_1130 : vector<1x128xi1> to vector<1x128xi1>
    %broadcast_in_dim3A_1183 = vector.broadcast %broadcast_in_dim3A_1182 : vector<1x128xi1> to vector<32x128xi1>
    %select_n3A_1184 = arith.select %broadcast_in_dim3A_1183, %roll3A_1181, %min3A_1178 : vector<32x128xi1>, vector<32x128xf32>
    %roll3A_1185 = arith.constant 127 : i32
    %roll3A_1186 = tpu.dynamic_rotate %select_n3A_1115 by %roll3A_1185 dim 1 : vector<32x128xf32>, i32 -> vector<32x128xf32>
    %min3A_1187 = arith.minimumf %select_n3A_1115, %roll3A_1186 : vector<32x128xf32>
    %max3A_1188 = arith.maximumf %select_n3A_1115, %roll3A_1186 : vector<32x128xf32>
    %roll3A_1189 = arith.constant 1 : i32
    %roll3A_1190 = tpu.dynamic_rotate %max3A_1188 by %roll3A_1189 dim 1 : vector<32x128xf32>, i32 -> vector<32x128xf32>
    %broadcast_in_dim3A_1191 = vector.shape_cast %ne3A_1130 : vector<1x128xi1> to vector<1x128xi1>
    %broadcast_in_dim3A_1192 = vector.broadcast %broadcast_in_dim3A_1191 : vector<1x128xi1> to vector<32x128xi1>
    %select_n3A_1193 = arith.select %broadcast_in_dim3A_1192, %roll3A_1190, %min3A_1187 : vector<32x128xi1>, vector<32x128xf32>
    %roll3A_1194 = arith.constant 127 : i32
    %roll3A_1195 = tpu.dynamic_rotate %select_n3A_1124 by %roll3A_1194 dim 1 : vector<32x128xf32>, i32 -> vector<32x128xf32>
    %min3A_1196 = arith.minimumf %select_n3A_1124, %roll3A_1195 : vector<32x128xf32>
    %max3A_1197 = arith.maximumf %select_n3A_1124, %roll3A_1195 : vector<32x128xf32>
    %roll3A_1198 = arith.constant 1 : i32
    %roll3A_1199 = tpu.dynamic_rotate %max3A_1197 by %roll3A_1198 dim 1 : vector<32x128xf32>, i32 -> vector<32x128xf32>
    %broadcast_in_dim3A_1200 = vector.shape_cast %ne3A_1130 : vector<1x128xi1> to vector<1x128xi1>
    %broadcast_in_dim3A_1201 = vector.broadcast %broadcast_in_dim3A_1200 : vector<1x128xi1> to vector<32x128xi1>
    %select_n3A_1202 = arith.select %broadcast_in_dim3A_1201, %roll3A_1199, %min3A_1196 : vector<32x128xi1>, vector<32x128xf32>
    %min3A_1203 = arith.minimumf %select_n3A_1139, %select_n3A_1175 : vector<32x128xf32>
    %max3A_1204 = arith.maximumf %select_n3A_1139, %select_n3A_1175 : vector<32x128xf32>
    %min3A_1205 = arith.minimumf %select_n3A_1148, %select_n3A_1184 : vector<32x128xf32>
    %max3A_1206 = arith.maximumf %select_n3A_1148, %select_n3A_1184 : vector<32x128xf32>
    %min3A_1207 = arith.minimumf %select_n3A_1157, %select_n3A_1193 : vector<32x128xf32>
    %max3A_1208 = arith.maximumf %select_n3A_1157, %select_n3A_1193 : vector<32x128xf32>
    %min3A_1209 = arith.minimumf %select_n3A_1166, %select_n3A_1202 : vector<32x128xf32>
    %max3A_1210 = arith.maximumf %select_n3A_1166, %select_n3A_1202 : vector<32x128xf32>
    %min3A_1211 = arith.minimumf %min3A_1203, %min3A_1207 : vector<32x128xf32>
    %max3A_1212 = arith.maximumf %min3A_1203, %min3A_1207 : vector<32x128xf32>
    %min3A_1213 = arith.minimumf %min3A_1205, %min3A_1209 : vector<32x128xf32>
    %max3A_1214 = arith.maximumf %min3A_1205, %min3A_1209 : vector<32x128xf32>
    %min3A_1215 = arith.minimumf %max3A_1204, %max3A_1208 : vector<32x128xf32>
    %max3A_1216 = arith.maximumf %max3A_1204, %max3A_1208 : vector<32x128xf32>
    %min3A_1217 = arith.minimumf %max3A_1206, %max3A_1210 : vector<32x128xf32>
    %max3A_1218 = arith.maximumf %max3A_1206, %max3A_1210 : vector<32x128xf32>
    %min3A_1219 = arith.minimumf %min3A_1211, %min3A_1213 : vector<32x128xf32>
    %max3A_1220 = arith.maximumf %min3A_1211, %min3A_1213 : vector<32x128xf32>
    %min3A_1221 = arith.minimumf %max3A_1212, %max3A_1214 : vector<32x128xf32>
    %max3A_1222 = arith.maximumf %max3A_1212, %max3A_1214 : vector<32x128xf32>
    %min3A_1223 = arith.minimumf %min3A_1215, %min3A_1217 : vector<32x128xf32>
    %max3A_1224 = arith.maximumf %min3A_1215, %min3A_1217 : vector<32x128xf32>
    %min3A_1225 = arith.minimumf %max3A_1216, %max3A_1218 : vector<32x128xf32>
    %max3A_1226 = arith.maximumf %max3A_1216, %max3A_1218 : vector<32x128xf32>
    %and3A_1227 = arith.constant 16 : i32
    %and3A_1228 = vector.broadcast %and3A_1227 : i32 to vector<1x128xi32>
    %and3A_1229 = arith.andi %iota3A, %and3A_1228 : vector<1x128xi32>
    %eq3A_1230 = arith.constant 0 : i32
    %eq3A_1231 = vector.broadcast %eq3A_1230 : i32 to vector<1x128xi32>
    %eq3A_1232 = arith.cmpi eq, %and3A_1229, %eq3A_1231 : vector<1x128xi32>
    %jit3A_1233 = arith.constant 1.000000e+00 : f32
    %jit3A_1234 = arith.constant -1.000000e+00 : f32
    %broadcast_in_dim3A_1235 = vector.broadcast %jit3A_1233 : f32 to vector<1x128xf32>
    %broadcast_in_dim3A_1236 = vector.broadcast %jit3A_1234 : f32 to vector<1x128xf32>
    %select_n3A_1237 = arith.select %eq3A_1232, %broadcast_in_dim3A_1235, %broadcast_in_dim3A_1236 : vector<1x128xi1>, vector<1x128xf32>
    %mul3A_1238 = vector.broadcast %select_n3A_1237 : vector<1x128xf32> to vector<32x128xf32>
    %mul3A_1239 = arith.mulf %min3A_1219, %mul3A_1238 : vector<32x128xf32>
    %mul3A_1240 = vector.broadcast %select_n3A_1237 : vector<1x128xf32> to vector<32x128xf32>
    %mul3A_1241 = arith.mulf %max3A_1220, %mul3A_1240 : vector<32x128xf32>
    %mul3A_1242 = vector.broadcast %select_n3A_1237 : vector<1x128xf32> to vector<32x128xf32>
    %mul3A_1243 = arith.mulf %min3A_1221, %mul3A_1242 : vector<32x128xf32>
    %mul3A_1244 = vector.broadcast %select_n3A_1237 : vector<1x128xf32> to vector<32x128xf32>
    %mul3A_1245 = arith.mulf %max3A_1222, %mul3A_1244 : vector<32x128xf32>
    %mul3A_1246 = vector.broadcast %select_n3A_1237 : vector<1x128xf32> to vector<32x128xf32>
    %mul3A_1247 = arith.mulf %min3A_1223, %mul3A_1246 : vector<32x128xf32>
    %mul3A_1248 = vector.broadcast %select_n3A_1237 : vector<1x128xf32> to vector<32x128xf32>
    %mul3A_1249 = arith.mulf %max3A_1224, %mul3A_1248 : vector<32x128xf32>
    %mul3A_1250 = vector.broadcast %select_n3A_1237 : vector<1x128xf32> to vector<32x128xf32>
    %mul3A_1251 = arith.mulf %min3A_1225, %mul3A_1250 : vector<32x128xf32>
    %mul3A_1252 = vector.broadcast %select_n3A_1237 : vector<1x128xf32> to vector<32x128xf32>
    %mul3A_1253 = arith.mulf %max3A_1226, %mul3A_1252 : vector<32x128xf32>
    %and3A_1254 = arith.constant 32 : i32
    %and3A_1255 = vector.broadcast %and3A_1254 : i32 to vector<1x128xi32>
    %and3A_1256 = arith.andi %iota3A, %and3A_1255 : vector<1x128xi32>
    %eq3A_1257 = arith.constant 0 : i32
    %eq3A_1258 = vector.broadcast %eq3A_1257 : i32 to vector<1x128xi32>
    %eq3A_1259 = arith.cmpi eq, %and3A_1256, %eq3A_1258 : vector<1x128xi32>
    %jit3A_1260 = arith.constant 1.000000e+00 : f32
    %jit3A_1261 = arith.constant -1.000000e+00 : f32
    %broadcast_in_dim3A_1262 = vector.broadcast %jit3A_1260 : f32 to vector<1x128xf32>
    %broadcast_in_dim3A_1263 = vector.broadcast %jit3A_1261 : f32 to vector<1x128xf32>
    %select_n3A_1264 = arith.select %eq3A_1259, %broadcast_in_dim3A_1262, %broadcast_in_dim3A_1263 : vector<1x128xi1>, vector<1x128xf32>
    %mul3A_1265 = vector.broadcast %select_n3A_1264 : vector<1x128xf32> to vector<32x128xf32>
    %mul3A_1266 = arith.mulf %mul3A_1239, %mul3A_1265 : vector<32x128xf32>
    %mul3A_1267 = vector.broadcast %select_n3A_1264 : vector<1x128xf32> to vector<32x128xf32>
    %mul3A_1268 = arith.mulf %mul3A_1241, %mul3A_1267 : vector<32x128xf32>
    %mul3A_1269 = vector.broadcast %select_n3A_1264 : vector<1x128xf32> to vector<32x128xf32>
    %mul3A_1270 = arith.mulf %mul3A_1243, %mul3A_1269 : vector<32x128xf32>
    %mul3A_1271 = vector.broadcast %select_n3A_1264 : vector<1x128xf32> to vector<32x128xf32>
    %mul3A_1272 = arith.mulf %mul3A_1245, %mul3A_1271 : vector<32x128xf32>
    %mul3A_1273 = vector.broadcast %select_n3A_1264 : vector<1x128xf32> to vector<32x128xf32>
    %mul3A_1274 = arith.mulf %mul3A_1247, %mul3A_1273 : vector<32x128xf32>
    %mul3A_1275 = vector.broadcast %select_n3A_1264 : vector<1x128xf32> to vector<32x128xf32>
    %mul3A_1276 = arith.mulf %mul3A_1249, %mul3A_1275 : vector<32x128xf32>
    %mul3A_1277 = vector.broadcast %select_n3A_1264 : vector<1x128xf32> to vector<32x128xf32>
    %mul3A_1278 = arith.mulf %mul3A_1251, %mul3A_1277 : vector<32x128xf32>
    %mul3A_1279 = vector.broadcast %select_n3A_1264 : vector<1x128xf32> to vector<32x128xf32>
    %mul3A_1280 = arith.mulf %mul3A_1253, %mul3A_1279 : vector<32x128xf32>
    %and3A_1281 = arith.constant 16 : i32
    %and3A_1282 = vector.broadcast %and3A_1281 : i32 to vector<1x128xi32>
    %and3A_1283 = arith.andi %iota3A, %and3A_1282 : vector<1x128xi32>
    %ne3A_1284 = arith.constant 0 : i32
    %ne3A_1285 = vector.broadcast %ne3A_1284 : i32 to vector<1x128xi32>
    %ne3A_1286 = arith.cmpi ne, %and3A_1283, %ne3A_1285 : vector<1x128xi32>
    %roll3A_1287 = arith.constant 112 : i32
    %roll3A_1288 = tpu.dynamic_rotate %mul3A_1266 by %roll3A_1287 dim 1 : vector<32x128xf32>, i32 -> vector<32x128xf32>
    %min3A_1289 = arith.minimumf %mul3A_1266, %roll3A_1288 : vector<32x128xf32>
    %max3A_1290 = arith.maximumf %mul3A_1266, %roll3A_1288 : vector<32x128xf32>
    %roll3A_1291 = arith.constant 16 : i32
    %roll3A_1292 = tpu.dynamic_rotate %max3A_1290 by %roll3A_1291 dim 1 : vector<32x128xf32>, i32 -> vector<32x128xf32>
    %broadcast_in_dim3A_1293 = vector.shape_cast %ne3A_1286 : vector<1x128xi1> to vector<1x128xi1>
    %broadcast_in_dim3A_1294 = vector.broadcast %broadcast_in_dim3A_1293 : vector<1x128xi1> to vector<32x128xi1>
    %select_n3A_1295 = arith.select %broadcast_in_dim3A_1294, %roll3A_1292, %min3A_1289 : vector<32x128xi1>, vector<32x128xf32>
    %roll3A_1296 = arith.constant 112 : i32
    %roll3A_1297 = tpu.dynamic_rotate %mul3A_1268 by %roll3A_1296 dim 1 : vector<32x128xf32>, i32 -> vector<32x128xf32>
    %min3A_1298 = arith.minimumf %mul3A_1268, %roll3A_1297 : vector<32x128xf32>
    %max3A_1299 = arith.maximumf %mul3A_1268, %roll3A_1297 : vector<32x128xf32>
    %roll3A_1300 = arith.constant 16 : i32
    %roll3A_1301 = tpu.dynamic_rotate %max3A_1299 by %roll3A_1300 dim 1 : vector<32x128xf32>, i32 -> vector<32x128xf32>
    %broadcast_in_dim3A_1302 = vector.shape_cast %ne3A_1286 : vector<1x128xi1> to vector<1x128xi1>
    %broadcast_in_dim3A_1303 = vector.broadcast %broadcast_in_dim3A_1302 : vector<1x128xi1> to vector<32x128xi1>
    %select_n3A_1304 = arith.select %broadcast_in_dim3A_1303, %roll3A_1301, %min3A_1298 : vector<32x128xi1>, vector<32x128xf32>
    %roll3A_1305 = arith.constant 112 : i32
    %roll3A_1306 = tpu.dynamic_rotate %mul3A_1270 by %roll3A_1305 dim 1 : vector<32x128xf32>, i32 -> vector<32x128xf32>
    %min3A_1307 = arith.minimumf %mul3A_1270, %roll3A_1306 : vector<32x128xf32>
    %max3A_1308 = arith.maximumf %mul3A_1270, %roll3A_1306 : vector<32x128xf32>
    %roll3A_1309 = arith.constant 16 : i32
    %roll3A_1310 = tpu.dynamic_rotate %max3A_1308 by %roll3A_1309 dim 1 : vector<32x128xf32>, i32 -> vector<32x128xf32>
    %broadcast_in_dim3A_1311 = vector.shape_cast %ne3A_1286 : vector<1x128xi1> to vector<1x128xi1>
    %broadcast_in_dim3A_1312 = vector.broadcast %broadcast_in_dim3A_1311 : vector<1x128xi1> to vector<32x128xi1>
    %select_n3A_1313 = arith.select %broadcast_in_dim3A_1312, %roll3A_1310, %min3A_1307 : vector<32x128xi1>, vector<32x128xf32>
    %roll3A_1314 = arith.constant 112 : i32
    %roll3A_1315 = tpu.dynamic_rotate %mul3A_1272 by %roll3A_1314 dim 1 : vector<32x128xf32>, i32 -> vector<32x128xf32>
    %min3A_1316 = arith.minimumf %mul3A_1272, %roll3A_1315 : vector<32x128xf32>
    %max3A_1317 = arith.maximumf %mul3A_1272, %roll3A_1315 : vector<32x128xf32>
    %roll3A_1318 = arith.constant 16 : i32
    %roll3A_1319 = tpu.dynamic_rotate %max3A_1317 by %roll3A_1318 dim 1 : vector<32x128xf32>, i32 -> vector<32x128xf32>
    %broadcast_in_dim3A_1320 = vector.shape_cast %ne3A_1286 : vector<1x128xi1> to vector<1x128xi1>
    %broadcast_in_dim3A_1321 = vector.broadcast %broadcast_in_dim3A_1320 : vector<1x128xi1> to vector<32x128xi1>
    %select_n3A_1322 = arith.select %broadcast_in_dim3A_1321, %roll3A_1319, %min3A_1316 : vector<32x128xi1>, vector<32x128xf32>
    %roll3A_1323 = arith.constant 112 : i32
    %roll3A_1324 = tpu.dynamic_rotate %mul3A_1274 by %roll3A_1323 dim 1 : vector<32x128xf32>, i32 -> vector<32x128xf32>
    %min3A_1325 = arith.minimumf %mul3A_1274, %roll3A_1324 : vector<32x128xf32>
    %max3A_1326 = arith.maximumf %mul3A_1274, %roll3A_1324 : vector<32x128xf32>
    %roll3A_1327 = arith.constant 16 : i32
    %roll3A_1328 = tpu.dynamic_rotate %max3A_1326 by %roll3A_1327 dim 1 : vector<32x128xf32>, i32 -> vector<32x128xf32>
    %broadcast_in_dim3A_1329 = vector.shape_cast %ne3A_1286 : vector<1x128xi1> to vector<1x128xi1>
    %broadcast_in_dim3A_1330 = vector.broadcast %broadcast_in_dim3A_1329 : vector<1x128xi1> to vector<32x128xi1>
    %select_n3A_1331 = arith.select %broadcast_in_dim3A_1330, %roll3A_1328, %min3A_1325 : vector<32x128xi1>, vector<32x128xf32>
    %roll3A_1332 = arith.constant 112 : i32
    %roll3A_1333 = tpu.dynamic_rotate %mul3A_1276 by %roll3A_1332 dim 1 : vector<32x128xf32>, i32 -> vector<32x128xf32>
    %min3A_1334 = arith.minimumf %mul3A_1276, %roll3A_1333 : vector<32x128xf32>
    %max3A_1335 = arith.maximumf %mul3A_1276, %roll3A_1333 : vector<32x128xf32>
    %roll3A_1336 = arith.constant 16 : i32
    %roll3A_1337 = tpu.dynamic_rotate %max3A_1335 by %roll3A_1336 dim 1 : vector<32x128xf32>, i32 -> vector<32x128xf32>
    %broadcast_in_dim3A_1338 = vector.shape_cast %ne3A_1286 : vector<1x128xi1> to vector<1x128xi1>
    %broadcast_in_dim3A_1339 = vector.broadcast %broadcast_in_dim3A_1338 : vector<1x128xi1> to vector<32x128xi1>
    %select_n3A_1340 = arith.select %broadcast_in_dim3A_1339, %roll3A_1337, %min3A_1334 : vector<32x128xi1>, vector<32x128xf32>
    %roll3A_1341 = arith.constant 112 : i32
    %roll3A_1342 = tpu.dynamic_rotate %mul3A_1278 by %roll3A_1341 dim 1 : vector<32x128xf32>, i32 -> vector<32x128xf32>
    %min3A_1343 = arith.minimumf %mul3A_1278, %roll3A_1342 : vector<32x128xf32>
    %max3A_1344 = arith.maximumf %mul3A_1278, %roll3A_1342 : vector<32x128xf32>
    %roll3A_1345 = arith.constant 16 : i32
    %roll3A_1346 = tpu.dynamic_rotate %max3A_1344 by %roll3A_1345 dim 1 : vector<32x128xf32>, i32 -> vector<32x128xf32>
    %broadcast_in_dim3A_1347 = vector.shape_cast %ne3A_1286 : vector<1x128xi1> to vector<1x128xi1>
    %broadcast_in_dim3A_1348 = vector.broadcast %broadcast_in_dim3A_1347 : vector<1x128xi1> to vector<32x128xi1>
    %select_n3A_1349 = arith.select %broadcast_in_dim3A_1348, %roll3A_1346, %min3A_1343 : vector<32x128xi1>, vector<32x128xf32>
    %roll3A_1350 = arith.constant 112 : i32
    %roll3A_1351 = tpu.dynamic_rotate %mul3A_1280 by %roll3A_1350 dim 1 : vector<32x128xf32>, i32 -> vector<32x128xf32>
    %min3A_1352 = arith.minimumf %mul3A_1280, %roll3A_1351 : vector<32x128xf32>
    %max3A_1353 = arith.maximumf %mul3A_1280, %roll3A_1351 : vector<32x128xf32>
    %roll3A_1354 = arith.constant 16 : i32
    %roll3A_1355 = tpu.dynamic_rotate %max3A_1353 by %roll3A_1354 dim 1 : vector<32x128xf32>, i32 -> vector<32x128xf32>
    %broadcast_in_dim3A_1356 = vector.shape_cast %ne3A_1286 : vector<1x128xi1> to vector<1x128xi1>
    %broadcast_in_dim3A_1357 = vector.broadcast %broadcast_in_dim3A_1356 : vector<1x128xi1> to vector<32x128xi1>
    %select_n3A_1358 = arith.select %broadcast_in_dim3A_1357, %roll3A_1355, %min3A_1352 : vector<32x128xi1>, vector<32x128xf32>
    %and3A_1359 = arith.constant 8 : i32
    %and3A_1360 = vector.broadcast %and3A_1359 : i32 to vector<1x128xi32>
    %and3A_1361 = arith.andi %iota3A, %and3A_1360 : vector<1x128xi32>
    %ne3A_1362 = arith.constant 0 : i32
    %ne3A_1363 = vector.broadcast %ne3A_1362 : i32 to vector<1x128xi32>
    %ne3A_1364 = arith.cmpi ne, %and3A_1361, %ne3A_1363 : vector<1x128xi32>
    %roll3A_1365 = arith.constant 120 : i32
    %roll3A_1366 = tpu.dynamic_rotate %select_n3A_1295 by %roll3A_1365 dim 1 : vector<32x128xf32>, i32 -> vector<32x128xf32>
    %min3A_1367 = arith.minimumf %select_n3A_1295, %roll3A_1366 : vector<32x128xf32>
    %max3A_1368 = arith.maximumf %select_n3A_1295, %roll3A_1366 : vector<32x128xf32>
    %roll3A_1369 = arith.constant 8 : i32
    %roll3A_1370 = tpu.dynamic_rotate %max3A_1368 by %roll3A_1369 dim 1 : vector<32x128xf32>, i32 -> vector<32x128xf32>
    %broadcast_in_dim3A_1371 = vector.shape_cast %ne3A_1364 : vector<1x128xi1> to vector<1x128xi1>
    %broadcast_in_dim3A_1372 = vector.broadcast %broadcast_in_dim3A_1371 : vector<1x128xi1> to vector<32x128xi1>
    %select_n3A_1373 = arith.select %broadcast_in_dim3A_1372, %roll3A_1370, %min3A_1367 : vector<32x128xi1>, vector<32x128xf32>
    %roll3A_1374 = arith.constant 120 : i32
    %roll3A_1375 = tpu.dynamic_rotate %select_n3A_1304 by %roll3A_1374 dim 1 : vector<32x128xf32>, i32 -> vector<32x128xf32>
    %min3A_1376 = arith.minimumf %select_n3A_1304, %roll3A_1375 : vector<32x128xf32>
    %max3A_1377 = arith.maximumf %select_n3A_1304, %roll3A_1375 : vector<32x128xf32>
    %roll3A_1378 = arith.constant 8 : i32
    %roll3A_1379 = tpu.dynamic_rotate %max3A_1377 by %roll3A_1378 dim 1 : vector<32x128xf32>, i32 -> vector<32x128xf32>
    %broadcast_in_dim3A_1380 = vector.shape_cast %ne3A_1364 : vector<1x128xi1> to vector<1x128xi1>
    %broadcast_in_dim3A_1381 = vector.broadcast %broadcast_in_dim3A_1380 : vector<1x128xi1> to vector<32x128xi1>
    %select_n3A_1382 = arith.select %broadcast_in_dim3A_1381, %roll3A_1379, %min3A_1376 : vector<32x128xi1>, vector<32x128xf32>
    %roll3A_1383 = arith.constant 120 : i32
    %roll3A_1384 = tpu.dynamic_rotate %select_n3A_1313 by %roll3A_1383 dim 1 : vector<32x128xf32>, i32 -> vector<32x128xf32>
    %min3A_1385 = arith.minimumf %select_n3A_1313, %roll3A_1384 : vector<32x128xf32>
    %max3A_1386 = arith.maximumf %select_n3A_1313, %roll3A_1384 : vector<32x128xf32>
    %roll3A_1387 = arith.constant 8 : i32
    %roll3A_1388 = tpu.dynamic_rotate %max3A_1386 by %roll3A_1387 dim 1 : vector<32x128xf32>, i32 -> vector<32x128xf32>
    %broadcast_in_dim3A_1389 = vector.shape_cast %ne3A_1364 : vector<1x128xi1> to vector<1x128xi1>
    %broadcast_in_dim3A_1390 = vector.broadcast %broadcast_in_dim3A_1389 : vector<1x128xi1> to vector<32x128xi1>
    %select_n3A_1391 = arith.select %broadcast_in_dim3A_1390, %roll3A_1388, %min3A_1385 : vector<32x128xi1>, vector<32x128xf32>
    %roll3A_1392 = arith.constant 120 : i32
    %roll3A_1393 = tpu.dynamic_rotate %select_n3A_1322 by %roll3A_1392 dim 1 : vector<32x128xf32>, i32 -> vector<32x128xf32>
    %min3A_1394 = arith.minimumf %select_n3A_1322, %roll3A_1393 : vector<32x128xf32>
    %max3A_1395 = arith.maximumf %select_n3A_1322, %roll3A_1393 : vector<32x128xf32>
    %roll3A_1396 = arith.constant 8 : i32
    %roll3A_1397 = tpu.dynamic_rotate %max3A_1395 by %roll3A_1396 dim 1 : vector<32x128xf32>, i32 -> vector<32x128xf32>
    %broadcast_in_dim3A_1398 = vector.shape_cast %ne3A_1364 : vector<1x128xi1> to vector<1x128xi1>
    %broadcast_in_dim3A_1399 = vector.broadcast %broadcast_in_dim3A_1398 : vector<1x128xi1> to vector<32x128xi1>
    %select_n3A_1400 = arith.select %broadcast_in_dim3A_1399, %roll3A_1397, %min3A_1394 : vector<32x128xi1>, vector<32x128xf32>
    %roll3A_1401 = arith.constant 120 : i32
    %roll3A_1402 = tpu.dynamic_rotate %select_n3A_1331 by %roll3A_1401 dim 1 : vector<32x128xf32>, i32 -> vector<32x128xf32>
    %min3A_1403 = arith.minimumf %select_n3A_1331, %roll3A_1402 : vector<32x128xf32>
    %max3A_1404 = arith.maximumf %select_n3A_1331, %roll3A_1402 : vector<32x128xf32>
    %roll3A_1405 = arith.constant 8 : i32
    %roll3A_1406 = tpu.dynamic_rotate %max3A_1404 by %roll3A_1405 dim 1 : vector<32x128xf32>, i32 -> vector<32x128xf32>
    %broadcast_in_dim3A_1407 = vector.shape_cast %ne3A_1364 : vector<1x128xi1> to vector<1x128xi1>
    %broadcast_in_dim3A_1408 = vector.broadcast %broadcast_in_dim3A_1407 : vector<1x128xi1> to vector<32x128xi1>
    %select_n3A_1409 = arith.select %broadcast_in_dim3A_1408, %roll3A_1406, %min3A_1403 : vector<32x128xi1>, vector<32x128xf32>
    %roll3A_1410 = arith.constant 120 : i32
    %roll3A_1411 = tpu.dynamic_rotate %select_n3A_1340 by %roll3A_1410 dim 1 : vector<32x128xf32>, i32 -> vector<32x128xf32>
    %min3A_1412 = arith.minimumf %select_n3A_1340, %roll3A_1411 : vector<32x128xf32>
    %max3A_1413 = arith.maximumf %select_n3A_1340, %roll3A_1411 : vector<32x128xf32>
    %roll3A_1414 = arith.constant 8 : i32
    %roll3A_1415 = tpu.dynamic_rotate %max3A_1413 by %roll3A_1414 dim 1 : vector<32x128xf32>, i32 -> vector<32x128xf32>
    %broadcast_in_dim3A_1416 = vector.shape_cast %ne3A_1364 : vector<1x128xi1> to vector<1x128xi1>
    %broadcast_in_dim3A_1417 = vector.broadcast %broadcast_in_dim3A_1416 : vector<1x128xi1> to vector<32x128xi1>
    %select_n3A_1418 = arith.select %broadcast_in_dim3A_1417, %roll3A_1415, %min3A_1412 : vector<32x128xi1>, vector<32x128xf32>
    %roll3A_1419 = arith.constant 120 : i32
    %roll3A_1420 = tpu.dynamic_rotate %select_n3A_1349 by %roll3A_1419 dim 1 : vector<32x128xf32>, i32 -> vector<32x128xf32>
    %min3A_1421 = arith.minimumf %select_n3A_1349, %roll3A_1420 : vector<32x128xf32>
    %max3A_1422 = arith.maximumf %select_n3A_1349, %roll3A_1420 : vector<32x128xf32>
    %roll3A_1423 = arith.constant 8 : i32
    %roll3A_1424 = tpu.dynamic_rotate %max3A_1422 by %roll3A_1423 dim 1 : vector<32x128xf32>, i32 -> vector<32x128xf32>
    %broadcast_in_dim3A_1425 = vector.shape_cast %ne3A_1364 : vector<1x128xi1> to vector<1x128xi1>
    %broadcast_in_dim3A_1426 = vector.broadcast %broadcast_in_dim3A_1425 : vector<1x128xi1> to vector<32x128xi1>
    %select_n3A_1427 = arith.select %broadcast_in_dim3A_1426, %roll3A_1424, %min3A_1421 : vector<32x128xi1>, vector<32x128xf32>
    %roll3A_1428 = arith.constant 120 : i32
    %roll3A_1429 = tpu.dynamic_rotate %select_n3A_1358 by %roll3A_1428 dim 1 : vector<32x128xf32>, i32 -> vector<32x128xf32>
    %min3A_1430 = arith.minimumf %select_n3A_1358, %roll3A_1429 : vector<32x128xf32>
    %max3A_1431 = arith.maximumf %select_n3A_1358, %roll3A_1429 : vector<32x128xf32>
    %roll3A_1432 = arith.constant 8 : i32
    %roll3A_1433 = tpu.dynamic_rotate %max3A_1431 by %roll3A_1432 dim 1 : vector<32x128xf32>, i32 -> vector<32x128xf32>
    %broadcast_in_dim3A_1434 = vector.shape_cast %ne3A_1364 : vector<1x128xi1> to vector<1x128xi1>
    %broadcast_in_dim3A_1435 = vector.broadcast %broadcast_in_dim3A_1434 : vector<1x128xi1> to vector<32x128xi1>
    %select_n3A_1436 = arith.select %broadcast_in_dim3A_1435, %roll3A_1433, %min3A_1430 : vector<32x128xi1>, vector<32x128xf32>
    %and3A_1437 = arith.constant 4 : i32
    %and3A_1438 = vector.broadcast %and3A_1437 : i32 to vector<1x128xi32>
    %and3A_1439 = arith.andi %iota3A, %and3A_1438 : vector<1x128xi32>
    %ne3A_1440 = arith.constant 0 : i32
    %ne3A_1441 = vector.broadcast %ne3A_1440 : i32 to vector<1x128xi32>
    %ne3A_1442 = arith.cmpi ne, %and3A_1439, %ne3A_1441 : vector<1x128xi32>
    %roll3A_1443 = arith.constant 124 : i32
    %roll3A_1444 = tpu.dynamic_rotate %select_n3A_1373 by %roll3A_1443 dim 1 : vector<32x128xf32>, i32 -> vector<32x128xf32>
    %min3A_1445 = arith.minimumf %select_n3A_1373, %roll3A_1444 : vector<32x128xf32>
    %max3A_1446 = arith.maximumf %select_n3A_1373, %roll3A_1444 : vector<32x128xf32>
    %roll3A_1447 = arith.constant 4 : i32
    %roll3A_1448 = tpu.dynamic_rotate %max3A_1446 by %roll3A_1447 dim 1 : vector<32x128xf32>, i32 -> vector<32x128xf32>
    %broadcast_in_dim3A_1449 = vector.shape_cast %ne3A_1442 : vector<1x128xi1> to vector<1x128xi1>
    %broadcast_in_dim3A_1450 = vector.broadcast %broadcast_in_dim3A_1449 : vector<1x128xi1> to vector<32x128xi1>
    %select_n3A_1451 = arith.select %broadcast_in_dim3A_1450, %roll3A_1448, %min3A_1445 : vector<32x128xi1>, vector<32x128xf32>
    %roll3A_1452 = arith.constant 124 : i32
    %roll3A_1453 = tpu.dynamic_rotate %select_n3A_1382 by %roll3A_1452 dim 1 : vector<32x128xf32>, i32 -> vector<32x128xf32>
    %min3A_1454 = arith.minimumf %select_n3A_1382, %roll3A_1453 : vector<32x128xf32>
    %max3A_1455 = arith.maximumf %select_n3A_1382, %roll3A_1453 : vector<32x128xf32>
    %roll3A_1456 = arith.constant 4 : i32
    %roll3A_1457 = tpu.dynamic_rotate %max3A_1455 by %roll3A_1456 dim 1 : vector<32x128xf32>, i32 -> vector<32x128xf32>
    %broadcast_in_dim3A_1458 = vector.shape_cast %ne3A_1442 : vector<1x128xi1> to vector<1x128xi1>
    %broadcast_in_dim3A_1459 = vector.broadcast %broadcast_in_dim3A_1458 : vector<1x128xi1> to vector<32x128xi1>
    %select_n3A_1460 = arith.select %broadcast_in_dim3A_1459, %roll3A_1457, %min3A_1454 : vector<32x128xi1>, vector<32x128xf32>
    %roll3A_1461 = arith.constant 124 : i32
    %roll3A_1462 = tpu.dynamic_rotate %select_n3A_1391 by %roll3A_1461 dim 1 : vector<32x128xf32>, i32 -> vector<32x128xf32>
    %min3A_1463 = arith.minimumf %select_n3A_1391, %roll3A_1462 : vector<32x128xf32>
    %max3A_1464 = arith.maximumf %select_n3A_1391, %roll3A_1462 : vector<32x128xf32>
    %roll3A_1465 = arith.constant 4 : i32
    %roll3A_1466 = tpu.dynamic_rotate %max3A_1464 by %roll3A_1465 dim 1 : vector<32x128xf32>, i32 -> vector<32x128xf32>
    %broadcast_in_dim3A_1467 = vector.shape_cast %ne3A_1442 : vector<1x128xi1> to vector<1x128xi1>
    %broadcast_in_dim3A_1468 = vector.broadcast %broadcast_in_dim3A_1467 : vector<1x128xi1> to vector<32x128xi1>
    %select_n3A_1469 = arith.select %broadcast_in_dim3A_1468, %roll3A_1466, %min3A_1463 : vector<32x128xi1>, vector<32x128xf32>
    %roll3A_1470 = arith.constant 124 : i32
    %roll3A_1471 = tpu.dynamic_rotate %select_n3A_1400 by %roll3A_1470 dim 1 : vector<32x128xf32>, i32 -> vector<32x128xf32>
    %min3A_1472 = arith.minimumf %select_n3A_1400, %roll3A_1471 : vector<32x128xf32>
    %max3A_1473 = arith.maximumf %select_n3A_1400, %roll3A_1471 : vector<32x128xf32>
    %roll3A_1474 = arith.constant 4 : i32
    %roll3A_1475 = tpu.dynamic_rotate %max3A_1473 by %roll3A_1474 dim 1 : vector<32x128xf32>, i32 -> vector<32x128xf32>
    %broadcast_in_dim3A_1476 = vector.shape_cast %ne3A_1442 : vector<1x128xi1> to vector<1x128xi1>
    %broadcast_in_dim3A_1477 = vector.broadcast %broadcast_in_dim3A_1476 : vector<1x128xi1> to vector<32x128xi1>
    %select_n3A_1478 = arith.select %broadcast_in_dim3A_1477, %roll3A_1475, %min3A_1472 : vector<32x128xi1>, vector<32x128xf32>
    %roll3A_1479 = arith.constant 124 : i32
    %roll3A_1480 = tpu.dynamic_rotate %select_n3A_1409 by %roll3A_1479 dim 1 : vector<32x128xf32>, i32 -> vector<32x128xf32>
    %min3A_1481 = arith.minimumf %select_n3A_1409, %roll3A_1480 : vector<32x128xf32>
    %max3A_1482 = arith.maximumf %select_n3A_1409, %roll3A_1480 : vector<32x128xf32>
    %roll3A_1483 = arith.constant 4 : i32
    %roll3A_1484 = tpu.dynamic_rotate %max3A_1482 by %roll3A_1483 dim 1 : vector<32x128xf32>, i32 -> vector<32x128xf32>
    %broadcast_in_dim3A_1485 = vector.shape_cast %ne3A_1442 : vector<1x128xi1> to vector<1x128xi1>
    %broadcast_in_dim3A_1486 = vector.broadcast %broadcast_in_dim3A_1485 : vector<1x128xi1> to vector<32x128xi1>
    %select_n3A_1487 = arith.select %broadcast_in_dim3A_1486, %roll3A_1484, %min3A_1481 : vector<32x128xi1>, vector<32x128xf32>
    %roll3A_1488 = arith.constant 124 : i32
    %roll3A_1489 = tpu.dynamic_rotate %select_n3A_1418 by %roll3A_1488 dim 1 : vector<32x128xf32>, i32 -> vector<32x128xf32>
    %min3A_1490 = arith.minimumf %select_n3A_1418, %roll3A_1489 : vector<32x128xf32>
    %max3A_1491 = arith.maximumf %select_n3A_1418, %roll3A_1489 : vector<32x128xf32>
    %roll3A_1492 = arith.constant 4 : i32
    %roll3A_1493 = tpu.dynamic_rotate %max3A_1491 by %roll3A_1492 dim 1 : vector<32x128xf32>, i32 -> vector<32x128xf32>
    %broadcast_in_dim3A_1494 = vector.shape_cast %ne3A_1442 : vector<1x128xi1> to vector<1x128xi1>
    %broadcast_in_dim3A_1495 = vector.broadcast %broadcast_in_dim3A_1494 : vector<1x128xi1> to vector<32x128xi1>
    %select_n3A_1496 = arith.select %broadcast_in_dim3A_1495, %roll3A_1493, %min3A_1490 : vector<32x128xi1>, vector<32x128xf32>
    %roll3A_1497 = arith.constant 124 : i32
    %roll3A_1498 = tpu.dynamic_rotate %select_n3A_1427 by %roll3A_1497 dim 1 : vector<32x128xf32>, i32 -> vector<32x128xf32>
    %min3A_1499 = arith.minimumf %select_n3A_1427, %roll3A_1498 : vector<32x128xf32>
    %max3A_1500 = arith.maximumf %select_n3A_1427, %roll3A_1498 : vector<32x128xf32>
    %roll3A_1501 = arith.constant 4 : i32
    %roll3A_1502 = tpu.dynamic_rotate %max3A_1500 by %roll3A_1501 dim 1 : vector<32x128xf32>, i32 -> vector<32x128xf32>
    %broadcast_in_dim3A_1503 = vector.shape_cast %ne3A_1442 : vector<1x128xi1> to vector<1x128xi1>
    %broadcast_in_dim3A_1504 = vector.broadcast %broadcast_in_dim3A_1503 : vector<1x128xi1> to vector<32x128xi1>
    %select_n3A_1505 = arith.select %broadcast_in_dim3A_1504, %roll3A_1502, %min3A_1499 : vector<32x128xi1>, vector<32x128xf32>
    %roll3A_1506 = arith.constant 124 : i32
    %roll3A_1507 = tpu.dynamic_rotate %select_n3A_1436 by %roll3A_1506 dim 1 : vector<32x128xf32>, i32 -> vector<32x128xf32>
    %min3A_1508 = arith.minimumf %select_n3A_1436, %roll3A_1507 : vector<32x128xf32>
    %max3A_1509 = arith.maximumf %select_n3A_1436, %roll3A_1507 : vector<32x128xf32>
    %roll3A_1510 = arith.constant 4 : i32
    %roll3A_1511 = tpu.dynamic_rotate %max3A_1509 by %roll3A_1510 dim 1 : vector<32x128xf32>, i32 -> vector<32x128xf32>
    %broadcast_in_dim3A_1512 = vector.shape_cast %ne3A_1442 : vector<1x128xi1> to vector<1x128xi1>
    %broadcast_in_dim3A_1513 = vector.broadcast %broadcast_in_dim3A_1512 : vector<1x128xi1> to vector<32x128xi1>
    %select_n3A_1514 = arith.select %broadcast_in_dim3A_1513, %roll3A_1511, %min3A_1508 : vector<32x128xi1>, vector<32x128xf32>
    %and3A_1515 = arith.constant 2 : i32
    %and3A_1516 = vector.broadcast %and3A_1515 : i32 to vector<1x128xi32>
    %and3A_1517 = arith.andi %iota3A, %and3A_1516 : vector<1x128xi32>
    %ne3A_1518 = arith.constant 0 : i32
    %ne3A_1519 = vector.broadcast %ne3A_1518 : i32 to vector<1x128xi32>
    %ne3A_1520 = arith.cmpi ne, %and3A_1517, %ne3A_1519 : vector<1x128xi32>
    %roll3A_1521 = arith.constant 126 : i32
    %roll3A_1522 = tpu.dynamic_rotate %select_n3A_1451 by %roll3A_1521 dim 1 : vector<32x128xf32>, i32 -> vector<32x128xf32>
    %min3A_1523 = arith.minimumf %select_n3A_1451, %roll3A_1522 : vector<32x128xf32>
    %max3A_1524 = arith.maximumf %select_n3A_1451, %roll3A_1522 : vector<32x128xf32>
    %roll3A_1525 = arith.constant 2 : i32
    %roll3A_1526 = tpu.dynamic_rotate %max3A_1524 by %roll3A_1525 dim 1 : vector<32x128xf32>, i32 -> vector<32x128xf32>
    %broadcast_in_dim3A_1527 = vector.shape_cast %ne3A_1520 : vector<1x128xi1> to vector<1x128xi1>
    %broadcast_in_dim3A_1528 = vector.broadcast %broadcast_in_dim3A_1527 : vector<1x128xi1> to vector<32x128xi1>
    %select_n3A_1529 = arith.select %broadcast_in_dim3A_1528, %roll3A_1526, %min3A_1523 : vector<32x128xi1>, vector<32x128xf32>
    %roll3A_1530 = arith.constant 126 : i32
    %roll3A_1531 = tpu.dynamic_rotate %select_n3A_1460 by %roll3A_1530 dim 1 : vector<32x128xf32>, i32 -> vector<32x128xf32>
    %min3A_1532 = arith.minimumf %select_n3A_1460, %roll3A_1531 : vector<32x128xf32>
    %max3A_1533 = arith.maximumf %select_n3A_1460, %roll3A_1531 : vector<32x128xf32>
    %roll3A_1534 = arith.constant 2 : i32
    %roll3A_1535 = tpu.dynamic_rotate %max3A_1533 by %roll3A_1534 dim 1 : vector<32x128xf32>, i32 -> vector<32x128xf32>
    %broadcast_in_dim3A_1536 = vector.shape_cast %ne3A_1520 : vector<1x128xi1> to vector<1x128xi1>
    %broadcast_in_dim3A_1537 = vector.broadcast %broadcast_in_dim3A_1536 : vector<1x128xi1> to vector<32x128xi1>
    %select_n3A_1538 = arith.select %broadcast_in_dim3A_1537, %roll3A_1535, %min3A_1532 : vector<32x128xi1>, vector<32x128xf32>
    %roll3A_1539 = arith.constant 126 : i32
    %roll3A_1540 = tpu.dynamic_rotate %select_n3A_1469 by %roll3A_1539 dim 1 : vector<32x128xf32>, i32 -> vector<32x128xf32>
    %min3A_1541 = arith.minimumf %select_n3A_1469, %roll3A_1540 : vector<32x128xf32>
    %max3A_1542 = arith.maximumf %select_n3A_1469, %roll3A_1540 : vector<32x128xf32>
    %roll3A_1543 = arith.constant 2 : i32
    %roll3A_1544 = tpu.dynamic_rotate %max3A_1542 by %roll3A_1543 dim 1 : vector<32x128xf32>, i32 -> vector<32x128xf32>
    %broadcast_in_dim3A_1545 = vector.shape_cast %ne3A_1520 : vector<1x128xi1> to vector<1x128xi1>
    %broadcast_in_dim3A_1546 = vector.broadcast %broadcast_in_dim3A_1545 : vector<1x128xi1> to vector<32x128xi1>
    %select_n3A_1547 = arith.select %broadcast_in_dim3A_1546, %roll3A_1544, %min3A_1541 : vector<32x128xi1>, vector<32x128xf32>
    %roll3A_1548 = arith.constant 126 : i32
    %roll3A_1549 = tpu.dynamic_rotate %select_n3A_1478 by %roll3A_1548 dim 1 : vector<32x128xf32>, i32 -> vector<32x128xf32>
    %min3A_1550 = arith.minimumf %select_n3A_1478, %roll3A_1549 : vector<32x128xf32>
    %max3A_1551 = arith.maximumf %select_n3A_1478, %roll3A_1549 : vector<32x128xf32>
    %roll3A_1552 = arith.constant 2 : i32
    %roll3A_1553 = tpu.dynamic_rotate %max3A_1551 by %roll3A_1552 dim 1 : vector<32x128xf32>, i32 -> vector<32x128xf32>
    %broadcast_in_dim3A_1554 = vector.shape_cast %ne3A_1520 : vector<1x128xi1> to vector<1x128xi1>
    %broadcast_in_dim3A_1555 = vector.broadcast %broadcast_in_dim3A_1554 : vector<1x128xi1> to vector<32x128xi1>
    %select_n3A_1556 = arith.select %broadcast_in_dim3A_1555, %roll3A_1553, %min3A_1550 : vector<32x128xi1>, vector<32x128xf32>
    %roll3A_1557 = arith.constant 126 : i32
    %roll3A_1558 = tpu.dynamic_rotate %select_n3A_1487 by %roll3A_1557 dim 1 : vector<32x128xf32>, i32 -> vector<32x128xf32>
    %min3A_1559 = arith.minimumf %select_n3A_1487, %roll3A_1558 : vector<32x128xf32>
    %max3A_1560 = arith.maximumf %select_n3A_1487, %roll3A_1558 : vector<32x128xf32>
    %roll3A_1561 = arith.constant 2 : i32
    %roll3A_1562 = tpu.dynamic_rotate %max3A_1560 by %roll3A_1561 dim 1 : vector<32x128xf32>, i32 -> vector<32x128xf32>
    %broadcast_in_dim3A_1563 = vector.shape_cast %ne3A_1520 : vector<1x128xi1> to vector<1x128xi1>
    %broadcast_in_dim3A_1564 = vector.broadcast %broadcast_in_dim3A_1563 : vector<1x128xi1> to vector<32x128xi1>
    %select_n3A_1565 = arith.select %broadcast_in_dim3A_1564, %roll3A_1562, %min3A_1559 : vector<32x128xi1>, vector<32x128xf32>
    %roll3A_1566 = arith.constant 126 : i32
    %roll3A_1567 = tpu.dynamic_rotate %select_n3A_1496 by %roll3A_1566 dim 1 : vector<32x128xf32>, i32 -> vector<32x128xf32>
    %min3A_1568 = arith.minimumf %select_n3A_1496, %roll3A_1567 : vector<32x128xf32>
    %max3A_1569 = arith.maximumf %select_n3A_1496, %roll3A_1567 : vector<32x128xf32>
    %roll3A_1570 = arith.constant 2 : i32
    %roll3A_1571 = tpu.dynamic_rotate %max3A_1569 by %roll3A_1570 dim 1 : vector<32x128xf32>, i32 -> vector<32x128xf32>
    %broadcast_in_dim3A_1572 = vector.shape_cast %ne3A_1520 : vector<1x128xi1> to vector<1x128xi1>
    %broadcast_in_dim3A_1573 = vector.broadcast %broadcast_in_dim3A_1572 : vector<1x128xi1> to vector<32x128xi1>
    %select_n3A_1574 = arith.select %broadcast_in_dim3A_1573, %roll3A_1571, %min3A_1568 : vector<32x128xi1>, vector<32x128xf32>
    %roll3A_1575 = arith.constant 126 : i32
    %roll3A_1576 = tpu.dynamic_rotate %select_n3A_1505 by %roll3A_1575 dim 1 : vector<32x128xf32>, i32 -> vector<32x128xf32>
    %min3A_1577 = arith.minimumf %select_n3A_1505, %roll3A_1576 : vector<32x128xf32>
    %max3A_1578 = arith.maximumf %select_n3A_1505, %roll3A_1576 : vector<32x128xf32>
    %roll3A_1579 = arith.constant 2 : i32
    %roll3A_1580 = tpu.dynamic_rotate %max3A_1578 by %roll3A_1579 dim 1 : vector<32x128xf32>, i32 -> vector<32x128xf32>
    %broadcast_in_dim3A_1581 = vector.shape_cast %ne3A_1520 : vector<1x128xi1> to vector<1x128xi1>
    %broadcast_in_dim3A_1582 = vector.broadcast %broadcast_in_dim3A_1581 : vector<1x128xi1> to vector<32x128xi1>
    %select_n3A_1583 = arith.select %broadcast_in_dim3A_1582, %roll3A_1580, %min3A_1577 : vector<32x128xi1>, vector<32x128xf32>
    %roll3A_1584 = arith.constant 126 : i32
    %roll3A_1585 = tpu.dynamic_rotate %select_n3A_1514 by %roll3A_1584 dim 1 : vector<32x128xf32>, i32 -> vector<32x128xf32>
    %min3A_1586 = arith.minimumf %select_n3A_1514, %roll3A_1585 : vector<32x128xf32>
    %max3A_1587 = arith.maximumf %select_n3A_1514, %roll3A_1585 : vector<32x128xf32>
    %roll3A_1588 = arith.constant 2 : i32
    %roll3A_1589 = tpu.dynamic_rotate %max3A_1587 by %roll3A_1588 dim 1 : vector<32x128xf32>, i32 -> vector<32x128xf32>
    %broadcast_in_dim3A_1590 = vector.shape_cast %ne3A_1520 : vector<1x128xi1> to vector<1x128xi1>
    %broadcast_in_dim3A_1591 = vector.broadcast %broadcast_in_dim3A_1590 : vector<1x128xi1> to vector<32x128xi1>
    %select_n3A_1592 = arith.select %broadcast_in_dim3A_1591, %roll3A_1589, %min3A_1586 : vector<32x128xi1>, vector<32x128xf32>
    %and3A_1593 = arith.constant 1 : i32
    %and3A_1594 = vector.broadcast %and3A_1593 : i32 to vector<1x128xi32>
    %and3A_1595 = arith.andi %iota3A, %and3A_1594 : vector<1x128xi32>
    %ne3A_1596 = arith.constant 0 : i32
    %ne3A_1597 = vector.broadcast %ne3A_1596 : i32 to vector<1x128xi32>
    %ne3A_1598 = arith.cmpi ne, %and3A_1595, %ne3A_1597 : vector<1x128xi32>
    %roll3A_1599 = arith.constant 127 : i32
    %roll3A_1600 = tpu.dynamic_rotate %select_n3A_1529 by %roll3A_1599 dim 1 : vector<32x128xf32>, i32 -> vector<32x128xf32>
    %min3A_1601 = arith.minimumf %select_n3A_1529, %roll3A_1600 : vector<32x128xf32>
    %max3A_1602 = arith.maximumf %select_n3A_1529, %roll3A_1600 : vector<32x128xf32>
    %roll3A_1603 = arith.constant 1 : i32
    %roll3A_1604 = tpu.dynamic_rotate %max3A_1602 by %roll3A_1603 dim 1 : vector<32x128xf32>, i32 -> vector<32x128xf32>
    %broadcast_in_dim3A_1605 = vector.shape_cast %ne3A_1598 : vector<1x128xi1> to vector<1x128xi1>
    %broadcast_in_dim3A_1606 = vector.broadcast %broadcast_in_dim3A_1605 : vector<1x128xi1> to vector<32x128xi1>
    %select_n3A_1607 = arith.select %broadcast_in_dim3A_1606, %roll3A_1604, %min3A_1601 : vector<32x128xi1>, vector<32x128xf32>
    %roll3A_1608 = arith.constant 127 : i32
    %roll3A_1609 = tpu.dynamic_rotate %select_n3A_1538 by %roll3A_1608 dim 1 : vector<32x128xf32>, i32 -> vector<32x128xf32>
    %min3A_1610 = arith.minimumf %select_n3A_1538, %roll3A_1609 : vector<32x128xf32>
    %max3A_1611 = arith.maximumf %select_n3A_1538, %roll3A_1609 : vector<32x128xf32>
    %roll3A_1612 = arith.constant 1 : i32
    %roll3A_1613 = tpu.dynamic_rotate %max3A_1611 by %roll3A_1612 dim 1 : vector<32x128xf32>, i32 -> vector<32x128xf32>
    %broadcast_in_dim3A_1614 = vector.shape_cast %ne3A_1598 : vector<1x128xi1> to vector<1x128xi1>
    %broadcast_in_dim3A_1615 = vector.broadcast %broadcast_in_dim3A_1614 : vector<1x128xi1> to vector<32x128xi1>
    %select_n3A_1616 = arith.select %broadcast_in_dim3A_1615, %roll3A_1613, %min3A_1610 : vector<32x128xi1>, vector<32x128xf32>
    %roll3A_1617 = arith.constant 127 : i32
    %roll3A_1618 = tpu.dynamic_rotate %select_n3A_1547 by %roll3A_1617 dim 1 : vector<32x128xf32>, i32 -> vector<32x128xf32>
    %min3A_1619 = arith.minimumf %select_n3A_1547, %roll3A_1618 : vector<32x128xf32>
    %max3A_1620 = arith.maximumf %select_n3A_1547, %roll3A_1618 : vector<32x128xf32>
    %roll3A_1621 = arith.constant 1 : i32
    %roll3A_1622 = tpu.dynamic_rotate %max3A_1620 by %roll3A_1621 dim 1 : vector<32x128xf32>, i32 -> vector<32x128xf32>
    %broadcast_in_dim3A_1623 = vector.shape_cast %ne3A_1598 : vector<1x128xi1> to vector<1x128xi1>
    %broadcast_in_dim3A_1624 = vector.broadcast %broadcast_in_dim3A_1623 : vector<1x128xi1> to vector<32x128xi1>
    %select_n3A_1625 = arith.select %broadcast_in_dim3A_1624, %roll3A_1622, %min3A_1619 : vector<32x128xi1>, vector<32x128xf32>
    %roll3A_1626 = arith.constant 127 : i32
    %roll3A_1627 = tpu.dynamic_rotate %select_n3A_1556 by %roll3A_1626 dim 1 : vector<32x128xf32>, i32 -> vector<32x128xf32>
    %min3A_1628 = arith.minimumf %select_n3A_1556, %roll3A_1627 : vector<32x128xf32>
    %max3A_1629 = arith.maximumf %select_n3A_1556, %roll3A_1627 : vector<32x128xf32>
    %roll3A_1630 = arith.constant 1 : i32
    %roll3A_1631 = tpu.dynamic_rotate %max3A_1629 by %roll3A_1630 dim 1 : vector<32x128xf32>, i32 -> vector<32x128xf32>
    %broadcast_in_dim3A_1632 = vector.shape_cast %ne3A_1598 : vector<1x128xi1> to vector<1x128xi1>
    %broadcast_in_dim3A_1633 = vector.broadcast %broadcast_in_dim3A_1632 : vector<1x128xi1> to vector<32x128xi1>
    %select_n3A_1634 = arith.select %broadcast_in_dim3A_1633, %roll3A_1631, %min3A_1628 : vector<32x128xi1>, vector<32x128xf32>
    %roll3A_1635 = arith.constant 127 : i32
    %roll3A_1636 = tpu.dynamic_rotate %select_n3A_1565 by %roll3A_1635 dim 1 : vector<32x128xf32>, i32 -> vector<32x128xf32>
    %min3A_1637 = arith.minimumf %select_n3A_1565, %roll3A_1636 : vector<32x128xf32>
    %max3A_1638 = arith.maximumf %select_n3A_1565, %roll3A_1636 : vector<32x128xf32>
    %roll3A_1639 = arith.constant 1 : i32
    %roll3A_1640 = tpu.dynamic_rotate %max3A_1638 by %roll3A_1639 dim 1 : vector<32x128xf32>, i32 -> vector<32x128xf32>
    %broadcast_in_dim3A_1641 = vector.shape_cast %ne3A_1598 : vector<1x128xi1> to vector<1x128xi1>
    %broadcast_in_dim3A_1642 = vector.broadcast %broadcast_in_dim3A_1641 : vector<1x128xi1> to vector<32x128xi1>
    %select_n3A_1643 = arith.select %broadcast_in_dim3A_1642, %roll3A_1640, %min3A_1637 : vector<32x128xi1>, vector<32x128xf32>
    %roll3A_1644 = arith.constant 127 : i32
    %roll3A_1645 = tpu.dynamic_rotate %select_n3A_1574 by %roll3A_1644 dim 1 : vector<32x128xf32>, i32 -> vector<32x128xf32>
    %min3A_1646 = arith.minimumf %select_n3A_1574, %roll3A_1645 : vector<32x128xf32>
    %max3A_1647 = arith.maximumf %select_n3A_1574, %roll3A_1645 : vector<32x128xf32>
    %roll3A_1648 = arith.constant 1 : i32
    %roll3A_1649 = tpu.dynamic_rotate %max3A_1647 by %roll3A_1648 dim 1 : vector<32x128xf32>, i32 -> vector<32x128xf32>
    %broadcast_in_dim3A_1650 = vector.shape_cast %ne3A_1598 : vector<1x128xi1> to vector<1x128xi1>
    %broadcast_in_dim3A_1651 = vector.broadcast %broadcast_in_dim3A_1650 : vector<1x128xi1> to vector<32x128xi1>
    %select_n3A_1652 = arith.select %broadcast_in_dim3A_1651, %roll3A_1649, %min3A_1646 : vector<32x128xi1>, vector<32x128xf32>
    %roll3A_1653 = arith.constant 127 : i32
    %roll3A_1654 = tpu.dynamic_rotate %select_n3A_1583 by %roll3A_1653 dim 1 : vector<32x128xf32>, i32 -> vector<32x128xf32>
    %min3A_1655 = arith.minimumf %select_n3A_1583, %roll3A_1654 : vector<32x128xf32>
    %max3A_1656 = arith.maximumf %select_n3A_1583, %roll3A_1654 : vector<32x128xf32>
    %roll3A_1657 = arith.constant 1 : i32
    %roll3A_1658 = tpu.dynamic_rotate %max3A_1656 by %roll3A_1657 dim 1 : vector<32x128xf32>, i32 -> vector<32x128xf32>
    %broadcast_in_dim3A_1659 = vector.shape_cast %ne3A_1598 : vector<1x128xi1> to vector<1x128xi1>
    %broadcast_in_dim3A_1660 = vector.broadcast %broadcast_in_dim3A_1659 : vector<1x128xi1> to vector<32x128xi1>
    %select_n3A_1661 = arith.select %broadcast_in_dim3A_1660, %roll3A_1658, %min3A_1655 : vector<32x128xi1>, vector<32x128xf32>
    %roll3A_1662 = arith.constant 127 : i32
    %roll3A_1663 = tpu.dynamic_rotate %select_n3A_1592 by %roll3A_1662 dim 1 : vector<32x128xf32>, i32 -> vector<32x128xf32>
    %min3A_1664 = arith.minimumf %select_n3A_1592, %roll3A_1663 : vector<32x128xf32>
    %max3A_1665 = arith.maximumf %select_n3A_1592, %roll3A_1663 : vector<32x128xf32>
    %roll3A_1666 = arith.constant 1 : i32
    %roll3A_1667 = tpu.dynamic_rotate %max3A_1665 by %roll3A_1666 dim 1 : vector<32x128xf32>, i32 -> vector<32x128xf32>
    %broadcast_in_dim3A_1668 = vector.shape_cast %ne3A_1598 : vector<1x128xi1> to vector<1x128xi1>
    %broadcast_in_dim3A_1669 = vector.broadcast %broadcast_in_dim3A_1668 : vector<1x128xi1> to vector<32x128xi1>
    %select_n3A_1670 = arith.select %broadcast_in_dim3A_1669, %roll3A_1667, %min3A_1664 : vector<32x128xi1>, vector<32x128xf32>
    %min3A_1671 = arith.minimumf %select_n3A_1607, %select_n3A_1643 : vector<32x128xf32>
    %max3A_1672 = arith.maximumf %select_n3A_1607, %select_n3A_1643 : vector<32x128xf32>
    %min3A_1673 = arith.minimumf %select_n3A_1616, %select_n3A_1652 : vector<32x128xf32>
    %max3A_1674 = arith.maximumf %select_n3A_1616, %select_n3A_1652 : vector<32x128xf32>
    %min3A_1675 = arith.minimumf %select_n3A_1625, %select_n3A_1661 : vector<32x128xf32>
    %max3A_1676 = arith.maximumf %select_n3A_1625, %select_n3A_1661 : vector<32x128xf32>
    %min3A_1677 = arith.minimumf %select_n3A_1634, %select_n3A_1670 : vector<32x128xf32>
    %max3A_1678 = arith.maximumf %select_n3A_1634, %select_n3A_1670 : vector<32x128xf32>
    %min3A_1679 = arith.minimumf %min3A_1671, %min3A_1675 : vector<32x128xf32>
    %max3A_1680 = arith.maximumf %min3A_1671, %min3A_1675 : vector<32x128xf32>
    %min3A_1681 = arith.minimumf %min3A_1673, %min3A_1677 : vector<32x128xf32>
    %max3A_1682 = arith.maximumf %min3A_1673, %min3A_1677 : vector<32x128xf32>
    %min3A_1683 = arith.minimumf %max3A_1672, %max3A_1676 : vector<32x128xf32>
    %max3A_1684 = arith.maximumf %max3A_1672, %max3A_1676 : vector<32x128xf32>
    %min3A_1685 = arith.minimumf %max3A_1674, %max3A_1678 : vector<32x128xf32>
    %max3A_1686 = arith.maximumf %max3A_1674, %max3A_1678 : vector<32x128xf32>
    %min3A_1687 = arith.minimumf %min3A_1679, %min3A_1681 : vector<32x128xf32>
    %max3A_1688 = arith.maximumf %min3A_1679, %min3A_1681 : vector<32x128xf32>
    %min3A_1689 = arith.minimumf %max3A_1680, %max3A_1682 : vector<32x128xf32>
    %max3A_1690 = arith.maximumf %max3A_1680, %max3A_1682 : vector<32x128xf32>
    %min3A_1691 = arith.minimumf %min3A_1683, %min3A_1685 : vector<32x128xf32>
    %max3A_1692 = arith.maximumf %min3A_1683, %min3A_1685 : vector<32x128xf32>
    %min3A_1693 = arith.minimumf %max3A_1684, %max3A_1686 : vector<32x128xf32>
    %max3A_1694 = arith.maximumf %max3A_1684, %max3A_1686 : vector<32x128xf32>
    %and3A_1695 = arith.constant 32 : i32
    %and3A_1696 = vector.broadcast %and3A_1695 : i32 to vector<1x128xi32>
    %and3A_1697 = arith.andi %iota3A, %and3A_1696 : vector<1x128xi32>
    %eq3A_1698 = arith.constant 0 : i32
    %eq3A_1699 = vector.broadcast %eq3A_1698 : i32 to vector<1x128xi32>
    %eq3A_1700 = arith.cmpi eq, %and3A_1697, %eq3A_1699 : vector<1x128xi32>
    %jit3A_1701 = arith.constant 1.000000e+00 : f32
    %jit3A_1702 = arith.constant -1.000000e+00 : f32
    %broadcast_in_dim3A_1703 = vector.broadcast %jit3A_1701 : f32 to vector<1x128xf32>
    %broadcast_in_dim3A_1704 = vector.broadcast %jit3A_1702 : f32 to vector<1x128xf32>
    %select_n3A_1705 = arith.select %eq3A_1700, %broadcast_in_dim3A_1703, %broadcast_in_dim3A_1704 : vector<1x128xi1>, vector<1x128xf32>
    %mul3A_1706 = vector.broadcast %select_n3A_1705 : vector<1x128xf32> to vector<32x128xf32>
    %mul3A_1707 = arith.mulf %min3A_1687, %mul3A_1706 : vector<32x128xf32>
    %mul3A_1708 = vector.broadcast %select_n3A_1705 : vector<1x128xf32> to vector<32x128xf32>
    %mul3A_1709 = arith.mulf %max3A_1688, %mul3A_1708 : vector<32x128xf32>
    %mul3A_1710 = vector.broadcast %select_n3A_1705 : vector<1x128xf32> to vector<32x128xf32>
    %mul3A_1711 = arith.mulf %min3A_1689, %mul3A_1710 : vector<32x128xf32>
    %mul3A_1712 = vector.broadcast %select_n3A_1705 : vector<1x128xf32> to vector<32x128xf32>
    %mul3A_1713 = arith.mulf %max3A_1690, %mul3A_1712 : vector<32x128xf32>
    %mul3A_1714 = vector.broadcast %select_n3A_1705 : vector<1x128xf32> to vector<32x128xf32>
    %mul3A_1715 = arith.mulf %min3A_1691, %mul3A_1714 : vector<32x128xf32>
    %mul3A_1716 = vector.broadcast %select_n3A_1705 : vector<1x128xf32> to vector<32x128xf32>
    %mul3A_1717 = arith.mulf %max3A_1692, %mul3A_1716 : vector<32x128xf32>
    %mul3A_1718 = vector.broadcast %select_n3A_1705 : vector<1x128xf32> to vector<32x128xf32>
    %mul3A_1719 = arith.mulf %min3A_1693, %mul3A_1718 : vector<32x128xf32>
    %mul3A_1720 = vector.broadcast %select_n3A_1705 : vector<1x128xf32> to vector<32x128xf32>
    %mul3A_1721 = arith.mulf %max3A_1694, %mul3A_1720 : vector<32x128xf32>
    %and3A_1722 = arith.constant 64 : i32
    %and3A_1723 = vector.broadcast %and3A_1722 : i32 to vector<1x128xi32>
    %and3A_1724 = arith.andi %iota3A, %and3A_1723 : vector<1x128xi32>
    %eq3A_1725 = arith.constant 0 : i32
    %eq3A_1726 = vector.broadcast %eq3A_1725 : i32 to vector<1x128xi32>
    %eq3A_1727 = arith.cmpi eq, %and3A_1724, %eq3A_1726 : vector<1x128xi32>
    %jit3A_1728 = arith.constant 1.000000e+00 : f32
    %jit3A_1729 = arith.constant -1.000000e+00 : f32
    %broadcast_in_dim3A_1730 = vector.broadcast %jit3A_1728 : f32 to vector<1x128xf32>
    %broadcast_in_dim3A_1731 = vector.broadcast %jit3A_1729 : f32 to vector<1x128xf32>
    %select_n3A_1732 = arith.select %eq3A_1727, %broadcast_in_dim3A_1730, %broadcast_in_dim3A_1731 : vector<1x128xi1>, vector<1x128xf32>
    %mul3A_1733 = vector.broadcast %select_n3A_1732 : vector<1x128xf32> to vector<32x128xf32>
    %mul3A_1734 = arith.mulf %mul3A_1707, %mul3A_1733 : vector<32x128xf32>
    %mul3A_1735 = vector.broadcast %select_n3A_1732 : vector<1x128xf32> to vector<32x128xf32>
    %mul3A_1736 = arith.mulf %mul3A_1709, %mul3A_1735 : vector<32x128xf32>
    %mul3A_1737 = vector.broadcast %select_n3A_1732 : vector<1x128xf32> to vector<32x128xf32>
    %mul3A_1738 = arith.mulf %mul3A_1711, %mul3A_1737 : vector<32x128xf32>
    %mul3A_1739 = vector.broadcast %select_n3A_1732 : vector<1x128xf32> to vector<32x128xf32>
    %mul3A_1740 = arith.mulf %mul3A_1713, %mul3A_1739 : vector<32x128xf32>
    %mul3A_1741 = vector.broadcast %select_n3A_1732 : vector<1x128xf32> to vector<32x128xf32>
    %mul3A_1742 = arith.mulf %mul3A_1715, %mul3A_1741 : vector<32x128xf32>
    %mul3A_1743 = vector.broadcast %select_n3A_1732 : vector<1x128xf32> to vector<32x128xf32>
    %mul3A_1744 = arith.mulf %mul3A_1717, %mul3A_1743 : vector<32x128xf32>
    %mul3A_1745 = vector.broadcast %select_n3A_1732 : vector<1x128xf32> to vector<32x128xf32>
    %mul3A_1746 = arith.mulf %mul3A_1719, %mul3A_1745 : vector<32x128xf32>
    %mul3A_1747 = vector.broadcast %select_n3A_1732 : vector<1x128xf32> to vector<32x128xf32>
    %mul3A_1748 = arith.mulf %mul3A_1721, %mul3A_1747 : vector<32x128xf32>
    %and3A_1749 = arith.constant 32 : i32
    %and3A_1750 = vector.broadcast %and3A_1749 : i32 to vector<1x128xi32>
    %and3A_1751 = arith.andi %iota3A, %and3A_1750 : vector<1x128xi32>
    %ne3A_1752 = arith.constant 0 : i32
    %ne3A_1753 = vector.broadcast %ne3A_1752 : i32 to vector<1x128xi32>
    %ne3A_1754 = arith.cmpi ne, %and3A_1751, %ne3A_1753 : vector<1x128xi32>
    %roll3A_1755 = arith.constant 96 : i32
    %roll3A_1756 = tpu.dynamic_rotate %mul3A_1734 by %roll3A_1755 dim 1 : vector<32x128xf32>, i32 -> vector<32x128xf32>
    %min3A_1757 = arith.minimumf %mul3A_1734, %roll3A_1756 : vector<32x128xf32>
    %max3A_1758 = arith.maximumf %mul3A_1734, %roll3A_1756 : vector<32x128xf32>
    %roll3A_1759 = arith.constant 32 : i32
    %roll3A_1760 = tpu.dynamic_rotate %max3A_1758 by %roll3A_1759 dim 1 : vector<32x128xf32>, i32 -> vector<32x128xf32>
    %broadcast_in_dim3A_1761 = vector.shape_cast %ne3A_1754 : vector<1x128xi1> to vector<1x128xi1>
    %broadcast_in_dim3A_1762 = vector.broadcast %broadcast_in_dim3A_1761 : vector<1x128xi1> to vector<32x128xi1>
    %select_n3A_1763 = arith.select %broadcast_in_dim3A_1762, %roll3A_1760, %min3A_1757 : vector<32x128xi1>, vector<32x128xf32>
    %roll3A_1764 = arith.constant 96 : i32
    %roll3A_1765 = tpu.dynamic_rotate %mul3A_1736 by %roll3A_1764 dim 1 : vector<32x128xf32>, i32 -> vector<32x128xf32>
    %min3A_1766 = arith.minimumf %mul3A_1736, %roll3A_1765 : vector<32x128xf32>
    %max3A_1767 = arith.maximumf %mul3A_1736, %roll3A_1765 : vector<32x128xf32>
    %roll3A_1768 = arith.constant 32 : i32
    %roll3A_1769 = tpu.dynamic_rotate %max3A_1767 by %roll3A_1768 dim 1 : vector<32x128xf32>, i32 -> vector<32x128xf32>
    %broadcast_in_dim3A_1770 = vector.shape_cast %ne3A_1754 : vector<1x128xi1> to vector<1x128xi1>
    %broadcast_in_dim3A_1771 = vector.broadcast %broadcast_in_dim3A_1770 : vector<1x128xi1> to vector<32x128xi1>
    %select_n3A_1772 = arith.select %broadcast_in_dim3A_1771, %roll3A_1769, %min3A_1766 : vector<32x128xi1>, vector<32x128xf32>
    %roll3A_1773 = arith.constant 96 : i32
    %roll3A_1774 = tpu.dynamic_rotate %mul3A_1738 by %roll3A_1773 dim 1 : vector<32x128xf32>, i32 -> vector<32x128xf32>
    %min3A_1775 = arith.minimumf %mul3A_1738, %roll3A_1774 : vector<32x128xf32>
    %max3A_1776 = arith.maximumf %mul3A_1738, %roll3A_1774 : vector<32x128xf32>
    %roll3A_1777 = arith.constant 32 : i32
    %roll3A_1778 = tpu.dynamic_rotate %max3A_1776 by %roll3A_1777 dim 1 : vector<32x128xf32>, i32 -> vector<32x128xf32>
    %broadcast_in_dim3A_1779 = vector.shape_cast %ne3A_1754 : vector<1x128xi1> to vector<1x128xi1>
    %broadcast_in_dim3A_1780 = vector.broadcast %broadcast_in_dim3A_1779 : vector<1x128xi1> to vector<32x128xi1>
    %select_n3A_1781 = arith.select %broadcast_in_dim3A_1780, %roll3A_1778, %min3A_1775 : vector<32x128xi1>, vector<32x128xf32>
    %roll3A_1782 = arith.constant 96 : i32
    %roll3A_1783 = tpu.dynamic_rotate %mul3A_1740 by %roll3A_1782 dim 1 : vector<32x128xf32>, i32 -> vector<32x128xf32>
    %min3A_1784 = arith.minimumf %mul3A_1740, %roll3A_1783 : vector<32x128xf32>
    %max3A_1785 = arith.maximumf %mul3A_1740, %roll3A_1783 : vector<32x128xf32>
    %roll3A_1786 = arith.constant 32 : i32
    %roll3A_1787 = tpu.dynamic_rotate %max3A_1785 by %roll3A_1786 dim 1 : vector<32x128xf32>, i32 -> vector<32x128xf32>
    %broadcast_in_dim3A_1788 = vector.shape_cast %ne3A_1754 : vector<1x128xi1> to vector<1x128xi1>
    %broadcast_in_dim3A_1789 = vector.broadcast %broadcast_in_dim3A_1788 : vector<1x128xi1> to vector<32x128xi1>
    %select_n3A_1790 = arith.select %broadcast_in_dim3A_1789, %roll3A_1787, %min3A_1784 : vector<32x128xi1>, vector<32x128xf32>
    %roll3A_1791 = arith.constant 96 : i32
    %roll3A_1792 = tpu.dynamic_rotate %mul3A_1742 by %roll3A_1791 dim 1 : vector<32x128xf32>, i32 -> vector<32x128xf32>
    %min3A_1793 = arith.minimumf %mul3A_1742, %roll3A_1792 : vector<32x128xf32>
    %max3A_1794 = arith.maximumf %mul3A_1742, %roll3A_1792 : vector<32x128xf32>
    %roll3A_1795 = arith.constant 32 : i32
    %roll3A_1796 = tpu.dynamic_rotate %max3A_1794 by %roll3A_1795 dim 1 : vector<32x128xf32>, i32 -> vector<32x128xf32>
    %broadcast_in_dim3A_1797 = vector.shape_cast %ne3A_1754 : vector<1x128xi1> to vector<1x128xi1>
    %broadcast_in_dim3A_1798 = vector.broadcast %broadcast_in_dim3A_1797 : vector<1x128xi1> to vector<32x128xi1>
    %select_n3A_1799 = arith.select %broadcast_in_dim3A_1798, %roll3A_1796, %min3A_1793 : vector<32x128xi1>, vector<32x128xf32>
    %roll3A_1800 = arith.constant 96 : i32
    %roll3A_1801 = tpu.dynamic_rotate %mul3A_1744 by %roll3A_1800 dim 1 : vector<32x128xf32>, i32 -> vector<32x128xf32>
    %min3A_1802 = arith.minimumf %mul3A_1744, %roll3A_1801 : vector<32x128xf32>
    %max3A_1803 = arith.maximumf %mul3A_1744, %roll3A_1801 : vector<32x128xf32>
    %roll3A_1804 = arith.constant 32 : i32
    %roll3A_1805 = tpu.dynamic_rotate %max3A_1803 by %roll3A_1804 dim 1 : vector<32x128xf32>, i32 -> vector<32x128xf32>
    %broadcast_in_dim3A_1806 = vector.shape_cast %ne3A_1754 : vector<1x128xi1> to vector<1x128xi1>
    %broadcast_in_dim3A_1807 = vector.broadcast %broadcast_in_dim3A_1806 : vector<1x128xi1> to vector<32x128xi1>
    %select_n3A_1808 = arith.select %broadcast_in_dim3A_1807, %roll3A_1805, %min3A_1802 : vector<32x128xi1>, vector<32x128xf32>
    %roll3A_1809 = arith.constant 96 : i32
    %roll3A_1810 = tpu.dynamic_rotate %mul3A_1746 by %roll3A_1809 dim 1 : vector<32x128xf32>, i32 -> vector<32x128xf32>
    %min3A_1811 = arith.minimumf %mul3A_1746, %roll3A_1810 : vector<32x128xf32>
    %max3A_1812 = arith.maximumf %mul3A_1746, %roll3A_1810 : vector<32x128xf32>
    %roll3A_1813 = arith.constant 32 : i32
    %roll3A_1814 = tpu.dynamic_rotate %max3A_1812 by %roll3A_1813 dim 1 : vector<32x128xf32>, i32 -> vector<32x128xf32>
    %broadcast_in_dim3A_1815 = vector.shape_cast %ne3A_1754 : vector<1x128xi1> to vector<1x128xi1>
    %broadcast_in_dim3A_1816 = vector.broadcast %broadcast_in_dim3A_1815 : vector<1x128xi1> to vector<32x128xi1>
    %select_n3A_1817 = arith.select %broadcast_in_dim3A_1816, %roll3A_1814, %min3A_1811 : vector<32x128xi1>, vector<32x128xf32>
    %roll3A_1818 = arith.constant 96 : i32
    %roll3A_1819 = tpu.dynamic_rotate %mul3A_1748 by %roll3A_1818 dim 1 : vector<32x128xf32>, i32 -> vector<32x128xf32>
    %min3A_1820 = arith.minimumf %mul3A_1748, %roll3A_1819 : vector<32x128xf32>
    %max3A_1821 = arith.maximumf %mul3A_1748, %roll3A_1819 : vector<32x128xf32>
    %roll3A_1822 = arith.constant 32 : i32
    %roll3A_1823 = tpu.dynamic_rotate %max3A_1821 by %roll3A_1822 dim 1 : vector<32x128xf32>, i32 -> vector<32x128xf32>
    %broadcast_in_dim3A_1824 = vector.shape_cast %ne3A_1754 : vector<1x128xi1> to vector<1x128xi1>
    %broadcast_in_dim3A_1825 = vector.broadcast %broadcast_in_dim3A_1824 : vector<1x128xi1> to vector<32x128xi1>
    %select_n3A_1826 = arith.select %broadcast_in_dim3A_1825, %roll3A_1823, %min3A_1820 : vector<32x128xi1>, vector<32x128xf32>
    %and3A_1827 = arith.constant 16 : i32
    %and3A_1828 = vector.broadcast %and3A_1827 : i32 to vector<1x128xi32>
    %and3A_1829 = arith.andi %iota3A, %and3A_1828 : vector<1x128xi32>
    %ne3A_1830 = arith.constant 0 : i32
    %ne3A_1831 = vector.broadcast %ne3A_1830 : i32 to vector<1x128xi32>
    %ne3A_1832 = arith.cmpi ne, %and3A_1829, %ne3A_1831 : vector<1x128xi32>
    %roll3A_1833 = arith.constant 112 : i32
    %roll3A_1834 = tpu.dynamic_rotate %select_n3A_1763 by %roll3A_1833 dim 1 : vector<32x128xf32>, i32 -> vector<32x128xf32>
    %min3A_1835 = arith.minimumf %select_n3A_1763, %roll3A_1834 : vector<32x128xf32>
    %max3A_1836 = arith.maximumf %select_n3A_1763, %roll3A_1834 : vector<32x128xf32>
    %roll3A_1837 = arith.constant 16 : i32
    %roll3A_1838 = tpu.dynamic_rotate %max3A_1836 by %roll3A_1837 dim 1 : vector<32x128xf32>, i32 -> vector<32x128xf32>
    %broadcast_in_dim3A_1839 = vector.shape_cast %ne3A_1832 : vector<1x128xi1> to vector<1x128xi1>
    %broadcast_in_dim3A_1840 = vector.broadcast %broadcast_in_dim3A_1839 : vector<1x128xi1> to vector<32x128xi1>
    %select_n3A_1841 = arith.select %broadcast_in_dim3A_1840, %roll3A_1838, %min3A_1835 : vector<32x128xi1>, vector<32x128xf32>
    %roll3A_1842 = arith.constant 112 : i32
    %roll3A_1843 = tpu.dynamic_rotate %select_n3A_1772 by %roll3A_1842 dim 1 : vector<32x128xf32>, i32 -> vector<32x128xf32>
    %min3A_1844 = arith.minimumf %select_n3A_1772, %roll3A_1843 : vector<32x128xf32>
    %max3A_1845 = arith.maximumf %select_n3A_1772, %roll3A_1843 : vector<32x128xf32>
    %roll3A_1846 = arith.constant 16 : i32
    %roll3A_1847 = tpu.dynamic_rotate %max3A_1845 by %roll3A_1846 dim 1 : vector<32x128xf32>, i32 -> vector<32x128xf32>
    %broadcast_in_dim3A_1848 = vector.shape_cast %ne3A_1832 : vector<1x128xi1> to vector<1x128xi1>
    %broadcast_in_dim3A_1849 = vector.broadcast %broadcast_in_dim3A_1848 : vector<1x128xi1> to vector<32x128xi1>
    %select_n3A_1850 = arith.select %broadcast_in_dim3A_1849, %roll3A_1847, %min3A_1844 : vector<32x128xi1>, vector<32x128xf32>
    %roll3A_1851 = arith.constant 112 : i32
    %roll3A_1852 = tpu.dynamic_rotate %select_n3A_1781 by %roll3A_1851 dim 1 : vector<32x128xf32>, i32 -> vector<32x128xf32>
    %min3A_1853 = arith.minimumf %select_n3A_1781, %roll3A_1852 : vector<32x128xf32>
    %max3A_1854 = arith.maximumf %select_n3A_1781, %roll3A_1852 : vector<32x128xf32>
    %roll3A_1855 = arith.constant 16 : i32
    %roll3A_1856 = tpu.dynamic_rotate %max3A_1854 by %roll3A_1855 dim 1 : vector<32x128xf32>, i32 -> vector<32x128xf32>
    %broadcast_in_dim3A_1857 = vector.shape_cast %ne3A_1832 : vector<1x128xi1> to vector<1x128xi1>
    %broadcast_in_dim3A_1858 = vector.broadcast %broadcast_in_dim3A_1857 : vector<1x128xi1> to vector<32x128xi1>
    %select_n3A_1859 = arith.select %broadcast_in_dim3A_1858, %roll3A_1856, %min3A_1853 : vector<32x128xi1>, vector<32x128xf32>
    %roll3A_1860 = arith.constant 112 : i32
    %roll3A_1861 = tpu.dynamic_rotate %select_n3A_1790 by %roll3A_1860 dim 1 : vector<32x128xf32>, i32 -> vector<32x128xf32>
    %min3A_1862 = arith.minimumf %select_n3A_1790, %roll3A_1861 : vector<32x128xf32>
    %max3A_1863 = arith.maximumf %select_n3A_1790, %roll3A_1861 : vector<32x128xf32>
    %roll3A_1864 = arith.constant 16 : i32
    %roll3A_1865 = tpu.dynamic_rotate %max3A_1863 by %roll3A_1864 dim 1 : vector<32x128xf32>, i32 -> vector<32x128xf32>
    %broadcast_in_dim3A_1866 = vector.shape_cast %ne3A_1832 : vector<1x128xi1> to vector<1x128xi1>
    %broadcast_in_dim3A_1867 = vector.broadcast %broadcast_in_dim3A_1866 : vector<1x128xi1> to vector<32x128xi1>
    %select_n3A_1868 = arith.select %broadcast_in_dim3A_1867, %roll3A_1865, %min3A_1862 : vector<32x128xi1>, vector<32x128xf32>
    %roll3A_1869 = arith.constant 112 : i32
    %roll3A_1870 = tpu.dynamic_rotate %select_n3A_1799 by %roll3A_1869 dim 1 : vector<32x128xf32>, i32 -> vector<32x128xf32>
    %min3A_1871 = arith.minimumf %select_n3A_1799, %roll3A_1870 : vector<32x128xf32>
    %max3A_1872 = arith.maximumf %select_n3A_1799, %roll3A_1870 : vector<32x128xf32>
    %roll3A_1873 = arith.constant 16 : i32
    %roll3A_1874 = tpu.dynamic_rotate %max3A_1872 by %roll3A_1873 dim 1 : vector<32x128xf32>, i32 -> vector<32x128xf32>
    %broadcast_in_dim3A_1875 = vector.shape_cast %ne3A_1832 : vector<1x128xi1> to vector<1x128xi1>
    %broadcast_in_dim3A_1876 = vector.broadcast %broadcast_in_dim3A_1875 : vector<1x128xi1> to vector<32x128xi1>
    %select_n3A_1877 = arith.select %broadcast_in_dim3A_1876, %roll3A_1874, %min3A_1871 : vector<32x128xi1>, vector<32x128xf32>
    %roll3A_1878 = arith.constant 112 : i32
    %roll3A_1879 = tpu.dynamic_rotate %select_n3A_1808 by %roll3A_1878 dim 1 : vector<32x128xf32>, i32 -> vector<32x128xf32>
    %min3A_1880 = arith.minimumf %select_n3A_1808, %roll3A_1879 : vector<32x128xf32>
    %max3A_1881 = arith.maximumf %select_n3A_1808, %roll3A_1879 : vector<32x128xf32>
    %roll3A_1882 = arith.constant 16 : i32
    %roll3A_1883 = tpu.dynamic_rotate %max3A_1881 by %roll3A_1882 dim 1 : vector<32x128xf32>, i32 -> vector<32x128xf32>
    %broadcast_in_dim3A_1884 = vector.shape_cast %ne3A_1832 : vector<1x128xi1> to vector<1x128xi1>
    %broadcast_in_dim3A_1885 = vector.broadcast %broadcast_in_dim3A_1884 : vector<1x128xi1> to vector<32x128xi1>
    %select_n3A_1886 = arith.select %broadcast_in_dim3A_1885, %roll3A_1883, %min3A_1880 : vector<32x128xi1>, vector<32x128xf32>
    %roll3A_1887 = arith.constant 112 : i32
    %roll3A_1888 = tpu.dynamic_rotate %select_n3A_1817 by %roll3A_1887 dim 1 : vector<32x128xf32>, i32 -> vector<32x128xf32>
    %min3A_1889 = arith.minimumf %select_n3A_1817, %roll3A_1888 : vector<32x128xf32>
    %max3A_1890 = arith.maximumf %select_n3A_1817, %roll3A_1888 : vector<32x128xf32>
    %roll3A_1891 = arith.constant 16 : i32
    %roll3A_1892 = tpu.dynamic_rotate %max3A_1890 by %roll3A_1891 dim 1 : vector<32x128xf32>, i32 -> vector<32x128xf32>
    %broadcast_in_dim3A_1893 = vector.shape_cast %ne3A_1832 : vector<1x128xi1> to vector<1x128xi1>
    %broadcast_in_dim3A_1894 = vector.broadcast %broadcast_in_dim3A_1893 : vector<1x128xi1> to vector<32x128xi1>
    %select_n3A_1895 = arith.select %broadcast_in_dim3A_1894, %roll3A_1892, %min3A_1889 : vector<32x128xi1>, vector<32x128xf32>
    %roll3A_1896 = arith.constant 112 : i32
    %roll3A_1897 = tpu.dynamic_rotate %select_n3A_1826 by %roll3A_1896 dim 1 : vector<32x128xf32>, i32 -> vector<32x128xf32>
    %min3A_1898 = arith.minimumf %select_n3A_1826, %roll3A_1897 : vector<32x128xf32>
    %max3A_1899 = arith.maximumf %select_n3A_1826, %roll3A_1897 : vector<32x128xf32>
    %roll3A_1900 = arith.constant 16 : i32
    %roll3A_1901 = tpu.dynamic_rotate %max3A_1899 by %roll3A_1900 dim 1 : vector<32x128xf32>, i32 -> vector<32x128xf32>
    %broadcast_in_dim3A_1902 = vector.shape_cast %ne3A_1832 : vector<1x128xi1> to vector<1x128xi1>
    %broadcast_in_dim3A_1903 = vector.broadcast %broadcast_in_dim3A_1902 : vector<1x128xi1> to vector<32x128xi1>
    %select_n3A_1904 = arith.select %broadcast_in_dim3A_1903, %roll3A_1901, %min3A_1898 : vector<32x128xi1>, vector<32x128xf32>
    %and3A_1905 = arith.constant 8 : i32
    %and3A_1906 = vector.broadcast %and3A_1905 : i32 to vector<1x128xi32>
    %and3A_1907 = arith.andi %iota3A, %and3A_1906 : vector<1x128xi32>
    %ne3A_1908 = arith.constant 0 : i32
    %ne3A_1909 = vector.broadcast %ne3A_1908 : i32 to vector<1x128xi32>
    %ne3A_1910 = arith.cmpi ne, %and3A_1907, %ne3A_1909 : vector<1x128xi32>
    %roll3A_1911 = arith.constant 120 : i32
    %roll3A_1912 = tpu.dynamic_rotate %select_n3A_1841 by %roll3A_1911 dim 1 : vector<32x128xf32>, i32 -> vector<32x128xf32>
    %min3A_1913 = arith.minimumf %select_n3A_1841, %roll3A_1912 : vector<32x128xf32>
    %max3A_1914 = arith.maximumf %select_n3A_1841, %roll3A_1912 : vector<32x128xf32>
    %roll3A_1915 = arith.constant 8 : i32
    %roll3A_1916 = tpu.dynamic_rotate %max3A_1914 by %roll3A_1915 dim 1 : vector<32x128xf32>, i32 -> vector<32x128xf32>
    %broadcast_in_dim3A_1917 = vector.shape_cast %ne3A_1910 : vector<1x128xi1> to vector<1x128xi1>
    %broadcast_in_dim3A_1918 = vector.broadcast %broadcast_in_dim3A_1917 : vector<1x128xi1> to vector<32x128xi1>
    %select_n3A_1919 = arith.select %broadcast_in_dim3A_1918, %roll3A_1916, %min3A_1913 : vector<32x128xi1>, vector<32x128xf32>
    %roll3A_1920 = arith.constant 120 : i32
    %roll3A_1921 = tpu.dynamic_rotate %select_n3A_1850 by %roll3A_1920 dim 1 : vector<32x128xf32>, i32 -> vector<32x128xf32>
    %min3A_1922 = arith.minimumf %select_n3A_1850, %roll3A_1921 : vector<32x128xf32>
    %max3A_1923 = arith.maximumf %select_n3A_1850, %roll3A_1921 : vector<32x128xf32>
    %roll3A_1924 = arith.constant 8 : i32
    %roll3A_1925 = tpu.dynamic_rotate %max3A_1923 by %roll3A_1924 dim 1 : vector<32x128xf32>, i32 -> vector<32x128xf32>
    %broadcast_in_dim3A_1926 = vector.shape_cast %ne3A_1910 : vector<1x128xi1> to vector<1x128xi1>
    %broadcast_in_dim3A_1927 = vector.broadcast %broadcast_in_dim3A_1926 : vector<1x128xi1> to vector<32x128xi1>
    %select_n3A_1928 = arith.select %broadcast_in_dim3A_1927, %roll3A_1925, %min3A_1922 : vector<32x128xi1>, vector<32x128xf32>
    %roll3A_1929 = arith.constant 120 : i32
    %roll3A_1930 = tpu.dynamic_rotate %select_n3A_1859 by %roll3A_1929 dim 1 : vector<32x128xf32>, i32 -> vector<32x128xf32>
    %min3A_1931 = arith.minimumf %select_n3A_1859, %roll3A_1930 : vector<32x128xf32>
    %max3A_1932 = arith.maximumf %select_n3A_1859, %roll3A_1930 : vector<32x128xf32>
    %roll3A_1933 = arith.constant 8 : i32
    %roll3A_1934 = tpu.dynamic_rotate %max3A_1932 by %roll3A_1933 dim 1 : vector<32x128xf32>, i32 -> vector<32x128xf32>
    %broadcast_in_dim3A_1935 = vector.shape_cast %ne3A_1910 : vector<1x128xi1> to vector<1x128xi1>
    %broadcast_in_dim3A_1936 = vector.broadcast %broadcast_in_dim3A_1935 : vector<1x128xi1> to vector<32x128xi1>
    %select_n3A_1937 = arith.select %broadcast_in_dim3A_1936, %roll3A_1934, %min3A_1931 : vector<32x128xi1>, vector<32x128xf32>
    %roll3A_1938 = arith.constant 120 : i32
    %roll3A_1939 = tpu.dynamic_rotate %select_n3A_1868 by %roll3A_1938 dim 1 : vector<32x128xf32>, i32 -> vector<32x128xf32>
    %min3A_1940 = arith.minimumf %select_n3A_1868, %roll3A_1939 : vector<32x128xf32>
    %max3A_1941 = arith.maximumf %select_n3A_1868, %roll3A_1939 : vector<32x128xf32>
    %roll3A_1942 = arith.constant 8 : i32
    %roll3A_1943 = tpu.dynamic_rotate %max3A_1941 by %roll3A_1942 dim 1 : vector<32x128xf32>, i32 -> vector<32x128xf32>
    %broadcast_in_dim3A_1944 = vector.shape_cast %ne3A_1910 : vector<1x128xi1> to vector<1x128xi1>
    %broadcast_in_dim3A_1945 = vector.broadcast %broadcast_in_dim3A_1944 : vector<1x128xi1> to vector<32x128xi1>
    %select_n3A_1946 = arith.select %broadcast_in_dim3A_1945, %roll3A_1943, %min3A_1940 : vector<32x128xi1>, vector<32x128xf32>
    %roll3A_1947 = arith.constant 120 : i32
    %roll3A_1948 = tpu.dynamic_rotate %select_n3A_1877 by %roll3A_1947 dim 1 : vector<32x128xf32>, i32 -> vector<32x128xf32>
    %min3A_1949 = arith.minimumf %select_n3A_1877, %roll3A_1948 : vector<32x128xf32>
    %max3A_1950 = arith.maximumf %select_n3A_1877, %roll3A_1948 : vector<32x128xf32>
    %roll3A_1951 = arith.constant 8 : i32
    %roll3A_1952 = tpu.dynamic_rotate %max3A_1950 by %roll3A_1951 dim 1 : vector<32x128xf32>, i32 -> vector<32x128xf32>
    %broadcast_in_dim3A_1953 = vector.shape_cast %ne3A_1910 : vector<1x128xi1> to vector<1x128xi1>
    %broadcast_in_dim3A_1954 = vector.broadcast %broadcast_in_dim3A_1953 : vector<1x128xi1> to vector<32x128xi1>
    %select_n3A_1955 = arith.select %broadcast_in_dim3A_1954, %roll3A_1952, %min3A_1949 : vector<32x128xi1>, vector<32x128xf32>
    %roll3A_1956 = arith.constant 120 : i32
    %roll3A_1957 = tpu.dynamic_rotate %select_n3A_1886 by %roll3A_1956 dim 1 : vector<32x128xf32>, i32 -> vector<32x128xf32>
    %min3A_1958 = arith.minimumf %select_n3A_1886, %roll3A_1957 : vector<32x128xf32>
    %max3A_1959 = arith.maximumf %select_n3A_1886, %roll3A_1957 : vector<32x128xf32>
    %roll3A_1960 = arith.constant 8 : i32
    %roll3A_1961 = tpu.dynamic_rotate %max3A_1959 by %roll3A_1960 dim 1 : vector<32x128xf32>, i32 -> vector<32x128xf32>
    %broadcast_in_dim3A_1962 = vector.shape_cast %ne3A_1910 : vector<1x128xi1> to vector<1x128xi1>
    %broadcast_in_dim3A_1963 = vector.broadcast %broadcast_in_dim3A_1962 : vector<1x128xi1> to vector<32x128xi1>
    %select_n3A_1964 = arith.select %broadcast_in_dim3A_1963, %roll3A_1961, %min3A_1958 : vector<32x128xi1>, vector<32x128xf32>
    %roll3A_1965 = arith.constant 120 : i32
    %roll3A_1966 = tpu.dynamic_rotate %select_n3A_1895 by %roll3A_1965 dim 1 : vector<32x128xf32>, i32 -> vector<32x128xf32>
    %min3A_1967 = arith.minimumf %select_n3A_1895, %roll3A_1966 : vector<32x128xf32>
    %max3A_1968 = arith.maximumf %select_n3A_1895, %roll3A_1966 : vector<32x128xf32>
    %roll3A_1969 = arith.constant 8 : i32
    %roll3A_1970 = tpu.dynamic_rotate %max3A_1968 by %roll3A_1969 dim 1 : vector<32x128xf32>, i32 -> vector<32x128xf32>
    %broadcast_in_dim3A_1971 = vector.shape_cast %ne3A_1910 : vector<1x128xi1> to vector<1x128xi1>
    %broadcast_in_dim3A_1972 = vector.broadcast %broadcast_in_dim3A_1971 : vector<1x128xi1> to vector<32x128xi1>
    %select_n3A_1973 = arith.select %broadcast_in_dim3A_1972, %roll3A_1970, %min3A_1967 : vector<32x128xi1>, vector<32x128xf32>
    %roll3A_1974 = arith.constant 120 : i32
    %roll3A_1975 = tpu.dynamic_rotate %select_n3A_1904 by %roll3A_1974 dim 1 : vector<32x128xf32>, i32 -> vector<32x128xf32>
    %min3A_1976 = arith.minimumf %select_n3A_1904, %roll3A_1975 : vector<32x128xf32>
    %max3A_1977 = arith.maximumf %select_n3A_1904, %roll3A_1975 : vector<32x128xf32>
    %roll3A_1978 = arith.constant 8 : i32
    %roll3A_1979 = tpu.dynamic_rotate %max3A_1977 by %roll3A_1978 dim 1 : vector<32x128xf32>, i32 -> vector<32x128xf32>
    %broadcast_in_dim3A_1980 = vector.shape_cast %ne3A_1910 : vector<1x128xi1> to vector<1x128xi1>
    %broadcast_in_dim3A_1981 = vector.broadcast %broadcast_in_dim3A_1980 : vector<1x128xi1> to vector<32x128xi1>
    %select_n3A_1982 = arith.select %broadcast_in_dim3A_1981, %roll3A_1979, %min3A_1976 : vector<32x128xi1>, vector<32x128xf32>
    %and3A_1983 = arith.constant 4 : i32
    %and3A_1984 = vector.broadcast %and3A_1983 : i32 to vector<1x128xi32>
    %and3A_1985 = arith.andi %iota3A, %and3A_1984 : vector<1x128xi32>
    %ne3A_1986 = arith.constant 0 : i32
    %ne3A_1987 = vector.broadcast %ne3A_1986 : i32 to vector<1x128xi32>
    %ne3A_1988 = arith.cmpi ne, %and3A_1985, %ne3A_1987 : vector<1x128xi32>
    %roll3A_1989 = arith.constant 124 : i32
    %roll3A_1990 = tpu.dynamic_rotate %select_n3A_1919 by %roll3A_1989 dim 1 : vector<32x128xf32>, i32 -> vector<32x128xf32>
    %min3A_1991 = arith.minimumf %select_n3A_1919, %roll3A_1990 : vector<32x128xf32>
    %max3A_1992 = arith.maximumf %select_n3A_1919, %roll3A_1990 : vector<32x128xf32>
    %roll3A_1993 = arith.constant 4 : i32
    %roll3A_1994 = tpu.dynamic_rotate %max3A_1992 by %roll3A_1993 dim 1 : vector<32x128xf32>, i32 -> vector<32x128xf32>
    %broadcast_in_dim3A_1995 = vector.shape_cast %ne3A_1988 : vector<1x128xi1> to vector<1x128xi1>
    %broadcast_in_dim3A_1996 = vector.broadcast %broadcast_in_dim3A_1995 : vector<1x128xi1> to vector<32x128xi1>
    %select_n3A_1997 = arith.select %broadcast_in_dim3A_1996, %roll3A_1994, %min3A_1991 : vector<32x128xi1>, vector<32x128xf32>
    %roll3A_1998 = arith.constant 124 : i32
    %roll3A_1999 = tpu.dynamic_rotate %select_n3A_1928 by %roll3A_1998 dim 1 : vector<32x128xf32>, i32 -> vector<32x128xf32>
    %min3A_2000 = arith.minimumf %select_n3A_1928, %roll3A_1999 : vector<32x128xf32>
    %max3A_2001 = arith.maximumf %select_n3A_1928, %roll3A_1999 : vector<32x128xf32>
    %roll3A_2002 = arith.constant 4 : i32
    %roll3A_2003 = tpu.dynamic_rotate %max3A_2001 by %roll3A_2002 dim 1 : vector<32x128xf32>, i32 -> vector<32x128xf32>
    %broadcast_in_dim3A_2004 = vector.shape_cast %ne3A_1988 : vector<1x128xi1> to vector<1x128xi1>
    %broadcast_in_dim3A_2005 = vector.broadcast %broadcast_in_dim3A_2004 : vector<1x128xi1> to vector<32x128xi1>
    %select_n3A_2006 = arith.select %broadcast_in_dim3A_2005, %roll3A_2003, %min3A_2000 : vector<32x128xi1>, vector<32x128xf32>
    %roll3A_2007 = arith.constant 124 : i32
    %roll3A_2008 = tpu.dynamic_rotate %select_n3A_1937 by %roll3A_2007 dim 1 : vector<32x128xf32>, i32 -> vector<32x128xf32>
    %min3A_2009 = arith.minimumf %select_n3A_1937, %roll3A_2008 : vector<32x128xf32>
    %max3A_2010 = arith.maximumf %select_n3A_1937, %roll3A_2008 : vector<32x128xf32>
    %roll3A_2011 = arith.constant 4 : i32
    %roll3A_2012 = tpu.dynamic_rotate %max3A_2010 by %roll3A_2011 dim 1 : vector<32x128xf32>, i32 -> vector<32x128xf32>
    %broadcast_in_dim3A_2013 = vector.shape_cast %ne3A_1988 : vector<1x128xi1> to vector<1x128xi1>
    %broadcast_in_dim3A_2014 = vector.broadcast %broadcast_in_dim3A_2013 : vector<1x128xi1> to vector<32x128xi1>
    %select_n3A_2015 = arith.select %broadcast_in_dim3A_2014, %roll3A_2012, %min3A_2009 : vector<32x128xi1>, vector<32x128xf32>
    %roll3A_2016 = arith.constant 124 : i32
    %roll3A_2017 = tpu.dynamic_rotate %select_n3A_1946 by %roll3A_2016 dim 1 : vector<32x128xf32>, i32 -> vector<32x128xf32>
    %min3A_2018 = arith.minimumf %select_n3A_1946, %roll3A_2017 : vector<32x128xf32>
    %max3A_2019 = arith.maximumf %select_n3A_1946, %roll3A_2017 : vector<32x128xf32>
    %roll3A_2020 = arith.constant 4 : i32
    %roll3A_2021 = tpu.dynamic_rotate %max3A_2019 by %roll3A_2020 dim 1 : vector<32x128xf32>, i32 -> vector<32x128xf32>
    %broadcast_in_dim3A_2022 = vector.shape_cast %ne3A_1988 : vector<1x128xi1> to vector<1x128xi1>
    %broadcast_in_dim3A_2023 = vector.broadcast %broadcast_in_dim3A_2022 : vector<1x128xi1> to vector<32x128xi1>
    %select_n3A_2024 = arith.select %broadcast_in_dim3A_2023, %roll3A_2021, %min3A_2018 : vector<32x128xi1>, vector<32x128xf32>
    %roll3A_2025 = arith.constant 124 : i32
    %roll3A_2026 = tpu.dynamic_rotate %select_n3A_1955 by %roll3A_2025 dim 1 : vector<32x128xf32>, i32 -> vector<32x128xf32>
    %min3A_2027 = arith.minimumf %select_n3A_1955, %roll3A_2026 : vector<32x128xf32>
    %max3A_2028 = arith.maximumf %select_n3A_1955, %roll3A_2026 : vector<32x128xf32>
    %roll3A_2029 = arith.constant 4 : i32
    %roll3A_2030 = tpu.dynamic_rotate %max3A_2028 by %roll3A_2029 dim 1 : vector<32x128xf32>, i32 -> vector<32x128xf32>
    %broadcast_in_dim3A_2031 = vector.shape_cast %ne3A_1988 : vector<1x128xi1> to vector<1x128xi1>
    %broadcast_in_dim3A_2032 = vector.broadcast %broadcast_in_dim3A_2031 : vector<1x128xi1> to vector<32x128xi1>
    %select_n3A_2033 = arith.select %broadcast_in_dim3A_2032, %roll3A_2030, %min3A_2027 : vector<32x128xi1>, vector<32x128xf32>
    %roll3A_2034 = arith.constant 124 : i32
    %roll3A_2035 = tpu.dynamic_rotate %select_n3A_1964 by %roll3A_2034 dim 1 : vector<32x128xf32>, i32 -> vector<32x128xf32>
    %min3A_2036 = arith.minimumf %select_n3A_1964, %roll3A_2035 : vector<32x128xf32>
    %max3A_2037 = arith.maximumf %select_n3A_1964, %roll3A_2035 : vector<32x128xf32>
    %roll3A_2038 = arith.constant 4 : i32
    %roll3A_2039 = tpu.dynamic_rotate %max3A_2037 by %roll3A_2038 dim 1 : vector<32x128xf32>, i32 -> vector<32x128xf32>
    %broadcast_in_dim3A_2040 = vector.shape_cast %ne3A_1988 : vector<1x128xi1> to vector<1x128xi1>
    %broadcast_in_dim3A_2041 = vector.broadcast %broadcast_in_dim3A_2040 : vector<1x128xi1> to vector<32x128xi1>
    %select_n3A_2042 = arith.select %broadcast_in_dim3A_2041, %roll3A_2039, %min3A_2036 : vector<32x128xi1>, vector<32x128xf32>
    %roll3A_2043 = arith.constant 124 : i32
    %roll3A_2044 = tpu.dynamic_rotate %select_n3A_1973 by %roll3A_2043 dim 1 : vector<32x128xf32>, i32 -> vector<32x128xf32>
    %min3A_2045 = arith.minimumf %select_n3A_1973, %roll3A_2044 : vector<32x128xf32>
    %max3A_2046 = arith.maximumf %select_n3A_1973, %roll3A_2044 : vector<32x128xf32>
    %roll3A_2047 = arith.constant 4 : i32
    %roll3A_2048 = tpu.dynamic_rotate %max3A_2046 by %roll3A_2047 dim 1 : vector<32x128xf32>, i32 -> vector<32x128xf32>
    %broadcast_in_dim3A_2049 = vector.shape_cast %ne3A_1988 : vector<1x128xi1> to vector<1x128xi1>
    %broadcast_in_dim3A_2050 = vector.broadcast %broadcast_in_dim3A_2049 : vector<1x128xi1> to vector<32x128xi1>
    %select_n3A_2051 = arith.select %broadcast_in_dim3A_2050, %roll3A_2048, %min3A_2045 : vector<32x128xi1>, vector<32x128xf32>
    %roll3A_2052 = arith.constant 124 : i32
    %roll3A_2053 = tpu.dynamic_rotate %select_n3A_1982 by %roll3A_2052 dim 1 : vector<32x128xf32>, i32 -> vector<32x128xf32>
    %min3A_2054 = arith.minimumf %select_n3A_1982, %roll3A_2053 : vector<32x128xf32>
    %max3A_2055 = arith.maximumf %select_n3A_1982, %roll3A_2053 : vector<32x128xf32>
    %roll3A_2056 = arith.constant 4 : i32
    %roll3A_2057 = tpu.dynamic_rotate %max3A_2055 by %roll3A_2056 dim 1 : vector<32x128xf32>, i32 -> vector<32x128xf32>
    %broadcast_in_dim3A_2058 = vector.shape_cast %ne3A_1988 : vector<1x128xi1> to vector<1x128xi1>
    %broadcast_in_dim3A_2059 = vector.broadcast %broadcast_in_dim3A_2058 : vector<1x128xi1> to vector<32x128xi1>
    %select_n3A_2060 = arith.select %broadcast_in_dim3A_2059, %roll3A_2057, %min3A_2054 : vector<32x128xi1>, vector<32x128xf32>
    %and3A_2061 = arith.constant 2 : i32
    %and3A_2062 = vector.broadcast %and3A_2061 : i32 to vector<1x128xi32>
    %and3A_2063 = arith.andi %iota3A, %and3A_2062 : vector<1x128xi32>
    %ne3A_2064 = arith.constant 0 : i32
    %ne3A_2065 = vector.broadcast %ne3A_2064 : i32 to vector<1x128xi32>
    %ne3A_2066 = arith.cmpi ne, %and3A_2063, %ne3A_2065 : vector<1x128xi32>
    %roll3A_2067 = arith.constant 126 : i32
    %roll3A_2068 = tpu.dynamic_rotate %select_n3A_1997 by %roll3A_2067 dim 1 : vector<32x128xf32>, i32 -> vector<32x128xf32>
    %min3A_2069 = arith.minimumf %select_n3A_1997, %roll3A_2068 : vector<32x128xf32>
    %max3A_2070 = arith.maximumf %select_n3A_1997, %roll3A_2068 : vector<32x128xf32>
    %roll3A_2071 = arith.constant 2 : i32
    %roll3A_2072 = tpu.dynamic_rotate %max3A_2070 by %roll3A_2071 dim 1 : vector<32x128xf32>, i32 -> vector<32x128xf32>
    %broadcast_in_dim3A_2073 = vector.shape_cast %ne3A_2066 : vector<1x128xi1> to vector<1x128xi1>
    %broadcast_in_dim3A_2074 = vector.broadcast %broadcast_in_dim3A_2073 : vector<1x128xi1> to vector<32x128xi1>
    %select_n3A_2075 = arith.select %broadcast_in_dim3A_2074, %roll3A_2072, %min3A_2069 : vector<32x128xi1>, vector<32x128xf32>
    %roll3A_2076 = arith.constant 126 : i32
    %roll3A_2077 = tpu.dynamic_rotate %select_n3A_2006 by %roll3A_2076 dim 1 : vector<32x128xf32>, i32 -> vector<32x128xf32>
    %min3A_2078 = arith.minimumf %select_n3A_2006, %roll3A_2077 : vector<32x128xf32>
    %max3A_2079 = arith.maximumf %select_n3A_2006, %roll3A_2077 : vector<32x128xf32>
    %roll3A_2080 = arith.constant 2 : i32
    %roll3A_2081 = tpu.dynamic_rotate %max3A_2079 by %roll3A_2080 dim 1 : vector<32x128xf32>, i32 -> vector<32x128xf32>
    %broadcast_in_dim3A_2082 = vector.shape_cast %ne3A_2066 : vector<1x128xi1> to vector<1x128xi1>
    %broadcast_in_dim3A_2083 = vector.broadcast %broadcast_in_dim3A_2082 : vector<1x128xi1> to vector<32x128xi1>
    %select_n3A_2084 = arith.select %broadcast_in_dim3A_2083, %roll3A_2081, %min3A_2078 : vector<32x128xi1>, vector<32x128xf32>
    %roll3A_2085 = arith.constant 126 : i32
    %roll3A_2086 = tpu.dynamic_rotate %select_n3A_2015 by %roll3A_2085 dim 1 : vector<32x128xf32>, i32 -> vector<32x128xf32>
    %min3A_2087 = arith.minimumf %select_n3A_2015, %roll3A_2086 : vector<32x128xf32>
    %max3A_2088 = arith.maximumf %select_n3A_2015, %roll3A_2086 : vector<32x128xf32>
    %roll3A_2089 = arith.constant 2 : i32
    %roll3A_2090 = tpu.dynamic_rotate %max3A_2088 by %roll3A_2089 dim 1 : vector<32x128xf32>, i32 -> vector<32x128xf32>
    %broadcast_in_dim3A_2091 = vector.shape_cast %ne3A_2066 : vector<1x128xi1> to vector<1x128xi1>
    %broadcast_in_dim3A_2092 = vector.broadcast %broadcast_in_dim3A_2091 : vector<1x128xi1> to vector<32x128xi1>
    %select_n3A_2093 = arith.select %broadcast_in_dim3A_2092, %roll3A_2090, %min3A_2087 : vector<32x128xi1>, vector<32x128xf32>
    %roll3A_2094 = arith.constant 126 : i32
    %roll3A_2095 = tpu.dynamic_rotate %select_n3A_2024 by %roll3A_2094 dim 1 : vector<32x128xf32>, i32 -> vector<32x128xf32>
    %min3A_2096 = arith.minimumf %select_n3A_2024, %roll3A_2095 : vector<32x128xf32>
    %max3A_2097 = arith.maximumf %select_n3A_2024, %roll3A_2095 : vector<32x128xf32>
    %roll3A_2098 = arith.constant 2 : i32
    %roll3A_2099 = tpu.dynamic_rotate %max3A_2097 by %roll3A_2098 dim 1 : vector<32x128xf32>, i32 -> vector<32x128xf32>
    %broadcast_in_dim3A_2100 = vector.shape_cast %ne3A_2066 : vector<1x128xi1> to vector<1x128xi1>
    %broadcast_in_dim3A_2101 = vector.broadcast %broadcast_in_dim3A_2100 : vector<1x128xi1> to vector<32x128xi1>
    %select_n3A_2102 = arith.select %broadcast_in_dim3A_2101, %roll3A_2099, %min3A_2096 : vector<32x128xi1>, vector<32x128xf32>
    %roll3A_2103 = arith.constant 126 : i32
    %roll3A_2104 = tpu.dynamic_rotate %select_n3A_2033 by %roll3A_2103 dim 1 : vector<32x128xf32>, i32 -> vector<32x128xf32>
    %min3A_2105 = arith.minimumf %select_n3A_2033, %roll3A_2104 : vector<32x128xf32>
    %max3A_2106 = arith.maximumf %select_n3A_2033, %roll3A_2104 : vector<32x128xf32>
    %roll3A_2107 = arith.constant 2 : i32
    %roll3A_2108 = tpu.dynamic_rotate %max3A_2106 by %roll3A_2107 dim 1 : vector<32x128xf32>, i32 -> vector<32x128xf32>
    %broadcast_in_dim3A_2109 = vector.shape_cast %ne3A_2066 : vector<1x128xi1> to vector<1x128xi1>
    %broadcast_in_dim3A_2110 = vector.broadcast %broadcast_in_dim3A_2109 : vector<1x128xi1> to vector<32x128xi1>
    %select_n3A_2111 = arith.select %broadcast_in_dim3A_2110, %roll3A_2108, %min3A_2105 : vector<32x128xi1>, vector<32x128xf32>
    %roll3A_2112 = arith.constant 126 : i32
    %roll3A_2113 = tpu.dynamic_rotate %select_n3A_2042 by %roll3A_2112 dim 1 : vector<32x128xf32>, i32 -> vector<32x128xf32>
    %min3A_2114 = arith.minimumf %select_n3A_2042, %roll3A_2113 : vector<32x128xf32>
    %max3A_2115 = arith.maximumf %select_n3A_2042, %roll3A_2113 : vector<32x128xf32>
    %roll3A_2116 = arith.constant 2 : i32
    %roll3A_2117 = tpu.dynamic_rotate %max3A_2115 by %roll3A_2116 dim 1 : vector<32x128xf32>, i32 -> vector<32x128xf32>
    %broadcast_in_dim3A_2118 = vector.shape_cast %ne3A_2066 : vector<1x128xi1> to vector<1x128xi1>
    %broadcast_in_dim3A_2119 = vector.broadcast %broadcast_in_dim3A_2118 : vector<1x128xi1> to vector<32x128xi1>
    %select_n3A_2120 = arith.select %broadcast_in_dim3A_2119, %roll3A_2117, %min3A_2114 : vector<32x128xi1>, vector<32x128xf32>
    %roll3A_2121 = arith.constant 126 : i32
    %roll3A_2122 = tpu.dynamic_rotate %select_n3A_2051 by %roll3A_2121 dim 1 : vector<32x128xf32>, i32 -> vector<32x128xf32>
    %min3A_2123 = arith.minimumf %select_n3A_2051, %roll3A_2122 : vector<32x128xf32>
    %max3A_2124 = arith.maximumf %select_n3A_2051, %roll3A_2122 : vector<32x128xf32>
    %roll3A_2125 = arith.constant 2 : i32
    %roll3A_2126 = tpu.dynamic_rotate %max3A_2124 by %roll3A_2125 dim 1 : vector<32x128xf32>, i32 -> vector<32x128xf32>
    %broadcast_in_dim3A_2127 = vector.shape_cast %ne3A_2066 : vector<1x128xi1> to vector<1x128xi1>
    %broadcast_in_dim3A_2128 = vector.broadcast %broadcast_in_dim3A_2127 : vector<1x128xi1> to vector<32x128xi1>
    %select_n3A_2129 = arith.select %broadcast_in_dim3A_2128, %roll3A_2126, %min3A_2123 : vector<32x128xi1>, vector<32x128xf32>
    %roll3A_2130 = arith.constant 126 : i32
    %roll3A_2131 = tpu.dynamic_rotate %select_n3A_2060 by %roll3A_2130 dim 1 : vector<32x128xf32>, i32 -> vector<32x128xf32>
    %min3A_2132 = arith.minimumf %select_n3A_2060, %roll3A_2131 : vector<32x128xf32>
    %max3A_2133 = arith.maximumf %select_n3A_2060, %roll3A_2131 : vector<32x128xf32>
    %roll3A_2134 = arith.constant 2 : i32
    %roll3A_2135 = tpu.dynamic_rotate %max3A_2133 by %roll3A_2134 dim 1 : vector<32x128xf32>, i32 -> vector<32x128xf32>
    %broadcast_in_dim3A_2136 = vector.shape_cast %ne3A_2066 : vector<1x128xi1> to vector<1x128xi1>
    %broadcast_in_dim3A_2137 = vector.broadcast %broadcast_in_dim3A_2136 : vector<1x128xi1> to vector<32x128xi1>
    %select_n3A_2138 = arith.select %broadcast_in_dim3A_2137, %roll3A_2135, %min3A_2132 : vector<32x128xi1>, vector<32x128xf32>
    %and3A_2139 = arith.constant 1 : i32
    %and3A_2140 = vector.broadcast %and3A_2139 : i32 to vector<1x128xi32>
    %and3A_2141 = arith.andi %iota3A, %and3A_2140 : vector<1x128xi32>
    %ne3A_2142 = arith.constant 0 : i32
    %ne3A_2143 = vector.broadcast %ne3A_2142 : i32 to vector<1x128xi32>
    %ne3A_2144 = arith.cmpi ne, %and3A_2141, %ne3A_2143 : vector<1x128xi32>
    %roll3A_2145 = arith.constant 127 : i32
    %roll3A_2146 = tpu.dynamic_rotate %select_n3A_2075 by %roll3A_2145 dim 1 : vector<32x128xf32>, i32 -> vector<32x128xf32>
    %min3A_2147 = arith.minimumf %select_n3A_2075, %roll3A_2146 : vector<32x128xf32>
    %max3A_2148 = arith.maximumf %select_n3A_2075, %roll3A_2146 : vector<32x128xf32>
    %roll3A_2149 = arith.constant 1 : i32
    %roll3A_2150 = tpu.dynamic_rotate %max3A_2148 by %roll3A_2149 dim 1 : vector<32x128xf32>, i32 -> vector<32x128xf32>
    %broadcast_in_dim3A_2151 = vector.shape_cast %ne3A_2144 : vector<1x128xi1> to vector<1x128xi1>
    %broadcast_in_dim3A_2152 = vector.broadcast %broadcast_in_dim3A_2151 : vector<1x128xi1> to vector<32x128xi1>
    %select_n3A_2153 = arith.select %broadcast_in_dim3A_2152, %roll3A_2150, %min3A_2147 : vector<32x128xi1>, vector<32x128xf32>
    %roll3A_2154 = arith.constant 127 : i32
    %roll3A_2155 = tpu.dynamic_rotate %select_n3A_2084 by %roll3A_2154 dim 1 : vector<32x128xf32>, i32 -> vector<32x128xf32>
    %min3A_2156 = arith.minimumf %select_n3A_2084, %roll3A_2155 : vector<32x128xf32>
    %max3A_2157 = arith.maximumf %select_n3A_2084, %roll3A_2155 : vector<32x128xf32>
    %roll3A_2158 = arith.constant 1 : i32
    %roll3A_2159 = tpu.dynamic_rotate %max3A_2157 by %roll3A_2158 dim 1 : vector<32x128xf32>, i32 -> vector<32x128xf32>
    %broadcast_in_dim3A_2160 = vector.shape_cast %ne3A_2144 : vector<1x128xi1> to vector<1x128xi1>
    %broadcast_in_dim3A_2161 = vector.broadcast %broadcast_in_dim3A_2160 : vector<1x128xi1> to vector<32x128xi1>
    %select_n3A_2162 = arith.select %broadcast_in_dim3A_2161, %roll3A_2159, %min3A_2156 : vector<32x128xi1>, vector<32x128xf32>
    %roll3A_2163 = arith.constant 127 : i32
    %roll3A_2164 = tpu.dynamic_rotate %select_n3A_2093 by %roll3A_2163 dim 1 : vector<32x128xf32>, i32 -> vector<32x128xf32>
    %min3A_2165 = arith.minimumf %select_n3A_2093, %roll3A_2164 : vector<32x128xf32>
    %max3A_2166 = arith.maximumf %select_n3A_2093, %roll3A_2164 : vector<32x128xf32>
    %roll3A_2167 = arith.constant 1 : i32
    %roll3A_2168 = tpu.dynamic_rotate %max3A_2166 by %roll3A_2167 dim 1 : vector<32x128xf32>, i32 -> vector<32x128xf32>
    %broadcast_in_dim3A_2169 = vector.shape_cast %ne3A_2144 : vector<1x128xi1> to vector<1x128xi1>
    %broadcast_in_dim3A_2170 = vector.broadcast %broadcast_in_dim3A_2169 : vector<1x128xi1> to vector<32x128xi1>
    %select_n3A_2171 = arith.select %broadcast_in_dim3A_2170, %roll3A_2168, %min3A_2165 : vector<32x128xi1>, vector<32x128xf32>
    %roll3A_2172 = arith.constant 127 : i32
    %roll3A_2173 = tpu.dynamic_rotate %select_n3A_2102 by %roll3A_2172 dim 1 : vector<32x128xf32>, i32 -> vector<32x128xf32>
    %min3A_2174 = arith.minimumf %select_n3A_2102, %roll3A_2173 : vector<32x128xf32>
    %max3A_2175 = arith.maximumf %select_n3A_2102, %roll3A_2173 : vector<32x128xf32>
    %roll3A_2176 = arith.constant 1 : i32
    %roll3A_2177 = tpu.dynamic_rotate %max3A_2175 by %roll3A_2176 dim 1 : vector<32x128xf32>, i32 -> vector<32x128xf32>
    %broadcast_in_dim3A_2178 = vector.shape_cast %ne3A_2144 : vector<1x128xi1> to vector<1x128xi1>
    %broadcast_in_dim3A_2179 = vector.broadcast %broadcast_in_dim3A_2178 : vector<1x128xi1> to vector<32x128xi1>
    %select_n3A_2180 = arith.select %broadcast_in_dim3A_2179, %roll3A_2177, %min3A_2174 : vector<32x128xi1>, vector<32x128xf32>
    %roll3A_2181 = arith.constant 127 : i32
    %roll3A_2182 = tpu.dynamic_rotate %select_n3A_2111 by %roll3A_2181 dim 1 : vector<32x128xf32>, i32 -> vector<32x128xf32>
    %min3A_2183 = arith.minimumf %select_n3A_2111, %roll3A_2182 : vector<32x128xf32>
    %max3A_2184 = arith.maximumf %select_n3A_2111, %roll3A_2182 : vector<32x128xf32>
    %roll3A_2185 = arith.constant 1 : i32
    %roll3A_2186 = tpu.dynamic_rotate %max3A_2184 by %roll3A_2185 dim 1 : vector<32x128xf32>, i32 -> vector<32x128xf32>
    %broadcast_in_dim3A_2187 = vector.shape_cast %ne3A_2144 : vector<1x128xi1> to vector<1x128xi1>
    %broadcast_in_dim3A_2188 = vector.broadcast %broadcast_in_dim3A_2187 : vector<1x128xi1> to vector<32x128xi1>
    %select_n3A_2189 = arith.select %broadcast_in_dim3A_2188, %roll3A_2186, %min3A_2183 : vector<32x128xi1>, vector<32x128xf32>
    %roll3A_2190 = arith.constant 127 : i32
    %roll3A_2191 = tpu.dynamic_rotate %select_n3A_2120 by %roll3A_2190 dim 1 : vector<32x128xf32>, i32 -> vector<32x128xf32>
    %min3A_2192 = arith.minimumf %select_n3A_2120, %roll3A_2191 : vector<32x128xf32>
    %max3A_2193 = arith.maximumf %select_n3A_2120, %roll3A_2191 : vector<32x128xf32>
    %roll3A_2194 = arith.constant 1 : i32
    %roll3A_2195 = tpu.dynamic_rotate %max3A_2193 by %roll3A_2194 dim 1 : vector<32x128xf32>, i32 -> vector<32x128xf32>
    %broadcast_in_dim3A_2196 = vector.shape_cast %ne3A_2144 : vector<1x128xi1> to vector<1x128xi1>
    %broadcast_in_dim3A_2197 = vector.broadcast %broadcast_in_dim3A_2196 : vector<1x128xi1> to vector<32x128xi1>
    %select_n3A_2198 = arith.select %broadcast_in_dim3A_2197, %roll3A_2195, %min3A_2192 : vector<32x128xi1>, vector<32x128xf32>
    %roll3A_2199 = arith.constant 127 : i32
    %roll3A_2200 = tpu.dynamic_rotate %select_n3A_2129 by %roll3A_2199 dim 1 : vector<32x128xf32>, i32 -> vector<32x128xf32>
    %min3A_2201 = arith.minimumf %select_n3A_2129, %roll3A_2200 : vector<32x128xf32>
    %max3A_2202 = arith.maximumf %select_n3A_2129, %roll3A_2200 : vector<32x128xf32>
    %roll3A_2203 = arith.constant 1 : i32
    %roll3A_2204 = tpu.dynamic_rotate %max3A_2202 by %roll3A_2203 dim 1 : vector<32x128xf32>, i32 -> vector<32x128xf32>
    %broadcast_in_dim3A_2205 = vector.shape_cast %ne3A_2144 : vector<1x128xi1> to vector<1x128xi1>
    %broadcast_in_dim3A_2206 = vector.broadcast %broadcast_in_dim3A_2205 : vector<1x128xi1> to vector<32x128xi1>
    %select_n3A_2207 = arith.select %broadcast_in_dim3A_2206, %roll3A_2204, %min3A_2201 : vector<32x128xi1>, vector<32x128xf32>
    %roll3A_2208 = arith.constant 127 : i32
    %roll3A_2209 = tpu.dynamic_rotate %select_n3A_2138 by %roll3A_2208 dim 1 : vector<32x128xf32>, i32 -> vector<32x128xf32>
    %min3A_2210 = arith.minimumf %select_n3A_2138, %roll3A_2209 : vector<32x128xf32>
    %max3A_2211 = arith.maximumf %select_n3A_2138, %roll3A_2209 : vector<32x128xf32>
    %roll3A_2212 = arith.constant 1 : i32
    %roll3A_2213 = tpu.dynamic_rotate %max3A_2211 by %roll3A_2212 dim 1 : vector<32x128xf32>, i32 -> vector<32x128xf32>
    %broadcast_in_dim3A_2214 = vector.shape_cast %ne3A_2144 : vector<1x128xi1> to vector<1x128xi1>
    %broadcast_in_dim3A_2215 = vector.broadcast %broadcast_in_dim3A_2214 : vector<1x128xi1> to vector<32x128xi1>
    %select_n3A_2216 = arith.select %broadcast_in_dim3A_2215, %roll3A_2213, %min3A_2210 : vector<32x128xi1>, vector<32x128xf32>
    %min3A_2217 = arith.minimumf %select_n3A_2153, %select_n3A_2189 : vector<32x128xf32>
    %max3A_2218 = arith.maximumf %select_n3A_2153, %select_n3A_2189 : vector<32x128xf32>
    %min3A_2219 = arith.minimumf %select_n3A_2162, %select_n3A_2198 : vector<32x128xf32>
    %max3A_2220 = arith.maximumf %select_n3A_2162, %select_n3A_2198 : vector<32x128xf32>
    %min3A_2221 = arith.minimumf %select_n3A_2171, %select_n3A_2207 : vector<32x128xf32>
    %max3A_2222 = arith.maximumf %select_n3A_2171, %select_n3A_2207 : vector<32x128xf32>
    %min3A_2223 = arith.minimumf %select_n3A_2180, %select_n3A_2216 : vector<32x128xf32>
    %max3A_2224 = arith.maximumf %select_n3A_2180, %select_n3A_2216 : vector<32x128xf32>
    %min3A_2225 = arith.minimumf %min3A_2217, %min3A_2221 : vector<32x128xf32>
    %max3A_2226 = arith.maximumf %min3A_2217, %min3A_2221 : vector<32x128xf32>
    %min3A_2227 = arith.minimumf %min3A_2219, %min3A_2223 : vector<32x128xf32>
    %max3A_2228 = arith.maximumf %min3A_2219, %min3A_2223 : vector<32x128xf32>
    %min3A_2229 = arith.minimumf %max3A_2218, %max3A_2222 : vector<32x128xf32>
    %max3A_2230 = arith.maximumf %max3A_2218, %max3A_2222 : vector<32x128xf32>
    %min3A_2231 = arith.minimumf %max3A_2220, %max3A_2224 : vector<32x128xf32>
    %max3A_2232 = arith.maximumf %max3A_2220, %max3A_2224 : vector<32x128xf32>
    %min3A_2233 = arith.minimumf %min3A_2225, %min3A_2227 : vector<32x128xf32>
    %max3A_2234 = arith.maximumf %min3A_2225, %min3A_2227 : vector<32x128xf32>
    %min3A_2235 = arith.minimumf %max3A_2226, %max3A_2228 : vector<32x128xf32>
    %max3A_2236 = arith.maximumf %max3A_2226, %max3A_2228 : vector<32x128xf32>
    %min3A_2237 = arith.minimumf %min3A_2229, %min3A_2231 : vector<32x128xf32>
    %max3A_2238 = arith.maximumf %min3A_2229, %min3A_2231 : vector<32x128xf32>
    %min3A_2239 = arith.minimumf %max3A_2230, %max3A_2232 : vector<32x128xf32>
    %max3A_2240 = arith.maximumf %max3A_2230, %max3A_2232 : vector<32x128xf32>
    %and3A_2241 = arith.constant 64 : i32
    %and3A_2242 = vector.broadcast %and3A_2241 : i32 to vector<1x128xi32>
    %and3A_2243 = arith.andi %iota3A, %and3A_2242 : vector<1x128xi32>
    %eq3A_2244 = arith.constant 0 : i32
    %eq3A_2245 = vector.broadcast %eq3A_2244 : i32 to vector<1x128xi32>
    %eq3A_2246 = arith.cmpi eq, %and3A_2243, %eq3A_2245 : vector<1x128xi32>
    %jit3A_2247 = arith.constant 1.000000e+00 : f32
    %jit3A_2248 = arith.constant -1.000000e+00 : f32
    %broadcast_in_dim3A_2249 = vector.broadcast %jit3A_2247 : f32 to vector<1x128xf32>
    %broadcast_in_dim3A_2250 = vector.broadcast %jit3A_2248 : f32 to vector<1x128xf32>
    %select_n3A_2251 = arith.select %eq3A_2246, %broadcast_in_dim3A_2249, %broadcast_in_dim3A_2250 : vector<1x128xi1>, vector<1x128xf32>
    %mul3A_2252 = vector.broadcast %select_n3A_2251 : vector<1x128xf32> to vector<32x128xf32>
    %mul3A_2253 = arith.mulf %min3A_2233, %mul3A_2252 : vector<32x128xf32>
    %mul3A_2254 = vector.broadcast %select_n3A_2251 : vector<1x128xf32> to vector<32x128xf32>
    %mul3A_2255 = arith.mulf %max3A_2234, %mul3A_2254 : vector<32x128xf32>
    %mul3A_2256 = vector.broadcast %select_n3A_2251 : vector<1x128xf32> to vector<32x128xf32>
    %mul3A_2257 = arith.mulf %min3A_2235, %mul3A_2256 : vector<32x128xf32>
    %mul3A_2258 = vector.broadcast %select_n3A_2251 : vector<1x128xf32> to vector<32x128xf32>
    %mul3A_2259 = arith.mulf %max3A_2236, %mul3A_2258 : vector<32x128xf32>
    %mul3A_2260 = vector.broadcast %select_n3A_2251 : vector<1x128xf32> to vector<32x128xf32>
    %mul3A_2261 = arith.mulf %min3A_2237, %mul3A_2260 : vector<32x128xf32>
    %mul3A_2262 = vector.broadcast %select_n3A_2251 : vector<1x128xf32> to vector<32x128xf32>
    %mul3A_2263 = arith.mulf %max3A_2238, %mul3A_2262 : vector<32x128xf32>
    %mul3A_2264 = vector.broadcast %select_n3A_2251 : vector<1x128xf32> to vector<32x128xf32>
    %mul3A_2265 = arith.mulf %min3A_2239, %mul3A_2264 : vector<32x128xf32>
    %mul3A_2266 = vector.broadcast %select_n3A_2251 : vector<1x128xf32> to vector<32x128xf32>
    %mul3A_2267 = arith.mulf %max3A_2240, %mul3A_2266 : vector<32x128xf32>
    %and3A_2268 = arith.constant 64 : i32
    %and3A_2269 = vector.broadcast %and3A_2268 : i32 to vector<1x128xi32>
    %and3A_2270 = arith.andi %iota3A, %and3A_2269 : vector<1x128xi32>
    %ne3A_2271 = arith.constant 0 : i32
    %ne3A_2272 = vector.broadcast %ne3A_2271 : i32 to vector<1x128xi32>
    %ne3A_2273 = arith.cmpi ne, %and3A_2270, %ne3A_2272 : vector<1x128xi32>
    %roll3A_2274 = arith.constant 64 : i32
    %roll3A_2275 = tpu.dynamic_rotate %mul3A_2253 by %roll3A_2274 dim 1 : vector<32x128xf32>, i32 -> vector<32x128xf32>
    %min3A_2276 = arith.minimumf %mul3A_2253, %roll3A_2275 : vector<32x128xf32>
    %max3A_2277 = arith.maximumf %mul3A_2253, %roll3A_2275 : vector<32x128xf32>
    %roll3A_2278 = arith.constant 64 : i32
    %roll3A_2279 = tpu.dynamic_rotate %max3A_2277 by %roll3A_2278 dim 1 : vector<32x128xf32>, i32 -> vector<32x128xf32>
    %broadcast_in_dim3A_2280 = vector.shape_cast %ne3A_2273 : vector<1x128xi1> to vector<1x128xi1>
    %broadcast_in_dim3A_2281 = vector.broadcast %broadcast_in_dim3A_2280 : vector<1x128xi1> to vector<32x128xi1>
    %select_n3A_2282 = arith.select %broadcast_in_dim3A_2281, %roll3A_2279, %min3A_2276 : vector<32x128xi1>, vector<32x128xf32>
    %roll3A_2283 = arith.constant 64 : i32
    %roll3A_2284 = tpu.dynamic_rotate %mul3A_2255 by %roll3A_2283 dim 1 : vector<32x128xf32>, i32 -> vector<32x128xf32>
    %min3A_2285 = arith.minimumf %mul3A_2255, %roll3A_2284 : vector<32x128xf32>
    %max3A_2286 = arith.maximumf %mul3A_2255, %roll3A_2284 : vector<32x128xf32>
    %roll3A_2287 = arith.constant 64 : i32
    %roll3A_2288 = tpu.dynamic_rotate %max3A_2286 by %roll3A_2287 dim 1 : vector<32x128xf32>, i32 -> vector<32x128xf32>
    %broadcast_in_dim3A_2289 = vector.shape_cast %ne3A_2273 : vector<1x128xi1> to vector<1x128xi1>
    %broadcast_in_dim3A_2290 = vector.broadcast %broadcast_in_dim3A_2289 : vector<1x128xi1> to vector<32x128xi1>
    %select_n3A_2291 = arith.select %broadcast_in_dim3A_2290, %roll3A_2288, %min3A_2285 : vector<32x128xi1>, vector<32x128xf32>
    %roll3A_2292 = arith.constant 64 : i32
    %roll3A_2293 = tpu.dynamic_rotate %mul3A_2257 by %roll3A_2292 dim 1 : vector<32x128xf32>, i32 -> vector<32x128xf32>
    %min3A_2294 = arith.minimumf %mul3A_2257, %roll3A_2293 : vector<32x128xf32>
    %max3A_2295 = arith.maximumf %mul3A_2257, %roll3A_2293 : vector<32x128xf32>
    %roll3A_2296 = arith.constant 64 : i32
    %roll3A_2297 = tpu.dynamic_rotate %max3A_2295 by %roll3A_2296 dim 1 : vector<32x128xf32>, i32 -> vector<32x128xf32>
    %broadcast_in_dim3A_2298 = vector.shape_cast %ne3A_2273 : vector<1x128xi1> to vector<1x128xi1>
    %broadcast_in_dim3A_2299 = vector.broadcast %broadcast_in_dim3A_2298 : vector<1x128xi1> to vector<32x128xi1>
    %select_n3A_2300 = arith.select %broadcast_in_dim3A_2299, %roll3A_2297, %min3A_2294 : vector<32x128xi1>, vector<32x128xf32>
    %roll3A_2301 = arith.constant 64 : i32
    %roll3A_2302 = tpu.dynamic_rotate %mul3A_2259 by %roll3A_2301 dim 1 : vector<32x128xf32>, i32 -> vector<32x128xf32>
    %min3A_2303 = arith.minimumf %mul3A_2259, %roll3A_2302 : vector<32x128xf32>
    %max3A_2304 = arith.maximumf %mul3A_2259, %roll3A_2302 : vector<32x128xf32>
    %roll3A_2305 = arith.constant 64 : i32
    %roll3A_2306 = tpu.dynamic_rotate %max3A_2304 by %roll3A_2305 dim 1 : vector<32x128xf32>, i32 -> vector<32x128xf32>
    %broadcast_in_dim3A_2307 = vector.shape_cast %ne3A_2273 : vector<1x128xi1> to vector<1x128xi1>
    %broadcast_in_dim3A_2308 = vector.broadcast %broadcast_in_dim3A_2307 : vector<1x128xi1> to vector<32x128xi1>
    %select_n3A_2309 = arith.select %broadcast_in_dim3A_2308, %roll3A_2306, %min3A_2303 : vector<32x128xi1>, vector<32x128xf32>
    %roll3A_2310 = arith.constant 64 : i32
    %roll3A_2311 = tpu.dynamic_rotate %mul3A_2261 by %roll3A_2310 dim 1 : vector<32x128xf32>, i32 -> vector<32x128xf32>
    %min3A_2312 = arith.minimumf %mul3A_2261, %roll3A_2311 : vector<32x128xf32>
    %max3A_2313 = arith.maximumf %mul3A_2261, %roll3A_2311 : vector<32x128xf32>
    %roll3A_2314 = arith.constant 64 : i32
    %roll3A_2315 = tpu.dynamic_rotate %max3A_2313 by %roll3A_2314 dim 1 : vector<32x128xf32>, i32 -> vector<32x128xf32>
    %broadcast_in_dim3A_2316 = vector.shape_cast %ne3A_2273 : vector<1x128xi1> to vector<1x128xi1>
    %broadcast_in_dim3A_2317 = vector.broadcast %broadcast_in_dim3A_2316 : vector<1x128xi1> to vector<32x128xi1>
    %select_n3A_2318 = arith.select %broadcast_in_dim3A_2317, %roll3A_2315, %min3A_2312 : vector<32x128xi1>, vector<32x128xf32>
    %roll3A_2319 = arith.constant 64 : i32
    %roll3A_2320 = tpu.dynamic_rotate %mul3A_2263 by %roll3A_2319 dim 1 : vector<32x128xf32>, i32 -> vector<32x128xf32>
    %min3A_2321 = arith.minimumf %mul3A_2263, %roll3A_2320 : vector<32x128xf32>
    %max3A_2322 = arith.maximumf %mul3A_2263, %roll3A_2320 : vector<32x128xf32>
    %roll3A_2323 = arith.constant 64 : i32
    %roll3A_2324 = tpu.dynamic_rotate %max3A_2322 by %roll3A_2323 dim 1 : vector<32x128xf32>, i32 -> vector<32x128xf32>
    %broadcast_in_dim3A_2325 = vector.shape_cast %ne3A_2273 : vector<1x128xi1> to vector<1x128xi1>
    %broadcast_in_dim3A_2326 = vector.broadcast %broadcast_in_dim3A_2325 : vector<1x128xi1> to vector<32x128xi1>
    %select_n3A_2327 = arith.select %broadcast_in_dim3A_2326, %roll3A_2324, %min3A_2321 : vector<32x128xi1>, vector<32x128xf32>
    %roll3A_2328 = arith.constant 64 : i32
    %roll3A_2329 = tpu.dynamic_rotate %mul3A_2265 by %roll3A_2328 dim 1 : vector<32x128xf32>, i32 -> vector<32x128xf32>
    %min3A_2330 = arith.minimumf %mul3A_2265, %roll3A_2329 : vector<32x128xf32>
    %max3A_2331 = arith.maximumf %mul3A_2265, %roll3A_2329 : vector<32x128xf32>
    %roll3A_2332 = arith.constant 64 : i32
    %roll3A_2333 = tpu.dynamic_rotate %max3A_2331 by %roll3A_2332 dim 1 : vector<32x128xf32>, i32 -> vector<32x128xf32>
    %broadcast_in_dim3A_2334 = vector.shape_cast %ne3A_2273 : vector<1x128xi1> to vector<1x128xi1>
    %broadcast_in_dim3A_2335 = vector.broadcast %broadcast_in_dim3A_2334 : vector<1x128xi1> to vector<32x128xi1>
    %select_n3A_2336 = arith.select %broadcast_in_dim3A_2335, %roll3A_2333, %min3A_2330 : vector<32x128xi1>, vector<32x128xf32>
    %roll3A_2337 = arith.constant 64 : i32
    %roll3A_2338 = tpu.dynamic_rotate %mul3A_2267 by %roll3A_2337 dim 1 : vector<32x128xf32>, i32 -> vector<32x128xf32>
    %min3A_2339 = arith.minimumf %mul3A_2267, %roll3A_2338 : vector<32x128xf32>
    %max3A_2340 = arith.maximumf %mul3A_2267, %roll3A_2338 : vector<32x128xf32>
    %roll3A_2341 = arith.constant 64 : i32
    %roll3A_2342 = tpu.dynamic_rotate %max3A_2340 by %roll3A_2341 dim 1 : vector<32x128xf32>, i32 -> vector<32x128xf32>
    %broadcast_in_dim3A_2343 = vector.shape_cast %ne3A_2273 : vector<1x128xi1> to vector<1x128xi1>
    %broadcast_in_dim3A_2344 = vector.broadcast %broadcast_in_dim3A_2343 : vector<1x128xi1> to vector<32x128xi1>
    %select_n3A_2345 = arith.select %broadcast_in_dim3A_2344, %roll3A_2342, %min3A_2339 : vector<32x128xi1>, vector<32x128xf32>
    %and3A_2346 = arith.constant 32 : i32
    %and3A_2347 = vector.broadcast %and3A_2346 : i32 to vector<1x128xi32>
    %and3A_2348 = arith.andi %iota3A, %and3A_2347 : vector<1x128xi32>
    %ne3A_2349 = arith.constant 0 : i32
    %ne3A_2350 = vector.broadcast %ne3A_2349 : i32 to vector<1x128xi32>
    %ne3A_2351 = arith.cmpi ne, %and3A_2348, %ne3A_2350 : vector<1x128xi32>
    %roll3A_2352 = arith.constant 96 : i32
    %roll3A_2353 = tpu.dynamic_rotate %select_n3A_2282 by %roll3A_2352 dim 1 : vector<32x128xf32>, i32 -> vector<32x128xf32>
    %min3A_2354 = arith.minimumf %select_n3A_2282, %roll3A_2353 : vector<32x128xf32>
    %max3A_2355 = arith.maximumf %select_n3A_2282, %roll3A_2353 : vector<32x128xf32>
    %roll3A_2356 = arith.constant 32 : i32
    %roll3A_2357 = tpu.dynamic_rotate %max3A_2355 by %roll3A_2356 dim 1 : vector<32x128xf32>, i32 -> vector<32x128xf32>
    %broadcast_in_dim3A_2358 = vector.shape_cast %ne3A_2351 : vector<1x128xi1> to vector<1x128xi1>
    %broadcast_in_dim3A_2359 = vector.broadcast %broadcast_in_dim3A_2358 : vector<1x128xi1> to vector<32x128xi1>
    %select_n3A_2360 = arith.select %broadcast_in_dim3A_2359, %roll3A_2357, %min3A_2354 : vector<32x128xi1>, vector<32x128xf32>
    %roll3A_2361 = arith.constant 96 : i32
    %roll3A_2362 = tpu.dynamic_rotate %select_n3A_2291 by %roll3A_2361 dim 1 : vector<32x128xf32>, i32 -> vector<32x128xf32>
    %min3A_2363 = arith.minimumf %select_n3A_2291, %roll3A_2362 : vector<32x128xf32>
    %max3A_2364 = arith.maximumf %select_n3A_2291, %roll3A_2362 : vector<32x128xf32>
    %roll3A_2365 = arith.constant 32 : i32
    %roll3A_2366 = tpu.dynamic_rotate %max3A_2364 by %roll3A_2365 dim 1 : vector<32x128xf32>, i32 -> vector<32x128xf32>
    %broadcast_in_dim3A_2367 = vector.shape_cast %ne3A_2351 : vector<1x128xi1> to vector<1x128xi1>
    %broadcast_in_dim3A_2368 = vector.broadcast %broadcast_in_dim3A_2367 : vector<1x128xi1> to vector<32x128xi1>
    %select_n3A_2369 = arith.select %broadcast_in_dim3A_2368, %roll3A_2366, %min3A_2363 : vector<32x128xi1>, vector<32x128xf32>
    %roll3A_2370 = arith.constant 96 : i32
    %roll3A_2371 = tpu.dynamic_rotate %select_n3A_2300 by %roll3A_2370 dim 1 : vector<32x128xf32>, i32 -> vector<32x128xf32>
    %min3A_2372 = arith.minimumf %select_n3A_2300, %roll3A_2371 : vector<32x128xf32>
    %max3A_2373 = arith.maximumf %select_n3A_2300, %roll3A_2371 : vector<32x128xf32>
    %roll3A_2374 = arith.constant 32 : i32
    %roll3A_2375 = tpu.dynamic_rotate %max3A_2373 by %roll3A_2374 dim 1 : vector<32x128xf32>, i32 -> vector<32x128xf32>
    %broadcast_in_dim3A_2376 = vector.shape_cast %ne3A_2351 : vector<1x128xi1> to vector<1x128xi1>
    %broadcast_in_dim3A_2377 = vector.broadcast %broadcast_in_dim3A_2376 : vector<1x128xi1> to vector<32x128xi1>
    %select_n3A_2378 = arith.select %broadcast_in_dim3A_2377, %roll3A_2375, %min3A_2372 : vector<32x128xi1>, vector<32x128xf32>
    %roll3A_2379 = arith.constant 96 : i32
    %roll3A_2380 = tpu.dynamic_rotate %select_n3A_2309 by %roll3A_2379 dim 1 : vector<32x128xf32>, i32 -> vector<32x128xf32>
    %min3A_2381 = arith.minimumf %select_n3A_2309, %roll3A_2380 : vector<32x128xf32>
    %max3A_2382 = arith.maximumf %select_n3A_2309, %roll3A_2380 : vector<32x128xf32>
    %roll3A_2383 = arith.constant 32 : i32
    %roll3A_2384 = tpu.dynamic_rotate %max3A_2382 by %roll3A_2383 dim 1 : vector<32x128xf32>, i32 -> vector<32x128xf32>
    %broadcast_in_dim3A_2385 = vector.shape_cast %ne3A_2351 : vector<1x128xi1> to vector<1x128xi1>
    %broadcast_in_dim3A_2386 = vector.broadcast %broadcast_in_dim3A_2385 : vector<1x128xi1> to vector<32x128xi1>
    %select_n3A_2387 = arith.select %broadcast_in_dim3A_2386, %roll3A_2384, %min3A_2381 : vector<32x128xi1>, vector<32x128xf32>
    %roll3A_2388 = arith.constant 96 : i32
    %roll3A_2389 = tpu.dynamic_rotate %select_n3A_2318 by %roll3A_2388 dim 1 : vector<32x128xf32>, i32 -> vector<32x128xf32>
    %min3A_2390 = arith.minimumf %select_n3A_2318, %roll3A_2389 : vector<32x128xf32>
    %max3A_2391 = arith.maximumf %select_n3A_2318, %roll3A_2389 : vector<32x128xf32>
    %roll3A_2392 = arith.constant 32 : i32
    %roll3A_2393 = tpu.dynamic_rotate %max3A_2391 by %roll3A_2392 dim 1 : vector<32x128xf32>, i32 -> vector<32x128xf32>
    %broadcast_in_dim3A_2394 = vector.shape_cast %ne3A_2351 : vector<1x128xi1> to vector<1x128xi1>
    %broadcast_in_dim3A_2395 = vector.broadcast %broadcast_in_dim3A_2394 : vector<1x128xi1> to vector<32x128xi1>
    %select_n3A_2396 = arith.select %broadcast_in_dim3A_2395, %roll3A_2393, %min3A_2390 : vector<32x128xi1>, vector<32x128xf32>
    %roll3A_2397 = arith.constant 96 : i32
    %roll3A_2398 = tpu.dynamic_rotate %select_n3A_2327 by %roll3A_2397 dim 1 : vector<32x128xf32>, i32 -> vector<32x128xf32>
    %min3A_2399 = arith.minimumf %select_n3A_2327, %roll3A_2398 : vector<32x128xf32>
    %max3A_2400 = arith.maximumf %select_n3A_2327, %roll3A_2398 : vector<32x128xf32>
    %roll3A_2401 = arith.constant 32 : i32
    %roll3A_2402 = tpu.dynamic_rotate %max3A_2400 by %roll3A_2401 dim 1 : vector<32x128xf32>, i32 -> vector<32x128xf32>
    %broadcast_in_dim3A_2403 = vector.shape_cast %ne3A_2351 : vector<1x128xi1> to vector<1x128xi1>
    %broadcast_in_dim3A_2404 = vector.broadcast %broadcast_in_dim3A_2403 : vector<1x128xi1> to vector<32x128xi1>
    %select_n3A_2405 = arith.select %broadcast_in_dim3A_2404, %roll3A_2402, %min3A_2399 : vector<32x128xi1>, vector<32x128xf32>
    %roll3A_2406 = arith.constant 96 : i32
    %roll3A_2407 = tpu.dynamic_rotate %select_n3A_2336 by %roll3A_2406 dim 1 : vector<32x128xf32>, i32 -> vector<32x128xf32>
    %min3A_2408 = arith.minimumf %select_n3A_2336, %roll3A_2407 : vector<32x128xf32>
    %max3A_2409 = arith.maximumf %select_n3A_2336, %roll3A_2407 : vector<32x128xf32>
    %roll3A_2410 = arith.constant 32 : i32
    %roll3A_2411 = tpu.dynamic_rotate %max3A_2409 by %roll3A_2410 dim 1 : vector<32x128xf32>, i32 -> vector<32x128xf32>
    %broadcast_in_dim3A_2412 = vector.shape_cast %ne3A_2351 : vector<1x128xi1> to vector<1x128xi1>
    %broadcast_in_dim3A_2413 = vector.broadcast %broadcast_in_dim3A_2412 : vector<1x128xi1> to vector<32x128xi1>
    %select_n3A_2414 = arith.select %broadcast_in_dim3A_2413, %roll3A_2411, %min3A_2408 : vector<32x128xi1>, vector<32x128xf32>
    %roll3A_2415 = arith.constant 96 : i32
    %roll3A_2416 = tpu.dynamic_rotate %select_n3A_2345 by %roll3A_2415 dim 1 : vector<32x128xf32>, i32 -> vector<32x128xf32>
    %min3A_2417 = arith.minimumf %select_n3A_2345, %roll3A_2416 : vector<32x128xf32>
    %max3A_2418 = arith.maximumf %select_n3A_2345, %roll3A_2416 : vector<32x128xf32>
    %roll3A_2419 = arith.constant 32 : i32
    %roll3A_2420 = tpu.dynamic_rotate %max3A_2418 by %roll3A_2419 dim 1 : vector<32x128xf32>, i32 -> vector<32x128xf32>
    %broadcast_in_dim3A_2421 = vector.shape_cast %ne3A_2351 : vector<1x128xi1> to vector<1x128xi1>
    %broadcast_in_dim3A_2422 = vector.broadcast %broadcast_in_dim3A_2421 : vector<1x128xi1> to vector<32x128xi1>
    %select_n3A_2423 = arith.select %broadcast_in_dim3A_2422, %roll3A_2420, %min3A_2417 : vector<32x128xi1>, vector<32x128xf32>
    %and3A_2424 = arith.constant 16 : i32
    %and3A_2425 = vector.broadcast %and3A_2424 : i32 to vector<1x128xi32>
    %and3A_2426 = arith.andi %iota3A, %and3A_2425 : vector<1x128xi32>
    %ne3A_2427 = arith.constant 0 : i32
    %ne3A_2428 = vector.broadcast %ne3A_2427 : i32 to vector<1x128xi32>
    %ne3A_2429 = arith.cmpi ne, %and3A_2426, %ne3A_2428 : vector<1x128xi32>
    %roll3A_2430 = arith.constant 112 : i32
    %roll3A_2431 = tpu.dynamic_rotate %select_n3A_2360 by %roll3A_2430 dim 1 : vector<32x128xf32>, i32 -> vector<32x128xf32>
    %min3A_2432 = arith.minimumf %select_n3A_2360, %roll3A_2431 : vector<32x128xf32>
    %max3A_2433 = arith.maximumf %select_n3A_2360, %roll3A_2431 : vector<32x128xf32>
    %roll3A_2434 = arith.constant 16 : i32
    %roll3A_2435 = tpu.dynamic_rotate %max3A_2433 by %roll3A_2434 dim 1 : vector<32x128xf32>, i32 -> vector<32x128xf32>
    %broadcast_in_dim3A_2436 = vector.shape_cast %ne3A_2429 : vector<1x128xi1> to vector<1x128xi1>
    %broadcast_in_dim3A_2437 = vector.broadcast %broadcast_in_dim3A_2436 : vector<1x128xi1> to vector<32x128xi1>
    %select_n3A_2438 = arith.select %broadcast_in_dim3A_2437, %roll3A_2435, %min3A_2432 : vector<32x128xi1>, vector<32x128xf32>
    %roll3A_2439 = arith.constant 112 : i32
    %roll3A_2440 = tpu.dynamic_rotate %select_n3A_2369 by %roll3A_2439 dim 1 : vector<32x128xf32>, i32 -> vector<32x128xf32>
    %min3A_2441 = arith.minimumf %select_n3A_2369, %roll3A_2440 : vector<32x128xf32>
    %max3A_2442 = arith.maximumf %select_n3A_2369, %roll3A_2440 : vector<32x128xf32>
    %roll3A_2443 = arith.constant 16 : i32
    %roll3A_2444 = tpu.dynamic_rotate %max3A_2442 by %roll3A_2443 dim 1 : vector<32x128xf32>, i32 -> vector<32x128xf32>
    %broadcast_in_dim3A_2445 = vector.shape_cast %ne3A_2429 : vector<1x128xi1> to vector<1x128xi1>
    %broadcast_in_dim3A_2446 = vector.broadcast %broadcast_in_dim3A_2445 : vector<1x128xi1> to vector<32x128xi1>
    %select_n3A_2447 = arith.select %broadcast_in_dim3A_2446, %roll3A_2444, %min3A_2441 : vector<32x128xi1>, vector<32x128xf32>
    %roll3A_2448 = arith.constant 112 : i32
    %roll3A_2449 = tpu.dynamic_rotate %select_n3A_2378 by %roll3A_2448 dim 1 : vector<32x128xf32>, i32 -> vector<32x128xf32>
    %min3A_2450 = arith.minimumf %select_n3A_2378, %roll3A_2449 : vector<32x128xf32>
    %max3A_2451 = arith.maximumf %select_n3A_2378, %roll3A_2449 : vector<32x128xf32>
    %roll3A_2452 = arith.constant 16 : i32
    %roll3A_2453 = tpu.dynamic_rotate %max3A_2451 by %roll3A_2452 dim 1 : vector<32x128xf32>, i32 -> vector<32x128xf32>
    %broadcast_in_dim3A_2454 = vector.shape_cast %ne3A_2429 : vector<1x128xi1> to vector<1x128xi1>
    %broadcast_in_dim3A_2455 = vector.broadcast %broadcast_in_dim3A_2454 : vector<1x128xi1> to vector<32x128xi1>
    %select_n3A_2456 = arith.select %broadcast_in_dim3A_2455, %roll3A_2453, %min3A_2450 : vector<32x128xi1>, vector<32x128xf32>
    %roll3A_2457 = arith.constant 112 : i32
    %roll3A_2458 = tpu.dynamic_rotate %select_n3A_2387 by %roll3A_2457 dim 1 : vector<32x128xf32>, i32 -> vector<32x128xf32>
    %min3A_2459 = arith.minimumf %select_n3A_2387, %roll3A_2458 : vector<32x128xf32>
    %max3A_2460 = arith.maximumf %select_n3A_2387, %roll3A_2458 : vector<32x128xf32>
    %roll3A_2461 = arith.constant 16 : i32
    %roll3A_2462 = tpu.dynamic_rotate %max3A_2460 by %roll3A_2461 dim 1 : vector<32x128xf32>, i32 -> vector<32x128xf32>
    %broadcast_in_dim3A_2463 = vector.shape_cast %ne3A_2429 : vector<1x128xi1> to vector<1x128xi1>
    %broadcast_in_dim3A_2464 = vector.broadcast %broadcast_in_dim3A_2463 : vector<1x128xi1> to vector<32x128xi1>
    %select_n3A_2465 = arith.select %broadcast_in_dim3A_2464, %roll3A_2462, %min3A_2459 : vector<32x128xi1>, vector<32x128xf32>
    %roll3A_2466 = arith.constant 112 : i32
    %roll3A_2467 = tpu.dynamic_rotate %select_n3A_2396 by %roll3A_2466 dim 1 : vector<32x128xf32>, i32 -> vector<32x128xf32>
    %min3A_2468 = arith.minimumf %select_n3A_2396, %roll3A_2467 : vector<32x128xf32>
    %max3A_2469 = arith.maximumf %select_n3A_2396, %roll3A_2467 : vector<32x128xf32>
    %roll3A_2470 = arith.constant 16 : i32
    %roll3A_2471 = tpu.dynamic_rotate %max3A_2469 by %roll3A_2470 dim 1 : vector<32x128xf32>, i32 -> vector<32x128xf32>
    %broadcast_in_dim3A_2472 = vector.shape_cast %ne3A_2429 : vector<1x128xi1> to vector<1x128xi1>
    %broadcast_in_dim3A_2473 = vector.broadcast %broadcast_in_dim3A_2472 : vector<1x128xi1> to vector<32x128xi1>
    %select_n3A_2474 = arith.select %broadcast_in_dim3A_2473, %roll3A_2471, %min3A_2468 : vector<32x128xi1>, vector<32x128xf32>
    %roll3A_2475 = arith.constant 112 : i32
    %roll3A_2476 = tpu.dynamic_rotate %select_n3A_2405 by %roll3A_2475 dim 1 : vector<32x128xf32>, i32 -> vector<32x128xf32>
    %min3A_2477 = arith.minimumf %select_n3A_2405, %roll3A_2476 : vector<32x128xf32>
    %max3A_2478 = arith.maximumf %select_n3A_2405, %roll3A_2476 : vector<32x128xf32>
    %roll3A_2479 = arith.constant 16 : i32
    %roll3A_2480 = tpu.dynamic_rotate %max3A_2478 by %roll3A_2479 dim 1 : vector<32x128xf32>, i32 -> vector<32x128xf32>
    %broadcast_in_dim3A_2481 = vector.shape_cast %ne3A_2429 : vector<1x128xi1> to vector<1x128xi1>
    %broadcast_in_dim3A_2482 = vector.broadcast %broadcast_in_dim3A_2481 : vector<1x128xi1> to vector<32x128xi1>
    %select_n3A_2483 = arith.select %broadcast_in_dim3A_2482, %roll3A_2480, %min3A_2477 : vector<32x128xi1>, vector<32x128xf32>
    %roll3A_2484 = arith.constant 112 : i32
    %roll3A_2485 = tpu.dynamic_rotate %select_n3A_2414 by %roll3A_2484 dim 1 : vector<32x128xf32>, i32 -> vector<32x128xf32>
    %min3A_2486 = arith.minimumf %select_n3A_2414, %roll3A_2485 : vector<32x128xf32>
    %max3A_2487 = arith.maximumf %select_n3A_2414, %roll3A_2485 : vector<32x128xf32>
    %roll3A_2488 = arith.constant 16 : i32
    %roll3A_2489 = tpu.dynamic_rotate %max3A_2487 by %roll3A_2488 dim 1 : vector<32x128xf32>, i32 -> vector<32x128xf32>
    %broadcast_in_dim3A_2490 = vector.shape_cast %ne3A_2429 : vector<1x128xi1> to vector<1x128xi1>
    %broadcast_in_dim3A_2491 = vector.broadcast %broadcast_in_dim3A_2490 : vector<1x128xi1> to vector<32x128xi1>
    %select_n3A_2492 = arith.select %broadcast_in_dim3A_2491, %roll3A_2489, %min3A_2486 : vector<32x128xi1>, vector<32x128xf32>
    %roll3A_2493 = arith.constant 112 : i32
    %roll3A_2494 = tpu.dynamic_rotate %select_n3A_2423 by %roll3A_2493 dim 1 : vector<32x128xf32>, i32 -> vector<32x128xf32>
    %min3A_2495 = arith.minimumf %select_n3A_2423, %roll3A_2494 : vector<32x128xf32>
    %max3A_2496 = arith.maximumf %select_n3A_2423, %roll3A_2494 : vector<32x128xf32>
    %roll3A_2497 = arith.constant 16 : i32
    %roll3A_2498 = tpu.dynamic_rotate %max3A_2496 by %roll3A_2497 dim 1 : vector<32x128xf32>, i32 -> vector<32x128xf32>
    %broadcast_in_dim3A_2499 = vector.shape_cast %ne3A_2429 : vector<1x128xi1> to vector<1x128xi1>
    %broadcast_in_dim3A_2500 = vector.broadcast %broadcast_in_dim3A_2499 : vector<1x128xi1> to vector<32x128xi1>
    %select_n3A_2501 = arith.select %broadcast_in_dim3A_2500, %roll3A_2498, %min3A_2495 : vector<32x128xi1>, vector<32x128xf32>
    %and3A_2502 = arith.constant 8 : i32
    %and3A_2503 = vector.broadcast %and3A_2502 : i32 to vector<1x128xi32>
    %and3A_2504 = arith.andi %iota3A, %and3A_2503 : vector<1x128xi32>
    %ne3A_2505 = arith.constant 0 : i32
    %ne3A_2506 = vector.broadcast %ne3A_2505 : i32 to vector<1x128xi32>
    %ne3A_2507 = arith.cmpi ne, %and3A_2504, %ne3A_2506 : vector<1x128xi32>
    %roll3A_2508 = arith.constant 120 : i32
    %roll3A_2509 = tpu.dynamic_rotate %select_n3A_2438 by %roll3A_2508 dim 1 : vector<32x128xf32>, i32 -> vector<32x128xf32>
    %min3A_2510 = arith.minimumf %select_n3A_2438, %roll3A_2509 : vector<32x128xf32>
    %max3A_2511 = arith.maximumf %select_n3A_2438, %roll3A_2509 : vector<32x128xf32>
    %roll3A_2512 = arith.constant 8 : i32
    %roll3A_2513 = tpu.dynamic_rotate %max3A_2511 by %roll3A_2512 dim 1 : vector<32x128xf32>, i32 -> vector<32x128xf32>
    %broadcast_in_dim3A_2514 = vector.shape_cast %ne3A_2507 : vector<1x128xi1> to vector<1x128xi1>
    %broadcast_in_dim3A_2515 = vector.broadcast %broadcast_in_dim3A_2514 : vector<1x128xi1> to vector<32x128xi1>
    %select_n3A_2516 = arith.select %broadcast_in_dim3A_2515, %roll3A_2513, %min3A_2510 : vector<32x128xi1>, vector<32x128xf32>
    %roll3A_2517 = arith.constant 120 : i32
    %roll3A_2518 = tpu.dynamic_rotate %select_n3A_2447 by %roll3A_2517 dim 1 : vector<32x128xf32>, i32 -> vector<32x128xf32>
    %min3A_2519 = arith.minimumf %select_n3A_2447, %roll3A_2518 : vector<32x128xf32>
    %max3A_2520 = arith.maximumf %select_n3A_2447, %roll3A_2518 : vector<32x128xf32>
    %roll3A_2521 = arith.constant 8 : i32
    %roll3A_2522 = tpu.dynamic_rotate %max3A_2520 by %roll3A_2521 dim 1 : vector<32x128xf32>, i32 -> vector<32x128xf32>
    %broadcast_in_dim3A_2523 = vector.shape_cast %ne3A_2507 : vector<1x128xi1> to vector<1x128xi1>
    %broadcast_in_dim3A_2524 = vector.broadcast %broadcast_in_dim3A_2523 : vector<1x128xi1> to vector<32x128xi1>
    %select_n3A_2525 = arith.select %broadcast_in_dim3A_2524, %roll3A_2522, %min3A_2519 : vector<32x128xi1>, vector<32x128xf32>
    %roll3A_2526 = arith.constant 120 : i32
    %roll3A_2527 = tpu.dynamic_rotate %select_n3A_2456 by %roll3A_2526 dim 1 : vector<32x128xf32>, i32 -> vector<32x128xf32>
    %min3A_2528 = arith.minimumf %select_n3A_2456, %roll3A_2527 : vector<32x128xf32>
    %max3A_2529 = arith.maximumf %select_n3A_2456, %roll3A_2527 : vector<32x128xf32>
    %roll3A_2530 = arith.constant 8 : i32
    %roll3A_2531 = tpu.dynamic_rotate %max3A_2529 by %roll3A_2530 dim 1 : vector<32x128xf32>, i32 -> vector<32x128xf32>
    %broadcast_in_dim3A_2532 = vector.shape_cast %ne3A_2507 : vector<1x128xi1> to vector<1x128xi1>
    %broadcast_in_dim3A_2533 = vector.broadcast %broadcast_in_dim3A_2532 : vector<1x128xi1> to vector<32x128xi1>
    %select_n3A_2534 = arith.select %broadcast_in_dim3A_2533, %roll3A_2531, %min3A_2528 : vector<32x128xi1>, vector<32x128xf32>
    %roll3A_2535 = arith.constant 120 : i32
    %roll3A_2536 = tpu.dynamic_rotate %select_n3A_2465 by %roll3A_2535 dim 1 : vector<32x128xf32>, i32 -> vector<32x128xf32>
    %min3A_2537 = arith.minimumf %select_n3A_2465, %roll3A_2536 : vector<32x128xf32>
    %max3A_2538 = arith.maximumf %select_n3A_2465, %roll3A_2536 : vector<32x128xf32>
    %roll3A_2539 = arith.constant 8 : i32
    %roll3A_2540 = tpu.dynamic_rotate %max3A_2538 by %roll3A_2539 dim 1 : vector<32x128xf32>, i32 -> vector<32x128xf32>
    %broadcast_in_dim3A_2541 = vector.shape_cast %ne3A_2507 : vector<1x128xi1> to vector<1x128xi1>
    %broadcast_in_dim3A_2542 = vector.broadcast %broadcast_in_dim3A_2541 : vector<1x128xi1> to vector<32x128xi1>
    %select_n3A_2543 = arith.select %broadcast_in_dim3A_2542, %roll3A_2540, %min3A_2537 : vector<32x128xi1>, vector<32x128xf32>
    %roll3A_2544 = arith.constant 120 : i32
    %roll3A_2545 = tpu.dynamic_rotate %select_n3A_2474 by %roll3A_2544 dim 1 : vector<32x128xf32>, i32 -> vector<32x128xf32>
    %min3A_2546 = arith.minimumf %select_n3A_2474, %roll3A_2545 : vector<32x128xf32>
    %max3A_2547 = arith.maximumf %select_n3A_2474, %roll3A_2545 : vector<32x128xf32>
    %roll3A_2548 = arith.constant 8 : i32
    %roll3A_2549 = tpu.dynamic_rotate %max3A_2547 by %roll3A_2548 dim 1 : vector<32x128xf32>, i32 -> vector<32x128xf32>
    %broadcast_in_dim3A_2550 = vector.shape_cast %ne3A_2507 : vector<1x128xi1> to vector<1x128xi1>
    %broadcast_in_dim3A_2551 = vector.broadcast %broadcast_in_dim3A_2550 : vector<1x128xi1> to vector<32x128xi1>
    %select_n3A_2552 = arith.select %broadcast_in_dim3A_2551, %roll3A_2549, %min3A_2546 : vector<32x128xi1>, vector<32x128xf32>
    %roll3A_2553 = arith.constant 120 : i32
    %roll3A_2554 = tpu.dynamic_rotate %select_n3A_2483 by %roll3A_2553 dim 1 : vector<32x128xf32>, i32 -> vector<32x128xf32>
    %min3A_2555 = arith.minimumf %select_n3A_2483, %roll3A_2554 : vector<32x128xf32>
    %max3A_2556 = arith.maximumf %select_n3A_2483, %roll3A_2554 : vector<32x128xf32>
    %roll3A_2557 = arith.constant 8 : i32
    %roll3A_2558 = tpu.dynamic_rotate %max3A_2556 by %roll3A_2557 dim 1 : vector<32x128xf32>, i32 -> vector<32x128xf32>
    %broadcast_in_dim3A_2559 = vector.shape_cast %ne3A_2507 : vector<1x128xi1> to vector<1x128xi1>
    %broadcast_in_dim3A_2560 = vector.broadcast %broadcast_in_dim3A_2559 : vector<1x128xi1> to vector<32x128xi1>
    %select_n3A_2561 = arith.select %broadcast_in_dim3A_2560, %roll3A_2558, %min3A_2555 : vector<32x128xi1>, vector<32x128xf32>
    %roll3A_2562 = arith.constant 120 : i32
    %roll3A_2563 = tpu.dynamic_rotate %select_n3A_2492 by %roll3A_2562 dim 1 : vector<32x128xf32>, i32 -> vector<32x128xf32>
    %min3A_2564 = arith.minimumf %select_n3A_2492, %roll3A_2563 : vector<32x128xf32>
    %max3A_2565 = arith.maximumf %select_n3A_2492, %roll3A_2563 : vector<32x128xf32>
    %roll3A_2566 = arith.constant 8 : i32
    %roll3A_2567 = tpu.dynamic_rotate %max3A_2565 by %roll3A_2566 dim 1 : vector<32x128xf32>, i32 -> vector<32x128xf32>
    %broadcast_in_dim3A_2568 = vector.shape_cast %ne3A_2507 : vector<1x128xi1> to vector<1x128xi1>
    %broadcast_in_dim3A_2569 = vector.broadcast %broadcast_in_dim3A_2568 : vector<1x128xi1> to vector<32x128xi1>
    %select_n3A_2570 = arith.select %broadcast_in_dim3A_2569, %roll3A_2567, %min3A_2564 : vector<32x128xi1>, vector<32x128xf32>
    %roll3A_2571 = arith.constant 120 : i32
    %roll3A_2572 = tpu.dynamic_rotate %select_n3A_2501 by %roll3A_2571 dim 1 : vector<32x128xf32>, i32 -> vector<32x128xf32>
    %min3A_2573 = arith.minimumf %select_n3A_2501, %roll3A_2572 : vector<32x128xf32>
    %max3A_2574 = arith.maximumf %select_n3A_2501, %roll3A_2572 : vector<32x128xf32>
    %roll3A_2575 = arith.constant 8 : i32
    %roll3A_2576 = tpu.dynamic_rotate %max3A_2574 by %roll3A_2575 dim 1 : vector<32x128xf32>, i32 -> vector<32x128xf32>
    %broadcast_in_dim3A_2577 = vector.shape_cast %ne3A_2507 : vector<1x128xi1> to vector<1x128xi1>
    %broadcast_in_dim3A_2578 = vector.broadcast %broadcast_in_dim3A_2577 : vector<1x128xi1> to vector<32x128xi1>
    %select_n3A_2579 = arith.select %broadcast_in_dim3A_2578, %roll3A_2576, %min3A_2573 : vector<32x128xi1>, vector<32x128xf32>
    %and3A_2580 = arith.constant 4 : i32
    %and3A_2581 = vector.broadcast %and3A_2580 : i32 to vector<1x128xi32>
    %and3A_2582 = arith.andi %iota3A, %and3A_2581 : vector<1x128xi32>
    %ne3A_2583 = arith.constant 0 : i32
    %ne3A_2584 = vector.broadcast %ne3A_2583 : i32 to vector<1x128xi32>
    %ne3A_2585 = arith.cmpi ne, %and3A_2582, %ne3A_2584 : vector<1x128xi32>
    %roll3A_2586 = arith.constant 124 : i32
    %roll3A_2587 = tpu.dynamic_rotate %select_n3A_2516 by %roll3A_2586 dim 1 : vector<32x128xf32>, i32 -> vector<32x128xf32>
    %min3A_2588 = arith.minimumf %select_n3A_2516, %roll3A_2587 : vector<32x128xf32>
    %max3A_2589 = arith.maximumf %select_n3A_2516, %roll3A_2587 : vector<32x128xf32>
    %roll3A_2590 = arith.constant 4 : i32
    %roll3A_2591 = tpu.dynamic_rotate %max3A_2589 by %roll3A_2590 dim 1 : vector<32x128xf32>, i32 -> vector<32x128xf32>
    %broadcast_in_dim3A_2592 = vector.shape_cast %ne3A_2585 : vector<1x128xi1> to vector<1x128xi1>
    %broadcast_in_dim3A_2593 = vector.broadcast %broadcast_in_dim3A_2592 : vector<1x128xi1> to vector<32x128xi1>
    %select_n3A_2594 = arith.select %broadcast_in_dim3A_2593, %roll3A_2591, %min3A_2588 : vector<32x128xi1>, vector<32x128xf32>
    %roll3A_2595 = arith.constant 124 : i32
    %roll3A_2596 = tpu.dynamic_rotate %select_n3A_2525 by %roll3A_2595 dim 1 : vector<32x128xf32>, i32 -> vector<32x128xf32>
    %min3A_2597 = arith.minimumf %select_n3A_2525, %roll3A_2596 : vector<32x128xf32>
    %max3A_2598 = arith.maximumf %select_n3A_2525, %roll3A_2596 : vector<32x128xf32>
    %roll3A_2599 = arith.constant 4 : i32
    %roll3A_2600 = tpu.dynamic_rotate %max3A_2598 by %roll3A_2599 dim 1 : vector<32x128xf32>, i32 -> vector<32x128xf32>
    %broadcast_in_dim3A_2601 = vector.shape_cast %ne3A_2585 : vector<1x128xi1> to vector<1x128xi1>
    %broadcast_in_dim3A_2602 = vector.broadcast %broadcast_in_dim3A_2601 : vector<1x128xi1> to vector<32x128xi1>
    %select_n3A_2603 = arith.select %broadcast_in_dim3A_2602, %roll3A_2600, %min3A_2597 : vector<32x128xi1>, vector<32x128xf32>
    %roll3A_2604 = arith.constant 124 : i32
    %roll3A_2605 = tpu.dynamic_rotate %select_n3A_2534 by %roll3A_2604 dim 1 : vector<32x128xf32>, i32 -> vector<32x128xf32>
    %min3A_2606 = arith.minimumf %select_n3A_2534, %roll3A_2605 : vector<32x128xf32>
    %max3A_2607 = arith.maximumf %select_n3A_2534, %roll3A_2605 : vector<32x128xf32>
    %roll3A_2608 = arith.constant 4 : i32
    %roll3A_2609 = tpu.dynamic_rotate %max3A_2607 by %roll3A_2608 dim 1 : vector<32x128xf32>, i32 -> vector<32x128xf32>
    %broadcast_in_dim3A_2610 = vector.shape_cast %ne3A_2585 : vector<1x128xi1> to vector<1x128xi1>
    %broadcast_in_dim3A_2611 = vector.broadcast %broadcast_in_dim3A_2610 : vector<1x128xi1> to vector<32x128xi1>
    %select_n3A_2612 = arith.select %broadcast_in_dim3A_2611, %roll3A_2609, %min3A_2606 : vector<32x128xi1>, vector<32x128xf32>
    %roll3A_2613 = arith.constant 124 : i32
    %roll3A_2614 = tpu.dynamic_rotate %select_n3A_2543 by %roll3A_2613 dim 1 : vector<32x128xf32>, i32 -> vector<32x128xf32>
    %min3A_2615 = arith.minimumf %select_n3A_2543, %roll3A_2614 : vector<32x128xf32>
    %max3A_2616 = arith.maximumf %select_n3A_2543, %roll3A_2614 : vector<32x128xf32>
    %roll3A_2617 = arith.constant 4 : i32
    %roll3A_2618 = tpu.dynamic_rotate %max3A_2616 by %roll3A_2617 dim 1 : vector<32x128xf32>, i32 -> vector<32x128xf32>
    %broadcast_in_dim3A_2619 = vector.shape_cast %ne3A_2585 : vector<1x128xi1> to vector<1x128xi1>
    %broadcast_in_dim3A_2620 = vector.broadcast %broadcast_in_dim3A_2619 : vector<1x128xi1> to vector<32x128xi1>
    %select_n3A_2621 = arith.select %broadcast_in_dim3A_2620, %roll3A_2618, %min3A_2615 : vector<32x128xi1>, vector<32x128xf32>
    %roll3A_2622 = arith.constant 124 : i32
    %roll3A_2623 = tpu.dynamic_rotate %select_n3A_2552 by %roll3A_2622 dim 1 : vector<32x128xf32>, i32 -> vector<32x128xf32>
    %min3A_2624 = arith.minimumf %select_n3A_2552, %roll3A_2623 : vector<32x128xf32>
    %max3A_2625 = arith.maximumf %select_n3A_2552, %roll3A_2623 : vector<32x128xf32>
    %roll3A_2626 = arith.constant 4 : i32
    %roll3A_2627 = tpu.dynamic_rotate %max3A_2625 by %roll3A_2626 dim 1 : vector<32x128xf32>, i32 -> vector<32x128xf32>
    %broadcast_in_dim3A_2628 = vector.shape_cast %ne3A_2585 : vector<1x128xi1> to vector<1x128xi1>
    %broadcast_in_dim3A_2629 = vector.broadcast %broadcast_in_dim3A_2628 : vector<1x128xi1> to vector<32x128xi1>
    %select_n3A_2630 = arith.select %broadcast_in_dim3A_2629, %roll3A_2627, %min3A_2624 : vector<32x128xi1>, vector<32x128xf32>
    %roll3A_2631 = arith.constant 124 : i32
    %roll3A_2632 = tpu.dynamic_rotate %select_n3A_2561 by %roll3A_2631 dim 1 : vector<32x128xf32>, i32 -> vector<32x128xf32>
    %min3A_2633 = arith.minimumf %select_n3A_2561, %roll3A_2632 : vector<32x128xf32>
    %max3A_2634 = arith.maximumf %select_n3A_2561, %roll3A_2632 : vector<32x128xf32>
    %roll3A_2635 = arith.constant 4 : i32
    %roll3A_2636 = tpu.dynamic_rotate %max3A_2634 by %roll3A_2635 dim 1 : vector<32x128xf32>, i32 -> vector<32x128xf32>
    %broadcast_in_dim3A_2637 = vector.shape_cast %ne3A_2585 : vector<1x128xi1> to vector<1x128xi1>
    %broadcast_in_dim3A_2638 = vector.broadcast %broadcast_in_dim3A_2637 : vector<1x128xi1> to vector<32x128xi1>
    %select_n3A_2639 = arith.select %broadcast_in_dim3A_2638, %roll3A_2636, %min3A_2633 : vector<32x128xi1>, vector<32x128xf32>
    %roll3A_2640 = arith.constant 124 : i32
    %roll3A_2641 = tpu.dynamic_rotate %select_n3A_2570 by %roll3A_2640 dim 1 : vector<32x128xf32>, i32 -> vector<32x128xf32>
    %min3A_2642 = arith.minimumf %select_n3A_2570, %roll3A_2641 : vector<32x128xf32>
    %max3A_2643 = arith.maximumf %select_n3A_2570, %roll3A_2641 : vector<32x128xf32>
    %roll3A_2644 = arith.constant 4 : i32
    %roll3A_2645 = tpu.dynamic_rotate %max3A_2643 by %roll3A_2644 dim 1 : vector<32x128xf32>, i32 -> vector<32x128xf32>
    %broadcast_in_dim3A_2646 = vector.shape_cast %ne3A_2585 : vector<1x128xi1> to vector<1x128xi1>
    %broadcast_in_dim3A_2647 = vector.broadcast %broadcast_in_dim3A_2646 : vector<1x128xi1> to vector<32x128xi1>
    %select_n3A_2648 = arith.select %broadcast_in_dim3A_2647, %roll3A_2645, %min3A_2642 : vector<32x128xi1>, vector<32x128xf32>
    %roll3A_2649 = arith.constant 124 : i32
    %roll3A_2650 = tpu.dynamic_rotate %select_n3A_2579 by %roll3A_2649 dim 1 : vector<32x128xf32>, i32 -> vector<32x128xf32>
    %min3A_2651 = arith.minimumf %select_n3A_2579, %roll3A_2650 : vector<32x128xf32>
    %max3A_2652 = arith.maximumf %select_n3A_2579, %roll3A_2650 : vector<32x128xf32>
    %roll3A_2653 = arith.constant 4 : i32
    %roll3A_2654 = tpu.dynamic_rotate %max3A_2652 by %roll3A_2653 dim 1 : vector<32x128xf32>, i32 -> vector<32x128xf32>
    %broadcast_in_dim3A_2655 = vector.shape_cast %ne3A_2585 : vector<1x128xi1> to vector<1x128xi1>
    %broadcast_in_dim3A_2656 = vector.broadcast %broadcast_in_dim3A_2655 : vector<1x128xi1> to vector<32x128xi1>
    %select_n3A_2657 = arith.select %broadcast_in_dim3A_2656, %roll3A_2654, %min3A_2651 : vector<32x128xi1>, vector<32x128xf32>
    %and3A_2658 = arith.constant 2 : i32
    %and3A_2659 = vector.broadcast %and3A_2658 : i32 to vector<1x128xi32>
    %and3A_2660 = arith.andi %iota3A, %and3A_2659 : vector<1x128xi32>
    %ne3A_2661 = arith.constant 0 : i32
    %ne3A_2662 = vector.broadcast %ne3A_2661 : i32 to vector<1x128xi32>
    %ne3A_2663 = arith.cmpi ne, %and3A_2660, %ne3A_2662 : vector<1x128xi32>
    %roll3A_2664 = arith.constant 126 : i32
    %roll3A_2665 = tpu.dynamic_rotate %select_n3A_2594 by %roll3A_2664 dim 1 : vector<32x128xf32>, i32 -> vector<32x128xf32>
    %min3A_2666 = arith.minimumf %select_n3A_2594, %roll3A_2665 : vector<32x128xf32>
    %max3A_2667 = arith.maximumf %select_n3A_2594, %roll3A_2665 : vector<32x128xf32>
    %roll3A_2668 = arith.constant 2 : i32
    %roll3A_2669 = tpu.dynamic_rotate %max3A_2667 by %roll3A_2668 dim 1 : vector<32x128xf32>, i32 -> vector<32x128xf32>
    %broadcast_in_dim3A_2670 = vector.shape_cast %ne3A_2663 : vector<1x128xi1> to vector<1x128xi1>
    %broadcast_in_dim3A_2671 = vector.broadcast %broadcast_in_dim3A_2670 : vector<1x128xi1> to vector<32x128xi1>
    %select_n3A_2672 = arith.select %broadcast_in_dim3A_2671, %roll3A_2669, %min3A_2666 : vector<32x128xi1>, vector<32x128xf32>
    %roll3A_2673 = arith.constant 126 : i32
    %roll3A_2674 = tpu.dynamic_rotate %select_n3A_2603 by %roll3A_2673 dim 1 : vector<32x128xf32>, i32 -> vector<32x128xf32>
    %min3A_2675 = arith.minimumf %select_n3A_2603, %roll3A_2674 : vector<32x128xf32>
    %max3A_2676 = arith.maximumf %select_n3A_2603, %roll3A_2674 : vector<32x128xf32>
    %roll3A_2677 = arith.constant 2 : i32
    %roll3A_2678 = tpu.dynamic_rotate %max3A_2676 by %roll3A_2677 dim 1 : vector<32x128xf32>, i32 -> vector<32x128xf32>
    %broadcast_in_dim3A_2679 = vector.shape_cast %ne3A_2663 : vector<1x128xi1> to vector<1x128xi1>
    %broadcast_in_dim3A_2680 = vector.broadcast %broadcast_in_dim3A_2679 : vector<1x128xi1> to vector<32x128xi1>
    %select_n3A_2681 = arith.select %broadcast_in_dim3A_2680, %roll3A_2678, %min3A_2675 : vector<32x128xi1>, vector<32x128xf32>
    %roll3A_2682 = arith.constant 126 : i32
    %roll3A_2683 = tpu.dynamic_rotate %select_n3A_2612 by %roll3A_2682 dim 1 : vector<32x128xf32>, i32 -> vector<32x128xf32>
    %min3A_2684 = arith.minimumf %select_n3A_2612, %roll3A_2683 : vector<32x128xf32>
    %max3A_2685 = arith.maximumf %select_n3A_2612, %roll3A_2683 : vector<32x128xf32>
    %roll3A_2686 = arith.constant 2 : i32
    %roll3A_2687 = tpu.dynamic_rotate %max3A_2685 by %roll3A_2686 dim 1 : vector<32x128xf32>, i32 -> vector<32x128xf32>
    %broadcast_in_dim3A_2688 = vector.shape_cast %ne3A_2663 : vector<1x128xi1> to vector<1x128xi1>
    %broadcast_in_dim3A_2689 = vector.broadcast %broadcast_in_dim3A_2688 : vector<1x128xi1> to vector<32x128xi1>
    %select_n3A_2690 = arith.select %broadcast_in_dim3A_2689, %roll3A_2687, %min3A_2684 : vector<32x128xi1>, vector<32x128xf32>
    %roll3A_2691 = arith.constant 126 : i32
    %roll3A_2692 = tpu.dynamic_rotate %select_n3A_2621 by %roll3A_2691 dim 1 : vector<32x128xf32>, i32 -> vector<32x128xf32>
    %min3A_2693 = arith.minimumf %select_n3A_2621, %roll3A_2692 : vector<32x128xf32>
    %max3A_2694 = arith.maximumf %select_n3A_2621, %roll3A_2692 : vector<32x128xf32>
    %roll3A_2695 = arith.constant 2 : i32
    %roll3A_2696 = tpu.dynamic_rotate %max3A_2694 by %roll3A_2695 dim 1 : vector<32x128xf32>, i32 -> vector<32x128xf32>
    %broadcast_in_dim3A_2697 = vector.shape_cast %ne3A_2663 : vector<1x128xi1> to vector<1x128xi1>
    %broadcast_in_dim3A_2698 = vector.broadcast %broadcast_in_dim3A_2697 : vector<1x128xi1> to vector<32x128xi1>
    %select_n3A_2699 = arith.select %broadcast_in_dim3A_2698, %roll3A_2696, %min3A_2693 : vector<32x128xi1>, vector<32x128xf32>
    %roll3A_2700 = arith.constant 126 : i32
    %roll3A_2701 = tpu.dynamic_rotate %select_n3A_2630 by %roll3A_2700 dim 1 : vector<32x128xf32>, i32 -> vector<32x128xf32>
    %min3A_2702 = arith.minimumf %select_n3A_2630, %roll3A_2701 : vector<32x128xf32>
    %max3A_2703 = arith.maximumf %select_n3A_2630, %roll3A_2701 : vector<32x128xf32>
    %roll3A_2704 = arith.constant 2 : i32
    %roll3A_2705 = tpu.dynamic_rotate %max3A_2703 by %roll3A_2704 dim 1 : vector<32x128xf32>, i32 -> vector<32x128xf32>
    %broadcast_in_dim3A_2706 = vector.shape_cast %ne3A_2663 : vector<1x128xi1> to vector<1x128xi1>
    %broadcast_in_dim3A_2707 = vector.broadcast %broadcast_in_dim3A_2706 : vector<1x128xi1> to vector<32x128xi1>
    %select_n3A_2708 = arith.select %broadcast_in_dim3A_2707, %roll3A_2705, %min3A_2702 : vector<32x128xi1>, vector<32x128xf32>
    %roll3A_2709 = arith.constant 126 : i32
    %roll3A_2710 = tpu.dynamic_rotate %select_n3A_2639 by %roll3A_2709 dim 1 : vector<32x128xf32>, i32 -> vector<32x128xf32>
    %min3A_2711 = arith.minimumf %select_n3A_2639, %roll3A_2710 : vector<32x128xf32>
    %max3A_2712 = arith.maximumf %select_n3A_2639, %roll3A_2710 : vector<32x128xf32>
    %roll3A_2713 = arith.constant 2 : i32
    %roll3A_2714 = tpu.dynamic_rotate %max3A_2712 by %roll3A_2713 dim 1 : vector<32x128xf32>, i32 -> vector<32x128xf32>
    %broadcast_in_dim3A_2715 = vector.shape_cast %ne3A_2663 : vector<1x128xi1> to vector<1x128xi1>
    %broadcast_in_dim3A_2716 = vector.broadcast %broadcast_in_dim3A_2715 : vector<1x128xi1> to vector<32x128xi1>
    %select_n3A_2717 = arith.select %broadcast_in_dim3A_2716, %roll3A_2714, %min3A_2711 : vector<32x128xi1>, vector<32x128xf32>
    %roll3A_2718 = arith.constant 126 : i32
    %roll3A_2719 = tpu.dynamic_rotate %select_n3A_2648 by %roll3A_2718 dim 1 : vector<32x128xf32>, i32 -> vector<32x128xf32>
    %min3A_2720 = arith.minimumf %select_n3A_2648, %roll3A_2719 : vector<32x128xf32>
    %max3A_2721 = arith.maximumf %select_n3A_2648, %roll3A_2719 : vector<32x128xf32>
    %roll3A_2722 = arith.constant 2 : i32
    %roll3A_2723 = tpu.dynamic_rotate %max3A_2721 by %roll3A_2722 dim 1 : vector<32x128xf32>, i32 -> vector<32x128xf32>
    %broadcast_in_dim3A_2724 = vector.shape_cast %ne3A_2663 : vector<1x128xi1> to vector<1x128xi1>
    %broadcast_in_dim3A_2725 = vector.broadcast %broadcast_in_dim3A_2724 : vector<1x128xi1> to vector<32x128xi1>
    %select_n3A_2726 = arith.select %broadcast_in_dim3A_2725, %roll3A_2723, %min3A_2720 : vector<32x128xi1>, vector<32x128xf32>
    %roll3A_2727 = arith.constant 126 : i32
    %roll3A_2728 = tpu.dynamic_rotate %select_n3A_2657 by %roll3A_2727 dim 1 : vector<32x128xf32>, i32 -> vector<32x128xf32>
    %min3A_2729 = arith.minimumf %select_n3A_2657, %roll3A_2728 : vector<32x128xf32>
    %max3A_2730 = arith.maximumf %select_n3A_2657, %roll3A_2728 : vector<32x128xf32>
    %roll3A_2731 = arith.constant 2 : i32
    %roll3A_2732 = tpu.dynamic_rotate %max3A_2730 by %roll3A_2731 dim 1 : vector<32x128xf32>, i32 -> vector<32x128xf32>
    %broadcast_in_dim3A_2733 = vector.shape_cast %ne3A_2663 : vector<1x128xi1> to vector<1x128xi1>
    %broadcast_in_dim3A_2734 = vector.broadcast %broadcast_in_dim3A_2733 : vector<1x128xi1> to vector<32x128xi1>
    %select_n3A_2735 = arith.select %broadcast_in_dim3A_2734, %roll3A_2732, %min3A_2729 : vector<32x128xi1>, vector<32x128xf32>
    %and3A_2736 = arith.constant 1 : i32
    %and3A_2737 = vector.broadcast %and3A_2736 : i32 to vector<1x128xi32>
    %and3A_2738 = arith.andi %iota3A, %and3A_2737 : vector<1x128xi32>
    %ne3A_2739 = arith.constant 0 : i32
    %ne3A_2740 = vector.broadcast %ne3A_2739 : i32 to vector<1x128xi32>
    %ne3A_2741 = arith.cmpi ne, %and3A_2738, %ne3A_2740 : vector<1x128xi32>
    %roll3A_2742 = arith.constant 127 : i32
    %roll3A_2743 = tpu.dynamic_rotate %select_n3A_2672 by %roll3A_2742 dim 1 : vector<32x128xf32>, i32 -> vector<32x128xf32>
    %min3A_2744 = arith.minimumf %select_n3A_2672, %roll3A_2743 : vector<32x128xf32>
    %max3A_2745 = arith.maximumf %select_n3A_2672, %roll3A_2743 : vector<32x128xf32>
    %roll3A_2746 = arith.constant 1 : i32
    %roll3A_2747 = tpu.dynamic_rotate %max3A_2745 by %roll3A_2746 dim 1 : vector<32x128xf32>, i32 -> vector<32x128xf32>
    %broadcast_in_dim3A_2748 = vector.shape_cast %ne3A_2741 : vector<1x128xi1> to vector<1x128xi1>
    %broadcast_in_dim3A_2749 = vector.broadcast %broadcast_in_dim3A_2748 : vector<1x128xi1> to vector<32x128xi1>
    %select_n3A_2750 = arith.select %broadcast_in_dim3A_2749, %roll3A_2747, %min3A_2744 : vector<32x128xi1>, vector<32x128xf32>
    %roll3A_2751 = arith.constant 127 : i32
    %roll3A_2752 = tpu.dynamic_rotate %select_n3A_2681 by %roll3A_2751 dim 1 : vector<32x128xf32>, i32 -> vector<32x128xf32>
    %min3A_2753 = arith.minimumf %select_n3A_2681, %roll3A_2752 : vector<32x128xf32>
    %max3A_2754 = arith.maximumf %select_n3A_2681, %roll3A_2752 : vector<32x128xf32>
    %roll3A_2755 = arith.constant 1 : i32
    %roll3A_2756 = tpu.dynamic_rotate %max3A_2754 by %roll3A_2755 dim 1 : vector<32x128xf32>, i32 -> vector<32x128xf32>
    %broadcast_in_dim3A_2757 = vector.shape_cast %ne3A_2741 : vector<1x128xi1> to vector<1x128xi1>
    %broadcast_in_dim3A_2758 = vector.broadcast %broadcast_in_dim3A_2757 : vector<1x128xi1> to vector<32x128xi1>
    %select_n3A_2759 = arith.select %broadcast_in_dim3A_2758, %roll3A_2756, %min3A_2753 : vector<32x128xi1>, vector<32x128xf32>
    %roll3A_2760 = arith.constant 127 : i32
    %roll3A_2761 = tpu.dynamic_rotate %select_n3A_2690 by %roll3A_2760 dim 1 : vector<32x128xf32>, i32 -> vector<32x128xf32>
    %min3A_2762 = arith.minimumf %select_n3A_2690, %roll3A_2761 : vector<32x128xf32>
    %max3A_2763 = arith.maximumf %select_n3A_2690, %roll3A_2761 : vector<32x128xf32>
    %roll3A_2764 = arith.constant 1 : i32
    %roll3A_2765 = tpu.dynamic_rotate %max3A_2763 by %roll3A_2764 dim 1 : vector<32x128xf32>, i32 -> vector<32x128xf32>
    %broadcast_in_dim3A_2766 = vector.shape_cast %ne3A_2741 : vector<1x128xi1> to vector<1x128xi1>
    %broadcast_in_dim3A_2767 = vector.broadcast %broadcast_in_dim3A_2766 : vector<1x128xi1> to vector<32x128xi1>
    %select_n3A_2768 = arith.select %broadcast_in_dim3A_2767, %roll3A_2765, %min3A_2762 : vector<32x128xi1>, vector<32x128xf32>
    %roll3A_2769 = arith.constant 127 : i32
    %roll3A_2770 = tpu.dynamic_rotate %select_n3A_2699 by %roll3A_2769 dim 1 : vector<32x128xf32>, i32 -> vector<32x128xf32>
    %min3A_2771 = arith.minimumf %select_n3A_2699, %roll3A_2770 : vector<32x128xf32>
    %max3A_2772 = arith.maximumf %select_n3A_2699, %roll3A_2770 : vector<32x128xf32>
    %roll3A_2773 = arith.constant 1 : i32
    %roll3A_2774 = tpu.dynamic_rotate %max3A_2772 by %roll3A_2773 dim 1 : vector<32x128xf32>, i32 -> vector<32x128xf32>
    %broadcast_in_dim3A_2775 = vector.shape_cast %ne3A_2741 : vector<1x128xi1> to vector<1x128xi1>
    %broadcast_in_dim3A_2776 = vector.broadcast %broadcast_in_dim3A_2775 : vector<1x128xi1> to vector<32x128xi1>
    %select_n3A_2777 = arith.select %broadcast_in_dim3A_2776, %roll3A_2774, %min3A_2771 : vector<32x128xi1>, vector<32x128xf32>
    %roll3A_2778 = arith.constant 127 : i32
    %roll3A_2779 = tpu.dynamic_rotate %select_n3A_2708 by %roll3A_2778 dim 1 : vector<32x128xf32>, i32 -> vector<32x128xf32>
    %min3A_2780 = arith.minimumf %select_n3A_2708, %roll3A_2779 : vector<32x128xf32>
    %max3A_2781 = arith.maximumf %select_n3A_2708, %roll3A_2779 : vector<32x128xf32>
    %roll3A_2782 = arith.constant 1 : i32
    %roll3A_2783 = tpu.dynamic_rotate %max3A_2781 by %roll3A_2782 dim 1 : vector<32x128xf32>, i32 -> vector<32x128xf32>
    %broadcast_in_dim3A_2784 = vector.shape_cast %ne3A_2741 : vector<1x128xi1> to vector<1x128xi1>
    %broadcast_in_dim3A_2785 = vector.broadcast %broadcast_in_dim3A_2784 : vector<1x128xi1> to vector<32x128xi1>
    %select_n3A_2786 = arith.select %broadcast_in_dim3A_2785, %roll3A_2783, %min3A_2780 : vector<32x128xi1>, vector<32x128xf32>
    %roll3A_2787 = arith.constant 127 : i32
    %roll3A_2788 = tpu.dynamic_rotate %select_n3A_2717 by %roll3A_2787 dim 1 : vector<32x128xf32>, i32 -> vector<32x128xf32>
    %min3A_2789 = arith.minimumf %select_n3A_2717, %roll3A_2788 : vector<32x128xf32>
    %max3A_2790 = arith.maximumf %select_n3A_2717, %roll3A_2788 : vector<32x128xf32>
    %roll3A_2791 = arith.constant 1 : i32
    %roll3A_2792 = tpu.dynamic_rotate %max3A_2790 by %roll3A_2791 dim 1 : vector<32x128xf32>, i32 -> vector<32x128xf32>
    %broadcast_in_dim3A_2793 = vector.shape_cast %ne3A_2741 : vector<1x128xi1> to vector<1x128xi1>
    %broadcast_in_dim3A_2794 = vector.broadcast %broadcast_in_dim3A_2793 : vector<1x128xi1> to vector<32x128xi1>
    %select_n3A_2795 = arith.select %broadcast_in_dim3A_2794, %roll3A_2792, %min3A_2789 : vector<32x128xi1>, vector<32x128xf32>
    %roll3A_2796 = arith.constant 127 : i32
    %roll3A_2797 = tpu.dynamic_rotate %select_n3A_2726 by %roll3A_2796 dim 1 : vector<32x128xf32>, i32 -> vector<32x128xf32>
    %min3A_2798 = arith.minimumf %select_n3A_2726, %roll3A_2797 : vector<32x128xf32>
    %max3A_2799 = arith.maximumf %select_n3A_2726, %roll3A_2797 : vector<32x128xf32>
    %roll3A_2800 = arith.constant 1 : i32
    %roll3A_2801 = tpu.dynamic_rotate %max3A_2799 by %roll3A_2800 dim 1 : vector<32x128xf32>, i32 -> vector<32x128xf32>
    %broadcast_in_dim3A_2802 = vector.shape_cast %ne3A_2741 : vector<1x128xi1> to vector<1x128xi1>
    %broadcast_in_dim3A_2803 = vector.broadcast %broadcast_in_dim3A_2802 : vector<1x128xi1> to vector<32x128xi1>
    %select_n3A_2804 = arith.select %broadcast_in_dim3A_2803, %roll3A_2801, %min3A_2798 : vector<32x128xi1>, vector<32x128xf32>
    %roll3A_2805 = arith.constant 127 : i32
    %roll3A_2806 = tpu.dynamic_rotate %select_n3A_2735 by %roll3A_2805 dim 1 : vector<32x128xf32>, i32 -> vector<32x128xf32>
    %min3A_2807 = arith.minimumf %select_n3A_2735, %roll3A_2806 : vector<32x128xf32>
    %max3A_2808 = arith.maximumf %select_n3A_2735, %roll3A_2806 : vector<32x128xf32>
    %roll3A_2809 = arith.constant 1 : i32
    %roll3A_2810 = tpu.dynamic_rotate %max3A_2808 by %roll3A_2809 dim 1 : vector<32x128xf32>, i32 -> vector<32x128xf32>
    %broadcast_in_dim3A_2811 = vector.shape_cast %ne3A_2741 : vector<1x128xi1> to vector<1x128xi1>
    %broadcast_in_dim3A_2812 = vector.broadcast %broadcast_in_dim3A_2811 : vector<1x128xi1> to vector<32x128xi1>
    %select_n3A_2813 = arith.select %broadcast_in_dim3A_2812, %roll3A_2810, %min3A_2807 : vector<32x128xi1>, vector<32x128xf32>
    %min3A_2814 = arith.minimumf %select_n3A_2750, %select_n3A_2786 : vector<32x128xf32>
    %max3A_2815 = arith.maximumf %select_n3A_2750, %select_n3A_2786 : vector<32x128xf32>
    %min3A_2816 = arith.minimumf %select_n3A_2759, %select_n3A_2795 : vector<32x128xf32>
    %max3A_2817 = arith.maximumf %select_n3A_2759, %select_n3A_2795 : vector<32x128xf32>
    %min3A_2818 = arith.minimumf %select_n3A_2768, %select_n3A_2804 : vector<32x128xf32>
    %max3A_2819 = arith.maximumf %select_n3A_2768, %select_n3A_2804 : vector<32x128xf32>
    %min3A_2820 = arith.minimumf %select_n3A_2777, %select_n3A_2813 : vector<32x128xf32>
    %max3A_2821 = arith.maximumf %select_n3A_2777, %select_n3A_2813 : vector<32x128xf32>
    %min3A_2822 = arith.minimumf %min3A_2814, %min3A_2818 : vector<32x128xf32>
    %max3A_2823 = arith.maximumf %min3A_2814, %min3A_2818 : vector<32x128xf32>
    %min3A_2824 = arith.minimumf %min3A_2816, %min3A_2820 : vector<32x128xf32>
    %max3A_2825 = arith.maximumf %min3A_2816, %min3A_2820 : vector<32x128xf32>
    %min3A_2826 = arith.minimumf %max3A_2815, %max3A_2819 : vector<32x128xf32>
    %max3A_2827 = arith.maximumf %max3A_2815, %max3A_2819 : vector<32x128xf32>
    %min3A_2828 = arith.minimumf %max3A_2817, %max3A_2821 : vector<32x128xf32>
    %max3A_2829 = arith.maximumf %max3A_2817, %max3A_2821 : vector<32x128xf32>
    %min3A_2830 = arith.minimumf %min3A_2822, %min3A_2824 : vector<32x128xf32>
    %max3A_2831 = arith.maximumf %min3A_2822, %min3A_2824 : vector<32x128xf32>
    %min3A_2832 = arith.minimumf %max3A_2823, %max3A_2825 : vector<32x128xf32>
    %max3A_2833 = arith.maximumf %max3A_2823, %max3A_2825 : vector<32x128xf32>
    %min3A_2834 = arith.minimumf %min3A_2826, %min3A_2828 : vector<32x128xf32>
    %max3A_2835 = arith.maximumf %min3A_2826, %min3A_2828 : vector<32x128xf32>
    %min3A_2836 = arith.minimumf %max3A_2827, %max3A_2829 : vector<32x128xf32>
    %max3A_2837 = arith.maximumf %max3A_2827, %max3A_2829 : vector<32x128xf32>
    %get3A_2838 = arith.constant 0 : index
    %get3A_2839 = arith.constant 0 : index
    %get3A_2840 = vector.load %arg2[%get3A_2838, %get3A_2839] : memref<32x1024xf32, #tpu.memory_space<vmem>>, vector<32x128xf32>
    %get3A_2841 = arith.constant 0 : index
    %get3A_2842 = arith.constant 128 : index
    %get3A_2843 = vector.load %arg2[%get3A_2841, %get3A_2842] : memref<32x1024xf32, #tpu.memory_space<vmem>>, vector<32x128xf32>
    %get3A_2844 = arith.constant 0 : index
    %get3A_2845 = arith.constant 256 : index
    %get3A_2846 = vector.load %arg2[%get3A_2844, %get3A_2845] : memref<32x1024xf32, #tpu.memory_space<vmem>>, vector<32x128xf32>
    %get3A_2847 = arith.constant 0 : index
    %get3A_2848 = arith.constant 384 : index
    %get3A_2849 = vector.load %arg2[%get3A_2847, %get3A_2848] : memref<32x1024xf32, #tpu.memory_space<vmem>>, vector<32x128xf32>
    %get3A_2850 = arith.constant 0 : index
    %get3A_2851 = arith.constant 512 : index
    %get3A_2852 = vector.load %arg2[%get3A_2850, %get3A_2851] : memref<32x1024xf32, #tpu.memory_space<vmem>>, vector<32x128xf32>
    %get3A_2853 = arith.constant 0 : index
    %get3A_2854 = arith.constant 640 : index
    %get3A_2855 = vector.load %arg2[%get3A_2853, %get3A_2854] : memref<32x1024xf32, #tpu.memory_space<vmem>>, vector<32x128xf32>
    %get3A_2856 = arith.constant 0 : index
    %get3A_2857 = arith.constant 768 : index
    %get3A_2858 = vector.load %arg2[%get3A_2856, %get3A_2857] : memref<32x1024xf32, #tpu.memory_space<vmem>>, vector<32x128xf32>
    %get3A_2859 = arith.constant 0 : index
    %get3A_2860 = arith.constant 896 : index
    %get3A_2861 = vector.load %arg2[%get3A_2859, %get3A_2860] : memref<32x1024xf32, #tpu.memory_space<vmem>>, vector<32x128xf32>
    %iota3A_2862 = tpu.iota {dimensions = array<i32: 1>} : vector<1x128xi32>
    %neg3A_2863 = arith.constant 0.000000e+00 : f32
    %neg3A_2864 = vector.broadcast %neg3A_2863 : f32 to vector<32x128xf32>
    %neg3A_2865 = arith.subf %neg3A_2864, %get3A_2846 : vector<32x128xf32>
    %neg3A_2866 = arith.constant 0.000000e+00 : f32
    %neg3A_2867 = vector.broadcast %neg3A_2866 : f32 to vector<32x128xf32>
    %neg3A_2868 = arith.subf %neg3A_2867, %get3A_2849 : vector<32x128xf32>
    %neg3A_2869 = arith.constant 0.000000e+00 : f32
    %neg3A_2870 = vector.broadcast %neg3A_2869 : f32 to vector<32x128xf32>
    %neg3A_2871 = arith.subf %neg3A_2870, %get3A_2858 : vector<32x128xf32>
    %neg3A_2872 = arith.constant 0.000000e+00 : f32
    %neg3A_2873 = vector.broadcast %neg3A_2872 : f32 to vector<32x128xf32>
    %neg3A_2874 = arith.subf %neg3A_2873, %get3A_2861 : vector<32x128xf32>
    %min3A_2875 = arith.minimumf %get3A_2840, %get3A_2843 : vector<32x128xf32>
    %max3A_2876 = arith.maximumf %get3A_2840, %get3A_2843 : vector<32x128xf32>
    %min3A_2877 = arith.minimumf %neg3A_2865, %neg3A_2868 : vector<32x128xf32>
    %max3A_2878 = arith.maximumf %neg3A_2865, %neg3A_2868 : vector<32x128xf32>
    %min3A_2879 = arith.minimumf %get3A_2852, %get3A_2855 : vector<32x128xf32>
    %max3A_2880 = arith.maximumf %get3A_2852, %get3A_2855 : vector<32x128xf32>
    %min3A_2881 = arith.minimumf %neg3A_2871, %neg3A_2874 : vector<32x128xf32>
    %max3A_2882 = arith.maximumf %neg3A_2871, %neg3A_2874 : vector<32x128xf32>
    %neg3A_2883 = arith.constant 0.000000e+00 : f32
    %neg3A_2884 = vector.broadcast %neg3A_2883 : f32 to vector<32x128xf32>
    %neg3A_2885 = arith.subf %neg3A_2884, %min3A_2877 : vector<32x128xf32>
    %neg3A_2886 = arith.constant 0.000000e+00 : f32
    %neg3A_2887 = vector.broadcast %neg3A_2886 : f32 to vector<32x128xf32>
    %neg3A_2888 = arith.subf %neg3A_2887, %max3A_2878 : vector<32x128xf32>
    %neg3A_2889 = arith.constant 0.000000e+00 : f32
    %neg3A_2890 = vector.broadcast %neg3A_2889 : f32 to vector<32x128xf32>
    %neg3A_2891 = arith.subf %neg3A_2890, %min3A_2881 : vector<32x128xf32>
    %neg3A_2892 = arith.constant 0.000000e+00 : f32
    %neg3A_2893 = vector.broadcast %neg3A_2892 : f32 to vector<32x128xf32>
    %neg3A_2894 = arith.subf %neg3A_2893, %max3A_2882 : vector<32x128xf32>
    %neg3A_2895 = arith.constant 0.000000e+00 : f32
    %neg3A_2896 = vector.broadcast %neg3A_2895 : f32 to vector<32x128xf32>
    %neg3A_2897 = arith.subf %neg3A_2896, %min3A_2879 : vector<32x128xf32>
    %neg3A_2898 = arith.constant 0.000000e+00 : f32
    %neg3A_2899 = vector.broadcast %neg3A_2898 : f32 to vector<32x128xf32>
    %neg3A_2900 = arith.subf %neg3A_2899, %max3A_2880 : vector<32x128xf32>
    %neg3A_2901 = arith.constant 0.000000e+00 : f32
    %neg3A_2902 = vector.broadcast %neg3A_2901 : f32 to vector<32x128xf32>
    %neg3A_2903 = arith.subf %neg3A_2902, %neg3A_2891 : vector<32x128xf32>
    %neg3A_2904 = arith.constant 0.000000e+00 : f32
    %neg3A_2905 = vector.broadcast %neg3A_2904 : f32 to vector<32x128xf32>
    %neg3A_2906 = arith.subf %neg3A_2905, %neg3A_2894 : vector<32x128xf32>
    %min3A_2907 = arith.minimumf %min3A_2875, %neg3A_2885 : vector<32x128xf32>
    %max3A_2908 = arith.maximumf %min3A_2875, %neg3A_2885 : vector<32x128xf32>
    %min3A_2909 = arith.minimumf %max3A_2876, %neg3A_2888 : vector<32x128xf32>
    %max3A_2910 = arith.maximumf %max3A_2876, %neg3A_2888 : vector<32x128xf32>
    %min3A_2911 = arith.minimumf %neg3A_2897, %neg3A_2903 : vector<32x128xf32>
    %max3A_2912 = arith.maximumf %neg3A_2897, %neg3A_2903 : vector<32x128xf32>
    %min3A_2913 = arith.minimumf %neg3A_2900, %neg3A_2906 : vector<32x128xf32>
    %max3A_2914 = arith.maximumf %neg3A_2900, %neg3A_2906 : vector<32x128xf32>
    %min3A_2915 = arith.minimumf %min3A_2907, %min3A_2909 : vector<32x128xf32>
    %max3A_2916 = arith.maximumf %min3A_2907, %min3A_2909 : vector<32x128xf32>
    %min3A_2917 = arith.minimumf %max3A_2908, %max3A_2910 : vector<32x128xf32>
    %max3A_2918 = arith.maximumf %max3A_2908, %max3A_2910 : vector<32x128xf32>
    %min3A_2919 = arith.minimumf %min3A_2911, %min3A_2913 : vector<32x128xf32>
    %max3A_2920 = arith.maximumf %min3A_2911, %min3A_2913 : vector<32x128xf32>
    %min3A_2921 = arith.minimumf %max3A_2912, %max3A_2914 : vector<32x128xf32>
    %max3A_2922 = arith.maximumf %max3A_2912, %max3A_2914 : vector<32x128xf32>
    %neg3A_2923 = arith.constant 0.000000e+00 : f32
    %neg3A_2924 = vector.broadcast %neg3A_2923 : f32 to vector<32x128xf32>
    %neg3A_2925 = arith.subf %neg3A_2924, %min3A_2919 : vector<32x128xf32>
    %neg3A_2926 = arith.constant 0.000000e+00 : f32
    %neg3A_2927 = vector.broadcast %neg3A_2926 : f32 to vector<32x128xf32>
    %neg3A_2928 = arith.subf %neg3A_2927, %max3A_2920 : vector<32x128xf32>
    %neg3A_2929 = arith.constant 0.000000e+00 : f32
    %neg3A_2930 = vector.broadcast %neg3A_2929 : f32 to vector<32x128xf32>
    %neg3A_2931 = arith.subf %neg3A_2930, %min3A_2921 : vector<32x128xf32>
    %neg3A_2932 = arith.constant 0.000000e+00 : f32
    %neg3A_2933 = vector.broadcast %neg3A_2932 : f32 to vector<32x128xf32>
    %neg3A_2934 = arith.subf %neg3A_2933, %max3A_2922 : vector<32x128xf32>
    %and3A_2935 = arith.constant 1 : i32
    %and3A_2936 = vector.broadcast %and3A_2935 : i32 to vector<1x128xi32>
    %and3A_2937 = arith.andi %iota3A_2862, %and3A_2936 : vector<1x128xi32>
    %eq3A_2938 = arith.constant 0 : i32
    %eq3A_2939 = vector.broadcast %eq3A_2938 : i32 to vector<1x128xi32>
    %eq3A_2940 = arith.cmpi eq, %and3A_2937, %eq3A_2939 : vector<1x128xi32>
    %jit3A_2941 = arith.constant 1.000000e+00 : f32
    %jit3A_2942 = arith.constant -1.000000e+00 : f32
    %broadcast_in_dim3A_2943 = vector.broadcast %jit3A_2941 : f32 to vector<1x128xf32>
    %broadcast_in_dim3A_2944 = vector.broadcast %jit3A_2942 : f32 to vector<1x128xf32>
    %select_n3A_2945 = arith.select %eq3A_2940, %broadcast_in_dim3A_2943, %broadcast_in_dim3A_2944 : vector<1x128xi1>, vector<1x128xf32>
    %mul3A_2946 = vector.broadcast %select_n3A_2945 : vector<1x128xf32> to vector<32x128xf32>
    %mul3A_2947 = arith.mulf %min3A_2915, %mul3A_2946 : vector<32x128xf32>
    %mul3A_2948 = vector.broadcast %select_n3A_2945 : vector<1x128xf32> to vector<32x128xf32>
    %mul3A_2949 = arith.mulf %max3A_2916, %mul3A_2948 : vector<32x128xf32>
    %mul3A_2950 = vector.broadcast %select_n3A_2945 : vector<1x128xf32> to vector<32x128xf32>
    %mul3A_2951 = arith.mulf %min3A_2917, %mul3A_2950 : vector<32x128xf32>
    %mul3A_2952 = vector.broadcast %select_n3A_2945 : vector<1x128xf32> to vector<32x128xf32>
    %mul3A_2953 = arith.mulf %max3A_2918, %mul3A_2952 : vector<32x128xf32>
    %mul3A_2954 = vector.broadcast %select_n3A_2945 : vector<1x128xf32> to vector<32x128xf32>
    %mul3A_2955 = arith.mulf %neg3A_2925, %mul3A_2954 : vector<32x128xf32>
    %mul3A_2956 = vector.broadcast %select_n3A_2945 : vector<1x128xf32> to vector<32x128xf32>
    %mul3A_2957 = arith.mulf %neg3A_2928, %mul3A_2956 : vector<32x128xf32>
    %mul3A_2958 = vector.broadcast %select_n3A_2945 : vector<1x128xf32> to vector<32x128xf32>
    %mul3A_2959 = arith.mulf %neg3A_2931, %mul3A_2958 : vector<32x128xf32>
    %mul3A_2960 = vector.broadcast %select_n3A_2945 : vector<1x128xf32> to vector<32x128xf32>
    %mul3A_2961 = arith.mulf %neg3A_2934, %mul3A_2960 : vector<32x128xf32>
    %min3A_2962 = arith.minimumf %mul3A_2947, %mul3A_2955 : vector<32x128xf32>
    %max3A_2963 = arith.maximumf %mul3A_2947, %mul3A_2955 : vector<32x128xf32>
    %min3A_2964 = arith.minimumf %mul3A_2949, %mul3A_2957 : vector<32x128xf32>
    %max3A_2965 = arith.maximumf %mul3A_2949, %mul3A_2957 : vector<32x128xf32>
    %min3A_2966 = arith.minimumf %mul3A_2951, %mul3A_2959 : vector<32x128xf32>
    %max3A_2967 = arith.maximumf %mul3A_2951, %mul3A_2959 : vector<32x128xf32>
    %min3A_2968 = arith.minimumf %mul3A_2953, %mul3A_2961 : vector<32x128xf32>
    %max3A_2969 = arith.maximumf %mul3A_2953, %mul3A_2961 : vector<32x128xf32>
    %min3A_2970 = arith.minimumf %min3A_2962, %min3A_2966 : vector<32x128xf32>
    %max3A_2971 = arith.maximumf %min3A_2962, %min3A_2966 : vector<32x128xf32>
    %min3A_2972 = arith.minimumf %min3A_2964, %min3A_2968 : vector<32x128xf32>
    %max3A_2973 = arith.maximumf %min3A_2964, %min3A_2968 : vector<32x128xf32>
    %min3A_2974 = arith.minimumf %max3A_2963, %max3A_2967 : vector<32x128xf32>
    %max3A_2975 = arith.maximumf %max3A_2963, %max3A_2967 : vector<32x128xf32>
    %min3A_2976 = arith.minimumf %max3A_2965, %max3A_2969 : vector<32x128xf32>
    %max3A_2977 = arith.maximumf %max3A_2965, %max3A_2969 : vector<32x128xf32>
    %min3A_2978 = arith.minimumf %min3A_2970, %min3A_2972 : vector<32x128xf32>
    %max3A_2979 = arith.maximumf %min3A_2970, %min3A_2972 : vector<32x128xf32>
    %min3A_2980 = arith.minimumf %max3A_2971, %max3A_2973 : vector<32x128xf32>
    %max3A_2981 = arith.maximumf %max3A_2971, %max3A_2973 : vector<32x128xf32>
    %min3A_2982 = arith.minimumf %min3A_2974, %min3A_2976 : vector<32x128xf32>
    %max3A_2983 = arith.maximumf %min3A_2974, %min3A_2976 : vector<32x128xf32>
    %min3A_2984 = arith.minimumf %max3A_2975, %max3A_2977 : vector<32x128xf32>
    %max3A_2985 = arith.maximumf %max3A_2975, %max3A_2977 : vector<32x128xf32>
    %and3A_2986 = arith.constant 1 : i32
    %and3A_2987 = vector.broadcast %and3A_2986 : i32 to vector<1x128xi32>
    %and3A_2988 = arith.andi %iota3A_2862, %and3A_2987 : vector<1x128xi32>
    %eq3A_2989 = arith.constant 0 : i32
    %eq3A_2990 = vector.broadcast %eq3A_2989 : i32 to vector<1x128xi32>
    %eq3A_2991 = arith.cmpi eq, %and3A_2988, %eq3A_2990 : vector<1x128xi32>
    %jit3A_2992 = arith.constant 1.000000e+00 : f32
    %jit3A_2993 = arith.constant -1.000000e+00 : f32
    %broadcast_in_dim3A_2994 = vector.broadcast %jit3A_2992 : f32 to vector<1x128xf32>
    %broadcast_in_dim3A_2995 = vector.broadcast %jit3A_2993 : f32 to vector<1x128xf32>
    %select_n3A_2996 = arith.select %eq3A_2991, %broadcast_in_dim3A_2994, %broadcast_in_dim3A_2995 : vector<1x128xi1>, vector<1x128xf32>
    %mul3A_2997 = vector.broadcast %select_n3A_2996 : vector<1x128xf32> to vector<32x128xf32>
    %mul3A_2998 = arith.mulf %min3A_2978, %mul3A_2997 : vector<32x128xf32>
    %mul3A_2999 = vector.broadcast %select_n3A_2996 : vector<1x128xf32> to vector<32x128xf32>
    %mul3A_3000 = arith.mulf %max3A_2979, %mul3A_2999 : vector<32x128xf32>
    %mul3A_3001 = vector.broadcast %select_n3A_2996 : vector<1x128xf32> to vector<32x128xf32>
    %mul3A_3002 = arith.mulf %min3A_2980, %mul3A_3001 : vector<32x128xf32>
    %mul3A_3003 = vector.broadcast %select_n3A_2996 : vector<1x128xf32> to vector<32x128xf32>
    %mul3A_3004 = arith.mulf %max3A_2981, %mul3A_3003 : vector<32x128xf32>
    %mul3A_3005 = vector.broadcast %select_n3A_2996 : vector<1x128xf32> to vector<32x128xf32>
    %mul3A_3006 = arith.mulf %min3A_2982, %mul3A_3005 : vector<32x128xf32>
    %mul3A_3007 = vector.broadcast %select_n3A_2996 : vector<1x128xf32> to vector<32x128xf32>
    %mul3A_3008 = arith.mulf %max3A_2983, %mul3A_3007 : vector<32x128xf32>
    %mul3A_3009 = vector.broadcast %select_n3A_2996 : vector<1x128xf32> to vector<32x128xf32>
    %mul3A_3010 = arith.mulf %min3A_2984, %mul3A_3009 : vector<32x128xf32>
    %mul3A_3011 = vector.broadcast %select_n3A_2996 : vector<1x128xf32> to vector<32x128xf32>
    %mul3A_3012 = arith.mulf %max3A_2985, %mul3A_3011 : vector<32x128xf32>
    %and3A_3013 = arith.constant 2 : i32
    %and3A_3014 = vector.broadcast %and3A_3013 : i32 to vector<1x128xi32>
    %and3A_3015 = arith.andi %iota3A_2862, %and3A_3014 : vector<1x128xi32>
    %eq3A_3016 = arith.constant 0 : i32
    %eq3A_3017 = vector.broadcast %eq3A_3016 : i32 to vector<1x128xi32>
    %eq3A_3018 = arith.cmpi eq, %and3A_3015, %eq3A_3017 : vector<1x128xi32>
    %jit3A_3019 = arith.constant 1.000000e+00 : f32
    %jit3A_3020 = arith.constant -1.000000e+00 : f32
    %broadcast_in_dim3A_3021 = vector.broadcast %jit3A_3019 : f32 to vector<1x128xf32>
    %broadcast_in_dim3A_3022 = vector.broadcast %jit3A_3020 : f32 to vector<1x128xf32>
    %select_n3A_3023 = arith.select %eq3A_3018, %broadcast_in_dim3A_3021, %broadcast_in_dim3A_3022 : vector<1x128xi1>, vector<1x128xf32>
    %mul3A_3024 = vector.broadcast %select_n3A_3023 : vector<1x128xf32> to vector<32x128xf32>
    %mul3A_3025 = arith.mulf %mul3A_2998, %mul3A_3024 : vector<32x128xf32>
    %mul3A_3026 = vector.broadcast %select_n3A_3023 : vector<1x128xf32> to vector<32x128xf32>
    %mul3A_3027 = arith.mulf %mul3A_3000, %mul3A_3026 : vector<32x128xf32>
    %mul3A_3028 = vector.broadcast %select_n3A_3023 : vector<1x128xf32> to vector<32x128xf32>
    %mul3A_3029 = arith.mulf %mul3A_3002, %mul3A_3028 : vector<32x128xf32>
    %mul3A_3030 = vector.broadcast %select_n3A_3023 : vector<1x128xf32> to vector<32x128xf32>
    %mul3A_3031 = arith.mulf %mul3A_3004, %mul3A_3030 : vector<32x128xf32>
    %mul3A_3032 = vector.broadcast %select_n3A_3023 : vector<1x128xf32> to vector<32x128xf32>
    %mul3A_3033 = arith.mulf %mul3A_3006, %mul3A_3032 : vector<32x128xf32>
    %mul3A_3034 = vector.broadcast %select_n3A_3023 : vector<1x128xf32> to vector<32x128xf32>
    %mul3A_3035 = arith.mulf %mul3A_3008, %mul3A_3034 : vector<32x128xf32>
    %mul3A_3036 = vector.broadcast %select_n3A_3023 : vector<1x128xf32> to vector<32x128xf32>
    %mul3A_3037 = arith.mulf %mul3A_3010, %mul3A_3036 : vector<32x128xf32>
    %mul3A_3038 = vector.broadcast %select_n3A_3023 : vector<1x128xf32> to vector<32x128xf32>
    %mul3A_3039 = arith.mulf %mul3A_3012, %mul3A_3038 : vector<32x128xf32>
    %and3A_3040 = arith.constant 1 : i32
    %and3A_3041 = vector.broadcast %and3A_3040 : i32 to vector<1x128xi32>
    %and3A_3042 = arith.andi %iota3A_2862, %and3A_3041 : vector<1x128xi32>
    %ne3A_3043 = arith.constant 0 : i32
    %ne3A_3044 = vector.broadcast %ne3A_3043 : i32 to vector<1x128xi32>
    %ne3A_3045 = arith.cmpi ne, %and3A_3042, %ne3A_3044 : vector<1x128xi32>
    %roll3A_3046 = arith.constant 127 : i32
    %roll3A_3047 = tpu.dynamic_rotate %mul3A_3025 by %roll3A_3046 dim 1 : vector<32x128xf32>, i32 -> vector<32x128xf32>
    %min3A_3048 = arith.minimumf %mul3A_3025, %roll3A_3047 : vector<32x128xf32>
    %max3A_3049 = arith.maximumf %mul3A_3025, %roll3A_3047 : vector<32x128xf32>
    %roll3A_3050 = arith.constant 1 : i32
    %roll3A_3051 = tpu.dynamic_rotate %max3A_3049 by %roll3A_3050 dim 1 : vector<32x128xf32>, i32 -> vector<32x128xf32>
    %broadcast_in_dim3A_3052 = vector.shape_cast %ne3A_3045 : vector<1x128xi1> to vector<1x128xi1>
    %broadcast_in_dim3A_3053 = vector.broadcast %broadcast_in_dim3A_3052 : vector<1x128xi1> to vector<32x128xi1>
    %select_n3A_3054 = arith.select %broadcast_in_dim3A_3053, %roll3A_3051, %min3A_3048 : vector<32x128xi1>, vector<32x128xf32>
    %roll3A_3055 = arith.constant 127 : i32
    %roll3A_3056 = tpu.dynamic_rotate %mul3A_3027 by %roll3A_3055 dim 1 : vector<32x128xf32>, i32 -> vector<32x128xf32>
    %min3A_3057 = arith.minimumf %mul3A_3027, %roll3A_3056 : vector<32x128xf32>
    %max3A_3058 = arith.maximumf %mul3A_3027, %roll3A_3056 : vector<32x128xf32>
    %roll3A_3059 = arith.constant 1 : i32
    %roll3A_3060 = tpu.dynamic_rotate %max3A_3058 by %roll3A_3059 dim 1 : vector<32x128xf32>, i32 -> vector<32x128xf32>
    %broadcast_in_dim3A_3061 = vector.shape_cast %ne3A_3045 : vector<1x128xi1> to vector<1x128xi1>
    %broadcast_in_dim3A_3062 = vector.broadcast %broadcast_in_dim3A_3061 : vector<1x128xi1> to vector<32x128xi1>
    %select_n3A_3063 = arith.select %broadcast_in_dim3A_3062, %roll3A_3060, %min3A_3057 : vector<32x128xi1>, vector<32x128xf32>
    %roll3A_3064 = arith.constant 127 : i32
    %roll3A_3065 = tpu.dynamic_rotate %mul3A_3029 by %roll3A_3064 dim 1 : vector<32x128xf32>, i32 -> vector<32x128xf32>
    %min3A_3066 = arith.minimumf %mul3A_3029, %roll3A_3065 : vector<32x128xf32>
    %max3A_3067 = arith.maximumf %mul3A_3029, %roll3A_3065 : vector<32x128xf32>
    %roll3A_3068 = arith.constant 1 : i32
    %roll3A_3069 = tpu.dynamic_rotate %max3A_3067 by %roll3A_3068 dim 1 : vector<32x128xf32>, i32 -> vector<32x128xf32>
    %broadcast_in_dim3A_3070 = vector.shape_cast %ne3A_3045 : vector<1x128xi1> to vector<1x128xi1>
    %broadcast_in_dim3A_3071 = vector.broadcast %broadcast_in_dim3A_3070 : vector<1x128xi1> to vector<32x128xi1>
    %select_n3A_3072 = arith.select %broadcast_in_dim3A_3071, %roll3A_3069, %min3A_3066 : vector<32x128xi1>, vector<32x128xf32>
    %roll3A_3073 = arith.constant 127 : i32
    %roll3A_3074 = tpu.dynamic_rotate %mul3A_3031 by %roll3A_3073 dim 1 : vector<32x128xf32>, i32 -> vector<32x128xf32>
    %min3A_3075 = arith.minimumf %mul3A_3031, %roll3A_3074 : vector<32x128xf32>
    %max3A_3076 = arith.maximumf %mul3A_3031, %roll3A_3074 : vector<32x128xf32>
    %roll3A_3077 = arith.constant 1 : i32
    %roll3A_3078 = tpu.dynamic_rotate %max3A_3076 by %roll3A_3077 dim 1 : vector<32x128xf32>, i32 -> vector<32x128xf32>
    %broadcast_in_dim3A_3079 = vector.shape_cast %ne3A_3045 : vector<1x128xi1> to vector<1x128xi1>
    %broadcast_in_dim3A_3080 = vector.broadcast %broadcast_in_dim3A_3079 : vector<1x128xi1> to vector<32x128xi1>
    %select_n3A_3081 = arith.select %broadcast_in_dim3A_3080, %roll3A_3078, %min3A_3075 : vector<32x128xi1>, vector<32x128xf32>
    %roll3A_3082 = arith.constant 127 : i32
    %roll3A_3083 = tpu.dynamic_rotate %mul3A_3033 by %roll3A_3082 dim 1 : vector<32x128xf32>, i32 -> vector<32x128xf32>
    %min3A_3084 = arith.minimumf %mul3A_3033, %roll3A_3083 : vector<32x128xf32>
    %max3A_3085 = arith.maximumf %mul3A_3033, %roll3A_3083 : vector<32x128xf32>
    %roll3A_3086 = arith.constant 1 : i32
    %roll3A_3087 = tpu.dynamic_rotate %max3A_3085 by %roll3A_3086 dim 1 : vector<32x128xf32>, i32 -> vector<32x128xf32>
    %broadcast_in_dim3A_3088 = vector.shape_cast %ne3A_3045 : vector<1x128xi1> to vector<1x128xi1>
    %broadcast_in_dim3A_3089 = vector.broadcast %broadcast_in_dim3A_3088 : vector<1x128xi1> to vector<32x128xi1>
    %select_n3A_3090 = arith.select %broadcast_in_dim3A_3089, %roll3A_3087, %min3A_3084 : vector<32x128xi1>, vector<32x128xf32>
    %roll3A_3091 = arith.constant 127 : i32
    %roll3A_3092 = tpu.dynamic_rotate %mul3A_3035 by %roll3A_3091 dim 1 : vector<32x128xf32>, i32 -> vector<32x128xf32>
    %min3A_3093 = arith.minimumf %mul3A_3035, %roll3A_3092 : vector<32x128xf32>
    %max3A_3094 = arith.maximumf %mul3A_3035, %roll3A_3092 : vector<32x128xf32>
    %roll3A_3095 = arith.constant 1 : i32
    %roll3A_3096 = tpu.dynamic_rotate %max3A_3094 by %roll3A_3095 dim 1 : vector<32x128xf32>, i32 -> vector<32x128xf32>
    %broadcast_in_dim3A_3097 = vector.shape_cast %ne3A_3045 : vector<1x128xi1> to vector<1x128xi1>
    %broadcast_in_dim3A_3098 = vector.broadcast %broadcast_in_dim3A_3097 : vector<1x128xi1> to vector<32x128xi1>
    %select_n3A_3099 = arith.select %broadcast_in_dim3A_3098, %roll3A_3096, %min3A_3093 : vector<32x128xi1>, vector<32x128xf32>
    %roll3A_3100 = arith.constant 127 : i32
    %roll3A_3101 = tpu.dynamic_rotate %mul3A_3037 by %roll3A_3100 dim 1 : vector<32x128xf32>, i32 -> vector<32x128xf32>
    %min3A_3102 = arith.minimumf %mul3A_3037, %roll3A_3101 : vector<32x128xf32>
    %max3A_3103 = arith.maximumf %mul3A_3037, %roll3A_3101 : vector<32x128xf32>
    %roll3A_3104 = arith.constant 1 : i32
    %roll3A_3105 = tpu.dynamic_rotate %max3A_3103 by %roll3A_3104 dim 1 : vector<32x128xf32>, i32 -> vector<32x128xf32>
    %broadcast_in_dim3A_3106 = vector.shape_cast %ne3A_3045 : vector<1x128xi1> to vector<1x128xi1>
    %broadcast_in_dim3A_3107 = vector.broadcast %broadcast_in_dim3A_3106 : vector<1x128xi1> to vector<32x128xi1>
    %select_n3A_3108 = arith.select %broadcast_in_dim3A_3107, %roll3A_3105, %min3A_3102 : vector<32x128xi1>, vector<32x128xf32>
    %roll3A_3109 = arith.constant 127 : i32
    %roll3A_3110 = tpu.dynamic_rotate %mul3A_3039 by %roll3A_3109 dim 1 : vector<32x128xf32>, i32 -> vector<32x128xf32>
    %min3A_3111 = arith.minimumf %mul3A_3039, %roll3A_3110 : vector<32x128xf32>
    %max3A_3112 = arith.maximumf %mul3A_3039, %roll3A_3110 : vector<32x128xf32>
    %roll3A_3113 = arith.constant 1 : i32
    %roll3A_3114 = tpu.dynamic_rotate %max3A_3112 by %roll3A_3113 dim 1 : vector<32x128xf32>, i32 -> vector<32x128xf32>
    %broadcast_in_dim3A_3115 = vector.shape_cast %ne3A_3045 : vector<1x128xi1> to vector<1x128xi1>
    %broadcast_in_dim3A_3116 = vector.broadcast %broadcast_in_dim3A_3115 : vector<1x128xi1> to vector<32x128xi1>
    %select_n3A_3117 = arith.select %broadcast_in_dim3A_3116, %roll3A_3114, %min3A_3111 : vector<32x128xi1>, vector<32x128xf32>
    %min3A_3118 = arith.minimumf %select_n3A_3054, %select_n3A_3090 : vector<32x128xf32>
    %max3A_3119 = arith.maximumf %select_n3A_3054, %select_n3A_3090 : vector<32x128xf32>
    %min3A_3120 = arith.minimumf %select_n3A_3063, %select_n3A_3099 : vector<32x128xf32>
    %max3A_3121 = arith.maximumf %select_n3A_3063, %select_n3A_3099 : vector<32x128xf32>
    %min3A_3122 = arith.minimumf %select_n3A_3072, %select_n3A_3108 : vector<32x128xf32>
    %max3A_3123 = arith.maximumf %select_n3A_3072, %select_n3A_3108 : vector<32x128xf32>
    %min3A_3124 = arith.minimumf %select_n3A_3081, %select_n3A_3117 : vector<32x128xf32>
    %max3A_3125 = arith.maximumf %select_n3A_3081, %select_n3A_3117 : vector<32x128xf32>
    %min3A_3126 = arith.minimumf %min3A_3118, %min3A_3122 : vector<32x128xf32>
    %max3A_3127 = arith.maximumf %min3A_3118, %min3A_3122 : vector<32x128xf32>
    %min3A_3128 = arith.minimumf %min3A_3120, %min3A_3124 : vector<32x128xf32>
    %max3A_3129 = arith.maximumf %min3A_3120, %min3A_3124 : vector<32x128xf32>
    %min3A_3130 = arith.minimumf %max3A_3119, %max3A_3123 : vector<32x128xf32>
    %max3A_3131 = arith.maximumf %max3A_3119, %max3A_3123 : vector<32x128xf32>
    %min3A_3132 = arith.minimumf %max3A_3121, %max3A_3125 : vector<32x128xf32>
    %max3A_3133 = arith.maximumf %max3A_3121, %max3A_3125 : vector<32x128xf32>
    %min3A_3134 = arith.minimumf %min3A_3126, %min3A_3128 : vector<32x128xf32>
    %max3A_3135 = arith.maximumf %min3A_3126, %min3A_3128 : vector<32x128xf32>
    %min3A_3136 = arith.minimumf %max3A_3127, %max3A_3129 : vector<32x128xf32>
    %max3A_3137 = arith.maximumf %max3A_3127, %max3A_3129 : vector<32x128xf32>
    %min3A_3138 = arith.minimumf %min3A_3130, %min3A_3132 : vector<32x128xf32>
    %max3A_3139 = arith.maximumf %min3A_3130, %min3A_3132 : vector<32x128xf32>
    %min3A_3140 = arith.minimumf %max3A_3131, %max3A_3133 : vector<32x128xf32>
    %max3A_3141 = arith.maximumf %max3A_3131, %max3A_3133 : vector<32x128xf32>
    %and3A_3142 = arith.constant 2 : i32
    %and3A_3143 = vector.broadcast %and3A_3142 : i32 to vector<1x128xi32>
    %and3A_3144 = arith.andi %iota3A_2862, %and3A_3143 : vector<1x128xi32>
    %eq3A_3145 = arith.constant 0 : i32
    %eq3A_3146 = vector.broadcast %eq3A_3145 : i32 to vector<1x128xi32>
    %eq3A_3147 = arith.cmpi eq, %and3A_3144, %eq3A_3146 : vector<1x128xi32>
    %jit3A_3148 = arith.constant 1.000000e+00 : f32
    %jit3A_3149 = arith.constant -1.000000e+00 : f32
    %broadcast_in_dim3A_3150 = vector.broadcast %jit3A_3148 : f32 to vector<1x128xf32>
    %broadcast_in_dim3A_3151 = vector.broadcast %jit3A_3149 : f32 to vector<1x128xf32>
    %select_n3A_3152 = arith.select %eq3A_3147, %broadcast_in_dim3A_3150, %broadcast_in_dim3A_3151 : vector<1x128xi1>, vector<1x128xf32>
    %mul3A_3153 = vector.broadcast %select_n3A_3152 : vector<1x128xf32> to vector<32x128xf32>
    %mul3A_3154 = arith.mulf %min3A_3134, %mul3A_3153 : vector<32x128xf32>
    %mul3A_3155 = vector.broadcast %select_n3A_3152 : vector<1x128xf32> to vector<32x128xf32>
    %mul3A_3156 = arith.mulf %max3A_3135, %mul3A_3155 : vector<32x128xf32>
    %mul3A_3157 = vector.broadcast %select_n3A_3152 : vector<1x128xf32> to vector<32x128xf32>
    %mul3A_3158 = arith.mulf %min3A_3136, %mul3A_3157 : vector<32x128xf32>
    %mul3A_3159 = vector.broadcast %select_n3A_3152 : vector<1x128xf32> to vector<32x128xf32>
    %mul3A_3160 = arith.mulf %max3A_3137, %mul3A_3159 : vector<32x128xf32>
    %mul3A_3161 = vector.broadcast %select_n3A_3152 : vector<1x128xf32> to vector<32x128xf32>
    %mul3A_3162 = arith.mulf %min3A_3138, %mul3A_3161 : vector<32x128xf32>
    %mul3A_3163 = vector.broadcast %select_n3A_3152 : vector<1x128xf32> to vector<32x128xf32>
    %mul3A_3164 = arith.mulf %max3A_3139, %mul3A_3163 : vector<32x128xf32>
    %mul3A_3165 = vector.broadcast %select_n3A_3152 : vector<1x128xf32> to vector<32x128xf32>
    %mul3A_3166 = arith.mulf %min3A_3140, %mul3A_3165 : vector<32x128xf32>
    %mul3A_3167 = vector.broadcast %select_n3A_3152 : vector<1x128xf32> to vector<32x128xf32>
    %mul3A_3168 = arith.mulf %max3A_3141, %mul3A_3167 : vector<32x128xf32>
    %and3A_3169 = arith.constant 4 : i32
    %and3A_3170 = vector.broadcast %and3A_3169 : i32 to vector<1x128xi32>
    %and3A_3171 = arith.andi %iota3A_2862, %and3A_3170 : vector<1x128xi32>
    %eq3A_3172 = arith.constant 0 : i32
    %eq3A_3173 = vector.broadcast %eq3A_3172 : i32 to vector<1x128xi32>
    %eq3A_3174 = arith.cmpi eq, %and3A_3171, %eq3A_3173 : vector<1x128xi32>
    %jit3A_3175 = arith.constant 1.000000e+00 : f32
    %jit3A_3176 = arith.constant -1.000000e+00 : f32
    %broadcast_in_dim3A_3177 = vector.broadcast %jit3A_3175 : f32 to vector<1x128xf32>
    %broadcast_in_dim3A_3178 = vector.broadcast %jit3A_3176 : f32 to vector<1x128xf32>
    %select_n3A_3179 = arith.select %eq3A_3174, %broadcast_in_dim3A_3177, %broadcast_in_dim3A_3178 : vector<1x128xi1>, vector<1x128xf32>
    %mul3A_3180 = vector.broadcast %select_n3A_3179 : vector<1x128xf32> to vector<32x128xf32>
    %mul3A_3181 = arith.mulf %mul3A_3154, %mul3A_3180 : vector<32x128xf32>
    %mul3A_3182 = vector.broadcast %select_n3A_3179 : vector<1x128xf32> to vector<32x128xf32>
    %mul3A_3183 = arith.mulf %mul3A_3156, %mul3A_3182 : vector<32x128xf32>
    %mul3A_3184 = vector.broadcast %select_n3A_3179 : vector<1x128xf32> to vector<32x128xf32>
    %mul3A_3185 = arith.mulf %mul3A_3158, %mul3A_3184 : vector<32x128xf32>
    %mul3A_3186 = vector.broadcast %select_n3A_3179 : vector<1x128xf32> to vector<32x128xf32>
    %mul3A_3187 = arith.mulf %mul3A_3160, %mul3A_3186 : vector<32x128xf32>
    %mul3A_3188 = vector.broadcast %select_n3A_3179 : vector<1x128xf32> to vector<32x128xf32>
    %mul3A_3189 = arith.mulf %mul3A_3162, %mul3A_3188 : vector<32x128xf32>
    %mul3A_3190 = vector.broadcast %select_n3A_3179 : vector<1x128xf32> to vector<32x128xf32>
    %mul3A_3191 = arith.mulf %mul3A_3164, %mul3A_3190 : vector<32x128xf32>
    %mul3A_3192 = vector.broadcast %select_n3A_3179 : vector<1x128xf32> to vector<32x128xf32>
    %mul3A_3193 = arith.mulf %mul3A_3166, %mul3A_3192 : vector<32x128xf32>
    %mul3A_3194 = vector.broadcast %select_n3A_3179 : vector<1x128xf32> to vector<32x128xf32>
    %mul3A_3195 = arith.mulf %mul3A_3168, %mul3A_3194 : vector<32x128xf32>
    %and3A_3196 = arith.constant 2 : i32
    %and3A_3197 = vector.broadcast %and3A_3196 : i32 to vector<1x128xi32>
    %and3A_3198 = arith.andi %iota3A_2862, %and3A_3197 : vector<1x128xi32>
    %ne3A_3199 = arith.constant 0 : i32
    %ne3A_3200 = vector.broadcast %ne3A_3199 : i32 to vector<1x128xi32>
    %ne3A_3201 = arith.cmpi ne, %and3A_3198, %ne3A_3200 : vector<1x128xi32>
    %roll3A_3202 = arith.constant 126 : i32
    %roll3A_3203 = tpu.dynamic_rotate %mul3A_3181 by %roll3A_3202 dim 1 : vector<32x128xf32>, i32 -> vector<32x128xf32>
    %min3A_3204 = arith.minimumf %mul3A_3181, %roll3A_3203 : vector<32x128xf32>
    %max3A_3205 = arith.maximumf %mul3A_3181, %roll3A_3203 : vector<32x128xf32>
    %roll3A_3206 = arith.constant 2 : i32
    %roll3A_3207 = tpu.dynamic_rotate %max3A_3205 by %roll3A_3206 dim 1 : vector<32x128xf32>, i32 -> vector<32x128xf32>
    %broadcast_in_dim3A_3208 = vector.shape_cast %ne3A_3201 : vector<1x128xi1> to vector<1x128xi1>
    %broadcast_in_dim3A_3209 = vector.broadcast %broadcast_in_dim3A_3208 : vector<1x128xi1> to vector<32x128xi1>
    %select_n3A_3210 = arith.select %broadcast_in_dim3A_3209, %roll3A_3207, %min3A_3204 : vector<32x128xi1>, vector<32x128xf32>
    %roll3A_3211 = arith.constant 126 : i32
    %roll3A_3212 = tpu.dynamic_rotate %mul3A_3183 by %roll3A_3211 dim 1 : vector<32x128xf32>, i32 -> vector<32x128xf32>
    %min3A_3213 = arith.minimumf %mul3A_3183, %roll3A_3212 : vector<32x128xf32>
    %max3A_3214 = arith.maximumf %mul3A_3183, %roll3A_3212 : vector<32x128xf32>
    %roll3A_3215 = arith.constant 2 : i32
    %roll3A_3216 = tpu.dynamic_rotate %max3A_3214 by %roll3A_3215 dim 1 : vector<32x128xf32>, i32 -> vector<32x128xf32>
    %broadcast_in_dim3A_3217 = vector.shape_cast %ne3A_3201 : vector<1x128xi1> to vector<1x128xi1>
    %broadcast_in_dim3A_3218 = vector.broadcast %broadcast_in_dim3A_3217 : vector<1x128xi1> to vector<32x128xi1>
    %select_n3A_3219 = arith.select %broadcast_in_dim3A_3218, %roll3A_3216, %min3A_3213 : vector<32x128xi1>, vector<32x128xf32>
    %roll3A_3220 = arith.constant 126 : i32
    %roll3A_3221 = tpu.dynamic_rotate %mul3A_3185 by %roll3A_3220 dim 1 : vector<32x128xf32>, i32 -> vector<32x128xf32>
    %min3A_3222 = arith.minimumf %mul3A_3185, %roll3A_3221 : vector<32x128xf32>
    %max3A_3223 = arith.maximumf %mul3A_3185, %roll3A_3221 : vector<32x128xf32>
    %roll3A_3224 = arith.constant 2 : i32
    %roll3A_3225 = tpu.dynamic_rotate %max3A_3223 by %roll3A_3224 dim 1 : vector<32x128xf32>, i32 -> vector<32x128xf32>
    %broadcast_in_dim3A_3226 = vector.shape_cast %ne3A_3201 : vector<1x128xi1> to vector<1x128xi1>
    %broadcast_in_dim3A_3227 = vector.broadcast %broadcast_in_dim3A_3226 : vector<1x128xi1> to vector<32x128xi1>
    %select_n3A_3228 = arith.select %broadcast_in_dim3A_3227, %roll3A_3225, %min3A_3222 : vector<32x128xi1>, vector<32x128xf32>
    %roll3A_3229 = arith.constant 126 : i32
    %roll3A_3230 = tpu.dynamic_rotate %mul3A_3187 by %roll3A_3229 dim 1 : vector<32x128xf32>, i32 -> vector<32x128xf32>
    %min3A_3231 = arith.minimumf %mul3A_3187, %roll3A_3230 : vector<32x128xf32>
    %max3A_3232 = arith.maximumf %mul3A_3187, %roll3A_3230 : vector<32x128xf32>
    %roll3A_3233 = arith.constant 2 : i32
    %roll3A_3234 = tpu.dynamic_rotate %max3A_3232 by %roll3A_3233 dim 1 : vector<32x128xf32>, i32 -> vector<32x128xf32>
    %broadcast_in_dim3A_3235 = vector.shape_cast %ne3A_3201 : vector<1x128xi1> to vector<1x128xi1>
    %broadcast_in_dim3A_3236 = vector.broadcast %broadcast_in_dim3A_3235 : vector<1x128xi1> to vector<32x128xi1>
    %select_n3A_3237 = arith.select %broadcast_in_dim3A_3236, %roll3A_3234, %min3A_3231 : vector<32x128xi1>, vector<32x128xf32>
    %roll3A_3238 = arith.constant 126 : i32
    %roll3A_3239 = tpu.dynamic_rotate %mul3A_3189 by %roll3A_3238 dim 1 : vector<32x128xf32>, i32 -> vector<32x128xf32>
    %min3A_3240 = arith.minimumf %mul3A_3189, %roll3A_3239 : vector<32x128xf32>
    %max3A_3241 = arith.maximumf %mul3A_3189, %roll3A_3239 : vector<32x128xf32>
    %roll3A_3242 = arith.constant 2 : i32
    %roll3A_3243 = tpu.dynamic_rotate %max3A_3241 by %roll3A_3242 dim 1 : vector<32x128xf32>, i32 -> vector<32x128xf32>
    %broadcast_in_dim3A_3244 = vector.shape_cast %ne3A_3201 : vector<1x128xi1> to vector<1x128xi1>
    %broadcast_in_dim3A_3245 = vector.broadcast %broadcast_in_dim3A_3244 : vector<1x128xi1> to vector<32x128xi1>
    %select_n3A_3246 = arith.select %broadcast_in_dim3A_3245, %roll3A_3243, %min3A_3240 : vector<32x128xi1>, vector<32x128xf32>
    %roll3A_3247 = arith.constant 126 : i32
    %roll3A_3248 = tpu.dynamic_rotate %mul3A_3191 by %roll3A_3247 dim 1 : vector<32x128xf32>, i32 -> vector<32x128xf32>
    %min3A_3249 = arith.minimumf %mul3A_3191, %roll3A_3248 : vector<32x128xf32>
    %max3A_3250 = arith.maximumf %mul3A_3191, %roll3A_3248 : vector<32x128xf32>
    %roll3A_3251 = arith.constant 2 : i32
    %roll3A_3252 = tpu.dynamic_rotate %max3A_3250 by %roll3A_3251 dim 1 : vector<32x128xf32>, i32 -> vector<32x128xf32>
    %broadcast_in_dim3A_3253 = vector.shape_cast %ne3A_3201 : vector<1x128xi1> to vector<1x128xi1>
    %broadcast_in_dim3A_3254 = vector.broadcast %broadcast_in_dim3A_3253 : vector<1x128xi1> to vector<32x128xi1>
    %select_n3A_3255 = arith.select %broadcast_in_dim3A_3254, %roll3A_3252, %min3A_3249 : vector<32x128xi1>, vector<32x128xf32>
    %roll3A_3256 = arith.constant 126 : i32
    %roll3A_3257 = tpu.dynamic_rotate %mul3A_3193 by %roll3A_3256 dim 1 : vector<32x128xf32>, i32 -> vector<32x128xf32>
    %min3A_3258 = arith.minimumf %mul3A_3193, %roll3A_3257 : vector<32x128xf32>
    %max3A_3259 = arith.maximumf %mul3A_3193, %roll3A_3257 : vector<32x128xf32>
    %roll3A_3260 = arith.constant 2 : i32
    %roll3A_3261 = tpu.dynamic_rotate %max3A_3259 by %roll3A_3260 dim 1 : vector<32x128xf32>, i32 -> vector<32x128xf32>
    %broadcast_in_dim3A_3262 = vector.shape_cast %ne3A_3201 : vector<1x128xi1> to vector<1x128xi1>
    %broadcast_in_dim3A_3263 = vector.broadcast %broadcast_in_dim3A_3262 : vector<1x128xi1> to vector<32x128xi1>
    %select_n3A_3264 = arith.select %broadcast_in_dim3A_3263, %roll3A_3261, %min3A_3258 : vector<32x128xi1>, vector<32x128xf32>
    %roll3A_3265 = arith.constant 126 : i32
    %roll3A_3266 = tpu.dynamic_rotate %mul3A_3195 by %roll3A_3265 dim 1 : vector<32x128xf32>, i32 -> vector<32x128xf32>
    %min3A_3267 = arith.minimumf %mul3A_3195, %roll3A_3266 : vector<32x128xf32>
    %max3A_3268 = arith.maximumf %mul3A_3195, %roll3A_3266 : vector<32x128xf32>
    %roll3A_3269 = arith.constant 2 : i32
    %roll3A_3270 = tpu.dynamic_rotate %max3A_3268 by %roll3A_3269 dim 1 : vector<32x128xf32>, i32 -> vector<32x128xf32>
    %broadcast_in_dim3A_3271 = vector.shape_cast %ne3A_3201 : vector<1x128xi1> to vector<1x128xi1>
    %broadcast_in_dim3A_3272 = vector.broadcast %broadcast_in_dim3A_3271 : vector<1x128xi1> to vector<32x128xi1>
    %select_n3A_3273 = arith.select %broadcast_in_dim3A_3272, %roll3A_3270, %min3A_3267 : vector<32x128xi1>, vector<32x128xf32>
    %and3A_3274 = arith.constant 1 : i32
    %and3A_3275 = vector.broadcast %and3A_3274 : i32 to vector<1x128xi32>
    %and3A_3276 = arith.andi %iota3A_2862, %and3A_3275 : vector<1x128xi32>
    %ne3A_3277 = arith.constant 0 : i32
    %ne3A_3278 = vector.broadcast %ne3A_3277 : i32 to vector<1x128xi32>
    %ne3A_3279 = arith.cmpi ne, %and3A_3276, %ne3A_3278 : vector<1x128xi32>
    %roll3A_3280 = arith.constant 127 : i32
    %roll3A_3281 = tpu.dynamic_rotate %select_n3A_3210 by %roll3A_3280 dim 1 : vector<32x128xf32>, i32 -> vector<32x128xf32>
    %min3A_3282 = arith.minimumf %select_n3A_3210, %roll3A_3281 : vector<32x128xf32>
    %max3A_3283 = arith.maximumf %select_n3A_3210, %roll3A_3281 : vector<32x128xf32>
    %roll3A_3284 = arith.constant 1 : i32
    %roll3A_3285 = tpu.dynamic_rotate %max3A_3283 by %roll3A_3284 dim 1 : vector<32x128xf32>, i32 -> vector<32x128xf32>
    %broadcast_in_dim3A_3286 = vector.shape_cast %ne3A_3279 : vector<1x128xi1> to vector<1x128xi1>
    %broadcast_in_dim3A_3287 = vector.broadcast %broadcast_in_dim3A_3286 : vector<1x128xi1> to vector<32x128xi1>
    %select_n3A_3288 = arith.select %broadcast_in_dim3A_3287, %roll3A_3285, %min3A_3282 : vector<32x128xi1>, vector<32x128xf32>
    %roll3A_3289 = arith.constant 127 : i32
    %roll3A_3290 = tpu.dynamic_rotate %select_n3A_3219 by %roll3A_3289 dim 1 : vector<32x128xf32>, i32 -> vector<32x128xf32>
    %min3A_3291 = arith.minimumf %select_n3A_3219, %roll3A_3290 : vector<32x128xf32>
    %max3A_3292 = arith.maximumf %select_n3A_3219, %roll3A_3290 : vector<32x128xf32>
    %roll3A_3293 = arith.constant 1 : i32
    %roll3A_3294 = tpu.dynamic_rotate %max3A_3292 by %roll3A_3293 dim 1 : vector<32x128xf32>, i32 -> vector<32x128xf32>
    %broadcast_in_dim3A_3295 = vector.shape_cast %ne3A_3279 : vector<1x128xi1> to vector<1x128xi1>
    %broadcast_in_dim3A_3296 = vector.broadcast %broadcast_in_dim3A_3295 : vector<1x128xi1> to vector<32x128xi1>
    %select_n3A_3297 = arith.select %broadcast_in_dim3A_3296, %roll3A_3294, %min3A_3291 : vector<32x128xi1>, vector<32x128xf32>
    %roll3A_3298 = arith.constant 127 : i32
    %roll3A_3299 = tpu.dynamic_rotate %select_n3A_3228 by %roll3A_3298 dim 1 : vector<32x128xf32>, i32 -> vector<32x128xf32>
    %min3A_3300 = arith.minimumf %select_n3A_3228, %roll3A_3299 : vector<32x128xf32>
    %max3A_3301 = arith.maximumf %select_n3A_3228, %roll3A_3299 : vector<32x128xf32>
    %roll3A_3302 = arith.constant 1 : i32
    %roll3A_3303 = tpu.dynamic_rotate %max3A_3301 by %roll3A_3302 dim 1 : vector<32x128xf32>, i32 -> vector<32x128xf32>
    %broadcast_in_dim3A_3304 = vector.shape_cast %ne3A_3279 : vector<1x128xi1> to vector<1x128xi1>
    %broadcast_in_dim3A_3305 = vector.broadcast %broadcast_in_dim3A_3304 : vector<1x128xi1> to vector<32x128xi1>
    %select_n3A_3306 = arith.select %broadcast_in_dim3A_3305, %roll3A_3303, %min3A_3300 : vector<32x128xi1>, vector<32x128xf32>
    %roll3A_3307 = arith.constant 127 : i32
    %roll3A_3308 = tpu.dynamic_rotate %select_n3A_3237 by %roll3A_3307 dim 1 : vector<32x128xf32>, i32 -> vector<32x128xf32>
    %min3A_3309 = arith.minimumf %select_n3A_3237, %roll3A_3308 : vector<32x128xf32>
    %max3A_3310 = arith.maximumf %select_n3A_3237, %roll3A_3308 : vector<32x128xf32>
    %roll3A_3311 = arith.constant 1 : i32
    %roll3A_3312 = tpu.dynamic_rotate %max3A_3310 by %roll3A_3311 dim 1 : vector<32x128xf32>, i32 -> vector<32x128xf32>
    %broadcast_in_dim3A_3313 = vector.shape_cast %ne3A_3279 : vector<1x128xi1> to vector<1x128xi1>
    %broadcast_in_dim3A_3314 = vector.broadcast %broadcast_in_dim3A_3313 : vector<1x128xi1> to vector<32x128xi1>
    %select_n3A_3315 = arith.select %broadcast_in_dim3A_3314, %roll3A_3312, %min3A_3309 : vector<32x128xi1>, vector<32x128xf32>
    %roll3A_3316 = arith.constant 127 : i32
    %roll3A_3317 = tpu.dynamic_rotate %select_n3A_3246 by %roll3A_3316 dim 1 : vector<32x128xf32>, i32 -> vector<32x128xf32>
    %min3A_3318 = arith.minimumf %select_n3A_3246, %roll3A_3317 : vector<32x128xf32>
    %max3A_3319 = arith.maximumf %select_n3A_3246, %roll3A_3317 : vector<32x128xf32>
    %roll3A_3320 = arith.constant 1 : i32
    %roll3A_3321 = tpu.dynamic_rotate %max3A_3319 by %roll3A_3320 dim 1 : vector<32x128xf32>, i32 -> vector<32x128xf32>
    %broadcast_in_dim3A_3322 = vector.shape_cast %ne3A_3279 : vector<1x128xi1> to vector<1x128xi1>
    %broadcast_in_dim3A_3323 = vector.broadcast %broadcast_in_dim3A_3322 : vector<1x128xi1> to vector<32x128xi1>
    %select_n3A_3324 = arith.select %broadcast_in_dim3A_3323, %roll3A_3321, %min3A_3318 : vector<32x128xi1>, vector<32x128xf32>
    %roll3A_3325 = arith.constant 127 : i32
    %roll3A_3326 = tpu.dynamic_rotate %select_n3A_3255 by %roll3A_3325 dim 1 : vector<32x128xf32>, i32 -> vector<32x128xf32>
    %min3A_3327 = arith.minimumf %select_n3A_3255, %roll3A_3326 : vector<32x128xf32>
    %max3A_3328 = arith.maximumf %select_n3A_3255, %roll3A_3326 : vector<32x128xf32>
    %roll3A_3329 = arith.constant 1 : i32
    %roll3A_3330 = tpu.dynamic_rotate %max3A_3328 by %roll3A_3329 dim 1 : vector<32x128xf32>, i32 -> vector<32x128xf32>
    %broadcast_in_dim3A_3331 = vector.shape_cast %ne3A_3279 : vector<1x128xi1> to vector<1x128xi1>
    %broadcast_in_dim3A_3332 = vector.broadcast %broadcast_in_dim3A_3331 : vector<1x128xi1> to vector<32x128xi1>
    %select_n3A_3333 = arith.select %broadcast_in_dim3A_3332, %roll3A_3330, %min3A_3327 : vector<32x128xi1>, vector<32x128xf32>
    %roll3A_3334 = arith.constant 127 : i32
    %roll3A_3335 = tpu.dynamic_rotate %select_n3A_3264 by %roll3A_3334 dim 1 : vector<32x128xf32>, i32 -> vector<32x128xf32>
    %min3A_3336 = arith.minimumf %select_n3A_3264, %roll3A_3335 : vector<32x128xf32>
    %max3A_3337 = arith.maximumf %select_n3A_3264, %roll3A_3335 : vector<32x128xf32>
    %roll3A_3338 = arith.constant 1 : i32
    %roll3A_3339 = tpu.dynamic_rotate %max3A_3337 by %roll3A_3338 dim 1 : vector<32x128xf32>, i32 -> vector<32x128xf32>
    %broadcast_in_dim3A_3340 = vector.shape_cast %ne3A_3279 : vector<1x128xi1> to vector<1x128xi1>
    %broadcast_in_dim3A_3341 = vector.broadcast %broadcast_in_dim3A_3340 : vector<1x128xi1> to vector<32x128xi1>
    %select_n3A_3342 = arith.select %broadcast_in_dim3A_3341, %roll3A_3339, %min3A_3336 : vector<32x128xi1>, vector<32x128xf32>
    %roll3A_3343 = arith.constant 127 : i32
    %roll3A_3344 = tpu.dynamic_rotate %select_n3A_3273 by %roll3A_3343 dim 1 : vector<32x128xf32>, i32 -> vector<32x128xf32>
    %min3A_3345 = arith.minimumf %select_n3A_3273, %roll3A_3344 : vector<32x128xf32>
    %max3A_3346 = arith.maximumf %select_n3A_3273, %roll3A_3344 : vector<32x128xf32>
    %roll3A_3347 = arith.constant 1 : i32
    %roll3A_3348 = tpu.dynamic_rotate %max3A_3346 by %roll3A_3347 dim 1 : vector<32x128xf32>, i32 -> vector<32x128xf32>
    %broadcast_in_dim3A_3349 = vector.shape_cast %ne3A_3279 : vector<1x128xi1> to vector<1x128xi1>
    %broadcast_in_dim3A_3350 = vector.broadcast %broadcast_in_dim3A_3349 : vector<1x128xi1> to vector<32x128xi1>
    %select_n3A_3351 = arith.select %broadcast_in_dim3A_3350, %roll3A_3348, %min3A_3345 : vector<32x128xi1>, vector<32x128xf32>
    %min3A_3352 = arith.minimumf %select_n3A_3288, %select_n3A_3324 : vector<32x128xf32>
    %max3A_3353 = arith.maximumf %select_n3A_3288, %select_n3A_3324 : vector<32x128xf32>
    %min3A_3354 = arith.minimumf %select_n3A_3297, %select_n3A_3333 : vector<32x128xf32>
    %max3A_3355 = arith.maximumf %select_n3A_3297, %select_n3A_3333 : vector<32x128xf32>
    %min3A_3356 = arith.minimumf %select_n3A_3306, %select_n3A_3342 : vector<32x128xf32>
    %max3A_3357 = arith.maximumf %select_n3A_3306, %select_n3A_3342 : vector<32x128xf32>
    %min3A_3358 = arith.minimumf %select_n3A_3315, %select_n3A_3351 : vector<32x128xf32>
    %max3A_3359 = arith.maximumf %select_n3A_3315, %select_n3A_3351 : vector<32x128xf32>
    %min3A_3360 = arith.minimumf %min3A_3352, %min3A_3356 : vector<32x128xf32>
    %max3A_3361 = arith.maximumf %min3A_3352, %min3A_3356 : vector<32x128xf32>
    %min3A_3362 = arith.minimumf %min3A_3354, %min3A_3358 : vector<32x128xf32>
    %max3A_3363 = arith.maximumf %min3A_3354, %min3A_3358 : vector<32x128xf32>
    %min3A_3364 = arith.minimumf %max3A_3353, %max3A_3357 : vector<32x128xf32>
    %max3A_3365 = arith.maximumf %max3A_3353, %max3A_3357 : vector<32x128xf32>
    %min3A_3366 = arith.minimumf %max3A_3355, %max3A_3359 : vector<32x128xf32>
    %max3A_3367 = arith.maximumf %max3A_3355, %max3A_3359 : vector<32x128xf32>
    %min3A_3368 = arith.minimumf %min3A_3360, %min3A_3362 : vector<32x128xf32>
    %max3A_3369 = arith.maximumf %min3A_3360, %min3A_3362 : vector<32x128xf32>
    %min3A_3370 = arith.minimumf %max3A_3361, %max3A_3363 : vector<32x128xf32>
    %max3A_3371 = arith.maximumf %max3A_3361, %max3A_3363 : vector<32x128xf32>
    %min3A_3372 = arith.minimumf %min3A_3364, %min3A_3366 : vector<32x128xf32>
    %max3A_3373 = arith.maximumf %min3A_3364, %min3A_3366 : vector<32x128xf32>
    %min3A_3374 = arith.minimumf %max3A_3365, %max3A_3367 : vector<32x128xf32>
    %max3A_3375 = arith.maximumf %max3A_3365, %max3A_3367 : vector<32x128xf32>
    %and3A_3376 = arith.constant 4 : i32
    %and3A_3377 = vector.broadcast %and3A_3376 : i32 to vector<1x128xi32>
    %and3A_3378 = arith.andi %iota3A_2862, %and3A_3377 : vector<1x128xi32>
    %eq3A_3379 = arith.constant 0 : i32
    %eq3A_3380 = vector.broadcast %eq3A_3379 : i32 to vector<1x128xi32>
    %eq3A_3381 = arith.cmpi eq, %and3A_3378, %eq3A_3380 : vector<1x128xi32>
    %jit3A_3382 = arith.constant 1.000000e+00 : f32
    %jit3A_3383 = arith.constant -1.000000e+00 : f32
    %broadcast_in_dim3A_3384 = vector.broadcast %jit3A_3382 : f32 to vector<1x128xf32>
    %broadcast_in_dim3A_3385 = vector.broadcast %jit3A_3383 : f32 to vector<1x128xf32>
    %select_n3A_3386 = arith.select %eq3A_3381, %broadcast_in_dim3A_3384, %broadcast_in_dim3A_3385 : vector<1x128xi1>, vector<1x128xf32>
    %mul3A_3387 = vector.broadcast %select_n3A_3386 : vector<1x128xf32> to vector<32x128xf32>
    %mul3A_3388 = arith.mulf %min3A_3368, %mul3A_3387 : vector<32x128xf32>
    %mul3A_3389 = vector.broadcast %select_n3A_3386 : vector<1x128xf32> to vector<32x128xf32>
    %mul3A_3390 = arith.mulf %max3A_3369, %mul3A_3389 : vector<32x128xf32>
    %mul3A_3391 = vector.broadcast %select_n3A_3386 : vector<1x128xf32> to vector<32x128xf32>
    %mul3A_3392 = arith.mulf %min3A_3370, %mul3A_3391 : vector<32x128xf32>
    %mul3A_3393 = vector.broadcast %select_n3A_3386 : vector<1x128xf32> to vector<32x128xf32>
    %mul3A_3394 = arith.mulf %max3A_3371, %mul3A_3393 : vector<32x128xf32>
    %mul3A_3395 = vector.broadcast %select_n3A_3386 : vector<1x128xf32> to vector<32x128xf32>
    %mul3A_3396 = arith.mulf %min3A_3372, %mul3A_3395 : vector<32x128xf32>
    %mul3A_3397 = vector.broadcast %select_n3A_3386 : vector<1x128xf32> to vector<32x128xf32>
    %mul3A_3398 = arith.mulf %max3A_3373, %mul3A_3397 : vector<32x128xf32>
    %mul3A_3399 = vector.broadcast %select_n3A_3386 : vector<1x128xf32> to vector<32x128xf32>
    %mul3A_3400 = arith.mulf %min3A_3374, %mul3A_3399 : vector<32x128xf32>
    %mul3A_3401 = vector.broadcast %select_n3A_3386 : vector<1x128xf32> to vector<32x128xf32>
    %mul3A_3402 = arith.mulf %max3A_3375, %mul3A_3401 : vector<32x128xf32>
    %and3A_3403 = arith.constant 8 : i32
    %and3A_3404 = vector.broadcast %and3A_3403 : i32 to vector<1x128xi32>
    %and3A_3405 = arith.andi %iota3A_2862, %and3A_3404 : vector<1x128xi32>
    %eq3A_3406 = arith.constant 0 : i32
    %eq3A_3407 = vector.broadcast %eq3A_3406 : i32 to vector<1x128xi32>
    %eq3A_3408 = arith.cmpi eq, %and3A_3405, %eq3A_3407 : vector<1x128xi32>
    %jit3A_3409 = arith.constant 1.000000e+00 : f32
    %jit3A_3410 = arith.constant -1.000000e+00 : f32
    %broadcast_in_dim3A_3411 = vector.broadcast %jit3A_3409 : f32 to vector<1x128xf32>
    %broadcast_in_dim3A_3412 = vector.broadcast %jit3A_3410 : f32 to vector<1x128xf32>
    %select_n3A_3413 = arith.select %eq3A_3408, %broadcast_in_dim3A_3411, %broadcast_in_dim3A_3412 : vector<1x128xi1>, vector<1x128xf32>
    %mul3A_3414 = vector.broadcast %select_n3A_3413 : vector<1x128xf32> to vector<32x128xf32>
    %mul3A_3415 = arith.mulf %mul3A_3388, %mul3A_3414 : vector<32x128xf32>
    %mul3A_3416 = vector.broadcast %select_n3A_3413 : vector<1x128xf32> to vector<32x128xf32>
    %mul3A_3417 = arith.mulf %mul3A_3390, %mul3A_3416 : vector<32x128xf32>
    %mul3A_3418 = vector.broadcast %select_n3A_3413 : vector<1x128xf32> to vector<32x128xf32>
    %mul3A_3419 = arith.mulf %mul3A_3392, %mul3A_3418 : vector<32x128xf32>
    %mul3A_3420 = vector.broadcast %select_n3A_3413 : vector<1x128xf32> to vector<32x128xf32>
    %mul3A_3421 = arith.mulf %mul3A_3394, %mul3A_3420 : vector<32x128xf32>
    %mul3A_3422 = vector.broadcast %select_n3A_3413 : vector<1x128xf32> to vector<32x128xf32>
    %mul3A_3423 = arith.mulf %mul3A_3396, %mul3A_3422 : vector<32x128xf32>
    %mul3A_3424 = vector.broadcast %select_n3A_3413 : vector<1x128xf32> to vector<32x128xf32>
    %mul3A_3425 = arith.mulf %mul3A_3398, %mul3A_3424 : vector<32x128xf32>
    %mul3A_3426 = vector.broadcast %select_n3A_3413 : vector<1x128xf32> to vector<32x128xf32>
    %mul3A_3427 = arith.mulf %mul3A_3400, %mul3A_3426 : vector<32x128xf32>
    %mul3A_3428 = vector.broadcast %select_n3A_3413 : vector<1x128xf32> to vector<32x128xf32>
    %mul3A_3429 = arith.mulf %mul3A_3402, %mul3A_3428 : vector<32x128xf32>
    %and3A_3430 = arith.constant 4 : i32
    %and3A_3431 = vector.broadcast %and3A_3430 : i32 to vector<1x128xi32>
    %and3A_3432 = arith.andi %iota3A_2862, %and3A_3431 : vector<1x128xi32>
    %ne3A_3433 = arith.constant 0 : i32
    %ne3A_3434 = vector.broadcast %ne3A_3433 : i32 to vector<1x128xi32>
    %ne3A_3435 = arith.cmpi ne, %and3A_3432, %ne3A_3434 : vector<1x128xi32>
    %roll3A_3436 = arith.constant 124 : i32
    %roll3A_3437 = tpu.dynamic_rotate %mul3A_3415 by %roll3A_3436 dim 1 : vector<32x128xf32>, i32 -> vector<32x128xf32>
    %min3A_3438 = arith.minimumf %mul3A_3415, %roll3A_3437 : vector<32x128xf32>
    %max3A_3439 = arith.maximumf %mul3A_3415, %roll3A_3437 : vector<32x128xf32>
    %roll3A_3440 = arith.constant 4 : i32
    %roll3A_3441 = tpu.dynamic_rotate %max3A_3439 by %roll3A_3440 dim 1 : vector<32x128xf32>, i32 -> vector<32x128xf32>
    %broadcast_in_dim3A_3442 = vector.shape_cast %ne3A_3435 : vector<1x128xi1> to vector<1x128xi1>
    %broadcast_in_dim3A_3443 = vector.broadcast %broadcast_in_dim3A_3442 : vector<1x128xi1> to vector<32x128xi1>
    %select_n3A_3444 = arith.select %broadcast_in_dim3A_3443, %roll3A_3441, %min3A_3438 : vector<32x128xi1>, vector<32x128xf32>
    %roll3A_3445 = arith.constant 124 : i32
    %roll3A_3446 = tpu.dynamic_rotate %mul3A_3417 by %roll3A_3445 dim 1 : vector<32x128xf32>, i32 -> vector<32x128xf32>
    %min3A_3447 = arith.minimumf %mul3A_3417, %roll3A_3446 : vector<32x128xf32>
    %max3A_3448 = arith.maximumf %mul3A_3417, %roll3A_3446 : vector<32x128xf32>
    %roll3A_3449 = arith.constant 4 : i32
    %roll3A_3450 = tpu.dynamic_rotate %max3A_3448 by %roll3A_3449 dim 1 : vector<32x128xf32>, i32 -> vector<32x128xf32>
    %broadcast_in_dim3A_3451 = vector.shape_cast %ne3A_3435 : vector<1x128xi1> to vector<1x128xi1>
    %broadcast_in_dim3A_3452 = vector.broadcast %broadcast_in_dim3A_3451 : vector<1x128xi1> to vector<32x128xi1>
    %select_n3A_3453 = arith.select %broadcast_in_dim3A_3452, %roll3A_3450, %min3A_3447 : vector<32x128xi1>, vector<32x128xf32>
    %roll3A_3454 = arith.constant 124 : i32
    %roll3A_3455 = tpu.dynamic_rotate %mul3A_3419 by %roll3A_3454 dim 1 : vector<32x128xf32>, i32 -> vector<32x128xf32>
    %min3A_3456 = arith.minimumf %mul3A_3419, %roll3A_3455 : vector<32x128xf32>
    %max3A_3457 = arith.maximumf %mul3A_3419, %roll3A_3455 : vector<32x128xf32>
    %roll3A_3458 = arith.constant 4 : i32
    %roll3A_3459 = tpu.dynamic_rotate %max3A_3457 by %roll3A_3458 dim 1 : vector<32x128xf32>, i32 -> vector<32x128xf32>
    %broadcast_in_dim3A_3460 = vector.shape_cast %ne3A_3435 : vector<1x128xi1> to vector<1x128xi1>
    %broadcast_in_dim3A_3461 = vector.broadcast %broadcast_in_dim3A_3460 : vector<1x128xi1> to vector<32x128xi1>
    %select_n3A_3462 = arith.select %broadcast_in_dim3A_3461, %roll3A_3459, %min3A_3456 : vector<32x128xi1>, vector<32x128xf32>
    %roll3A_3463 = arith.constant 124 : i32
    %roll3A_3464 = tpu.dynamic_rotate %mul3A_3421 by %roll3A_3463 dim 1 : vector<32x128xf32>, i32 -> vector<32x128xf32>
    %min3A_3465 = arith.minimumf %mul3A_3421, %roll3A_3464 : vector<32x128xf32>
    %max3A_3466 = arith.maximumf %mul3A_3421, %roll3A_3464 : vector<32x128xf32>
    %roll3A_3467 = arith.constant 4 : i32
    %roll3A_3468 = tpu.dynamic_rotate %max3A_3466 by %roll3A_3467 dim 1 : vector<32x128xf32>, i32 -> vector<32x128xf32>
    %broadcast_in_dim3A_3469 = vector.shape_cast %ne3A_3435 : vector<1x128xi1> to vector<1x128xi1>
    %broadcast_in_dim3A_3470 = vector.broadcast %broadcast_in_dim3A_3469 : vector<1x128xi1> to vector<32x128xi1>
    %select_n3A_3471 = arith.select %broadcast_in_dim3A_3470, %roll3A_3468, %min3A_3465 : vector<32x128xi1>, vector<32x128xf32>
    %roll3A_3472 = arith.constant 124 : i32
    %roll3A_3473 = tpu.dynamic_rotate %mul3A_3423 by %roll3A_3472 dim 1 : vector<32x128xf32>, i32 -> vector<32x128xf32>
    %min3A_3474 = arith.minimumf %mul3A_3423, %roll3A_3473 : vector<32x128xf32>
    %max3A_3475 = arith.maximumf %mul3A_3423, %roll3A_3473 : vector<32x128xf32>
    %roll3A_3476 = arith.constant 4 : i32
    %roll3A_3477 = tpu.dynamic_rotate %max3A_3475 by %roll3A_3476 dim 1 : vector<32x128xf32>, i32 -> vector<32x128xf32>
    %broadcast_in_dim3A_3478 = vector.shape_cast %ne3A_3435 : vector<1x128xi1> to vector<1x128xi1>
    %broadcast_in_dim3A_3479 = vector.broadcast %broadcast_in_dim3A_3478 : vector<1x128xi1> to vector<32x128xi1>
    %select_n3A_3480 = arith.select %broadcast_in_dim3A_3479, %roll3A_3477, %min3A_3474 : vector<32x128xi1>, vector<32x128xf32>
    %roll3A_3481 = arith.constant 124 : i32
    %roll3A_3482 = tpu.dynamic_rotate %mul3A_3425 by %roll3A_3481 dim 1 : vector<32x128xf32>, i32 -> vector<32x128xf32>
    %min3A_3483 = arith.minimumf %mul3A_3425, %roll3A_3482 : vector<32x128xf32>
    %max3A_3484 = arith.maximumf %mul3A_3425, %roll3A_3482 : vector<32x128xf32>
    %roll3A_3485 = arith.constant 4 : i32
    %roll3A_3486 = tpu.dynamic_rotate %max3A_3484 by %roll3A_3485 dim 1 : vector<32x128xf32>, i32 -> vector<32x128xf32>
    %broadcast_in_dim3A_3487 = vector.shape_cast %ne3A_3435 : vector<1x128xi1> to vector<1x128xi1>
    %broadcast_in_dim3A_3488 = vector.broadcast %broadcast_in_dim3A_3487 : vector<1x128xi1> to vector<32x128xi1>
    %select_n3A_3489 = arith.select %broadcast_in_dim3A_3488, %roll3A_3486, %min3A_3483 : vector<32x128xi1>, vector<32x128xf32>
    %roll3A_3490 = arith.constant 124 : i32
    %roll3A_3491 = tpu.dynamic_rotate %mul3A_3427 by %roll3A_3490 dim 1 : vector<32x128xf32>, i32 -> vector<32x128xf32>
    %min3A_3492 = arith.minimumf %mul3A_3427, %roll3A_3491 : vector<32x128xf32>
    %max3A_3493 = arith.maximumf %mul3A_3427, %roll3A_3491 : vector<32x128xf32>
    %roll3A_3494 = arith.constant 4 : i32
    %roll3A_3495 = tpu.dynamic_rotate %max3A_3493 by %roll3A_3494 dim 1 : vector<32x128xf32>, i32 -> vector<32x128xf32>
    %broadcast_in_dim3A_3496 = vector.shape_cast %ne3A_3435 : vector<1x128xi1> to vector<1x128xi1>
    %broadcast_in_dim3A_3497 = vector.broadcast %broadcast_in_dim3A_3496 : vector<1x128xi1> to vector<32x128xi1>
    %select_n3A_3498 = arith.select %broadcast_in_dim3A_3497, %roll3A_3495, %min3A_3492 : vector<32x128xi1>, vector<32x128xf32>
    %roll3A_3499 = arith.constant 124 : i32
    %roll3A_3500 = tpu.dynamic_rotate %mul3A_3429 by %roll3A_3499 dim 1 : vector<32x128xf32>, i32 -> vector<32x128xf32>
    %min3A_3501 = arith.minimumf %mul3A_3429, %roll3A_3500 : vector<32x128xf32>
    %max3A_3502 = arith.maximumf %mul3A_3429, %roll3A_3500 : vector<32x128xf32>
    %roll3A_3503 = arith.constant 4 : i32
    %roll3A_3504 = tpu.dynamic_rotate %max3A_3502 by %roll3A_3503 dim 1 : vector<32x128xf32>, i32 -> vector<32x128xf32>
    %broadcast_in_dim3A_3505 = vector.shape_cast %ne3A_3435 : vector<1x128xi1> to vector<1x128xi1>
    %broadcast_in_dim3A_3506 = vector.broadcast %broadcast_in_dim3A_3505 : vector<1x128xi1> to vector<32x128xi1>
    %select_n3A_3507 = arith.select %broadcast_in_dim3A_3506, %roll3A_3504, %min3A_3501 : vector<32x128xi1>, vector<32x128xf32>
    %and3A_3508 = arith.constant 2 : i32
    %and3A_3509 = vector.broadcast %and3A_3508 : i32 to vector<1x128xi32>
    %and3A_3510 = arith.andi %iota3A_2862, %and3A_3509 : vector<1x128xi32>
    %ne3A_3511 = arith.constant 0 : i32
    %ne3A_3512 = vector.broadcast %ne3A_3511 : i32 to vector<1x128xi32>
    %ne3A_3513 = arith.cmpi ne, %and3A_3510, %ne3A_3512 : vector<1x128xi32>
    %roll3A_3514 = arith.constant 126 : i32
    %roll3A_3515 = tpu.dynamic_rotate %select_n3A_3444 by %roll3A_3514 dim 1 : vector<32x128xf32>, i32 -> vector<32x128xf32>
    %min3A_3516 = arith.minimumf %select_n3A_3444, %roll3A_3515 : vector<32x128xf32>
    %max3A_3517 = arith.maximumf %select_n3A_3444, %roll3A_3515 : vector<32x128xf32>
    %roll3A_3518 = arith.constant 2 : i32
    %roll3A_3519 = tpu.dynamic_rotate %max3A_3517 by %roll3A_3518 dim 1 : vector<32x128xf32>, i32 -> vector<32x128xf32>
    %broadcast_in_dim3A_3520 = vector.shape_cast %ne3A_3513 : vector<1x128xi1> to vector<1x128xi1>
    %broadcast_in_dim3A_3521 = vector.broadcast %broadcast_in_dim3A_3520 : vector<1x128xi1> to vector<32x128xi1>
    %select_n3A_3522 = arith.select %broadcast_in_dim3A_3521, %roll3A_3519, %min3A_3516 : vector<32x128xi1>, vector<32x128xf32>
    %roll3A_3523 = arith.constant 126 : i32
    %roll3A_3524 = tpu.dynamic_rotate %select_n3A_3453 by %roll3A_3523 dim 1 : vector<32x128xf32>, i32 -> vector<32x128xf32>
    %min3A_3525 = arith.minimumf %select_n3A_3453, %roll3A_3524 : vector<32x128xf32>
    %max3A_3526 = arith.maximumf %select_n3A_3453, %roll3A_3524 : vector<32x128xf32>
    %roll3A_3527 = arith.constant 2 : i32
    %roll3A_3528 = tpu.dynamic_rotate %max3A_3526 by %roll3A_3527 dim 1 : vector<32x128xf32>, i32 -> vector<32x128xf32>
    %broadcast_in_dim3A_3529 = vector.shape_cast %ne3A_3513 : vector<1x128xi1> to vector<1x128xi1>
    %broadcast_in_dim3A_3530 = vector.broadcast %broadcast_in_dim3A_3529 : vector<1x128xi1> to vector<32x128xi1>
    %select_n3A_3531 = arith.select %broadcast_in_dim3A_3530, %roll3A_3528, %min3A_3525 : vector<32x128xi1>, vector<32x128xf32>
    %roll3A_3532 = arith.constant 126 : i32
    %roll3A_3533 = tpu.dynamic_rotate %select_n3A_3462 by %roll3A_3532 dim 1 : vector<32x128xf32>, i32 -> vector<32x128xf32>
    %min3A_3534 = arith.minimumf %select_n3A_3462, %roll3A_3533 : vector<32x128xf32>
    %max3A_3535 = arith.maximumf %select_n3A_3462, %roll3A_3533 : vector<32x128xf32>
    %roll3A_3536 = arith.constant 2 : i32
    %roll3A_3537 = tpu.dynamic_rotate %max3A_3535 by %roll3A_3536 dim 1 : vector<32x128xf32>, i32 -> vector<32x128xf32>
    %broadcast_in_dim3A_3538 = vector.shape_cast %ne3A_3513 : vector<1x128xi1> to vector<1x128xi1>
    %broadcast_in_dim3A_3539 = vector.broadcast %broadcast_in_dim3A_3538 : vector<1x128xi1> to vector<32x128xi1>
    %select_n3A_3540 = arith.select %broadcast_in_dim3A_3539, %roll3A_3537, %min3A_3534 : vector<32x128xi1>, vector<32x128xf32>
    %roll3A_3541 = arith.constant 126 : i32
    %roll3A_3542 = tpu.dynamic_rotate %select_n3A_3471 by %roll3A_3541 dim 1 : vector<32x128xf32>, i32 -> vector<32x128xf32>
    %min3A_3543 = arith.minimumf %select_n3A_3471, %roll3A_3542 : vector<32x128xf32>
    %max3A_3544 = arith.maximumf %select_n3A_3471, %roll3A_3542 : vector<32x128xf32>
    %roll3A_3545 = arith.constant 2 : i32
    %roll3A_3546 = tpu.dynamic_rotate %max3A_3544 by %roll3A_3545 dim 1 : vector<32x128xf32>, i32 -> vector<32x128xf32>
    %broadcast_in_dim3A_3547 = vector.shape_cast %ne3A_3513 : vector<1x128xi1> to vector<1x128xi1>
    %broadcast_in_dim3A_3548 = vector.broadcast %broadcast_in_dim3A_3547 : vector<1x128xi1> to vector<32x128xi1>
    %select_n3A_3549 = arith.select %broadcast_in_dim3A_3548, %roll3A_3546, %min3A_3543 : vector<32x128xi1>, vector<32x128xf32>
    %roll3A_3550 = arith.constant 126 : i32
    %roll3A_3551 = tpu.dynamic_rotate %select_n3A_3480 by %roll3A_3550 dim 1 : vector<32x128xf32>, i32 -> vector<32x128xf32>
    %min3A_3552 = arith.minimumf %select_n3A_3480, %roll3A_3551 : vector<32x128xf32>
    %max3A_3553 = arith.maximumf %select_n3A_3480, %roll3A_3551 : vector<32x128xf32>
    %roll3A_3554 = arith.constant 2 : i32
    %roll3A_3555 = tpu.dynamic_rotate %max3A_3553 by %roll3A_3554 dim 1 : vector<32x128xf32>, i32 -> vector<32x128xf32>
    %broadcast_in_dim3A_3556 = vector.shape_cast %ne3A_3513 : vector<1x128xi1> to vector<1x128xi1>
    %broadcast_in_dim3A_3557 = vector.broadcast %broadcast_in_dim3A_3556 : vector<1x128xi1> to vector<32x128xi1>
    %select_n3A_3558 = arith.select %broadcast_in_dim3A_3557, %roll3A_3555, %min3A_3552 : vector<32x128xi1>, vector<32x128xf32>
    %roll3A_3559 = arith.constant 126 : i32
    %roll3A_3560 = tpu.dynamic_rotate %select_n3A_3489 by %roll3A_3559 dim 1 : vector<32x128xf32>, i32 -> vector<32x128xf32>
    %min3A_3561 = arith.minimumf %select_n3A_3489, %roll3A_3560 : vector<32x128xf32>
    %max3A_3562 = arith.maximumf %select_n3A_3489, %roll3A_3560 : vector<32x128xf32>
    %roll3A_3563 = arith.constant 2 : i32
    %roll3A_3564 = tpu.dynamic_rotate %max3A_3562 by %roll3A_3563 dim 1 : vector<32x128xf32>, i32 -> vector<32x128xf32>
    %broadcast_in_dim3A_3565 = vector.shape_cast %ne3A_3513 : vector<1x128xi1> to vector<1x128xi1>
    %broadcast_in_dim3A_3566 = vector.broadcast %broadcast_in_dim3A_3565 : vector<1x128xi1> to vector<32x128xi1>
    %select_n3A_3567 = arith.select %broadcast_in_dim3A_3566, %roll3A_3564, %min3A_3561 : vector<32x128xi1>, vector<32x128xf32>
    %roll3A_3568 = arith.constant 126 : i32
    %roll3A_3569 = tpu.dynamic_rotate %select_n3A_3498 by %roll3A_3568 dim 1 : vector<32x128xf32>, i32 -> vector<32x128xf32>
    %min3A_3570 = arith.minimumf %select_n3A_3498, %roll3A_3569 : vector<32x128xf32>
    %max3A_3571 = arith.maximumf %select_n3A_3498, %roll3A_3569 : vector<32x128xf32>
    %roll3A_3572 = arith.constant 2 : i32
    %roll3A_3573 = tpu.dynamic_rotate %max3A_3571 by %roll3A_3572 dim 1 : vector<32x128xf32>, i32 -> vector<32x128xf32>
    %broadcast_in_dim3A_3574 = vector.shape_cast %ne3A_3513 : vector<1x128xi1> to vector<1x128xi1>
    %broadcast_in_dim3A_3575 = vector.broadcast %broadcast_in_dim3A_3574 : vector<1x128xi1> to vector<32x128xi1>
    %select_n3A_3576 = arith.select %broadcast_in_dim3A_3575, %roll3A_3573, %min3A_3570 : vector<32x128xi1>, vector<32x128xf32>
    %roll3A_3577 = arith.constant 126 : i32
    %roll3A_3578 = tpu.dynamic_rotate %select_n3A_3507 by %roll3A_3577 dim 1 : vector<32x128xf32>, i32 -> vector<32x128xf32>
    %min3A_3579 = arith.minimumf %select_n3A_3507, %roll3A_3578 : vector<32x128xf32>
    %max3A_3580 = arith.maximumf %select_n3A_3507, %roll3A_3578 : vector<32x128xf32>
    %roll3A_3581 = arith.constant 2 : i32
    %roll3A_3582 = tpu.dynamic_rotate %max3A_3580 by %roll3A_3581 dim 1 : vector<32x128xf32>, i32 -> vector<32x128xf32>
    %broadcast_in_dim3A_3583 = vector.shape_cast %ne3A_3513 : vector<1x128xi1> to vector<1x128xi1>
    %broadcast_in_dim3A_3584 = vector.broadcast %broadcast_in_dim3A_3583 : vector<1x128xi1> to vector<32x128xi1>
    %select_n3A_3585 = arith.select %broadcast_in_dim3A_3584, %roll3A_3582, %min3A_3579 : vector<32x128xi1>, vector<32x128xf32>
    %and3A_3586 = arith.constant 1 : i32
    %and3A_3587 = vector.broadcast %and3A_3586 : i32 to vector<1x128xi32>
    %and3A_3588 = arith.andi %iota3A_2862, %and3A_3587 : vector<1x128xi32>
    %ne3A_3589 = arith.constant 0 : i32
    %ne3A_3590 = vector.broadcast %ne3A_3589 : i32 to vector<1x128xi32>
    %ne3A_3591 = arith.cmpi ne, %and3A_3588, %ne3A_3590 : vector<1x128xi32>
    %roll3A_3592 = arith.constant 127 : i32
    %roll3A_3593 = tpu.dynamic_rotate %select_n3A_3522 by %roll3A_3592 dim 1 : vector<32x128xf32>, i32 -> vector<32x128xf32>
    %min3A_3594 = arith.minimumf %select_n3A_3522, %roll3A_3593 : vector<32x128xf32>
    %max3A_3595 = arith.maximumf %select_n3A_3522, %roll3A_3593 : vector<32x128xf32>
    %roll3A_3596 = arith.constant 1 : i32
    %roll3A_3597 = tpu.dynamic_rotate %max3A_3595 by %roll3A_3596 dim 1 : vector<32x128xf32>, i32 -> vector<32x128xf32>
    %broadcast_in_dim3A_3598 = vector.shape_cast %ne3A_3591 : vector<1x128xi1> to vector<1x128xi1>
    %broadcast_in_dim3A_3599 = vector.broadcast %broadcast_in_dim3A_3598 : vector<1x128xi1> to vector<32x128xi1>
    %select_n3A_3600 = arith.select %broadcast_in_dim3A_3599, %roll3A_3597, %min3A_3594 : vector<32x128xi1>, vector<32x128xf32>
    %roll3A_3601 = arith.constant 127 : i32
    %roll3A_3602 = tpu.dynamic_rotate %select_n3A_3531 by %roll3A_3601 dim 1 : vector<32x128xf32>, i32 -> vector<32x128xf32>
    %min3A_3603 = arith.minimumf %select_n3A_3531, %roll3A_3602 : vector<32x128xf32>
    %max3A_3604 = arith.maximumf %select_n3A_3531, %roll3A_3602 : vector<32x128xf32>
    %roll3A_3605 = arith.constant 1 : i32
    %roll3A_3606 = tpu.dynamic_rotate %max3A_3604 by %roll3A_3605 dim 1 : vector<32x128xf32>, i32 -> vector<32x128xf32>
    %broadcast_in_dim3A_3607 = vector.shape_cast %ne3A_3591 : vector<1x128xi1> to vector<1x128xi1>
    %broadcast_in_dim3A_3608 = vector.broadcast %broadcast_in_dim3A_3607 : vector<1x128xi1> to vector<32x128xi1>
    %select_n3A_3609 = arith.select %broadcast_in_dim3A_3608, %roll3A_3606, %min3A_3603 : vector<32x128xi1>, vector<32x128xf32>
    %roll3A_3610 = arith.constant 127 : i32
    %roll3A_3611 = tpu.dynamic_rotate %select_n3A_3540 by %roll3A_3610 dim 1 : vector<32x128xf32>, i32 -> vector<32x128xf32>
    %min3A_3612 = arith.minimumf %select_n3A_3540, %roll3A_3611 : vector<32x128xf32>
    %max3A_3613 = arith.maximumf %select_n3A_3540, %roll3A_3611 : vector<32x128xf32>
    %roll3A_3614 = arith.constant 1 : i32
    %roll3A_3615 = tpu.dynamic_rotate %max3A_3613 by %roll3A_3614 dim 1 : vector<32x128xf32>, i32 -> vector<32x128xf32>
    %broadcast_in_dim3A_3616 = vector.shape_cast %ne3A_3591 : vector<1x128xi1> to vector<1x128xi1>
    %broadcast_in_dim3A_3617 = vector.broadcast %broadcast_in_dim3A_3616 : vector<1x128xi1> to vector<32x128xi1>
    %select_n3A_3618 = arith.select %broadcast_in_dim3A_3617, %roll3A_3615, %min3A_3612 : vector<32x128xi1>, vector<32x128xf32>
    %roll3A_3619 = arith.constant 127 : i32
    %roll3A_3620 = tpu.dynamic_rotate %select_n3A_3549 by %roll3A_3619 dim 1 : vector<32x128xf32>, i32 -> vector<32x128xf32>
    %min3A_3621 = arith.minimumf %select_n3A_3549, %roll3A_3620 : vector<32x128xf32>
    %max3A_3622 = arith.maximumf %select_n3A_3549, %roll3A_3620 : vector<32x128xf32>
    %roll3A_3623 = arith.constant 1 : i32
    %roll3A_3624 = tpu.dynamic_rotate %max3A_3622 by %roll3A_3623 dim 1 : vector<32x128xf32>, i32 -> vector<32x128xf32>
    %broadcast_in_dim3A_3625 = vector.shape_cast %ne3A_3591 : vector<1x128xi1> to vector<1x128xi1>
    %broadcast_in_dim3A_3626 = vector.broadcast %broadcast_in_dim3A_3625 : vector<1x128xi1> to vector<32x128xi1>
    %select_n3A_3627 = arith.select %broadcast_in_dim3A_3626, %roll3A_3624, %min3A_3621 : vector<32x128xi1>, vector<32x128xf32>
    %roll3A_3628 = arith.constant 127 : i32
    %roll3A_3629 = tpu.dynamic_rotate %select_n3A_3558 by %roll3A_3628 dim 1 : vector<32x128xf32>, i32 -> vector<32x128xf32>
    %min3A_3630 = arith.minimumf %select_n3A_3558, %roll3A_3629 : vector<32x128xf32>
    %max3A_3631 = arith.maximumf %select_n3A_3558, %roll3A_3629 : vector<32x128xf32>
    %roll3A_3632 = arith.constant 1 : i32
    %roll3A_3633 = tpu.dynamic_rotate %max3A_3631 by %roll3A_3632 dim 1 : vector<32x128xf32>, i32 -> vector<32x128xf32>
    %broadcast_in_dim3A_3634 = vector.shape_cast %ne3A_3591 : vector<1x128xi1> to vector<1x128xi1>
    %broadcast_in_dim3A_3635 = vector.broadcast %broadcast_in_dim3A_3634 : vector<1x128xi1> to vector<32x128xi1>
    %select_n3A_3636 = arith.select %broadcast_in_dim3A_3635, %roll3A_3633, %min3A_3630 : vector<32x128xi1>, vector<32x128xf32>
    %roll3A_3637 = arith.constant 127 : i32
    %roll3A_3638 = tpu.dynamic_rotate %select_n3A_3567 by %roll3A_3637 dim 1 : vector<32x128xf32>, i32 -> vector<32x128xf32>
    %min3A_3639 = arith.minimumf %select_n3A_3567, %roll3A_3638 : vector<32x128xf32>
    %max3A_3640 = arith.maximumf %select_n3A_3567, %roll3A_3638 : vector<32x128xf32>
    %roll3A_3641 = arith.constant 1 : i32
    %roll3A_3642 = tpu.dynamic_rotate %max3A_3640 by %roll3A_3641 dim 1 : vector<32x128xf32>, i32 -> vector<32x128xf32>
    %broadcast_in_dim3A_3643 = vector.shape_cast %ne3A_3591 : vector<1x128xi1> to vector<1x128xi1>
    %broadcast_in_dim3A_3644 = vector.broadcast %broadcast_in_dim3A_3643 : vector<1x128xi1> to vector<32x128xi1>
    %select_n3A_3645 = arith.select %broadcast_in_dim3A_3644, %roll3A_3642, %min3A_3639 : vector<32x128xi1>, vector<32x128xf32>
    %roll3A_3646 = arith.constant 127 : i32
    %roll3A_3647 = tpu.dynamic_rotate %select_n3A_3576 by %roll3A_3646 dim 1 : vector<32x128xf32>, i32 -> vector<32x128xf32>
    %min3A_3648 = arith.minimumf %select_n3A_3576, %roll3A_3647 : vector<32x128xf32>
    %max3A_3649 = arith.maximumf %select_n3A_3576, %roll3A_3647 : vector<32x128xf32>
    %roll3A_3650 = arith.constant 1 : i32
    %roll3A_3651 = tpu.dynamic_rotate %max3A_3649 by %roll3A_3650 dim 1 : vector<32x128xf32>, i32 -> vector<32x128xf32>
    %broadcast_in_dim3A_3652 = vector.shape_cast %ne3A_3591 : vector<1x128xi1> to vector<1x128xi1>
    %broadcast_in_dim3A_3653 = vector.broadcast %broadcast_in_dim3A_3652 : vector<1x128xi1> to vector<32x128xi1>
    %select_n3A_3654 = arith.select %broadcast_in_dim3A_3653, %roll3A_3651, %min3A_3648 : vector<32x128xi1>, vector<32x128xf32>
    %roll3A_3655 = arith.constant 127 : i32
    %roll3A_3656 = tpu.dynamic_rotate %select_n3A_3585 by %roll3A_3655 dim 1 : vector<32x128xf32>, i32 -> vector<32x128xf32>
    %min3A_3657 = arith.minimumf %select_n3A_3585, %roll3A_3656 : vector<32x128xf32>
    %max3A_3658 = arith.maximumf %select_n3A_3585, %roll3A_3656 : vector<32x128xf32>
    %roll3A_3659 = arith.constant 1 : i32
    %roll3A_3660 = tpu.dynamic_rotate %max3A_3658 by %roll3A_3659 dim 1 : vector<32x128xf32>, i32 -> vector<32x128xf32>
    %broadcast_in_dim3A_3661 = vector.shape_cast %ne3A_3591 : vector<1x128xi1> to vector<1x128xi1>
    %broadcast_in_dim3A_3662 = vector.broadcast %broadcast_in_dim3A_3661 : vector<1x128xi1> to vector<32x128xi1>
    %select_n3A_3663 = arith.select %broadcast_in_dim3A_3662, %roll3A_3660, %min3A_3657 : vector<32x128xi1>, vector<32x128xf32>
    %min3A_3664 = arith.minimumf %select_n3A_3600, %select_n3A_3636 : vector<32x128xf32>
    %max3A_3665 = arith.maximumf %select_n3A_3600, %select_n3A_3636 : vector<32x128xf32>
    %min3A_3666 = arith.minimumf %select_n3A_3609, %select_n3A_3645 : vector<32x128xf32>
    %max3A_3667 = arith.maximumf %select_n3A_3609, %select_n3A_3645 : vector<32x128xf32>
    %min3A_3668 = arith.minimumf %select_n3A_3618, %select_n3A_3654 : vector<32x128xf32>
    %max3A_3669 = arith.maximumf %select_n3A_3618, %select_n3A_3654 : vector<32x128xf32>
    %min3A_3670 = arith.minimumf %select_n3A_3627, %select_n3A_3663 : vector<32x128xf32>
    %max3A_3671 = arith.maximumf %select_n3A_3627, %select_n3A_3663 : vector<32x128xf32>
    %min3A_3672 = arith.minimumf %min3A_3664, %min3A_3668 : vector<32x128xf32>
    %max3A_3673 = arith.maximumf %min3A_3664, %min3A_3668 : vector<32x128xf32>
    %min3A_3674 = arith.minimumf %min3A_3666, %min3A_3670 : vector<32x128xf32>
    %max3A_3675 = arith.maximumf %min3A_3666, %min3A_3670 : vector<32x128xf32>
    %min3A_3676 = arith.minimumf %max3A_3665, %max3A_3669 : vector<32x128xf32>
    %max3A_3677 = arith.maximumf %max3A_3665, %max3A_3669 : vector<32x128xf32>
    %min3A_3678 = arith.minimumf %max3A_3667, %max3A_3671 : vector<32x128xf32>
    %max3A_3679 = arith.maximumf %max3A_3667, %max3A_3671 : vector<32x128xf32>
    %min3A_3680 = arith.minimumf %min3A_3672, %min3A_3674 : vector<32x128xf32>
    %max3A_3681 = arith.maximumf %min3A_3672, %min3A_3674 : vector<32x128xf32>
    %min3A_3682 = arith.minimumf %max3A_3673, %max3A_3675 : vector<32x128xf32>
    %max3A_3683 = arith.maximumf %max3A_3673, %max3A_3675 : vector<32x128xf32>
    %min3A_3684 = arith.minimumf %min3A_3676, %min3A_3678 : vector<32x128xf32>
    %max3A_3685 = arith.maximumf %min3A_3676, %min3A_3678 : vector<32x128xf32>
    %min3A_3686 = arith.minimumf %max3A_3677, %max3A_3679 : vector<32x128xf32>
    %max3A_3687 = arith.maximumf %max3A_3677, %max3A_3679 : vector<32x128xf32>
    %and3A_3688 = arith.constant 8 : i32
    %and3A_3689 = vector.broadcast %and3A_3688 : i32 to vector<1x128xi32>
    %and3A_3690 = arith.andi %iota3A_2862, %and3A_3689 : vector<1x128xi32>
    %eq3A_3691 = arith.constant 0 : i32
    %eq3A_3692 = vector.broadcast %eq3A_3691 : i32 to vector<1x128xi32>
    %eq3A_3693 = arith.cmpi eq, %and3A_3690, %eq3A_3692 : vector<1x128xi32>
    %jit3A_3694 = arith.constant 1.000000e+00 : f32
    %jit3A_3695 = arith.constant -1.000000e+00 : f32
    %broadcast_in_dim3A_3696 = vector.broadcast %jit3A_3694 : f32 to vector<1x128xf32>
    %broadcast_in_dim3A_3697 = vector.broadcast %jit3A_3695 : f32 to vector<1x128xf32>
    %select_n3A_3698 = arith.select %eq3A_3693, %broadcast_in_dim3A_3696, %broadcast_in_dim3A_3697 : vector<1x128xi1>, vector<1x128xf32>
    %mul3A_3699 = vector.broadcast %select_n3A_3698 : vector<1x128xf32> to vector<32x128xf32>
    %mul3A_3700 = arith.mulf %min3A_3680, %mul3A_3699 : vector<32x128xf32>
    %mul3A_3701 = vector.broadcast %select_n3A_3698 : vector<1x128xf32> to vector<32x128xf32>
    %mul3A_3702 = arith.mulf %max3A_3681, %mul3A_3701 : vector<32x128xf32>
    %mul3A_3703 = vector.broadcast %select_n3A_3698 : vector<1x128xf32> to vector<32x128xf32>
    %mul3A_3704 = arith.mulf %min3A_3682, %mul3A_3703 : vector<32x128xf32>
    %mul3A_3705 = vector.broadcast %select_n3A_3698 : vector<1x128xf32> to vector<32x128xf32>
    %mul3A_3706 = arith.mulf %max3A_3683, %mul3A_3705 : vector<32x128xf32>
    %mul3A_3707 = vector.broadcast %select_n3A_3698 : vector<1x128xf32> to vector<32x128xf32>
    %mul3A_3708 = arith.mulf %min3A_3684, %mul3A_3707 : vector<32x128xf32>
    %mul3A_3709 = vector.broadcast %select_n3A_3698 : vector<1x128xf32> to vector<32x128xf32>
    %mul3A_3710 = arith.mulf %max3A_3685, %mul3A_3709 : vector<32x128xf32>
    %mul3A_3711 = vector.broadcast %select_n3A_3698 : vector<1x128xf32> to vector<32x128xf32>
    %mul3A_3712 = arith.mulf %min3A_3686, %mul3A_3711 : vector<32x128xf32>
    %mul3A_3713 = vector.broadcast %select_n3A_3698 : vector<1x128xf32> to vector<32x128xf32>
    %mul3A_3714 = arith.mulf %max3A_3687, %mul3A_3713 : vector<32x128xf32>
    %and3A_3715 = arith.constant 16 : i32
    %and3A_3716 = vector.broadcast %and3A_3715 : i32 to vector<1x128xi32>
    %and3A_3717 = arith.andi %iota3A_2862, %and3A_3716 : vector<1x128xi32>
    %eq3A_3718 = arith.constant 0 : i32
    %eq3A_3719 = vector.broadcast %eq3A_3718 : i32 to vector<1x128xi32>
    %eq3A_3720 = arith.cmpi eq, %and3A_3717, %eq3A_3719 : vector<1x128xi32>
    %jit3A_3721 = arith.constant 1.000000e+00 : f32
    %jit3A_3722 = arith.constant -1.000000e+00 : f32
    %broadcast_in_dim3A_3723 = vector.broadcast %jit3A_3721 : f32 to vector<1x128xf32>
    %broadcast_in_dim3A_3724 = vector.broadcast %jit3A_3722 : f32 to vector<1x128xf32>
    %select_n3A_3725 = arith.select %eq3A_3720, %broadcast_in_dim3A_3723, %broadcast_in_dim3A_3724 : vector<1x128xi1>, vector<1x128xf32>
    %mul3A_3726 = vector.broadcast %select_n3A_3725 : vector<1x128xf32> to vector<32x128xf32>
    %mul3A_3727 = arith.mulf %mul3A_3700, %mul3A_3726 : vector<32x128xf32>
    %mul3A_3728 = vector.broadcast %select_n3A_3725 : vector<1x128xf32> to vector<32x128xf32>
    %mul3A_3729 = arith.mulf %mul3A_3702, %mul3A_3728 : vector<32x128xf32>
    %mul3A_3730 = vector.broadcast %select_n3A_3725 : vector<1x128xf32> to vector<32x128xf32>
    %mul3A_3731 = arith.mulf %mul3A_3704, %mul3A_3730 : vector<32x128xf32>
    %mul3A_3732 = vector.broadcast %select_n3A_3725 : vector<1x128xf32> to vector<32x128xf32>
    %mul3A_3733 = arith.mulf %mul3A_3706, %mul3A_3732 : vector<32x128xf32>
    %mul3A_3734 = vector.broadcast %select_n3A_3725 : vector<1x128xf32> to vector<32x128xf32>
    %mul3A_3735 = arith.mulf %mul3A_3708, %mul3A_3734 : vector<32x128xf32>
    %mul3A_3736 = vector.broadcast %select_n3A_3725 : vector<1x128xf32> to vector<32x128xf32>
    %mul3A_3737 = arith.mulf %mul3A_3710, %mul3A_3736 : vector<32x128xf32>
    %mul3A_3738 = vector.broadcast %select_n3A_3725 : vector<1x128xf32> to vector<32x128xf32>
    %mul3A_3739 = arith.mulf %mul3A_3712, %mul3A_3738 : vector<32x128xf32>
    %mul3A_3740 = vector.broadcast %select_n3A_3725 : vector<1x128xf32> to vector<32x128xf32>
    %mul3A_3741 = arith.mulf %mul3A_3714, %mul3A_3740 : vector<32x128xf32>
    %and3A_3742 = arith.constant 8 : i32
    %and3A_3743 = vector.broadcast %and3A_3742 : i32 to vector<1x128xi32>
    %and3A_3744 = arith.andi %iota3A_2862, %and3A_3743 : vector<1x128xi32>
    %ne3A_3745 = arith.constant 0 : i32
    %ne3A_3746 = vector.broadcast %ne3A_3745 : i32 to vector<1x128xi32>
    %ne3A_3747 = arith.cmpi ne, %and3A_3744, %ne3A_3746 : vector<1x128xi32>
    %roll3A_3748 = arith.constant 120 : i32
    %roll3A_3749 = tpu.dynamic_rotate %mul3A_3727 by %roll3A_3748 dim 1 : vector<32x128xf32>, i32 -> vector<32x128xf32>
    %min3A_3750 = arith.minimumf %mul3A_3727, %roll3A_3749 : vector<32x128xf32>
    %max3A_3751 = arith.maximumf %mul3A_3727, %roll3A_3749 : vector<32x128xf32>
    %roll3A_3752 = arith.constant 8 : i32
    %roll3A_3753 = tpu.dynamic_rotate %max3A_3751 by %roll3A_3752 dim 1 : vector<32x128xf32>, i32 -> vector<32x128xf32>
    %broadcast_in_dim3A_3754 = vector.shape_cast %ne3A_3747 : vector<1x128xi1> to vector<1x128xi1>
    %broadcast_in_dim3A_3755 = vector.broadcast %broadcast_in_dim3A_3754 : vector<1x128xi1> to vector<32x128xi1>
    %select_n3A_3756 = arith.select %broadcast_in_dim3A_3755, %roll3A_3753, %min3A_3750 : vector<32x128xi1>, vector<32x128xf32>
    %roll3A_3757 = arith.constant 120 : i32
    %roll3A_3758 = tpu.dynamic_rotate %mul3A_3729 by %roll3A_3757 dim 1 : vector<32x128xf32>, i32 -> vector<32x128xf32>
    %min3A_3759 = arith.minimumf %mul3A_3729, %roll3A_3758 : vector<32x128xf32>
    %max3A_3760 = arith.maximumf %mul3A_3729, %roll3A_3758 : vector<32x128xf32>
    %roll3A_3761 = arith.constant 8 : i32
    %roll3A_3762 = tpu.dynamic_rotate %max3A_3760 by %roll3A_3761 dim 1 : vector<32x128xf32>, i32 -> vector<32x128xf32>
    %broadcast_in_dim3A_3763 = vector.shape_cast %ne3A_3747 : vector<1x128xi1> to vector<1x128xi1>
    %broadcast_in_dim3A_3764 = vector.broadcast %broadcast_in_dim3A_3763 : vector<1x128xi1> to vector<32x128xi1>
    %select_n3A_3765 = arith.select %broadcast_in_dim3A_3764, %roll3A_3762, %min3A_3759 : vector<32x128xi1>, vector<32x128xf32>
    %roll3A_3766 = arith.constant 120 : i32
    %roll3A_3767 = tpu.dynamic_rotate %mul3A_3731 by %roll3A_3766 dim 1 : vector<32x128xf32>, i32 -> vector<32x128xf32>
    %min3A_3768 = arith.minimumf %mul3A_3731, %roll3A_3767 : vector<32x128xf32>
    %max3A_3769 = arith.maximumf %mul3A_3731, %roll3A_3767 : vector<32x128xf32>
    %roll3A_3770 = arith.constant 8 : i32
    %roll3A_3771 = tpu.dynamic_rotate %max3A_3769 by %roll3A_3770 dim 1 : vector<32x128xf32>, i32 -> vector<32x128xf32>
    %broadcast_in_dim3A_3772 = vector.shape_cast %ne3A_3747 : vector<1x128xi1> to vector<1x128xi1>
    %broadcast_in_dim3A_3773 = vector.broadcast %broadcast_in_dim3A_3772 : vector<1x128xi1> to vector<32x128xi1>
    %select_n3A_3774 = arith.select %broadcast_in_dim3A_3773, %roll3A_3771, %min3A_3768 : vector<32x128xi1>, vector<32x128xf32>
    %roll3A_3775 = arith.constant 120 : i32
    %roll3A_3776 = tpu.dynamic_rotate %mul3A_3733 by %roll3A_3775 dim 1 : vector<32x128xf32>, i32 -> vector<32x128xf32>
    %min3A_3777 = arith.minimumf %mul3A_3733, %roll3A_3776 : vector<32x128xf32>
    %max3A_3778 = arith.maximumf %mul3A_3733, %roll3A_3776 : vector<32x128xf32>
    %roll3A_3779 = arith.constant 8 : i32
    %roll3A_3780 = tpu.dynamic_rotate %max3A_3778 by %roll3A_3779 dim 1 : vector<32x128xf32>, i32 -> vector<32x128xf32>
    %broadcast_in_dim3A_3781 = vector.shape_cast %ne3A_3747 : vector<1x128xi1> to vector<1x128xi1>
    %broadcast_in_dim3A_3782 = vector.broadcast %broadcast_in_dim3A_3781 : vector<1x128xi1> to vector<32x128xi1>
    %select_n3A_3783 = arith.select %broadcast_in_dim3A_3782, %roll3A_3780, %min3A_3777 : vector<32x128xi1>, vector<32x128xf32>
    %roll3A_3784 = arith.constant 120 : i32
    %roll3A_3785 = tpu.dynamic_rotate %mul3A_3735 by %roll3A_3784 dim 1 : vector<32x128xf32>, i32 -> vector<32x128xf32>
    %min3A_3786 = arith.minimumf %mul3A_3735, %roll3A_3785 : vector<32x128xf32>
    %max3A_3787 = arith.maximumf %mul3A_3735, %roll3A_3785 : vector<32x128xf32>
    %roll3A_3788 = arith.constant 8 : i32
    %roll3A_3789 = tpu.dynamic_rotate %max3A_3787 by %roll3A_3788 dim 1 : vector<32x128xf32>, i32 -> vector<32x128xf32>
    %broadcast_in_dim3A_3790 = vector.shape_cast %ne3A_3747 : vector<1x128xi1> to vector<1x128xi1>
    %broadcast_in_dim3A_3791 = vector.broadcast %broadcast_in_dim3A_3790 : vector<1x128xi1> to vector<32x128xi1>
    %select_n3A_3792 = arith.select %broadcast_in_dim3A_3791, %roll3A_3789, %min3A_3786 : vector<32x128xi1>, vector<32x128xf32>
    %roll3A_3793 = arith.constant 120 : i32
    %roll3A_3794 = tpu.dynamic_rotate %mul3A_3737 by %roll3A_3793 dim 1 : vector<32x128xf32>, i32 -> vector<32x128xf32>
    %min3A_3795 = arith.minimumf %mul3A_3737, %roll3A_3794 : vector<32x128xf32>
    %max3A_3796 = arith.maximumf %mul3A_3737, %roll3A_3794 : vector<32x128xf32>
    %roll3A_3797 = arith.constant 8 : i32
    %roll3A_3798 = tpu.dynamic_rotate %max3A_3796 by %roll3A_3797 dim 1 : vector<32x128xf32>, i32 -> vector<32x128xf32>
    %broadcast_in_dim3A_3799 = vector.shape_cast %ne3A_3747 : vector<1x128xi1> to vector<1x128xi1>
    %broadcast_in_dim3A_3800 = vector.broadcast %broadcast_in_dim3A_3799 : vector<1x128xi1> to vector<32x128xi1>
    %select_n3A_3801 = arith.select %broadcast_in_dim3A_3800, %roll3A_3798, %min3A_3795 : vector<32x128xi1>, vector<32x128xf32>
    %roll3A_3802 = arith.constant 120 : i32
    %roll3A_3803 = tpu.dynamic_rotate %mul3A_3739 by %roll3A_3802 dim 1 : vector<32x128xf32>, i32 -> vector<32x128xf32>
    %min3A_3804 = arith.minimumf %mul3A_3739, %roll3A_3803 : vector<32x128xf32>
    %max3A_3805 = arith.maximumf %mul3A_3739, %roll3A_3803 : vector<32x128xf32>
    %roll3A_3806 = arith.constant 8 : i32
    %roll3A_3807 = tpu.dynamic_rotate %max3A_3805 by %roll3A_3806 dim 1 : vector<32x128xf32>, i32 -> vector<32x128xf32>
    %broadcast_in_dim3A_3808 = vector.shape_cast %ne3A_3747 : vector<1x128xi1> to vector<1x128xi1>
    %broadcast_in_dim3A_3809 = vector.broadcast %broadcast_in_dim3A_3808 : vector<1x128xi1> to vector<32x128xi1>
    %select_n3A_3810 = arith.select %broadcast_in_dim3A_3809, %roll3A_3807, %min3A_3804 : vector<32x128xi1>, vector<32x128xf32>
    %roll3A_3811 = arith.constant 120 : i32
    %roll3A_3812 = tpu.dynamic_rotate %mul3A_3741 by %roll3A_3811 dim 1 : vector<32x128xf32>, i32 -> vector<32x128xf32>
    %min3A_3813 = arith.minimumf %mul3A_3741, %roll3A_3812 : vector<32x128xf32>
    %max3A_3814 = arith.maximumf %mul3A_3741, %roll3A_3812 : vector<32x128xf32>
    %roll3A_3815 = arith.constant 8 : i32
    %roll3A_3816 = tpu.dynamic_rotate %max3A_3814 by %roll3A_3815 dim 1 : vector<32x128xf32>, i32 -> vector<32x128xf32>
    %broadcast_in_dim3A_3817 = vector.shape_cast %ne3A_3747 : vector<1x128xi1> to vector<1x128xi1>
    %broadcast_in_dim3A_3818 = vector.broadcast %broadcast_in_dim3A_3817 : vector<1x128xi1> to vector<32x128xi1>
    %select_n3A_3819 = arith.select %broadcast_in_dim3A_3818, %roll3A_3816, %min3A_3813 : vector<32x128xi1>, vector<32x128xf32>
    %and3A_3820 = arith.constant 4 : i32
    %and3A_3821 = vector.broadcast %and3A_3820 : i32 to vector<1x128xi32>
    %and3A_3822 = arith.andi %iota3A_2862, %and3A_3821 : vector<1x128xi32>
    %ne3A_3823 = arith.constant 0 : i32
    %ne3A_3824 = vector.broadcast %ne3A_3823 : i32 to vector<1x128xi32>
    %ne3A_3825 = arith.cmpi ne, %and3A_3822, %ne3A_3824 : vector<1x128xi32>
    %roll3A_3826 = arith.constant 124 : i32
    %roll3A_3827 = tpu.dynamic_rotate %select_n3A_3756 by %roll3A_3826 dim 1 : vector<32x128xf32>, i32 -> vector<32x128xf32>
    %min3A_3828 = arith.minimumf %select_n3A_3756, %roll3A_3827 : vector<32x128xf32>
    %max3A_3829 = arith.maximumf %select_n3A_3756, %roll3A_3827 : vector<32x128xf32>
    %roll3A_3830 = arith.constant 4 : i32
    %roll3A_3831 = tpu.dynamic_rotate %max3A_3829 by %roll3A_3830 dim 1 : vector<32x128xf32>, i32 -> vector<32x128xf32>
    %broadcast_in_dim3A_3832 = vector.shape_cast %ne3A_3825 : vector<1x128xi1> to vector<1x128xi1>
    %broadcast_in_dim3A_3833 = vector.broadcast %broadcast_in_dim3A_3832 : vector<1x128xi1> to vector<32x128xi1>
    %select_n3A_3834 = arith.select %broadcast_in_dim3A_3833, %roll3A_3831, %min3A_3828 : vector<32x128xi1>, vector<32x128xf32>
    %roll3A_3835 = arith.constant 124 : i32
    %roll3A_3836 = tpu.dynamic_rotate %select_n3A_3765 by %roll3A_3835 dim 1 : vector<32x128xf32>, i32 -> vector<32x128xf32>
    %min3A_3837 = arith.minimumf %select_n3A_3765, %roll3A_3836 : vector<32x128xf32>
    %max3A_3838 = arith.maximumf %select_n3A_3765, %roll3A_3836 : vector<32x128xf32>
    %roll3A_3839 = arith.constant 4 : i32
    %roll3A_3840 = tpu.dynamic_rotate %max3A_3838 by %roll3A_3839 dim 1 : vector<32x128xf32>, i32 -> vector<32x128xf32>
    %broadcast_in_dim3A_3841 = vector.shape_cast %ne3A_3825 : vector<1x128xi1> to vector<1x128xi1>
    %broadcast_in_dim3A_3842 = vector.broadcast %broadcast_in_dim3A_3841 : vector<1x128xi1> to vector<32x128xi1>
    %select_n3A_3843 = arith.select %broadcast_in_dim3A_3842, %roll3A_3840, %min3A_3837 : vector<32x128xi1>, vector<32x128xf32>
    %roll3A_3844 = arith.constant 124 : i32
    %roll3A_3845 = tpu.dynamic_rotate %select_n3A_3774 by %roll3A_3844 dim 1 : vector<32x128xf32>, i32 -> vector<32x128xf32>
    %min3A_3846 = arith.minimumf %select_n3A_3774, %roll3A_3845 : vector<32x128xf32>
    %max3A_3847 = arith.maximumf %select_n3A_3774, %roll3A_3845 : vector<32x128xf32>
    %roll3A_3848 = arith.constant 4 : i32
    %roll3A_3849 = tpu.dynamic_rotate %max3A_3847 by %roll3A_3848 dim 1 : vector<32x128xf32>, i32 -> vector<32x128xf32>
    %broadcast_in_dim3A_3850 = vector.shape_cast %ne3A_3825 : vector<1x128xi1> to vector<1x128xi1>
    %broadcast_in_dim3A_3851 = vector.broadcast %broadcast_in_dim3A_3850 : vector<1x128xi1> to vector<32x128xi1>
    %select_n3A_3852 = arith.select %broadcast_in_dim3A_3851, %roll3A_3849, %min3A_3846 : vector<32x128xi1>, vector<32x128xf32>
    %roll3A_3853 = arith.constant 124 : i32
    %roll3A_3854 = tpu.dynamic_rotate %select_n3A_3783 by %roll3A_3853 dim 1 : vector<32x128xf32>, i32 -> vector<32x128xf32>
    %min3A_3855 = arith.minimumf %select_n3A_3783, %roll3A_3854 : vector<32x128xf32>
    %max3A_3856 = arith.maximumf %select_n3A_3783, %roll3A_3854 : vector<32x128xf32>
    %roll3A_3857 = arith.constant 4 : i32
    %roll3A_3858 = tpu.dynamic_rotate %max3A_3856 by %roll3A_3857 dim 1 : vector<32x128xf32>, i32 -> vector<32x128xf32>
    %broadcast_in_dim3A_3859 = vector.shape_cast %ne3A_3825 : vector<1x128xi1> to vector<1x128xi1>
    %broadcast_in_dim3A_3860 = vector.broadcast %broadcast_in_dim3A_3859 : vector<1x128xi1> to vector<32x128xi1>
    %select_n3A_3861 = arith.select %broadcast_in_dim3A_3860, %roll3A_3858, %min3A_3855 : vector<32x128xi1>, vector<32x128xf32>
    %roll3A_3862 = arith.constant 124 : i32
    %roll3A_3863 = tpu.dynamic_rotate %select_n3A_3792 by %roll3A_3862 dim 1 : vector<32x128xf32>, i32 -> vector<32x128xf32>
    %min3A_3864 = arith.minimumf %select_n3A_3792, %roll3A_3863 : vector<32x128xf32>
    %max3A_3865 = arith.maximumf %select_n3A_3792, %roll3A_3863 : vector<32x128xf32>
    %roll3A_3866 = arith.constant 4 : i32
    %roll3A_3867 = tpu.dynamic_rotate %max3A_3865 by %roll3A_3866 dim 1 : vector<32x128xf32>, i32 -> vector<32x128xf32>
    %broadcast_in_dim3A_3868 = vector.shape_cast %ne3A_3825 : vector<1x128xi1> to vector<1x128xi1>
    %broadcast_in_dim3A_3869 = vector.broadcast %broadcast_in_dim3A_3868 : vector<1x128xi1> to vector<32x128xi1>
    %select_n3A_3870 = arith.select %broadcast_in_dim3A_3869, %roll3A_3867, %min3A_3864 : vector<32x128xi1>, vector<32x128xf32>
    %roll3A_3871 = arith.constant 124 : i32
    %roll3A_3872 = tpu.dynamic_rotate %select_n3A_3801 by %roll3A_3871 dim 1 : vector<32x128xf32>, i32 -> vector<32x128xf32>
    %min3A_3873 = arith.minimumf %select_n3A_3801, %roll3A_3872 : vector<32x128xf32>
    %max3A_3874 = arith.maximumf %select_n3A_3801, %roll3A_3872 : vector<32x128xf32>
    %roll3A_3875 = arith.constant 4 : i32
    %roll3A_3876 = tpu.dynamic_rotate %max3A_3874 by %roll3A_3875 dim 1 : vector<32x128xf32>, i32 -> vector<32x128xf32>
    %broadcast_in_dim3A_3877 = vector.shape_cast %ne3A_3825 : vector<1x128xi1> to vector<1x128xi1>
    %broadcast_in_dim3A_3878 = vector.broadcast %broadcast_in_dim3A_3877 : vector<1x128xi1> to vector<32x128xi1>
    %select_n3A_3879 = arith.select %broadcast_in_dim3A_3878, %roll3A_3876, %min3A_3873 : vector<32x128xi1>, vector<32x128xf32>
    %roll3A_3880 = arith.constant 124 : i32
    %roll3A_3881 = tpu.dynamic_rotate %select_n3A_3810 by %roll3A_3880 dim 1 : vector<32x128xf32>, i32 -> vector<32x128xf32>
    %min3A_3882 = arith.minimumf %select_n3A_3810, %roll3A_3881 : vector<32x128xf32>
    %max3A_3883 = arith.maximumf %select_n3A_3810, %roll3A_3881 : vector<32x128xf32>
    %roll3A_3884 = arith.constant 4 : i32
    %roll3A_3885 = tpu.dynamic_rotate %max3A_3883 by %roll3A_3884 dim 1 : vector<32x128xf32>, i32 -> vector<32x128xf32>
    %broadcast_in_dim3A_3886 = vector.shape_cast %ne3A_3825 : vector<1x128xi1> to vector<1x128xi1>
    %broadcast_in_dim3A_3887 = vector.broadcast %broadcast_in_dim3A_3886 : vector<1x128xi1> to vector<32x128xi1>
    %select_n3A_3888 = arith.select %broadcast_in_dim3A_3887, %roll3A_3885, %min3A_3882 : vector<32x128xi1>, vector<32x128xf32>
    %roll3A_3889 = arith.constant 124 : i32
    %roll3A_3890 = tpu.dynamic_rotate %select_n3A_3819 by %roll3A_3889 dim 1 : vector<32x128xf32>, i32 -> vector<32x128xf32>
    %min3A_3891 = arith.minimumf %select_n3A_3819, %roll3A_3890 : vector<32x128xf32>
    %max3A_3892 = arith.maximumf %select_n3A_3819, %roll3A_3890 : vector<32x128xf32>
    %roll3A_3893 = arith.constant 4 : i32
    %roll3A_3894 = tpu.dynamic_rotate %max3A_3892 by %roll3A_3893 dim 1 : vector<32x128xf32>, i32 -> vector<32x128xf32>
    %broadcast_in_dim3A_3895 = vector.shape_cast %ne3A_3825 : vector<1x128xi1> to vector<1x128xi1>
    %broadcast_in_dim3A_3896 = vector.broadcast %broadcast_in_dim3A_3895 : vector<1x128xi1> to vector<32x128xi1>
    %select_n3A_3897 = arith.select %broadcast_in_dim3A_3896, %roll3A_3894, %min3A_3891 : vector<32x128xi1>, vector<32x128xf32>
    %and3A_3898 = arith.constant 2 : i32
    %and3A_3899 = vector.broadcast %and3A_3898 : i32 to vector<1x128xi32>
    %and3A_3900 = arith.andi %iota3A_2862, %and3A_3899 : vector<1x128xi32>
    %ne3A_3901 = arith.constant 0 : i32
    %ne3A_3902 = vector.broadcast %ne3A_3901 : i32 to vector<1x128xi32>
    %ne3A_3903 = arith.cmpi ne, %and3A_3900, %ne3A_3902 : vector<1x128xi32>
    %roll3A_3904 = arith.constant 126 : i32
    %roll3A_3905 = tpu.dynamic_rotate %select_n3A_3834 by %roll3A_3904 dim 1 : vector<32x128xf32>, i32 -> vector<32x128xf32>
    %min3A_3906 = arith.minimumf %select_n3A_3834, %roll3A_3905 : vector<32x128xf32>
    %max3A_3907 = arith.maximumf %select_n3A_3834, %roll3A_3905 : vector<32x128xf32>
    %roll3A_3908 = arith.constant 2 : i32
    %roll3A_3909 = tpu.dynamic_rotate %max3A_3907 by %roll3A_3908 dim 1 : vector<32x128xf32>, i32 -> vector<32x128xf32>
    %broadcast_in_dim3A_3910 = vector.shape_cast %ne3A_3903 : vector<1x128xi1> to vector<1x128xi1>
    %broadcast_in_dim3A_3911 = vector.broadcast %broadcast_in_dim3A_3910 : vector<1x128xi1> to vector<32x128xi1>
    %select_n3A_3912 = arith.select %broadcast_in_dim3A_3911, %roll3A_3909, %min3A_3906 : vector<32x128xi1>, vector<32x128xf32>
    %roll3A_3913 = arith.constant 126 : i32
    %roll3A_3914 = tpu.dynamic_rotate %select_n3A_3843 by %roll3A_3913 dim 1 : vector<32x128xf32>, i32 -> vector<32x128xf32>
    %min3A_3915 = arith.minimumf %select_n3A_3843, %roll3A_3914 : vector<32x128xf32>
    %max3A_3916 = arith.maximumf %select_n3A_3843, %roll3A_3914 : vector<32x128xf32>
    %roll3A_3917 = arith.constant 2 : i32
    %roll3A_3918 = tpu.dynamic_rotate %max3A_3916 by %roll3A_3917 dim 1 : vector<32x128xf32>, i32 -> vector<32x128xf32>
    %broadcast_in_dim3A_3919 = vector.shape_cast %ne3A_3903 : vector<1x128xi1> to vector<1x128xi1>
    %broadcast_in_dim3A_3920 = vector.broadcast %broadcast_in_dim3A_3919 : vector<1x128xi1> to vector<32x128xi1>
    %select_n3A_3921 = arith.select %broadcast_in_dim3A_3920, %roll3A_3918, %min3A_3915 : vector<32x128xi1>, vector<32x128xf32>
    %roll3A_3922 = arith.constant 126 : i32
    %roll3A_3923 = tpu.dynamic_rotate %select_n3A_3852 by %roll3A_3922 dim 1 : vector<32x128xf32>, i32 -> vector<32x128xf32>
    %min3A_3924 = arith.minimumf %select_n3A_3852, %roll3A_3923 : vector<32x128xf32>
    %max3A_3925 = arith.maximumf %select_n3A_3852, %roll3A_3923 : vector<32x128xf32>
    %roll3A_3926 = arith.constant 2 : i32
    %roll3A_3927 = tpu.dynamic_rotate %max3A_3925 by %roll3A_3926 dim 1 : vector<32x128xf32>, i32 -> vector<32x128xf32>
    %broadcast_in_dim3A_3928 = vector.shape_cast %ne3A_3903 : vector<1x128xi1> to vector<1x128xi1>
    %broadcast_in_dim3A_3929 = vector.broadcast %broadcast_in_dim3A_3928 : vector<1x128xi1> to vector<32x128xi1>
    %select_n3A_3930 = arith.select %broadcast_in_dim3A_3929, %roll3A_3927, %min3A_3924 : vector<32x128xi1>, vector<32x128xf32>
    %roll3A_3931 = arith.constant 126 : i32
    %roll3A_3932 = tpu.dynamic_rotate %select_n3A_3861 by %roll3A_3931 dim 1 : vector<32x128xf32>, i32 -> vector<32x128xf32>
    %min3A_3933 = arith.minimumf %select_n3A_3861, %roll3A_3932 : vector<32x128xf32>
    %max3A_3934 = arith.maximumf %select_n3A_3861, %roll3A_3932 : vector<32x128xf32>
    %roll3A_3935 = arith.constant 2 : i32
    %roll3A_3936 = tpu.dynamic_rotate %max3A_3934 by %roll3A_3935 dim 1 : vector<32x128xf32>, i32 -> vector<32x128xf32>
    %broadcast_in_dim3A_3937 = vector.shape_cast %ne3A_3903 : vector<1x128xi1> to vector<1x128xi1>
    %broadcast_in_dim3A_3938 = vector.broadcast %broadcast_in_dim3A_3937 : vector<1x128xi1> to vector<32x128xi1>
    %select_n3A_3939 = arith.select %broadcast_in_dim3A_3938, %roll3A_3936, %min3A_3933 : vector<32x128xi1>, vector<32x128xf32>
    %roll3A_3940 = arith.constant 126 : i32
    %roll3A_3941 = tpu.dynamic_rotate %select_n3A_3870 by %roll3A_3940 dim 1 : vector<32x128xf32>, i32 -> vector<32x128xf32>
    %min3A_3942 = arith.minimumf %select_n3A_3870, %roll3A_3941 : vector<32x128xf32>
    %max3A_3943 = arith.maximumf %select_n3A_3870, %roll3A_3941 : vector<32x128xf32>
    %roll3A_3944 = arith.constant 2 : i32
    %roll3A_3945 = tpu.dynamic_rotate %max3A_3943 by %roll3A_3944 dim 1 : vector<32x128xf32>, i32 -> vector<32x128xf32>
    %broadcast_in_dim3A_3946 = vector.shape_cast %ne3A_3903 : vector<1x128xi1> to vector<1x128xi1>
    %broadcast_in_dim3A_3947 = vector.broadcast %broadcast_in_dim3A_3946 : vector<1x128xi1> to vector<32x128xi1>
    %select_n3A_3948 = arith.select %broadcast_in_dim3A_3947, %roll3A_3945, %min3A_3942 : vector<32x128xi1>, vector<32x128xf32>
    %roll3A_3949 = arith.constant 126 : i32
    %roll3A_3950 = tpu.dynamic_rotate %select_n3A_3879 by %roll3A_3949 dim 1 : vector<32x128xf32>, i32 -> vector<32x128xf32>
    %min3A_3951 = arith.minimumf %select_n3A_3879, %roll3A_3950 : vector<32x128xf32>
    %max3A_3952 = arith.maximumf %select_n3A_3879, %roll3A_3950 : vector<32x128xf32>
    %roll3A_3953 = arith.constant 2 : i32
    %roll3A_3954 = tpu.dynamic_rotate %max3A_3952 by %roll3A_3953 dim 1 : vector<32x128xf32>, i32 -> vector<32x128xf32>
    %broadcast_in_dim3A_3955 = vector.shape_cast %ne3A_3903 : vector<1x128xi1> to vector<1x128xi1>
    %broadcast_in_dim3A_3956 = vector.broadcast %broadcast_in_dim3A_3955 : vector<1x128xi1> to vector<32x128xi1>
    %select_n3A_3957 = arith.select %broadcast_in_dim3A_3956, %roll3A_3954, %min3A_3951 : vector<32x128xi1>, vector<32x128xf32>
    %roll3A_3958 = arith.constant 126 : i32
    %roll3A_3959 = tpu.dynamic_rotate %select_n3A_3888 by %roll3A_3958 dim 1 : vector<32x128xf32>, i32 -> vector<32x128xf32>
    %min3A_3960 = arith.minimumf %select_n3A_3888, %roll3A_3959 : vector<32x128xf32>
    %max3A_3961 = arith.maximumf %select_n3A_3888, %roll3A_3959 : vector<32x128xf32>
    %roll3A_3962 = arith.constant 2 : i32
    %roll3A_3963 = tpu.dynamic_rotate %max3A_3961 by %roll3A_3962 dim 1 : vector<32x128xf32>, i32 -> vector<32x128xf32>
    %broadcast_in_dim3A_3964 = vector.shape_cast %ne3A_3903 : vector<1x128xi1> to vector<1x128xi1>
    %broadcast_in_dim3A_3965 = vector.broadcast %broadcast_in_dim3A_3964 : vector<1x128xi1> to vector<32x128xi1>
    %select_n3A_3966 = arith.select %broadcast_in_dim3A_3965, %roll3A_3963, %min3A_3960 : vector<32x128xi1>, vector<32x128xf32>
    %roll3A_3967 = arith.constant 126 : i32
    %roll3A_3968 = tpu.dynamic_rotate %select_n3A_3897 by %roll3A_3967 dim 1 : vector<32x128xf32>, i32 -> vector<32x128xf32>
    %min3A_3969 = arith.minimumf %select_n3A_3897, %roll3A_3968 : vector<32x128xf32>
    %max3A_3970 = arith.maximumf %select_n3A_3897, %roll3A_3968 : vector<32x128xf32>
    %roll3A_3971 = arith.constant 2 : i32
    %roll3A_3972 = tpu.dynamic_rotate %max3A_3970 by %roll3A_3971 dim 1 : vector<32x128xf32>, i32 -> vector<32x128xf32>
    %broadcast_in_dim3A_3973 = vector.shape_cast %ne3A_3903 : vector<1x128xi1> to vector<1x128xi1>
    %broadcast_in_dim3A_3974 = vector.broadcast %broadcast_in_dim3A_3973 : vector<1x128xi1> to vector<32x128xi1>
    %select_n3A_3975 = arith.select %broadcast_in_dim3A_3974, %roll3A_3972, %min3A_3969 : vector<32x128xi1>, vector<32x128xf32>
    %and3A_3976 = arith.constant 1 : i32
    %and3A_3977 = vector.broadcast %and3A_3976 : i32 to vector<1x128xi32>
    %and3A_3978 = arith.andi %iota3A_2862, %and3A_3977 : vector<1x128xi32>
    %ne3A_3979 = arith.constant 0 : i32
    %ne3A_3980 = vector.broadcast %ne3A_3979 : i32 to vector<1x128xi32>
    %ne3A_3981 = arith.cmpi ne, %and3A_3978, %ne3A_3980 : vector<1x128xi32>
    %roll3A_3982 = arith.constant 127 : i32
    %roll3A_3983 = tpu.dynamic_rotate %select_n3A_3912 by %roll3A_3982 dim 1 : vector<32x128xf32>, i32 -> vector<32x128xf32>
    %min3A_3984 = arith.minimumf %select_n3A_3912, %roll3A_3983 : vector<32x128xf32>
    %max3A_3985 = arith.maximumf %select_n3A_3912, %roll3A_3983 : vector<32x128xf32>
    %roll3A_3986 = arith.constant 1 : i32
    %roll3A_3987 = tpu.dynamic_rotate %max3A_3985 by %roll3A_3986 dim 1 : vector<32x128xf32>, i32 -> vector<32x128xf32>
    %broadcast_in_dim3A_3988 = vector.shape_cast %ne3A_3981 : vector<1x128xi1> to vector<1x128xi1>
    %broadcast_in_dim3A_3989 = vector.broadcast %broadcast_in_dim3A_3988 : vector<1x128xi1> to vector<32x128xi1>
    %select_n3A_3990 = arith.select %broadcast_in_dim3A_3989, %roll3A_3987, %min3A_3984 : vector<32x128xi1>, vector<32x128xf32>
    %roll3A_3991 = arith.constant 127 : i32
    %roll3A_3992 = tpu.dynamic_rotate %select_n3A_3921 by %roll3A_3991 dim 1 : vector<32x128xf32>, i32 -> vector<32x128xf32>
    %min3A_3993 = arith.minimumf %select_n3A_3921, %roll3A_3992 : vector<32x128xf32>
    %max3A_3994 = arith.maximumf %select_n3A_3921, %roll3A_3992 : vector<32x128xf32>
    %roll3A_3995 = arith.constant 1 : i32
    %roll3A_3996 = tpu.dynamic_rotate %max3A_3994 by %roll3A_3995 dim 1 : vector<32x128xf32>, i32 -> vector<32x128xf32>
    %broadcast_in_dim3A_3997 = vector.shape_cast %ne3A_3981 : vector<1x128xi1> to vector<1x128xi1>
    %broadcast_in_dim3A_3998 = vector.broadcast %broadcast_in_dim3A_3997 : vector<1x128xi1> to vector<32x128xi1>
    %select_n3A_3999 = arith.select %broadcast_in_dim3A_3998, %roll3A_3996, %min3A_3993 : vector<32x128xi1>, vector<32x128xf32>
    %roll3A_4000 = arith.constant 127 : i32
    %roll3A_4001 = tpu.dynamic_rotate %select_n3A_3930 by %roll3A_4000 dim 1 : vector<32x128xf32>, i32 -> vector<32x128xf32>
    %min3A_4002 = arith.minimumf %select_n3A_3930, %roll3A_4001 : vector<32x128xf32>
    %max3A_4003 = arith.maximumf %select_n3A_3930, %roll3A_4001 : vector<32x128xf32>
    %roll3A_4004 = arith.constant 1 : i32
    %roll3A_4005 = tpu.dynamic_rotate %max3A_4003 by %roll3A_4004 dim 1 : vector<32x128xf32>, i32 -> vector<32x128xf32>
    %broadcast_in_dim3A_4006 = vector.shape_cast %ne3A_3981 : vector<1x128xi1> to vector<1x128xi1>
    %broadcast_in_dim3A_4007 = vector.broadcast %broadcast_in_dim3A_4006 : vector<1x128xi1> to vector<32x128xi1>
    %select_n3A_4008 = arith.select %broadcast_in_dim3A_4007, %roll3A_4005, %min3A_4002 : vector<32x128xi1>, vector<32x128xf32>
    %roll3A_4009 = arith.constant 127 : i32
    %roll3A_4010 = tpu.dynamic_rotate %select_n3A_3939 by %roll3A_4009 dim 1 : vector<32x128xf32>, i32 -> vector<32x128xf32>
    %min3A_4011 = arith.minimumf %select_n3A_3939, %roll3A_4010 : vector<32x128xf32>
    %max3A_4012 = arith.maximumf %select_n3A_3939, %roll3A_4010 : vector<32x128xf32>
    %roll3A_4013 = arith.constant 1 : i32
    %roll3A_4014 = tpu.dynamic_rotate %max3A_4012 by %roll3A_4013 dim 1 : vector<32x128xf32>, i32 -> vector<32x128xf32>
    %broadcast_in_dim3A_4015 = vector.shape_cast %ne3A_3981 : vector<1x128xi1> to vector<1x128xi1>
    %broadcast_in_dim3A_4016 = vector.broadcast %broadcast_in_dim3A_4015 : vector<1x128xi1> to vector<32x128xi1>
    %select_n3A_4017 = arith.select %broadcast_in_dim3A_4016, %roll3A_4014, %min3A_4011 : vector<32x128xi1>, vector<32x128xf32>
    %roll3A_4018 = arith.constant 127 : i32
    %roll3A_4019 = tpu.dynamic_rotate %select_n3A_3948 by %roll3A_4018 dim 1 : vector<32x128xf32>, i32 -> vector<32x128xf32>
    %min3A_4020 = arith.minimumf %select_n3A_3948, %roll3A_4019 : vector<32x128xf32>
    %max3A_4021 = arith.maximumf %select_n3A_3948, %roll3A_4019 : vector<32x128xf32>
    %roll3A_4022 = arith.constant 1 : i32
    %roll3A_4023 = tpu.dynamic_rotate %max3A_4021 by %roll3A_4022 dim 1 : vector<32x128xf32>, i32 -> vector<32x128xf32>
    %broadcast_in_dim3A_4024 = vector.shape_cast %ne3A_3981 : vector<1x128xi1> to vector<1x128xi1>
    %broadcast_in_dim3A_4025 = vector.broadcast %broadcast_in_dim3A_4024 : vector<1x128xi1> to vector<32x128xi1>
    %select_n3A_4026 = arith.select %broadcast_in_dim3A_4025, %roll3A_4023, %min3A_4020 : vector<32x128xi1>, vector<32x128xf32>
    %roll3A_4027 = arith.constant 127 : i32
    %roll3A_4028 = tpu.dynamic_rotate %select_n3A_3957 by %roll3A_4027 dim 1 : vector<32x128xf32>, i32 -> vector<32x128xf32>
    %min3A_4029 = arith.minimumf %select_n3A_3957, %roll3A_4028 : vector<32x128xf32>
    %max3A_4030 = arith.maximumf %select_n3A_3957, %roll3A_4028 : vector<32x128xf32>
    %roll3A_4031 = arith.constant 1 : i32
    %roll3A_4032 = tpu.dynamic_rotate %max3A_4030 by %roll3A_4031 dim 1 : vector<32x128xf32>, i32 -> vector<32x128xf32>
    %broadcast_in_dim3A_4033 = vector.shape_cast %ne3A_3981 : vector<1x128xi1> to vector<1x128xi1>
    %broadcast_in_dim3A_4034 = vector.broadcast %broadcast_in_dim3A_4033 : vector<1x128xi1> to vector<32x128xi1>
    %select_n3A_4035 = arith.select %broadcast_in_dim3A_4034, %roll3A_4032, %min3A_4029 : vector<32x128xi1>, vector<32x128xf32>
    %roll3A_4036 = arith.constant 127 : i32
    %roll3A_4037 = tpu.dynamic_rotate %select_n3A_3966 by %roll3A_4036 dim 1 : vector<32x128xf32>, i32 -> vector<32x128xf32>
    %min3A_4038 = arith.minimumf %select_n3A_3966, %roll3A_4037 : vector<32x128xf32>
    %max3A_4039 = arith.maximumf %select_n3A_3966, %roll3A_4037 : vector<32x128xf32>
    %roll3A_4040 = arith.constant 1 : i32
    %roll3A_4041 = tpu.dynamic_rotate %max3A_4039 by %roll3A_4040 dim 1 : vector<32x128xf32>, i32 -> vector<32x128xf32>
    %broadcast_in_dim3A_4042 = vector.shape_cast %ne3A_3981 : vector<1x128xi1> to vector<1x128xi1>
    %broadcast_in_dim3A_4043 = vector.broadcast %broadcast_in_dim3A_4042 : vector<1x128xi1> to vector<32x128xi1>
    %select_n3A_4044 = arith.select %broadcast_in_dim3A_4043, %roll3A_4041, %min3A_4038 : vector<32x128xi1>, vector<32x128xf32>
    %roll3A_4045 = arith.constant 127 : i32
    %roll3A_4046 = tpu.dynamic_rotate %select_n3A_3975 by %roll3A_4045 dim 1 : vector<32x128xf32>, i32 -> vector<32x128xf32>
    %min3A_4047 = arith.minimumf %select_n3A_3975, %roll3A_4046 : vector<32x128xf32>
    %max3A_4048 = arith.maximumf %select_n3A_3975, %roll3A_4046 : vector<32x128xf32>
    %roll3A_4049 = arith.constant 1 : i32
    %roll3A_4050 = tpu.dynamic_rotate %max3A_4048 by %roll3A_4049 dim 1 : vector<32x128xf32>, i32 -> vector<32x128xf32>
    %broadcast_in_dim3A_4051 = vector.shape_cast %ne3A_3981 : vector<1x128xi1> to vector<1x128xi1>
    %broadcast_in_dim3A_4052 = vector.broadcast %broadcast_in_dim3A_4051 : vector<1x128xi1> to vector<32x128xi1>
    %select_n3A_4053 = arith.select %broadcast_in_dim3A_4052, %roll3A_4050, %min3A_4047 : vector<32x128xi1>, vector<32x128xf32>
    %min3A_4054 = arith.minimumf %select_n3A_3990, %select_n3A_4026 : vector<32x128xf32>
    %max3A_4055 = arith.maximumf %select_n3A_3990, %select_n3A_4026 : vector<32x128xf32>
    %min3A_4056 = arith.minimumf %select_n3A_3999, %select_n3A_4035 : vector<32x128xf32>
    %max3A_4057 = arith.maximumf %select_n3A_3999, %select_n3A_4035 : vector<32x128xf32>
    %min3A_4058 = arith.minimumf %select_n3A_4008, %select_n3A_4044 : vector<32x128xf32>
    %max3A_4059 = arith.maximumf %select_n3A_4008, %select_n3A_4044 : vector<32x128xf32>
    %min3A_4060 = arith.minimumf %select_n3A_4017, %select_n3A_4053 : vector<32x128xf32>
    %max3A_4061 = arith.maximumf %select_n3A_4017, %select_n3A_4053 : vector<32x128xf32>
    %min3A_4062 = arith.minimumf %min3A_4054, %min3A_4058 : vector<32x128xf32>
    %max3A_4063 = arith.maximumf %min3A_4054, %min3A_4058 : vector<32x128xf32>
    %min3A_4064 = arith.minimumf %min3A_4056, %min3A_4060 : vector<32x128xf32>
    %max3A_4065 = arith.maximumf %min3A_4056, %min3A_4060 : vector<32x128xf32>
    %min3A_4066 = arith.minimumf %max3A_4055, %max3A_4059 : vector<32x128xf32>
    %max3A_4067 = arith.maximumf %max3A_4055, %max3A_4059 : vector<32x128xf32>
    %min3A_4068 = arith.minimumf %max3A_4057, %max3A_4061 : vector<32x128xf32>
    %max3A_4069 = arith.maximumf %max3A_4057, %max3A_4061 : vector<32x128xf32>
    %min3A_4070 = arith.minimumf %min3A_4062, %min3A_4064 : vector<32x128xf32>
    %max3A_4071 = arith.maximumf %min3A_4062, %min3A_4064 : vector<32x128xf32>
    %min3A_4072 = arith.minimumf %max3A_4063, %max3A_4065 : vector<32x128xf32>
    %max3A_4073 = arith.maximumf %max3A_4063, %max3A_4065 : vector<32x128xf32>
    %min3A_4074 = arith.minimumf %min3A_4066, %min3A_4068 : vector<32x128xf32>
    %max3A_4075 = arith.maximumf %min3A_4066, %min3A_4068 : vector<32x128xf32>
    %min3A_4076 = arith.minimumf %max3A_4067, %max3A_4069 : vector<32x128xf32>
    %max3A_4077 = arith.maximumf %max3A_4067, %max3A_4069 : vector<32x128xf32>
    %and3A_4078 = arith.constant 16 : i32
    %and3A_4079 = vector.broadcast %and3A_4078 : i32 to vector<1x128xi32>
    %and3A_4080 = arith.andi %iota3A_2862, %and3A_4079 : vector<1x128xi32>
    %eq3A_4081 = arith.constant 0 : i32
    %eq3A_4082 = vector.broadcast %eq3A_4081 : i32 to vector<1x128xi32>
    %eq3A_4083 = arith.cmpi eq, %and3A_4080, %eq3A_4082 : vector<1x128xi32>
    %jit3A_4084 = arith.constant 1.000000e+00 : f32
    %jit3A_4085 = arith.constant -1.000000e+00 : f32
    %broadcast_in_dim3A_4086 = vector.broadcast %jit3A_4084 : f32 to vector<1x128xf32>
    %broadcast_in_dim3A_4087 = vector.broadcast %jit3A_4085 : f32 to vector<1x128xf32>
    %select_n3A_4088 = arith.select %eq3A_4083, %broadcast_in_dim3A_4086, %broadcast_in_dim3A_4087 : vector<1x128xi1>, vector<1x128xf32>
    %mul3A_4089 = vector.broadcast %select_n3A_4088 : vector<1x128xf32> to vector<32x128xf32>
    %mul3A_4090 = arith.mulf %min3A_4070, %mul3A_4089 : vector<32x128xf32>
    %mul3A_4091 = vector.broadcast %select_n3A_4088 : vector<1x128xf32> to vector<32x128xf32>
    %mul3A_4092 = arith.mulf %max3A_4071, %mul3A_4091 : vector<32x128xf32>
    %mul3A_4093 = vector.broadcast %select_n3A_4088 : vector<1x128xf32> to vector<32x128xf32>
    %mul3A_4094 = arith.mulf %min3A_4072, %mul3A_4093 : vector<32x128xf32>
    %mul3A_4095 = vector.broadcast %select_n3A_4088 : vector<1x128xf32> to vector<32x128xf32>
    %mul3A_4096 = arith.mulf %max3A_4073, %mul3A_4095 : vector<32x128xf32>
    %mul3A_4097 = vector.broadcast %select_n3A_4088 : vector<1x128xf32> to vector<32x128xf32>
    %mul3A_4098 = arith.mulf %min3A_4074, %mul3A_4097 : vector<32x128xf32>
    %mul3A_4099 = vector.broadcast %select_n3A_4088 : vector<1x128xf32> to vector<32x128xf32>
    %mul3A_4100 = arith.mulf %max3A_4075, %mul3A_4099 : vector<32x128xf32>
    %mul3A_4101 = vector.broadcast %select_n3A_4088 : vector<1x128xf32> to vector<32x128xf32>
    %mul3A_4102 = arith.mulf %min3A_4076, %mul3A_4101 : vector<32x128xf32>
    %mul3A_4103 = vector.broadcast %select_n3A_4088 : vector<1x128xf32> to vector<32x128xf32>
    %mul3A_4104 = arith.mulf %max3A_4077, %mul3A_4103 : vector<32x128xf32>
    %and3A_4105 = arith.constant 32 : i32
    %and3A_4106 = vector.broadcast %and3A_4105 : i32 to vector<1x128xi32>
    %and3A_4107 = arith.andi %iota3A_2862, %and3A_4106 : vector<1x128xi32>
    %eq3A_4108 = arith.constant 0 : i32
    %eq3A_4109 = vector.broadcast %eq3A_4108 : i32 to vector<1x128xi32>
    %eq3A_4110 = arith.cmpi eq, %and3A_4107, %eq3A_4109 : vector<1x128xi32>
    %jit3A_4111 = arith.constant 1.000000e+00 : f32
    %jit3A_4112 = arith.constant -1.000000e+00 : f32
    %broadcast_in_dim3A_4113 = vector.broadcast %jit3A_4111 : f32 to vector<1x128xf32>
    %broadcast_in_dim3A_4114 = vector.broadcast %jit3A_4112 : f32 to vector<1x128xf32>
    %select_n3A_4115 = arith.select %eq3A_4110, %broadcast_in_dim3A_4113, %broadcast_in_dim3A_4114 : vector<1x128xi1>, vector<1x128xf32>
    %mul3A_4116 = vector.broadcast %select_n3A_4115 : vector<1x128xf32> to vector<32x128xf32>
    %mul3A_4117 = arith.mulf %mul3A_4090, %mul3A_4116 : vector<32x128xf32>
    %mul3A_4118 = vector.broadcast %select_n3A_4115 : vector<1x128xf32> to vector<32x128xf32>
    %mul3A_4119 = arith.mulf %mul3A_4092, %mul3A_4118 : vector<32x128xf32>
    %mul3A_4120 = vector.broadcast %select_n3A_4115 : vector<1x128xf32> to vector<32x128xf32>
    %mul3A_4121 = arith.mulf %mul3A_4094, %mul3A_4120 : vector<32x128xf32>
    %mul3A_4122 = vector.broadcast %select_n3A_4115 : vector<1x128xf32> to vector<32x128xf32>
    %mul3A_4123 = arith.mulf %mul3A_4096, %mul3A_4122 : vector<32x128xf32>
    %mul3A_4124 = vector.broadcast %select_n3A_4115 : vector<1x128xf32> to vector<32x128xf32>
    %mul3A_4125 = arith.mulf %mul3A_4098, %mul3A_4124 : vector<32x128xf32>
    %mul3A_4126 = vector.broadcast %select_n3A_4115 : vector<1x128xf32> to vector<32x128xf32>
    %mul3A_4127 = arith.mulf %mul3A_4100, %mul3A_4126 : vector<32x128xf32>
    %mul3A_4128 = vector.broadcast %select_n3A_4115 : vector<1x128xf32> to vector<32x128xf32>
    %mul3A_4129 = arith.mulf %mul3A_4102, %mul3A_4128 : vector<32x128xf32>
    %mul3A_4130 = vector.broadcast %select_n3A_4115 : vector<1x128xf32> to vector<32x128xf32>
    %mul3A_4131 = arith.mulf %mul3A_4104, %mul3A_4130 : vector<32x128xf32>
    %and3A_4132 = arith.constant 16 : i32
    %and3A_4133 = vector.broadcast %and3A_4132 : i32 to vector<1x128xi32>
    %and3A_4134 = arith.andi %iota3A_2862, %and3A_4133 : vector<1x128xi32>
    %ne3A_4135 = arith.constant 0 : i32
    %ne3A_4136 = vector.broadcast %ne3A_4135 : i32 to vector<1x128xi32>
    %ne3A_4137 = arith.cmpi ne, %and3A_4134, %ne3A_4136 : vector<1x128xi32>
    %roll3A_4138 = arith.constant 112 : i32
    %roll3A_4139 = tpu.dynamic_rotate %mul3A_4117 by %roll3A_4138 dim 1 : vector<32x128xf32>, i32 -> vector<32x128xf32>
    %min3A_4140 = arith.minimumf %mul3A_4117, %roll3A_4139 : vector<32x128xf32>
    %max3A_4141 = arith.maximumf %mul3A_4117, %roll3A_4139 : vector<32x128xf32>
    %roll3A_4142 = arith.constant 16 : i32
    %roll3A_4143 = tpu.dynamic_rotate %max3A_4141 by %roll3A_4142 dim 1 : vector<32x128xf32>, i32 -> vector<32x128xf32>
    %broadcast_in_dim3A_4144 = vector.shape_cast %ne3A_4137 : vector<1x128xi1> to vector<1x128xi1>
    %broadcast_in_dim3A_4145 = vector.broadcast %broadcast_in_dim3A_4144 : vector<1x128xi1> to vector<32x128xi1>
    %select_n3A_4146 = arith.select %broadcast_in_dim3A_4145, %roll3A_4143, %min3A_4140 : vector<32x128xi1>, vector<32x128xf32>
    %roll3A_4147 = arith.constant 112 : i32
    %roll3A_4148 = tpu.dynamic_rotate %mul3A_4119 by %roll3A_4147 dim 1 : vector<32x128xf32>, i32 -> vector<32x128xf32>
    %min3A_4149 = arith.minimumf %mul3A_4119, %roll3A_4148 : vector<32x128xf32>
    %max3A_4150 = arith.maximumf %mul3A_4119, %roll3A_4148 : vector<32x128xf32>
    %roll3A_4151 = arith.constant 16 : i32
    %roll3A_4152 = tpu.dynamic_rotate %max3A_4150 by %roll3A_4151 dim 1 : vector<32x128xf32>, i32 -> vector<32x128xf32>
    %broadcast_in_dim3A_4153 = vector.shape_cast %ne3A_4137 : vector<1x128xi1> to vector<1x128xi1>
    %broadcast_in_dim3A_4154 = vector.broadcast %broadcast_in_dim3A_4153 : vector<1x128xi1> to vector<32x128xi1>
    %select_n3A_4155 = arith.select %broadcast_in_dim3A_4154, %roll3A_4152, %min3A_4149 : vector<32x128xi1>, vector<32x128xf32>
    %roll3A_4156 = arith.constant 112 : i32
    %roll3A_4157 = tpu.dynamic_rotate %mul3A_4121 by %roll3A_4156 dim 1 : vector<32x128xf32>, i32 -> vector<32x128xf32>
    %min3A_4158 = arith.minimumf %mul3A_4121, %roll3A_4157 : vector<32x128xf32>
    %max3A_4159 = arith.maximumf %mul3A_4121, %roll3A_4157 : vector<32x128xf32>
    %roll3A_4160 = arith.constant 16 : i32
    %roll3A_4161 = tpu.dynamic_rotate %max3A_4159 by %roll3A_4160 dim 1 : vector<32x128xf32>, i32 -> vector<32x128xf32>
    %broadcast_in_dim3A_4162 = vector.shape_cast %ne3A_4137 : vector<1x128xi1> to vector<1x128xi1>
    %broadcast_in_dim3A_4163 = vector.broadcast %broadcast_in_dim3A_4162 : vector<1x128xi1> to vector<32x128xi1>
    %select_n3A_4164 = arith.select %broadcast_in_dim3A_4163, %roll3A_4161, %min3A_4158 : vector<32x128xi1>, vector<32x128xf32>
    %roll3A_4165 = arith.constant 112 : i32
    %roll3A_4166 = tpu.dynamic_rotate %mul3A_4123 by %roll3A_4165 dim 1 : vector<32x128xf32>, i32 -> vector<32x128xf32>
    %min3A_4167 = arith.minimumf %mul3A_4123, %roll3A_4166 : vector<32x128xf32>
    %max3A_4168 = arith.maximumf %mul3A_4123, %roll3A_4166 : vector<32x128xf32>
    %roll3A_4169 = arith.constant 16 : i32
    %roll3A_4170 = tpu.dynamic_rotate %max3A_4168 by %roll3A_4169 dim 1 : vector<32x128xf32>, i32 -> vector<32x128xf32>
    %broadcast_in_dim3A_4171 = vector.shape_cast %ne3A_4137 : vector<1x128xi1> to vector<1x128xi1>
    %broadcast_in_dim3A_4172 = vector.broadcast %broadcast_in_dim3A_4171 : vector<1x128xi1> to vector<32x128xi1>
    %select_n3A_4173 = arith.select %broadcast_in_dim3A_4172, %roll3A_4170, %min3A_4167 : vector<32x128xi1>, vector<32x128xf32>
    %roll3A_4174 = arith.constant 112 : i32
    %roll3A_4175 = tpu.dynamic_rotate %mul3A_4125 by %roll3A_4174 dim 1 : vector<32x128xf32>, i32 -> vector<32x128xf32>
    %min3A_4176 = arith.minimumf %mul3A_4125, %roll3A_4175 : vector<32x128xf32>
    %max3A_4177 = arith.maximumf %mul3A_4125, %roll3A_4175 : vector<32x128xf32>
    %roll3A_4178 = arith.constant 16 : i32
    %roll3A_4179 = tpu.dynamic_rotate %max3A_4177 by %roll3A_4178 dim 1 : vector<32x128xf32>, i32 -> vector<32x128xf32>
    %broadcast_in_dim3A_4180 = vector.shape_cast %ne3A_4137 : vector<1x128xi1> to vector<1x128xi1>
    %broadcast_in_dim3A_4181 = vector.broadcast %broadcast_in_dim3A_4180 : vector<1x128xi1> to vector<32x128xi1>
    %select_n3A_4182 = arith.select %broadcast_in_dim3A_4181, %roll3A_4179, %min3A_4176 : vector<32x128xi1>, vector<32x128xf32>
    %roll3A_4183 = arith.constant 112 : i32
    %roll3A_4184 = tpu.dynamic_rotate %mul3A_4127 by %roll3A_4183 dim 1 : vector<32x128xf32>, i32 -> vector<32x128xf32>
    %min3A_4185 = arith.minimumf %mul3A_4127, %roll3A_4184 : vector<32x128xf32>
    %max3A_4186 = arith.maximumf %mul3A_4127, %roll3A_4184 : vector<32x128xf32>
    %roll3A_4187 = arith.constant 16 : i32
    %roll3A_4188 = tpu.dynamic_rotate %max3A_4186 by %roll3A_4187 dim 1 : vector<32x128xf32>, i32 -> vector<32x128xf32>
    %broadcast_in_dim3A_4189 = vector.shape_cast %ne3A_4137 : vector<1x128xi1> to vector<1x128xi1>
    %broadcast_in_dim3A_4190 = vector.broadcast %broadcast_in_dim3A_4189 : vector<1x128xi1> to vector<32x128xi1>
    %select_n3A_4191 = arith.select %broadcast_in_dim3A_4190, %roll3A_4188, %min3A_4185 : vector<32x128xi1>, vector<32x128xf32>
    %roll3A_4192 = arith.constant 112 : i32
    %roll3A_4193 = tpu.dynamic_rotate %mul3A_4129 by %roll3A_4192 dim 1 : vector<32x128xf32>, i32 -> vector<32x128xf32>
    %min3A_4194 = arith.minimumf %mul3A_4129, %roll3A_4193 : vector<32x128xf32>
    %max3A_4195 = arith.maximumf %mul3A_4129, %roll3A_4193 : vector<32x128xf32>
    %roll3A_4196 = arith.constant 16 : i32
    %roll3A_4197 = tpu.dynamic_rotate %max3A_4195 by %roll3A_4196 dim 1 : vector<32x128xf32>, i32 -> vector<32x128xf32>
    %broadcast_in_dim3A_4198 = vector.shape_cast %ne3A_4137 : vector<1x128xi1> to vector<1x128xi1>
    %broadcast_in_dim3A_4199 = vector.broadcast %broadcast_in_dim3A_4198 : vector<1x128xi1> to vector<32x128xi1>
    %select_n3A_4200 = arith.select %broadcast_in_dim3A_4199, %roll3A_4197, %min3A_4194 : vector<32x128xi1>, vector<32x128xf32>
    %roll3A_4201 = arith.constant 112 : i32
    %roll3A_4202 = tpu.dynamic_rotate %mul3A_4131 by %roll3A_4201 dim 1 : vector<32x128xf32>, i32 -> vector<32x128xf32>
    %min3A_4203 = arith.minimumf %mul3A_4131, %roll3A_4202 : vector<32x128xf32>
    %max3A_4204 = arith.maximumf %mul3A_4131, %roll3A_4202 : vector<32x128xf32>
    %roll3A_4205 = arith.constant 16 : i32
    %roll3A_4206 = tpu.dynamic_rotate %max3A_4204 by %roll3A_4205 dim 1 : vector<32x128xf32>, i32 -> vector<32x128xf32>
    %broadcast_in_dim3A_4207 = vector.shape_cast %ne3A_4137 : vector<1x128xi1> to vector<1x128xi1>
    %broadcast_in_dim3A_4208 = vector.broadcast %broadcast_in_dim3A_4207 : vector<1x128xi1> to vector<32x128xi1>
    %select_n3A_4209 = arith.select %broadcast_in_dim3A_4208, %roll3A_4206, %min3A_4203 : vector<32x128xi1>, vector<32x128xf32>
    %and3A_4210 = arith.constant 8 : i32
    %and3A_4211 = vector.broadcast %and3A_4210 : i32 to vector<1x128xi32>
    %and3A_4212 = arith.andi %iota3A_2862, %and3A_4211 : vector<1x128xi32>
    %ne3A_4213 = arith.constant 0 : i32
    %ne3A_4214 = vector.broadcast %ne3A_4213 : i32 to vector<1x128xi32>
    %ne3A_4215 = arith.cmpi ne, %and3A_4212, %ne3A_4214 : vector<1x128xi32>
    %roll3A_4216 = arith.constant 120 : i32
    %roll3A_4217 = tpu.dynamic_rotate %select_n3A_4146 by %roll3A_4216 dim 1 : vector<32x128xf32>, i32 -> vector<32x128xf32>
    %min3A_4218 = arith.minimumf %select_n3A_4146, %roll3A_4217 : vector<32x128xf32>
    %max3A_4219 = arith.maximumf %select_n3A_4146, %roll3A_4217 : vector<32x128xf32>
    %roll3A_4220 = arith.constant 8 : i32
    %roll3A_4221 = tpu.dynamic_rotate %max3A_4219 by %roll3A_4220 dim 1 : vector<32x128xf32>, i32 -> vector<32x128xf32>
    %broadcast_in_dim3A_4222 = vector.shape_cast %ne3A_4215 : vector<1x128xi1> to vector<1x128xi1>
    %broadcast_in_dim3A_4223 = vector.broadcast %broadcast_in_dim3A_4222 : vector<1x128xi1> to vector<32x128xi1>
    %select_n3A_4224 = arith.select %broadcast_in_dim3A_4223, %roll3A_4221, %min3A_4218 : vector<32x128xi1>, vector<32x128xf32>
    %roll3A_4225 = arith.constant 120 : i32
    %roll3A_4226 = tpu.dynamic_rotate %select_n3A_4155 by %roll3A_4225 dim 1 : vector<32x128xf32>, i32 -> vector<32x128xf32>
    %min3A_4227 = arith.minimumf %select_n3A_4155, %roll3A_4226 : vector<32x128xf32>
    %max3A_4228 = arith.maximumf %select_n3A_4155, %roll3A_4226 : vector<32x128xf32>
    %roll3A_4229 = arith.constant 8 : i32
    %roll3A_4230 = tpu.dynamic_rotate %max3A_4228 by %roll3A_4229 dim 1 : vector<32x128xf32>, i32 -> vector<32x128xf32>
    %broadcast_in_dim3A_4231 = vector.shape_cast %ne3A_4215 : vector<1x128xi1> to vector<1x128xi1>
    %broadcast_in_dim3A_4232 = vector.broadcast %broadcast_in_dim3A_4231 : vector<1x128xi1> to vector<32x128xi1>
    %select_n3A_4233 = arith.select %broadcast_in_dim3A_4232, %roll3A_4230, %min3A_4227 : vector<32x128xi1>, vector<32x128xf32>
    %roll3A_4234 = arith.constant 120 : i32
    %roll3A_4235 = tpu.dynamic_rotate %select_n3A_4164 by %roll3A_4234 dim 1 : vector<32x128xf32>, i32 -> vector<32x128xf32>
    %min3A_4236 = arith.minimumf %select_n3A_4164, %roll3A_4235 : vector<32x128xf32>
    %max3A_4237 = arith.maximumf %select_n3A_4164, %roll3A_4235 : vector<32x128xf32>
    %roll3A_4238 = arith.constant 8 : i32
    %roll3A_4239 = tpu.dynamic_rotate %max3A_4237 by %roll3A_4238 dim 1 : vector<32x128xf32>, i32 -> vector<32x128xf32>
    %broadcast_in_dim3A_4240 = vector.shape_cast %ne3A_4215 : vector<1x128xi1> to vector<1x128xi1>
    %broadcast_in_dim3A_4241 = vector.broadcast %broadcast_in_dim3A_4240 : vector<1x128xi1> to vector<32x128xi1>
    %select_n3A_4242 = arith.select %broadcast_in_dim3A_4241, %roll3A_4239, %min3A_4236 : vector<32x128xi1>, vector<32x128xf32>
    %roll3A_4243 = arith.constant 120 : i32
    %roll3A_4244 = tpu.dynamic_rotate %select_n3A_4173 by %roll3A_4243 dim 1 : vector<32x128xf32>, i32 -> vector<32x128xf32>
    %min3A_4245 = arith.minimumf %select_n3A_4173, %roll3A_4244 : vector<32x128xf32>
    %max3A_4246 = arith.maximumf %select_n3A_4173, %roll3A_4244 : vector<32x128xf32>
    %roll3A_4247 = arith.constant 8 : i32
    %roll3A_4248 = tpu.dynamic_rotate %max3A_4246 by %roll3A_4247 dim 1 : vector<32x128xf32>, i32 -> vector<32x128xf32>
    %broadcast_in_dim3A_4249 = vector.shape_cast %ne3A_4215 : vector<1x128xi1> to vector<1x128xi1>
    %broadcast_in_dim3A_4250 = vector.broadcast %broadcast_in_dim3A_4249 : vector<1x128xi1> to vector<32x128xi1>
    %select_n3A_4251 = arith.select %broadcast_in_dim3A_4250, %roll3A_4248, %min3A_4245 : vector<32x128xi1>, vector<32x128xf32>
    %roll3A_4252 = arith.constant 120 : i32
    %roll3A_4253 = tpu.dynamic_rotate %select_n3A_4182 by %roll3A_4252 dim 1 : vector<32x128xf32>, i32 -> vector<32x128xf32>
    %min3A_4254 = arith.minimumf %select_n3A_4182, %roll3A_4253 : vector<32x128xf32>
    %max3A_4255 = arith.maximumf %select_n3A_4182, %roll3A_4253 : vector<32x128xf32>
    %roll3A_4256 = arith.constant 8 : i32
    %roll3A_4257 = tpu.dynamic_rotate %max3A_4255 by %roll3A_4256 dim 1 : vector<32x128xf32>, i32 -> vector<32x128xf32>
    %broadcast_in_dim3A_4258 = vector.shape_cast %ne3A_4215 : vector<1x128xi1> to vector<1x128xi1>
    %broadcast_in_dim3A_4259 = vector.broadcast %broadcast_in_dim3A_4258 : vector<1x128xi1> to vector<32x128xi1>
    %select_n3A_4260 = arith.select %broadcast_in_dim3A_4259, %roll3A_4257, %min3A_4254 : vector<32x128xi1>, vector<32x128xf32>
    %roll3A_4261 = arith.constant 120 : i32
    %roll3A_4262 = tpu.dynamic_rotate %select_n3A_4191 by %roll3A_4261 dim 1 : vector<32x128xf32>, i32 -> vector<32x128xf32>
    %min3A_4263 = arith.minimumf %select_n3A_4191, %roll3A_4262 : vector<32x128xf32>
    %max3A_4264 = arith.maximumf %select_n3A_4191, %roll3A_4262 : vector<32x128xf32>
    %roll3A_4265 = arith.constant 8 : i32
    %roll3A_4266 = tpu.dynamic_rotate %max3A_4264 by %roll3A_4265 dim 1 : vector<32x128xf32>, i32 -> vector<32x128xf32>
    %broadcast_in_dim3A_4267 = vector.shape_cast %ne3A_4215 : vector<1x128xi1> to vector<1x128xi1>
    %broadcast_in_dim3A_4268 = vector.broadcast %broadcast_in_dim3A_4267 : vector<1x128xi1> to vector<32x128xi1>
    %select_n3A_4269 = arith.select %broadcast_in_dim3A_4268, %roll3A_4266, %min3A_4263 : vector<32x128xi1>, vector<32x128xf32>
    %roll3A_4270 = arith.constant 120 : i32
    %roll3A_4271 = tpu.dynamic_rotate %select_n3A_4200 by %roll3A_4270 dim 1 : vector<32x128xf32>, i32 -> vector<32x128xf32>
    %min3A_4272 = arith.minimumf %select_n3A_4200, %roll3A_4271 : vector<32x128xf32>
    %max3A_4273 = arith.maximumf %select_n3A_4200, %roll3A_4271 : vector<32x128xf32>
    %roll3A_4274 = arith.constant 8 : i32
    %roll3A_4275 = tpu.dynamic_rotate %max3A_4273 by %roll3A_4274 dim 1 : vector<32x128xf32>, i32 -> vector<32x128xf32>
    %broadcast_in_dim3A_4276 = vector.shape_cast %ne3A_4215 : vector<1x128xi1> to vector<1x128xi1>
    %broadcast_in_dim3A_4277 = vector.broadcast %broadcast_in_dim3A_4276 : vector<1x128xi1> to vector<32x128xi1>
    %select_n3A_4278 = arith.select %broadcast_in_dim3A_4277, %roll3A_4275, %min3A_4272 : vector<32x128xi1>, vector<32x128xf32>
    %roll3A_4279 = arith.constant 120 : i32
    %roll3A_4280 = tpu.dynamic_rotate %select_n3A_4209 by %roll3A_4279 dim 1 : vector<32x128xf32>, i32 -> vector<32x128xf32>
    %min3A_4281 = arith.minimumf %select_n3A_4209, %roll3A_4280 : vector<32x128xf32>
    %max3A_4282 = arith.maximumf %select_n3A_4209, %roll3A_4280 : vector<32x128xf32>
    %roll3A_4283 = arith.constant 8 : i32
    %roll3A_4284 = tpu.dynamic_rotate %max3A_4282 by %roll3A_4283 dim 1 : vector<32x128xf32>, i32 -> vector<32x128xf32>
    %broadcast_in_dim3A_4285 = vector.shape_cast %ne3A_4215 : vector<1x128xi1> to vector<1x128xi1>
    %broadcast_in_dim3A_4286 = vector.broadcast %broadcast_in_dim3A_4285 : vector<1x128xi1> to vector<32x128xi1>
    %select_n3A_4287 = arith.select %broadcast_in_dim3A_4286, %roll3A_4284, %min3A_4281 : vector<32x128xi1>, vector<32x128xf32>
    %and3A_4288 = arith.constant 4 : i32
    %and3A_4289 = vector.broadcast %and3A_4288 : i32 to vector<1x128xi32>
    %and3A_4290 = arith.andi %iota3A_2862, %and3A_4289 : vector<1x128xi32>
    %ne3A_4291 = arith.constant 0 : i32
    %ne3A_4292 = vector.broadcast %ne3A_4291 : i32 to vector<1x128xi32>
    %ne3A_4293 = arith.cmpi ne, %and3A_4290, %ne3A_4292 : vector<1x128xi32>
    %roll3A_4294 = arith.constant 124 : i32
    %roll3A_4295 = tpu.dynamic_rotate %select_n3A_4224 by %roll3A_4294 dim 1 : vector<32x128xf32>, i32 -> vector<32x128xf32>
    %min3A_4296 = arith.minimumf %select_n3A_4224, %roll3A_4295 : vector<32x128xf32>
    %max3A_4297 = arith.maximumf %select_n3A_4224, %roll3A_4295 : vector<32x128xf32>
    %roll3A_4298 = arith.constant 4 : i32
    %roll3A_4299 = tpu.dynamic_rotate %max3A_4297 by %roll3A_4298 dim 1 : vector<32x128xf32>, i32 -> vector<32x128xf32>
    %broadcast_in_dim3A_4300 = vector.shape_cast %ne3A_4293 : vector<1x128xi1> to vector<1x128xi1>
    %broadcast_in_dim3A_4301 = vector.broadcast %broadcast_in_dim3A_4300 : vector<1x128xi1> to vector<32x128xi1>
    %select_n3A_4302 = arith.select %broadcast_in_dim3A_4301, %roll3A_4299, %min3A_4296 : vector<32x128xi1>, vector<32x128xf32>
    %roll3A_4303 = arith.constant 124 : i32
    %roll3A_4304 = tpu.dynamic_rotate %select_n3A_4233 by %roll3A_4303 dim 1 : vector<32x128xf32>, i32 -> vector<32x128xf32>
    %min3A_4305 = arith.minimumf %select_n3A_4233, %roll3A_4304 : vector<32x128xf32>
    %max3A_4306 = arith.maximumf %select_n3A_4233, %roll3A_4304 : vector<32x128xf32>
    %roll3A_4307 = arith.constant 4 : i32
    %roll3A_4308 = tpu.dynamic_rotate %max3A_4306 by %roll3A_4307 dim 1 : vector<32x128xf32>, i32 -> vector<32x128xf32>
    %broadcast_in_dim3A_4309 = vector.shape_cast %ne3A_4293 : vector<1x128xi1> to vector<1x128xi1>
    %broadcast_in_dim3A_4310 = vector.broadcast %broadcast_in_dim3A_4309 : vector<1x128xi1> to vector<32x128xi1>
    %select_n3A_4311 = arith.select %broadcast_in_dim3A_4310, %roll3A_4308, %min3A_4305 : vector<32x128xi1>, vector<32x128xf32>
    %roll3A_4312 = arith.constant 124 : i32
    %roll3A_4313 = tpu.dynamic_rotate %select_n3A_4242 by %roll3A_4312 dim 1 : vector<32x128xf32>, i32 -> vector<32x128xf32>
    %min3A_4314 = arith.minimumf %select_n3A_4242, %roll3A_4313 : vector<32x128xf32>
    %max3A_4315 = arith.maximumf %select_n3A_4242, %roll3A_4313 : vector<32x128xf32>
    %roll3A_4316 = arith.constant 4 : i32
    %roll3A_4317 = tpu.dynamic_rotate %max3A_4315 by %roll3A_4316 dim 1 : vector<32x128xf32>, i32 -> vector<32x128xf32>
    %broadcast_in_dim3A_4318 = vector.shape_cast %ne3A_4293 : vector<1x128xi1> to vector<1x128xi1>
    %broadcast_in_dim3A_4319 = vector.broadcast %broadcast_in_dim3A_4318 : vector<1x128xi1> to vector<32x128xi1>
    %select_n3A_4320 = arith.select %broadcast_in_dim3A_4319, %roll3A_4317, %min3A_4314 : vector<32x128xi1>, vector<32x128xf32>
    %roll3A_4321 = arith.constant 124 : i32
    %roll3A_4322 = tpu.dynamic_rotate %select_n3A_4251 by %roll3A_4321 dim 1 : vector<32x128xf32>, i32 -> vector<32x128xf32>
    %min3A_4323 = arith.minimumf %select_n3A_4251, %roll3A_4322 : vector<32x128xf32>
    %max3A_4324 = arith.maximumf %select_n3A_4251, %roll3A_4322 : vector<32x128xf32>
    %roll3A_4325 = arith.constant 4 : i32
    %roll3A_4326 = tpu.dynamic_rotate %max3A_4324 by %roll3A_4325 dim 1 : vector<32x128xf32>, i32 -> vector<32x128xf32>
    %broadcast_in_dim3A_4327 = vector.shape_cast %ne3A_4293 : vector<1x128xi1> to vector<1x128xi1>
    %broadcast_in_dim3A_4328 = vector.broadcast %broadcast_in_dim3A_4327 : vector<1x128xi1> to vector<32x128xi1>
    %select_n3A_4329 = arith.select %broadcast_in_dim3A_4328, %roll3A_4326, %min3A_4323 : vector<32x128xi1>, vector<32x128xf32>
    %roll3A_4330 = arith.constant 124 : i32
    %roll3A_4331 = tpu.dynamic_rotate %select_n3A_4260 by %roll3A_4330 dim 1 : vector<32x128xf32>, i32 -> vector<32x128xf32>
    %min3A_4332 = arith.minimumf %select_n3A_4260, %roll3A_4331 : vector<32x128xf32>
    %max3A_4333 = arith.maximumf %select_n3A_4260, %roll3A_4331 : vector<32x128xf32>
    %roll3A_4334 = arith.constant 4 : i32
    %roll3A_4335 = tpu.dynamic_rotate %max3A_4333 by %roll3A_4334 dim 1 : vector<32x128xf32>, i32 -> vector<32x128xf32>
    %broadcast_in_dim3A_4336 = vector.shape_cast %ne3A_4293 : vector<1x128xi1> to vector<1x128xi1>
    %broadcast_in_dim3A_4337 = vector.broadcast %broadcast_in_dim3A_4336 : vector<1x128xi1> to vector<32x128xi1>
    %select_n3A_4338 = arith.select %broadcast_in_dim3A_4337, %roll3A_4335, %min3A_4332 : vector<32x128xi1>, vector<32x128xf32>
    %roll3A_4339 = arith.constant 124 : i32
    %roll3A_4340 = tpu.dynamic_rotate %select_n3A_4269 by %roll3A_4339 dim 1 : vector<32x128xf32>, i32 -> vector<32x128xf32>
    %min3A_4341 = arith.minimumf %select_n3A_4269, %roll3A_4340 : vector<32x128xf32>
    %max3A_4342 = arith.maximumf %select_n3A_4269, %roll3A_4340 : vector<32x128xf32>
    %roll3A_4343 = arith.constant 4 : i32
    %roll3A_4344 = tpu.dynamic_rotate %max3A_4342 by %roll3A_4343 dim 1 : vector<32x128xf32>, i32 -> vector<32x128xf32>
    %broadcast_in_dim3A_4345 = vector.shape_cast %ne3A_4293 : vector<1x128xi1> to vector<1x128xi1>
    %broadcast_in_dim3A_4346 = vector.broadcast %broadcast_in_dim3A_4345 : vector<1x128xi1> to vector<32x128xi1>
    %select_n3A_4347 = arith.select %broadcast_in_dim3A_4346, %roll3A_4344, %min3A_4341 : vector<32x128xi1>, vector<32x128xf32>
    %roll3A_4348 = arith.constant 124 : i32
    %roll3A_4349 = tpu.dynamic_rotate %select_n3A_4278 by %roll3A_4348 dim 1 : vector<32x128xf32>, i32 -> vector<32x128xf32>
    %min3A_4350 = arith.minimumf %select_n3A_4278, %roll3A_4349 : vector<32x128xf32>
    %max3A_4351 = arith.maximumf %select_n3A_4278, %roll3A_4349 : vector<32x128xf32>
    %roll3A_4352 = arith.constant 4 : i32
    %roll3A_4353 = tpu.dynamic_rotate %max3A_4351 by %roll3A_4352 dim 1 : vector<32x128xf32>, i32 -> vector<32x128xf32>
    %broadcast_in_dim3A_4354 = vector.shape_cast %ne3A_4293 : vector<1x128xi1> to vector<1x128xi1>
    %broadcast_in_dim3A_4355 = vector.broadcast %broadcast_in_dim3A_4354 : vector<1x128xi1> to vector<32x128xi1>
    %select_n3A_4356 = arith.select %broadcast_in_dim3A_4355, %roll3A_4353, %min3A_4350 : vector<32x128xi1>, vector<32x128xf32>
    %roll3A_4357 = arith.constant 124 : i32
    %roll3A_4358 = tpu.dynamic_rotate %select_n3A_4287 by %roll3A_4357 dim 1 : vector<32x128xf32>, i32 -> vector<32x128xf32>
    %min3A_4359 = arith.minimumf %select_n3A_4287, %roll3A_4358 : vector<32x128xf32>
    %max3A_4360 = arith.maximumf %select_n3A_4287, %roll3A_4358 : vector<32x128xf32>
    %roll3A_4361 = arith.constant 4 : i32
    %roll3A_4362 = tpu.dynamic_rotate %max3A_4360 by %roll3A_4361 dim 1 : vector<32x128xf32>, i32 -> vector<32x128xf32>
    %broadcast_in_dim3A_4363 = vector.shape_cast %ne3A_4293 : vector<1x128xi1> to vector<1x128xi1>
    %broadcast_in_dim3A_4364 = vector.broadcast %broadcast_in_dim3A_4363 : vector<1x128xi1> to vector<32x128xi1>
    %select_n3A_4365 = arith.select %broadcast_in_dim3A_4364, %roll3A_4362, %min3A_4359 : vector<32x128xi1>, vector<32x128xf32>
    %and3A_4366 = arith.constant 2 : i32
    %and3A_4367 = vector.broadcast %and3A_4366 : i32 to vector<1x128xi32>
    %and3A_4368 = arith.andi %iota3A_2862, %and3A_4367 : vector<1x128xi32>
    %ne3A_4369 = arith.constant 0 : i32
    %ne3A_4370 = vector.broadcast %ne3A_4369 : i32 to vector<1x128xi32>
    %ne3A_4371 = arith.cmpi ne, %and3A_4368, %ne3A_4370 : vector<1x128xi32>
    %roll3A_4372 = arith.constant 126 : i32
    %roll3A_4373 = tpu.dynamic_rotate %select_n3A_4302 by %roll3A_4372 dim 1 : vector<32x128xf32>, i32 -> vector<32x128xf32>
    %min3A_4374 = arith.minimumf %select_n3A_4302, %roll3A_4373 : vector<32x128xf32>
    %max3A_4375 = arith.maximumf %select_n3A_4302, %roll3A_4373 : vector<32x128xf32>
    %roll3A_4376 = arith.constant 2 : i32
    %roll3A_4377 = tpu.dynamic_rotate %max3A_4375 by %roll3A_4376 dim 1 : vector<32x128xf32>, i32 -> vector<32x128xf32>
    %broadcast_in_dim3A_4378 = vector.shape_cast %ne3A_4371 : vector<1x128xi1> to vector<1x128xi1>
    %broadcast_in_dim3A_4379 = vector.broadcast %broadcast_in_dim3A_4378 : vector<1x128xi1> to vector<32x128xi1>
    %select_n3A_4380 = arith.select %broadcast_in_dim3A_4379, %roll3A_4377, %min3A_4374 : vector<32x128xi1>, vector<32x128xf32>
    %roll3A_4381 = arith.constant 126 : i32
    %roll3A_4382 = tpu.dynamic_rotate %select_n3A_4311 by %roll3A_4381 dim 1 : vector<32x128xf32>, i32 -> vector<32x128xf32>
    %min3A_4383 = arith.minimumf %select_n3A_4311, %roll3A_4382 : vector<32x128xf32>
    %max3A_4384 = arith.maximumf %select_n3A_4311, %roll3A_4382 : vector<32x128xf32>
    %roll3A_4385 = arith.constant 2 : i32
    %roll3A_4386 = tpu.dynamic_rotate %max3A_4384 by %roll3A_4385 dim 1 : vector<32x128xf32>, i32 -> vector<32x128xf32>
    %broadcast_in_dim3A_4387 = vector.shape_cast %ne3A_4371 : vector<1x128xi1> to vector<1x128xi1>
    %broadcast_in_dim3A_4388 = vector.broadcast %broadcast_in_dim3A_4387 : vector<1x128xi1> to vector<32x128xi1>
    %select_n3A_4389 = arith.select %broadcast_in_dim3A_4388, %roll3A_4386, %min3A_4383 : vector<32x128xi1>, vector<32x128xf32>
    %roll3A_4390 = arith.constant 126 : i32
    %roll3A_4391 = tpu.dynamic_rotate %select_n3A_4320 by %roll3A_4390 dim 1 : vector<32x128xf32>, i32 -> vector<32x128xf32>
    %min3A_4392 = arith.minimumf %select_n3A_4320, %roll3A_4391 : vector<32x128xf32>
    %max3A_4393 = arith.maximumf %select_n3A_4320, %roll3A_4391 : vector<32x128xf32>
    %roll3A_4394 = arith.constant 2 : i32
    %roll3A_4395 = tpu.dynamic_rotate %max3A_4393 by %roll3A_4394 dim 1 : vector<32x128xf32>, i32 -> vector<32x128xf32>
    %broadcast_in_dim3A_4396 = vector.shape_cast %ne3A_4371 : vector<1x128xi1> to vector<1x128xi1>
    %broadcast_in_dim3A_4397 = vector.broadcast %broadcast_in_dim3A_4396 : vector<1x128xi1> to vector<32x128xi1>
    %select_n3A_4398 = arith.select %broadcast_in_dim3A_4397, %roll3A_4395, %min3A_4392 : vector<32x128xi1>, vector<32x128xf32>
    %roll3A_4399 = arith.constant 126 : i32
    %roll3A_4400 = tpu.dynamic_rotate %select_n3A_4329 by %roll3A_4399 dim 1 : vector<32x128xf32>, i32 -> vector<32x128xf32>
    %min3A_4401 = arith.minimumf %select_n3A_4329, %roll3A_4400 : vector<32x128xf32>
    %max3A_4402 = arith.maximumf %select_n3A_4329, %roll3A_4400 : vector<32x128xf32>
    %roll3A_4403 = arith.constant 2 : i32
    %roll3A_4404 = tpu.dynamic_rotate %max3A_4402 by %roll3A_4403 dim 1 : vector<32x128xf32>, i32 -> vector<32x128xf32>
    %broadcast_in_dim3A_4405 = vector.shape_cast %ne3A_4371 : vector<1x128xi1> to vector<1x128xi1>
    %broadcast_in_dim3A_4406 = vector.broadcast %broadcast_in_dim3A_4405 : vector<1x128xi1> to vector<32x128xi1>
    %select_n3A_4407 = arith.select %broadcast_in_dim3A_4406, %roll3A_4404, %min3A_4401 : vector<32x128xi1>, vector<32x128xf32>
    %roll3A_4408 = arith.constant 126 : i32
    %roll3A_4409 = tpu.dynamic_rotate %select_n3A_4338 by %roll3A_4408 dim 1 : vector<32x128xf32>, i32 -> vector<32x128xf32>
    %min3A_4410 = arith.minimumf %select_n3A_4338, %roll3A_4409 : vector<32x128xf32>
    %max3A_4411 = arith.maximumf %select_n3A_4338, %roll3A_4409 : vector<32x128xf32>
    %roll3A_4412 = arith.constant 2 : i32
    %roll3A_4413 = tpu.dynamic_rotate %max3A_4411 by %roll3A_4412 dim 1 : vector<32x128xf32>, i32 -> vector<32x128xf32>
    %broadcast_in_dim3A_4414 = vector.shape_cast %ne3A_4371 : vector<1x128xi1> to vector<1x128xi1>
    %broadcast_in_dim3A_4415 = vector.broadcast %broadcast_in_dim3A_4414 : vector<1x128xi1> to vector<32x128xi1>
    %select_n3A_4416 = arith.select %broadcast_in_dim3A_4415, %roll3A_4413, %min3A_4410 : vector<32x128xi1>, vector<32x128xf32>
    %roll3A_4417 = arith.constant 126 : i32
    %roll3A_4418 = tpu.dynamic_rotate %select_n3A_4347 by %roll3A_4417 dim 1 : vector<32x128xf32>, i32 -> vector<32x128xf32>
    %min3A_4419 = arith.minimumf %select_n3A_4347, %roll3A_4418 : vector<32x128xf32>
    %max3A_4420 = arith.maximumf %select_n3A_4347, %roll3A_4418 : vector<32x128xf32>
    %roll3A_4421 = arith.constant 2 : i32
    %roll3A_4422 = tpu.dynamic_rotate %max3A_4420 by %roll3A_4421 dim 1 : vector<32x128xf32>, i32 -> vector<32x128xf32>
    %broadcast_in_dim3A_4423 = vector.shape_cast %ne3A_4371 : vector<1x128xi1> to vector<1x128xi1>
    %broadcast_in_dim3A_4424 = vector.broadcast %broadcast_in_dim3A_4423 : vector<1x128xi1> to vector<32x128xi1>
    %select_n3A_4425 = arith.select %broadcast_in_dim3A_4424, %roll3A_4422, %min3A_4419 : vector<32x128xi1>, vector<32x128xf32>
    %roll3A_4426 = arith.constant 126 : i32
    %roll3A_4427 = tpu.dynamic_rotate %select_n3A_4356 by %roll3A_4426 dim 1 : vector<32x128xf32>, i32 -> vector<32x128xf32>
    %min3A_4428 = arith.minimumf %select_n3A_4356, %roll3A_4427 : vector<32x128xf32>
    %max3A_4429 = arith.maximumf %select_n3A_4356, %roll3A_4427 : vector<32x128xf32>
    %roll3A_4430 = arith.constant 2 : i32
    %roll3A_4431 = tpu.dynamic_rotate %max3A_4429 by %roll3A_4430 dim 1 : vector<32x128xf32>, i32 -> vector<32x128xf32>
    %broadcast_in_dim3A_4432 = vector.shape_cast %ne3A_4371 : vector<1x128xi1> to vector<1x128xi1>
    %broadcast_in_dim3A_4433 = vector.broadcast %broadcast_in_dim3A_4432 : vector<1x128xi1> to vector<32x128xi1>
    %select_n3A_4434 = arith.select %broadcast_in_dim3A_4433, %roll3A_4431, %min3A_4428 : vector<32x128xi1>, vector<32x128xf32>
    %roll3A_4435 = arith.constant 126 : i32
    %roll3A_4436 = tpu.dynamic_rotate %select_n3A_4365 by %roll3A_4435 dim 1 : vector<32x128xf32>, i32 -> vector<32x128xf32>
    %min3A_4437 = arith.minimumf %select_n3A_4365, %roll3A_4436 : vector<32x128xf32>
    %max3A_4438 = arith.maximumf %select_n3A_4365, %roll3A_4436 : vector<32x128xf32>
    %roll3A_4439 = arith.constant 2 : i32
    %roll3A_4440 = tpu.dynamic_rotate %max3A_4438 by %roll3A_4439 dim 1 : vector<32x128xf32>, i32 -> vector<32x128xf32>
    %broadcast_in_dim3A_4441 = vector.shape_cast %ne3A_4371 : vector<1x128xi1> to vector<1x128xi1>
    %broadcast_in_dim3A_4442 = vector.broadcast %broadcast_in_dim3A_4441 : vector<1x128xi1> to vector<32x128xi1>
    %select_n3A_4443 = arith.select %broadcast_in_dim3A_4442, %roll3A_4440, %min3A_4437 : vector<32x128xi1>, vector<32x128xf32>
    %and3A_4444 = arith.constant 1 : i32
    %and3A_4445 = vector.broadcast %and3A_4444 : i32 to vector<1x128xi32>
    %and3A_4446 = arith.andi %iota3A_2862, %and3A_4445 : vector<1x128xi32>
    %ne3A_4447 = arith.constant 0 : i32
    %ne3A_4448 = vector.broadcast %ne3A_4447 : i32 to vector<1x128xi32>
    %ne3A_4449 = arith.cmpi ne, %and3A_4446, %ne3A_4448 : vector<1x128xi32>
    %roll3A_4450 = arith.constant 127 : i32
    %roll3A_4451 = tpu.dynamic_rotate %select_n3A_4380 by %roll3A_4450 dim 1 : vector<32x128xf32>, i32 -> vector<32x128xf32>
    %min3A_4452 = arith.minimumf %select_n3A_4380, %roll3A_4451 : vector<32x128xf32>
    %max3A_4453 = arith.maximumf %select_n3A_4380, %roll3A_4451 : vector<32x128xf32>
    %roll3A_4454 = arith.constant 1 : i32
    %roll3A_4455 = tpu.dynamic_rotate %max3A_4453 by %roll3A_4454 dim 1 : vector<32x128xf32>, i32 -> vector<32x128xf32>
    %broadcast_in_dim3A_4456 = vector.shape_cast %ne3A_4449 : vector<1x128xi1> to vector<1x128xi1>
    %broadcast_in_dim3A_4457 = vector.broadcast %broadcast_in_dim3A_4456 : vector<1x128xi1> to vector<32x128xi1>
    %select_n3A_4458 = arith.select %broadcast_in_dim3A_4457, %roll3A_4455, %min3A_4452 : vector<32x128xi1>, vector<32x128xf32>
    %roll3A_4459 = arith.constant 127 : i32
    %roll3A_4460 = tpu.dynamic_rotate %select_n3A_4389 by %roll3A_4459 dim 1 : vector<32x128xf32>, i32 -> vector<32x128xf32>
    %min3A_4461 = arith.minimumf %select_n3A_4389, %roll3A_4460 : vector<32x128xf32>
    %max3A_4462 = arith.maximumf %select_n3A_4389, %roll3A_4460 : vector<32x128xf32>
    %roll3A_4463 = arith.constant 1 : i32
    %roll3A_4464 = tpu.dynamic_rotate %max3A_4462 by %roll3A_4463 dim 1 : vector<32x128xf32>, i32 -> vector<32x128xf32>
    %broadcast_in_dim3A_4465 = vector.shape_cast %ne3A_4449 : vector<1x128xi1> to vector<1x128xi1>
    %broadcast_in_dim3A_4466 = vector.broadcast %broadcast_in_dim3A_4465 : vector<1x128xi1> to vector<32x128xi1>
    %select_n3A_4467 = arith.select %broadcast_in_dim3A_4466, %roll3A_4464, %min3A_4461 : vector<32x128xi1>, vector<32x128xf32>
    %roll3A_4468 = arith.constant 127 : i32
    %roll3A_4469 = tpu.dynamic_rotate %select_n3A_4398 by %roll3A_4468 dim 1 : vector<32x128xf32>, i32 -> vector<32x128xf32>
    %min3A_4470 = arith.minimumf %select_n3A_4398, %roll3A_4469 : vector<32x128xf32>
    %max3A_4471 = arith.maximumf %select_n3A_4398, %roll3A_4469 : vector<32x128xf32>
    %roll3A_4472 = arith.constant 1 : i32
    %roll3A_4473 = tpu.dynamic_rotate %max3A_4471 by %roll3A_4472 dim 1 : vector<32x128xf32>, i32 -> vector<32x128xf32>
    %broadcast_in_dim3A_4474 = vector.shape_cast %ne3A_4449 : vector<1x128xi1> to vector<1x128xi1>
    %broadcast_in_dim3A_4475 = vector.broadcast %broadcast_in_dim3A_4474 : vector<1x128xi1> to vector<32x128xi1>
    %select_n3A_4476 = arith.select %broadcast_in_dim3A_4475, %roll3A_4473, %min3A_4470 : vector<32x128xi1>, vector<32x128xf32>
    %roll3A_4477 = arith.constant 127 : i32
    %roll3A_4478 = tpu.dynamic_rotate %select_n3A_4407 by %roll3A_4477 dim 1 : vector<32x128xf32>, i32 -> vector<32x128xf32>
    %min3A_4479 = arith.minimumf %select_n3A_4407, %roll3A_4478 : vector<32x128xf32>
    %max3A_4480 = arith.maximumf %select_n3A_4407, %roll3A_4478 : vector<32x128xf32>
    %roll3A_4481 = arith.constant 1 : i32
    %roll3A_4482 = tpu.dynamic_rotate %max3A_4480 by %roll3A_4481 dim 1 : vector<32x128xf32>, i32 -> vector<32x128xf32>
    %broadcast_in_dim3A_4483 = vector.shape_cast %ne3A_4449 : vector<1x128xi1> to vector<1x128xi1>
    %broadcast_in_dim3A_4484 = vector.broadcast %broadcast_in_dim3A_4483 : vector<1x128xi1> to vector<32x128xi1>
    %select_n3A_4485 = arith.select %broadcast_in_dim3A_4484, %roll3A_4482, %min3A_4479 : vector<32x128xi1>, vector<32x128xf32>
    %roll3A_4486 = arith.constant 127 : i32
    %roll3A_4487 = tpu.dynamic_rotate %select_n3A_4416 by %roll3A_4486 dim 1 : vector<32x128xf32>, i32 -> vector<32x128xf32>
    %min3A_4488 = arith.minimumf %select_n3A_4416, %roll3A_4487 : vector<32x128xf32>
    %max3A_4489 = arith.maximumf %select_n3A_4416, %roll3A_4487 : vector<32x128xf32>
    %roll3A_4490 = arith.constant 1 : i32
    %roll3A_4491 = tpu.dynamic_rotate %max3A_4489 by %roll3A_4490 dim 1 : vector<32x128xf32>, i32 -> vector<32x128xf32>
    %broadcast_in_dim3A_4492 = vector.shape_cast %ne3A_4449 : vector<1x128xi1> to vector<1x128xi1>
    %broadcast_in_dim3A_4493 = vector.broadcast %broadcast_in_dim3A_4492 : vector<1x128xi1> to vector<32x128xi1>
    %select_n3A_4494 = arith.select %broadcast_in_dim3A_4493, %roll3A_4491, %min3A_4488 : vector<32x128xi1>, vector<32x128xf32>
    %roll3A_4495 = arith.constant 127 : i32
    %roll3A_4496 = tpu.dynamic_rotate %select_n3A_4425 by %roll3A_4495 dim 1 : vector<32x128xf32>, i32 -> vector<32x128xf32>
    %min3A_4497 = arith.minimumf %select_n3A_4425, %roll3A_4496 : vector<32x128xf32>
    %max3A_4498 = arith.maximumf %select_n3A_4425, %roll3A_4496 : vector<32x128xf32>
    %roll3A_4499 = arith.constant 1 : i32
    %roll3A_4500 = tpu.dynamic_rotate %max3A_4498 by %roll3A_4499 dim 1 : vector<32x128xf32>, i32 -> vector<32x128xf32>
    %broadcast_in_dim3A_4501 = vector.shape_cast %ne3A_4449 : vector<1x128xi1> to vector<1x128xi1>
    %broadcast_in_dim3A_4502 = vector.broadcast %broadcast_in_dim3A_4501 : vector<1x128xi1> to vector<32x128xi1>
    %select_n3A_4503 = arith.select %broadcast_in_dim3A_4502, %roll3A_4500, %min3A_4497 : vector<32x128xi1>, vector<32x128xf32>
    %roll3A_4504 = arith.constant 127 : i32
    %roll3A_4505 = tpu.dynamic_rotate %select_n3A_4434 by %roll3A_4504 dim 1 : vector<32x128xf32>, i32 -> vector<32x128xf32>
    %min3A_4506 = arith.minimumf %select_n3A_4434, %roll3A_4505 : vector<32x128xf32>
    %max3A_4507 = arith.maximumf %select_n3A_4434, %roll3A_4505 : vector<32x128xf32>
    %roll3A_4508 = arith.constant 1 : i32
    %roll3A_4509 = tpu.dynamic_rotate %max3A_4507 by %roll3A_4508 dim 1 : vector<32x128xf32>, i32 -> vector<32x128xf32>
    %broadcast_in_dim3A_4510 = vector.shape_cast %ne3A_4449 : vector<1x128xi1> to vector<1x128xi1>
    %broadcast_in_dim3A_4511 = vector.broadcast %broadcast_in_dim3A_4510 : vector<1x128xi1> to vector<32x128xi1>
    %select_n3A_4512 = arith.select %broadcast_in_dim3A_4511, %roll3A_4509, %min3A_4506 : vector<32x128xi1>, vector<32x128xf32>
    %roll3A_4513 = arith.constant 127 : i32
    %roll3A_4514 = tpu.dynamic_rotate %select_n3A_4443 by %roll3A_4513 dim 1 : vector<32x128xf32>, i32 -> vector<32x128xf32>
    %min3A_4515 = arith.minimumf %select_n3A_4443, %roll3A_4514 : vector<32x128xf32>
    %max3A_4516 = arith.maximumf %select_n3A_4443, %roll3A_4514 : vector<32x128xf32>
    %roll3A_4517 = arith.constant 1 : i32
    %roll3A_4518 = tpu.dynamic_rotate %max3A_4516 by %roll3A_4517 dim 1 : vector<32x128xf32>, i32 -> vector<32x128xf32>
    %broadcast_in_dim3A_4519 = vector.shape_cast %ne3A_4449 : vector<1x128xi1> to vector<1x128xi1>
    %broadcast_in_dim3A_4520 = vector.broadcast %broadcast_in_dim3A_4519 : vector<1x128xi1> to vector<32x128xi1>
    %select_n3A_4521 = arith.select %broadcast_in_dim3A_4520, %roll3A_4518, %min3A_4515 : vector<32x128xi1>, vector<32x128xf32>
    %min3A_4522 = arith.minimumf %select_n3A_4458, %select_n3A_4494 : vector<32x128xf32>
    %max3A_4523 = arith.maximumf %select_n3A_4458, %select_n3A_4494 : vector<32x128xf32>
    %min3A_4524 = arith.minimumf %select_n3A_4467, %select_n3A_4503 : vector<32x128xf32>
    %max3A_4525 = arith.maximumf %select_n3A_4467, %select_n3A_4503 : vector<32x128xf32>
    %min3A_4526 = arith.minimumf %select_n3A_4476, %select_n3A_4512 : vector<32x128xf32>
    %max3A_4527 = arith.maximumf %select_n3A_4476, %select_n3A_4512 : vector<32x128xf32>
    %min3A_4528 = arith.minimumf %select_n3A_4485, %select_n3A_4521 : vector<32x128xf32>
    %max3A_4529 = arith.maximumf %select_n3A_4485, %select_n3A_4521 : vector<32x128xf32>
    %min3A_4530 = arith.minimumf %min3A_4522, %min3A_4526 : vector<32x128xf32>
    %max3A_4531 = arith.maximumf %min3A_4522, %min3A_4526 : vector<32x128xf32>
    %min3A_4532 = arith.minimumf %min3A_4524, %min3A_4528 : vector<32x128xf32>
    %max3A_4533 = arith.maximumf %min3A_4524, %min3A_4528 : vector<32x128xf32>
    %min3A_4534 = arith.minimumf %max3A_4523, %max3A_4527 : vector<32x128xf32>
    %max3A_4535 = arith.maximumf %max3A_4523, %max3A_4527 : vector<32x128xf32>
    %min3A_4536 = arith.minimumf %max3A_4525, %max3A_4529 : vector<32x128xf32>
    %max3A_4537 = arith.maximumf %max3A_4525, %max3A_4529 : vector<32x128xf32>
    %min3A_4538 = arith.minimumf %min3A_4530, %min3A_4532 : vector<32x128xf32>
    %max3A_4539 = arith.maximumf %min3A_4530, %min3A_4532 : vector<32x128xf32>
    %min3A_4540 = arith.minimumf %max3A_4531, %max3A_4533 : vector<32x128xf32>
    %max3A_4541 = arith.maximumf %max3A_4531, %max3A_4533 : vector<32x128xf32>
    %min3A_4542 = arith.minimumf %min3A_4534, %min3A_4536 : vector<32x128xf32>
    %max3A_4543 = arith.maximumf %min3A_4534, %min3A_4536 : vector<32x128xf32>
    %min3A_4544 = arith.minimumf %max3A_4535, %max3A_4537 : vector<32x128xf32>
    %max3A_4545 = arith.maximumf %max3A_4535, %max3A_4537 : vector<32x128xf32>
    %and3A_4546 = arith.constant 32 : i32
    %and3A_4547 = vector.broadcast %and3A_4546 : i32 to vector<1x128xi32>
    %and3A_4548 = arith.andi %iota3A_2862, %and3A_4547 : vector<1x128xi32>
    %eq3A_4549 = arith.constant 0 : i32
    %eq3A_4550 = vector.broadcast %eq3A_4549 : i32 to vector<1x128xi32>
    %eq3A_4551 = arith.cmpi eq, %and3A_4548, %eq3A_4550 : vector<1x128xi32>
    %jit3A_4552 = arith.constant 1.000000e+00 : f32
    %jit3A_4553 = arith.constant -1.000000e+00 : f32
    %broadcast_in_dim3A_4554 = vector.broadcast %jit3A_4552 : f32 to vector<1x128xf32>
    %broadcast_in_dim3A_4555 = vector.broadcast %jit3A_4553 : f32 to vector<1x128xf32>
    %select_n3A_4556 = arith.select %eq3A_4551, %broadcast_in_dim3A_4554, %broadcast_in_dim3A_4555 : vector<1x128xi1>, vector<1x128xf32>
    %mul3A_4557 = vector.broadcast %select_n3A_4556 : vector<1x128xf32> to vector<32x128xf32>
    %mul3A_4558 = arith.mulf %min3A_4538, %mul3A_4557 : vector<32x128xf32>
    %mul3A_4559 = vector.broadcast %select_n3A_4556 : vector<1x128xf32> to vector<32x128xf32>
    %mul3A_4560 = arith.mulf %max3A_4539, %mul3A_4559 : vector<32x128xf32>
    %mul3A_4561 = vector.broadcast %select_n3A_4556 : vector<1x128xf32> to vector<32x128xf32>
    %mul3A_4562 = arith.mulf %min3A_4540, %mul3A_4561 : vector<32x128xf32>
    %mul3A_4563 = vector.broadcast %select_n3A_4556 : vector<1x128xf32> to vector<32x128xf32>
    %mul3A_4564 = arith.mulf %max3A_4541, %mul3A_4563 : vector<32x128xf32>
    %mul3A_4565 = vector.broadcast %select_n3A_4556 : vector<1x128xf32> to vector<32x128xf32>
    %mul3A_4566 = arith.mulf %min3A_4542, %mul3A_4565 : vector<32x128xf32>
    %mul3A_4567 = vector.broadcast %select_n3A_4556 : vector<1x128xf32> to vector<32x128xf32>
    %mul3A_4568 = arith.mulf %max3A_4543, %mul3A_4567 : vector<32x128xf32>
    %mul3A_4569 = vector.broadcast %select_n3A_4556 : vector<1x128xf32> to vector<32x128xf32>
    %mul3A_4570 = arith.mulf %min3A_4544, %mul3A_4569 : vector<32x128xf32>
    %mul3A_4571 = vector.broadcast %select_n3A_4556 : vector<1x128xf32> to vector<32x128xf32>
    %mul3A_4572 = arith.mulf %max3A_4545, %mul3A_4571 : vector<32x128xf32>
    %and3A_4573 = arith.constant 64 : i32
    %and3A_4574 = vector.broadcast %and3A_4573 : i32 to vector<1x128xi32>
    %and3A_4575 = arith.andi %iota3A_2862, %and3A_4574 : vector<1x128xi32>
    %eq3A_4576 = arith.constant 0 : i32
    %eq3A_4577 = vector.broadcast %eq3A_4576 : i32 to vector<1x128xi32>
    %eq3A_4578 = arith.cmpi eq, %and3A_4575, %eq3A_4577 : vector<1x128xi32>
    %jit3A_4579 = arith.constant 1.000000e+00 : f32
    %jit3A_4580 = arith.constant -1.000000e+00 : f32
    %broadcast_in_dim3A_4581 = vector.broadcast %jit3A_4579 : f32 to vector<1x128xf32>
    %broadcast_in_dim3A_4582 = vector.broadcast %jit3A_4580 : f32 to vector<1x128xf32>
    %select_n3A_4583 = arith.select %eq3A_4578, %broadcast_in_dim3A_4581, %broadcast_in_dim3A_4582 : vector<1x128xi1>, vector<1x128xf32>
    %mul3A_4584 = vector.broadcast %select_n3A_4583 : vector<1x128xf32> to vector<32x128xf32>
    %mul3A_4585 = arith.mulf %mul3A_4558, %mul3A_4584 : vector<32x128xf32>
    %mul3A_4586 = vector.broadcast %select_n3A_4583 : vector<1x128xf32> to vector<32x128xf32>
    %mul3A_4587 = arith.mulf %mul3A_4560, %mul3A_4586 : vector<32x128xf32>
    %mul3A_4588 = vector.broadcast %select_n3A_4583 : vector<1x128xf32> to vector<32x128xf32>
    %mul3A_4589 = arith.mulf %mul3A_4562, %mul3A_4588 : vector<32x128xf32>
    %mul3A_4590 = vector.broadcast %select_n3A_4583 : vector<1x128xf32> to vector<32x128xf32>
    %mul3A_4591 = arith.mulf %mul3A_4564, %mul3A_4590 : vector<32x128xf32>
    %mul3A_4592 = vector.broadcast %select_n3A_4583 : vector<1x128xf32> to vector<32x128xf32>
    %mul3A_4593 = arith.mulf %mul3A_4566, %mul3A_4592 : vector<32x128xf32>
    %mul3A_4594 = vector.broadcast %select_n3A_4583 : vector<1x128xf32> to vector<32x128xf32>
    %mul3A_4595 = arith.mulf %mul3A_4568, %mul3A_4594 : vector<32x128xf32>
    %mul3A_4596 = vector.broadcast %select_n3A_4583 : vector<1x128xf32> to vector<32x128xf32>
    %mul3A_4597 = arith.mulf %mul3A_4570, %mul3A_4596 : vector<32x128xf32>
    %mul3A_4598 = vector.broadcast %select_n3A_4583 : vector<1x128xf32> to vector<32x128xf32>
    %mul3A_4599 = arith.mulf %mul3A_4572, %mul3A_4598 : vector<32x128xf32>
    %and3A_4600 = arith.constant 32 : i32
    %and3A_4601 = vector.broadcast %and3A_4600 : i32 to vector<1x128xi32>
    %and3A_4602 = arith.andi %iota3A_2862, %and3A_4601 : vector<1x128xi32>
    %ne3A_4603 = arith.constant 0 : i32
    %ne3A_4604 = vector.broadcast %ne3A_4603 : i32 to vector<1x128xi32>
    %ne3A_4605 = arith.cmpi ne, %and3A_4602, %ne3A_4604 : vector<1x128xi32>
    %roll3A_4606 = arith.constant 96 : i32
    %roll3A_4607 = tpu.dynamic_rotate %mul3A_4585 by %roll3A_4606 dim 1 : vector<32x128xf32>, i32 -> vector<32x128xf32>
    %min3A_4608 = arith.minimumf %mul3A_4585, %roll3A_4607 : vector<32x128xf32>
    %max3A_4609 = arith.maximumf %mul3A_4585, %roll3A_4607 : vector<32x128xf32>
    %roll3A_4610 = arith.constant 32 : i32
    %roll3A_4611 = tpu.dynamic_rotate %max3A_4609 by %roll3A_4610 dim 1 : vector<32x128xf32>, i32 -> vector<32x128xf32>
    %broadcast_in_dim3A_4612 = vector.shape_cast %ne3A_4605 : vector<1x128xi1> to vector<1x128xi1>
    %broadcast_in_dim3A_4613 = vector.broadcast %broadcast_in_dim3A_4612 : vector<1x128xi1> to vector<32x128xi1>
    %select_n3A_4614 = arith.select %broadcast_in_dim3A_4613, %roll3A_4611, %min3A_4608 : vector<32x128xi1>, vector<32x128xf32>
    %roll3A_4615 = arith.constant 96 : i32
    %roll3A_4616 = tpu.dynamic_rotate %mul3A_4587 by %roll3A_4615 dim 1 : vector<32x128xf32>, i32 -> vector<32x128xf32>
    %min3A_4617 = arith.minimumf %mul3A_4587, %roll3A_4616 : vector<32x128xf32>
    %max3A_4618 = arith.maximumf %mul3A_4587, %roll3A_4616 : vector<32x128xf32>
    %roll3A_4619 = arith.constant 32 : i32
    %roll3A_4620 = tpu.dynamic_rotate %max3A_4618 by %roll3A_4619 dim 1 : vector<32x128xf32>, i32 -> vector<32x128xf32>
    %broadcast_in_dim3A_4621 = vector.shape_cast %ne3A_4605 : vector<1x128xi1> to vector<1x128xi1>
    %broadcast_in_dim3A_4622 = vector.broadcast %broadcast_in_dim3A_4621 : vector<1x128xi1> to vector<32x128xi1>
    %select_n3A_4623 = arith.select %broadcast_in_dim3A_4622, %roll3A_4620, %min3A_4617 : vector<32x128xi1>, vector<32x128xf32>
    %roll3A_4624 = arith.constant 96 : i32
    %roll3A_4625 = tpu.dynamic_rotate %mul3A_4589 by %roll3A_4624 dim 1 : vector<32x128xf32>, i32 -> vector<32x128xf32>
    %min3A_4626 = arith.minimumf %mul3A_4589, %roll3A_4625 : vector<32x128xf32>
    %max3A_4627 = arith.maximumf %mul3A_4589, %roll3A_4625 : vector<32x128xf32>
    %roll3A_4628 = arith.constant 32 : i32
    %roll3A_4629 = tpu.dynamic_rotate %max3A_4627 by %roll3A_4628 dim 1 : vector<32x128xf32>, i32 -> vector<32x128xf32>
    %broadcast_in_dim3A_4630 = vector.shape_cast %ne3A_4605 : vector<1x128xi1> to vector<1x128xi1>
    %broadcast_in_dim3A_4631 = vector.broadcast %broadcast_in_dim3A_4630 : vector<1x128xi1> to vector<32x128xi1>
    %select_n3A_4632 = arith.select %broadcast_in_dim3A_4631, %roll3A_4629, %min3A_4626 : vector<32x128xi1>, vector<32x128xf32>
    %roll3A_4633 = arith.constant 96 : i32
    %roll3A_4634 = tpu.dynamic_rotate %mul3A_4591 by %roll3A_4633 dim 1 : vector<32x128xf32>, i32 -> vector<32x128xf32>
    %min3A_4635 = arith.minimumf %mul3A_4591, %roll3A_4634 : vector<32x128xf32>
    %max3A_4636 = arith.maximumf %mul3A_4591, %roll3A_4634 : vector<32x128xf32>
    %roll3A_4637 = arith.constant 32 : i32
    %roll3A_4638 = tpu.dynamic_rotate %max3A_4636 by %roll3A_4637 dim 1 : vector<32x128xf32>, i32 -> vector<32x128xf32>
    %broadcast_in_dim3A_4639 = vector.shape_cast %ne3A_4605 : vector<1x128xi1> to vector<1x128xi1>
    %broadcast_in_dim3A_4640 = vector.broadcast %broadcast_in_dim3A_4639 : vector<1x128xi1> to vector<32x128xi1>
    %select_n3A_4641 = arith.select %broadcast_in_dim3A_4640, %roll3A_4638, %min3A_4635 : vector<32x128xi1>, vector<32x128xf32>
    %roll3A_4642 = arith.constant 96 : i32
    %roll3A_4643 = tpu.dynamic_rotate %mul3A_4593 by %roll3A_4642 dim 1 : vector<32x128xf32>, i32 -> vector<32x128xf32>
    %min3A_4644 = arith.minimumf %mul3A_4593, %roll3A_4643 : vector<32x128xf32>
    %max3A_4645 = arith.maximumf %mul3A_4593, %roll3A_4643 : vector<32x128xf32>
    %roll3A_4646 = arith.constant 32 : i32
    %roll3A_4647 = tpu.dynamic_rotate %max3A_4645 by %roll3A_4646 dim 1 : vector<32x128xf32>, i32 -> vector<32x128xf32>
    %broadcast_in_dim3A_4648 = vector.shape_cast %ne3A_4605 : vector<1x128xi1> to vector<1x128xi1>
    %broadcast_in_dim3A_4649 = vector.broadcast %broadcast_in_dim3A_4648 : vector<1x128xi1> to vector<32x128xi1>
    %select_n3A_4650 = arith.select %broadcast_in_dim3A_4649, %roll3A_4647, %min3A_4644 : vector<32x128xi1>, vector<32x128xf32>
    %roll3A_4651 = arith.constant 96 : i32
    %roll3A_4652 = tpu.dynamic_rotate %mul3A_4595 by %roll3A_4651 dim 1 : vector<32x128xf32>, i32 -> vector<32x128xf32>
    %min3A_4653 = arith.minimumf %mul3A_4595, %roll3A_4652 : vector<32x128xf32>
    %max3A_4654 = arith.maximumf %mul3A_4595, %roll3A_4652 : vector<32x128xf32>
    %roll3A_4655 = arith.constant 32 : i32
    %roll3A_4656 = tpu.dynamic_rotate %max3A_4654 by %roll3A_4655 dim 1 : vector<32x128xf32>, i32 -> vector<32x128xf32>
    %broadcast_in_dim3A_4657 = vector.shape_cast %ne3A_4605 : vector<1x128xi1> to vector<1x128xi1>
    %broadcast_in_dim3A_4658 = vector.broadcast %broadcast_in_dim3A_4657 : vector<1x128xi1> to vector<32x128xi1>
    %select_n3A_4659 = arith.select %broadcast_in_dim3A_4658, %roll3A_4656, %min3A_4653 : vector<32x128xi1>, vector<32x128xf32>
    %roll3A_4660 = arith.constant 96 : i32
    %roll3A_4661 = tpu.dynamic_rotate %mul3A_4597 by %roll3A_4660 dim 1 : vector<32x128xf32>, i32 -> vector<32x128xf32>
    %min3A_4662 = arith.minimumf %mul3A_4597, %roll3A_4661 : vector<32x128xf32>
    %max3A_4663 = arith.maximumf %mul3A_4597, %roll3A_4661 : vector<32x128xf32>
    %roll3A_4664 = arith.constant 32 : i32
    %roll3A_4665 = tpu.dynamic_rotate %max3A_4663 by %roll3A_4664 dim 1 : vector<32x128xf32>, i32 -> vector<32x128xf32>
    %broadcast_in_dim3A_4666 = vector.shape_cast %ne3A_4605 : vector<1x128xi1> to vector<1x128xi1>
    %broadcast_in_dim3A_4667 = vector.broadcast %broadcast_in_dim3A_4666 : vector<1x128xi1> to vector<32x128xi1>
    %select_n3A_4668 = arith.select %broadcast_in_dim3A_4667, %roll3A_4665, %min3A_4662 : vector<32x128xi1>, vector<32x128xf32>
    %roll3A_4669 = arith.constant 96 : i32
    %roll3A_4670 = tpu.dynamic_rotate %mul3A_4599 by %roll3A_4669 dim 1 : vector<32x128xf32>, i32 -> vector<32x128xf32>
    %min3A_4671 = arith.minimumf %mul3A_4599, %roll3A_4670 : vector<32x128xf32>
    %max3A_4672 = arith.maximumf %mul3A_4599, %roll3A_4670 : vector<32x128xf32>
    %roll3A_4673 = arith.constant 32 : i32
    %roll3A_4674 = tpu.dynamic_rotate %max3A_4672 by %roll3A_4673 dim 1 : vector<32x128xf32>, i32 -> vector<32x128xf32>
    %broadcast_in_dim3A_4675 = vector.shape_cast %ne3A_4605 : vector<1x128xi1> to vector<1x128xi1>
    %broadcast_in_dim3A_4676 = vector.broadcast %broadcast_in_dim3A_4675 : vector<1x128xi1> to vector<32x128xi1>
    %select_n3A_4677 = arith.select %broadcast_in_dim3A_4676, %roll3A_4674, %min3A_4671 : vector<32x128xi1>, vector<32x128xf32>
    %and3A_4678 = arith.constant 16 : i32
    %and3A_4679 = vector.broadcast %and3A_4678 : i32 to vector<1x128xi32>
    %and3A_4680 = arith.andi %iota3A_2862, %and3A_4679 : vector<1x128xi32>
    %ne3A_4681 = arith.constant 0 : i32
    %ne3A_4682 = vector.broadcast %ne3A_4681 : i32 to vector<1x128xi32>
    %ne3A_4683 = arith.cmpi ne, %and3A_4680, %ne3A_4682 : vector<1x128xi32>
    %roll3A_4684 = arith.constant 112 : i32
    %roll3A_4685 = tpu.dynamic_rotate %select_n3A_4614 by %roll3A_4684 dim 1 : vector<32x128xf32>, i32 -> vector<32x128xf32>
    %min3A_4686 = arith.minimumf %select_n3A_4614, %roll3A_4685 : vector<32x128xf32>
    %max3A_4687 = arith.maximumf %select_n3A_4614, %roll3A_4685 : vector<32x128xf32>
    %roll3A_4688 = arith.constant 16 : i32
    %roll3A_4689 = tpu.dynamic_rotate %max3A_4687 by %roll3A_4688 dim 1 : vector<32x128xf32>, i32 -> vector<32x128xf32>
    %broadcast_in_dim3A_4690 = vector.shape_cast %ne3A_4683 : vector<1x128xi1> to vector<1x128xi1>
    %broadcast_in_dim3A_4691 = vector.broadcast %broadcast_in_dim3A_4690 : vector<1x128xi1> to vector<32x128xi1>
    %select_n3A_4692 = arith.select %broadcast_in_dim3A_4691, %roll3A_4689, %min3A_4686 : vector<32x128xi1>, vector<32x128xf32>
    %roll3A_4693 = arith.constant 112 : i32
    %roll3A_4694 = tpu.dynamic_rotate %select_n3A_4623 by %roll3A_4693 dim 1 : vector<32x128xf32>, i32 -> vector<32x128xf32>
    %min3A_4695 = arith.minimumf %select_n3A_4623, %roll3A_4694 : vector<32x128xf32>
    %max3A_4696 = arith.maximumf %select_n3A_4623, %roll3A_4694 : vector<32x128xf32>
    %roll3A_4697 = arith.constant 16 : i32
    %roll3A_4698 = tpu.dynamic_rotate %max3A_4696 by %roll3A_4697 dim 1 : vector<32x128xf32>, i32 -> vector<32x128xf32>
    %broadcast_in_dim3A_4699 = vector.shape_cast %ne3A_4683 : vector<1x128xi1> to vector<1x128xi1>
    %broadcast_in_dim3A_4700 = vector.broadcast %broadcast_in_dim3A_4699 : vector<1x128xi1> to vector<32x128xi1>
    %select_n3A_4701 = arith.select %broadcast_in_dim3A_4700, %roll3A_4698, %min3A_4695 : vector<32x128xi1>, vector<32x128xf32>
    %roll3A_4702 = arith.constant 112 : i32
    %roll3A_4703 = tpu.dynamic_rotate %select_n3A_4632 by %roll3A_4702 dim 1 : vector<32x128xf32>, i32 -> vector<32x128xf32>
    %min3A_4704 = arith.minimumf %select_n3A_4632, %roll3A_4703 : vector<32x128xf32>
    %max3A_4705 = arith.maximumf %select_n3A_4632, %roll3A_4703 : vector<32x128xf32>
    %roll3A_4706 = arith.constant 16 : i32
    %roll3A_4707 = tpu.dynamic_rotate %max3A_4705 by %roll3A_4706 dim 1 : vector<32x128xf32>, i32 -> vector<32x128xf32>
    %broadcast_in_dim3A_4708 = vector.shape_cast %ne3A_4683 : vector<1x128xi1> to vector<1x128xi1>
    %broadcast_in_dim3A_4709 = vector.broadcast %broadcast_in_dim3A_4708 : vector<1x128xi1> to vector<32x128xi1>
    %select_n3A_4710 = arith.select %broadcast_in_dim3A_4709, %roll3A_4707, %min3A_4704 : vector<32x128xi1>, vector<32x128xf32>
    %roll3A_4711 = arith.constant 112 : i32
    %roll3A_4712 = tpu.dynamic_rotate %select_n3A_4641 by %roll3A_4711 dim 1 : vector<32x128xf32>, i32 -> vector<32x128xf32>
    %min3A_4713 = arith.minimumf %select_n3A_4641, %roll3A_4712 : vector<32x128xf32>
    %max3A_4714 = arith.maximumf %select_n3A_4641, %roll3A_4712 : vector<32x128xf32>
    %roll3A_4715 = arith.constant 16 : i32
    %roll3A_4716 = tpu.dynamic_rotate %max3A_4714 by %roll3A_4715 dim 1 : vector<32x128xf32>, i32 -> vector<32x128xf32>
    %broadcast_in_dim3A_4717 = vector.shape_cast %ne3A_4683 : vector<1x128xi1> to vector<1x128xi1>
    %broadcast_in_dim3A_4718 = vector.broadcast %broadcast_in_dim3A_4717 : vector<1x128xi1> to vector<32x128xi1>
    %select_n3A_4719 = arith.select %broadcast_in_dim3A_4718, %roll3A_4716, %min3A_4713 : vector<32x128xi1>, vector<32x128xf32>
    %roll3A_4720 = arith.constant 112 : i32
    %roll3A_4721 = tpu.dynamic_rotate %select_n3A_4650 by %roll3A_4720 dim 1 : vector<32x128xf32>, i32 -> vector<32x128xf32>
    %min3A_4722 = arith.minimumf %select_n3A_4650, %roll3A_4721 : vector<32x128xf32>
    %max3A_4723 = arith.maximumf %select_n3A_4650, %roll3A_4721 : vector<32x128xf32>
    %roll3A_4724 = arith.constant 16 : i32
    %roll3A_4725 = tpu.dynamic_rotate %max3A_4723 by %roll3A_4724 dim 1 : vector<32x128xf32>, i32 -> vector<32x128xf32>
    %broadcast_in_dim3A_4726 = vector.shape_cast %ne3A_4683 : vector<1x128xi1> to vector<1x128xi1>
    %broadcast_in_dim3A_4727 = vector.broadcast %broadcast_in_dim3A_4726 : vector<1x128xi1> to vector<32x128xi1>
    %select_n3A_4728 = arith.select %broadcast_in_dim3A_4727, %roll3A_4725, %min3A_4722 : vector<32x128xi1>, vector<32x128xf32>
    %roll3A_4729 = arith.constant 112 : i32
    %roll3A_4730 = tpu.dynamic_rotate %select_n3A_4659 by %roll3A_4729 dim 1 : vector<32x128xf32>, i32 -> vector<32x128xf32>
    %min3A_4731 = arith.minimumf %select_n3A_4659, %roll3A_4730 : vector<32x128xf32>
    %max3A_4732 = arith.maximumf %select_n3A_4659, %roll3A_4730 : vector<32x128xf32>
    %roll3A_4733 = arith.constant 16 : i32
    %roll3A_4734 = tpu.dynamic_rotate %max3A_4732 by %roll3A_4733 dim 1 : vector<32x128xf32>, i32 -> vector<32x128xf32>
    %broadcast_in_dim3A_4735 = vector.shape_cast %ne3A_4683 : vector<1x128xi1> to vector<1x128xi1>
    %broadcast_in_dim3A_4736 = vector.broadcast %broadcast_in_dim3A_4735 : vector<1x128xi1> to vector<32x128xi1>
    %select_n3A_4737 = arith.select %broadcast_in_dim3A_4736, %roll3A_4734, %min3A_4731 : vector<32x128xi1>, vector<32x128xf32>
    %roll3A_4738 = arith.constant 112 : i32
    %roll3A_4739 = tpu.dynamic_rotate %select_n3A_4668 by %roll3A_4738 dim 1 : vector<32x128xf32>, i32 -> vector<32x128xf32>
    %min3A_4740 = arith.minimumf %select_n3A_4668, %roll3A_4739 : vector<32x128xf32>
    %max3A_4741 = arith.maximumf %select_n3A_4668, %roll3A_4739 : vector<32x128xf32>
    %roll3A_4742 = arith.constant 16 : i32
    %roll3A_4743 = tpu.dynamic_rotate %max3A_4741 by %roll3A_4742 dim 1 : vector<32x128xf32>, i32 -> vector<32x128xf32>
    %broadcast_in_dim3A_4744 = vector.shape_cast %ne3A_4683 : vector<1x128xi1> to vector<1x128xi1>
    %broadcast_in_dim3A_4745 = vector.broadcast %broadcast_in_dim3A_4744 : vector<1x128xi1> to vector<32x128xi1>
    %select_n3A_4746 = arith.select %broadcast_in_dim3A_4745, %roll3A_4743, %min3A_4740 : vector<32x128xi1>, vector<32x128xf32>
    %roll3A_4747 = arith.constant 112 : i32
    %roll3A_4748 = tpu.dynamic_rotate %select_n3A_4677 by %roll3A_4747 dim 1 : vector<32x128xf32>, i32 -> vector<32x128xf32>
    %min3A_4749 = arith.minimumf %select_n3A_4677, %roll3A_4748 : vector<32x128xf32>
    %max3A_4750 = arith.maximumf %select_n3A_4677, %roll3A_4748 : vector<32x128xf32>
    %roll3A_4751 = arith.constant 16 : i32
    %roll3A_4752 = tpu.dynamic_rotate %max3A_4750 by %roll3A_4751 dim 1 : vector<32x128xf32>, i32 -> vector<32x128xf32>
    %broadcast_in_dim3A_4753 = vector.shape_cast %ne3A_4683 : vector<1x128xi1> to vector<1x128xi1>
    %broadcast_in_dim3A_4754 = vector.broadcast %broadcast_in_dim3A_4753 : vector<1x128xi1> to vector<32x128xi1>
    %select_n3A_4755 = arith.select %broadcast_in_dim3A_4754, %roll3A_4752, %min3A_4749 : vector<32x128xi1>, vector<32x128xf32>
    %and3A_4756 = arith.constant 8 : i32
    %and3A_4757 = vector.broadcast %and3A_4756 : i32 to vector<1x128xi32>
    %and3A_4758 = arith.andi %iota3A_2862, %and3A_4757 : vector<1x128xi32>
    %ne3A_4759 = arith.constant 0 : i32
    %ne3A_4760 = vector.broadcast %ne3A_4759 : i32 to vector<1x128xi32>
    %ne3A_4761 = arith.cmpi ne, %and3A_4758, %ne3A_4760 : vector<1x128xi32>
    %roll3A_4762 = arith.constant 120 : i32
    %roll3A_4763 = tpu.dynamic_rotate %select_n3A_4692 by %roll3A_4762 dim 1 : vector<32x128xf32>, i32 -> vector<32x128xf32>
    %min3A_4764 = arith.minimumf %select_n3A_4692, %roll3A_4763 : vector<32x128xf32>
    %max3A_4765 = arith.maximumf %select_n3A_4692, %roll3A_4763 : vector<32x128xf32>
    %roll3A_4766 = arith.constant 8 : i32
    %roll3A_4767 = tpu.dynamic_rotate %max3A_4765 by %roll3A_4766 dim 1 : vector<32x128xf32>, i32 -> vector<32x128xf32>
    %broadcast_in_dim3A_4768 = vector.shape_cast %ne3A_4761 : vector<1x128xi1> to vector<1x128xi1>
    %broadcast_in_dim3A_4769 = vector.broadcast %broadcast_in_dim3A_4768 : vector<1x128xi1> to vector<32x128xi1>
    %select_n3A_4770 = arith.select %broadcast_in_dim3A_4769, %roll3A_4767, %min3A_4764 : vector<32x128xi1>, vector<32x128xf32>
    %roll3A_4771 = arith.constant 120 : i32
    %roll3A_4772 = tpu.dynamic_rotate %select_n3A_4701 by %roll3A_4771 dim 1 : vector<32x128xf32>, i32 -> vector<32x128xf32>
    %min3A_4773 = arith.minimumf %select_n3A_4701, %roll3A_4772 : vector<32x128xf32>
    %max3A_4774 = arith.maximumf %select_n3A_4701, %roll3A_4772 : vector<32x128xf32>
    %roll3A_4775 = arith.constant 8 : i32
    %roll3A_4776 = tpu.dynamic_rotate %max3A_4774 by %roll3A_4775 dim 1 : vector<32x128xf32>, i32 -> vector<32x128xf32>
    %broadcast_in_dim3A_4777 = vector.shape_cast %ne3A_4761 : vector<1x128xi1> to vector<1x128xi1>
    %broadcast_in_dim3A_4778 = vector.broadcast %broadcast_in_dim3A_4777 : vector<1x128xi1> to vector<32x128xi1>
    %select_n3A_4779 = arith.select %broadcast_in_dim3A_4778, %roll3A_4776, %min3A_4773 : vector<32x128xi1>, vector<32x128xf32>
    %roll3A_4780 = arith.constant 120 : i32
    %roll3A_4781 = tpu.dynamic_rotate %select_n3A_4710 by %roll3A_4780 dim 1 : vector<32x128xf32>, i32 -> vector<32x128xf32>
    %min3A_4782 = arith.minimumf %select_n3A_4710, %roll3A_4781 : vector<32x128xf32>
    %max3A_4783 = arith.maximumf %select_n3A_4710, %roll3A_4781 : vector<32x128xf32>
    %roll3A_4784 = arith.constant 8 : i32
    %roll3A_4785 = tpu.dynamic_rotate %max3A_4783 by %roll3A_4784 dim 1 : vector<32x128xf32>, i32 -> vector<32x128xf32>
    %broadcast_in_dim3A_4786 = vector.shape_cast %ne3A_4761 : vector<1x128xi1> to vector<1x128xi1>
    %broadcast_in_dim3A_4787 = vector.broadcast %broadcast_in_dim3A_4786 : vector<1x128xi1> to vector<32x128xi1>
    %select_n3A_4788 = arith.select %broadcast_in_dim3A_4787, %roll3A_4785, %min3A_4782 : vector<32x128xi1>, vector<32x128xf32>
    %roll3A_4789 = arith.constant 120 : i32
    %roll3A_4790 = tpu.dynamic_rotate %select_n3A_4719 by %roll3A_4789 dim 1 : vector<32x128xf32>, i32 -> vector<32x128xf32>
    %min3A_4791 = arith.minimumf %select_n3A_4719, %roll3A_4790 : vector<32x128xf32>
    %max3A_4792 = arith.maximumf %select_n3A_4719, %roll3A_4790 : vector<32x128xf32>
    %roll3A_4793 = arith.constant 8 : i32
    %roll3A_4794 = tpu.dynamic_rotate %max3A_4792 by %roll3A_4793 dim 1 : vector<32x128xf32>, i32 -> vector<32x128xf32>
    %broadcast_in_dim3A_4795 = vector.shape_cast %ne3A_4761 : vector<1x128xi1> to vector<1x128xi1>
    %broadcast_in_dim3A_4796 = vector.broadcast %broadcast_in_dim3A_4795 : vector<1x128xi1> to vector<32x128xi1>
    %select_n3A_4797 = arith.select %broadcast_in_dim3A_4796, %roll3A_4794, %min3A_4791 : vector<32x128xi1>, vector<32x128xf32>
    %roll3A_4798 = arith.constant 120 : i32
    %roll3A_4799 = tpu.dynamic_rotate %select_n3A_4728 by %roll3A_4798 dim 1 : vector<32x128xf32>, i32 -> vector<32x128xf32>
    %min3A_4800 = arith.minimumf %select_n3A_4728, %roll3A_4799 : vector<32x128xf32>
    %max3A_4801 = arith.maximumf %select_n3A_4728, %roll3A_4799 : vector<32x128xf32>
    %roll3A_4802 = arith.constant 8 : i32
    %roll3A_4803 = tpu.dynamic_rotate %max3A_4801 by %roll3A_4802 dim 1 : vector<32x128xf32>, i32 -> vector<32x128xf32>
    %broadcast_in_dim3A_4804 = vector.shape_cast %ne3A_4761 : vector<1x128xi1> to vector<1x128xi1>
    %broadcast_in_dim3A_4805 = vector.broadcast %broadcast_in_dim3A_4804 : vector<1x128xi1> to vector<32x128xi1>
    %select_n3A_4806 = arith.select %broadcast_in_dim3A_4805, %roll3A_4803, %min3A_4800 : vector<32x128xi1>, vector<32x128xf32>
    %roll3A_4807 = arith.constant 120 : i32
    %roll3A_4808 = tpu.dynamic_rotate %select_n3A_4737 by %roll3A_4807 dim 1 : vector<32x128xf32>, i32 -> vector<32x128xf32>
    %min3A_4809 = arith.minimumf %select_n3A_4737, %roll3A_4808 : vector<32x128xf32>
    %max3A_4810 = arith.maximumf %select_n3A_4737, %roll3A_4808 : vector<32x128xf32>
    %roll3A_4811 = arith.constant 8 : i32
    %roll3A_4812 = tpu.dynamic_rotate %max3A_4810 by %roll3A_4811 dim 1 : vector<32x128xf32>, i32 -> vector<32x128xf32>
    %broadcast_in_dim3A_4813 = vector.shape_cast %ne3A_4761 : vector<1x128xi1> to vector<1x128xi1>
    %broadcast_in_dim3A_4814 = vector.broadcast %broadcast_in_dim3A_4813 : vector<1x128xi1> to vector<32x128xi1>
    %select_n3A_4815 = arith.select %broadcast_in_dim3A_4814, %roll3A_4812, %min3A_4809 : vector<32x128xi1>, vector<32x128xf32>
    %roll3A_4816 = arith.constant 120 : i32
    %roll3A_4817 = tpu.dynamic_rotate %select_n3A_4746 by %roll3A_4816 dim 1 : vector<32x128xf32>, i32 -> vector<32x128xf32>
    %min3A_4818 = arith.minimumf %select_n3A_4746, %roll3A_4817 : vector<32x128xf32>
    %max3A_4819 = arith.maximumf %select_n3A_4746, %roll3A_4817 : vector<32x128xf32>
    %roll3A_4820 = arith.constant 8 : i32
    %roll3A_4821 = tpu.dynamic_rotate %max3A_4819 by %roll3A_4820 dim 1 : vector<32x128xf32>, i32 -> vector<32x128xf32>
    %broadcast_in_dim3A_4822 = vector.shape_cast %ne3A_4761 : vector<1x128xi1> to vector<1x128xi1>
    %broadcast_in_dim3A_4823 = vector.broadcast %broadcast_in_dim3A_4822 : vector<1x128xi1> to vector<32x128xi1>
    %select_n3A_4824 = arith.select %broadcast_in_dim3A_4823, %roll3A_4821, %min3A_4818 : vector<32x128xi1>, vector<32x128xf32>
    %roll3A_4825 = arith.constant 120 : i32
    %roll3A_4826 = tpu.dynamic_rotate %select_n3A_4755 by %roll3A_4825 dim 1 : vector<32x128xf32>, i32 -> vector<32x128xf32>
    %min3A_4827 = arith.minimumf %select_n3A_4755, %roll3A_4826 : vector<32x128xf32>
    %max3A_4828 = arith.maximumf %select_n3A_4755, %roll3A_4826 : vector<32x128xf32>
    %roll3A_4829 = arith.constant 8 : i32
    %roll3A_4830 = tpu.dynamic_rotate %max3A_4828 by %roll3A_4829 dim 1 : vector<32x128xf32>, i32 -> vector<32x128xf32>
    %broadcast_in_dim3A_4831 = vector.shape_cast %ne3A_4761 : vector<1x128xi1> to vector<1x128xi1>
    %broadcast_in_dim3A_4832 = vector.broadcast %broadcast_in_dim3A_4831 : vector<1x128xi1> to vector<32x128xi1>
    %select_n3A_4833 = arith.select %broadcast_in_dim3A_4832, %roll3A_4830, %min3A_4827 : vector<32x128xi1>, vector<32x128xf32>
    %and3A_4834 = arith.constant 4 : i32
    %and3A_4835 = vector.broadcast %and3A_4834 : i32 to vector<1x128xi32>
    %and3A_4836 = arith.andi %iota3A_2862, %and3A_4835 : vector<1x128xi32>
    %ne3A_4837 = arith.constant 0 : i32
    %ne3A_4838 = vector.broadcast %ne3A_4837 : i32 to vector<1x128xi32>
    %ne3A_4839 = arith.cmpi ne, %and3A_4836, %ne3A_4838 : vector<1x128xi32>
    %roll3A_4840 = arith.constant 124 : i32
    %roll3A_4841 = tpu.dynamic_rotate %select_n3A_4770 by %roll3A_4840 dim 1 : vector<32x128xf32>, i32 -> vector<32x128xf32>
    %min3A_4842 = arith.minimumf %select_n3A_4770, %roll3A_4841 : vector<32x128xf32>
    %max3A_4843 = arith.maximumf %select_n3A_4770, %roll3A_4841 : vector<32x128xf32>
    %roll3A_4844 = arith.constant 4 : i32
    %roll3A_4845 = tpu.dynamic_rotate %max3A_4843 by %roll3A_4844 dim 1 : vector<32x128xf32>, i32 -> vector<32x128xf32>
    %broadcast_in_dim3A_4846 = vector.shape_cast %ne3A_4839 : vector<1x128xi1> to vector<1x128xi1>
    %broadcast_in_dim3A_4847 = vector.broadcast %broadcast_in_dim3A_4846 : vector<1x128xi1> to vector<32x128xi1>
    %select_n3A_4848 = arith.select %broadcast_in_dim3A_4847, %roll3A_4845, %min3A_4842 : vector<32x128xi1>, vector<32x128xf32>
    %roll3A_4849 = arith.constant 124 : i32
    %roll3A_4850 = tpu.dynamic_rotate %select_n3A_4779 by %roll3A_4849 dim 1 : vector<32x128xf32>, i32 -> vector<32x128xf32>
    %min3A_4851 = arith.minimumf %select_n3A_4779, %roll3A_4850 : vector<32x128xf32>
    %max3A_4852 = arith.maximumf %select_n3A_4779, %roll3A_4850 : vector<32x128xf32>
    %roll3A_4853 = arith.constant 4 : i32
    %roll3A_4854 = tpu.dynamic_rotate %max3A_4852 by %roll3A_4853 dim 1 : vector<32x128xf32>, i32 -> vector<32x128xf32>
    %broadcast_in_dim3A_4855 = vector.shape_cast %ne3A_4839 : vector<1x128xi1> to vector<1x128xi1>
    %broadcast_in_dim3A_4856 = vector.broadcast %broadcast_in_dim3A_4855 : vector<1x128xi1> to vector<32x128xi1>
    %select_n3A_4857 = arith.select %broadcast_in_dim3A_4856, %roll3A_4854, %min3A_4851 : vector<32x128xi1>, vector<32x128xf32>
    %roll3A_4858 = arith.constant 124 : i32
    %roll3A_4859 = tpu.dynamic_rotate %select_n3A_4788 by %roll3A_4858 dim 1 : vector<32x128xf32>, i32 -> vector<32x128xf32>
    %min3A_4860 = arith.minimumf %select_n3A_4788, %roll3A_4859 : vector<32x128xf32>
    %max3A_4861 = arith.maximumf %select_n3A_4788, %roll3A_4859 : vector<32x128xf32>
    %roll3A_4862 = arith.constant 4 : i32
    %roll3A_4863 = tpu.dynamic_rotate %max3A_4861 by %roll3A_4862 dim 1 : vector<32x128xf32>, i32 -> vector<32x128xf32>
    %broadcast_in_dim3A_4864 = vector.shape_cast %ne3A_4839 : vector<1x128xi1> to vector<1x128xi1>
    %broadcast_in_dim3A_4865 = vector.broadcast %broadcast_in_dim3A_4864 : vector<1x128xi1> to vector<32x128xi1>
    %select_n3A_4866 = arith.select %broadcast_in_dim3A_4865, %roll3A_4863, %min3A_4860 : vector<32x128xi1>, vector<32x128xf32>
    %roll3A_4867 = arith.constant 124 : i32
    %roll3A_4868 = tpu.dynamic_rotate %select_n3A_4797 by %roll3A_4867 dim 1 : vector<32x128xf32>, i32 -> vector<32x128xf32>
    %min3A_4869 = arith.minimumf %select_n3A_4797, %roll3A_4868 : vector<32x128xf32>
    %max3A_4870 = arith.maximumf %select_n3A_4797, %roll3A_4868 : vector<32x128xf32>
    %roll3A_4871 = arith.constant 4 : i32
    %roll3A_4872 = tpu.dynamic_rotate %max3A_4870 by %roll3A_4871 dim 1 : vector<32x128xf32>, i32 -> vector<32x128xf32>
    %broadcast_in_dim3A_4873 = vector.shape_cast %ne3A_4839 : vector<1x128xi1> to vector<1x128xi1>
    %broadcast_in_dim3A_4874 = vector.broadcast %broadcast_in_dim3A_4873 : vector<1x128xi1> to vector<32x128xi1>
    %select_n3A_4875 = arith.select %broadcast_in_dim3A_4874, %roll3A_4872, %min3A_4869 : vector<32x128xi1>, vector<32x128xf32>
    %roll3A_4876 = arith.constant 124 : i32
    %roll3A_4877 = tpu.dynamic_rotate %select_n3A_4806 by %roll3A_4876 dim 1 : vector<32x128xf32>, i32 -> vector<32x128xf32>
    %min3A_4878 = arith.minimumf %select_n3A_4806, %roll3A_4877 : vector<32x128xf32>
    %max3A_4879 = arith.maximumf %select_n3A_4806, %roll3A_4877 : vector<32x128xf32>
    %roll3A_4880 = arith.constant 4 : i32
    %roll3A_4881 = tpu.dynamic_rotate %max3A_4879 by %roll3A_4880 dim 1 : vector<32x128xf32>, i32 -> vector<32x128xf32>
    %broadcast_in_dim3A_4882 = vector.shape_cast %ne3A_4839 : vector<1x128xi1> to vector<1x128xi1>
    %broadcast_in_dim3A_4883 = vector.broadcast %broadcast_in_dim3A_4882 : vector<1x128xi1> to vector<32x128xi1>
    %select_n3A_4884 = arith.select %broadcast_in_dim3A_4883, %roll3A_4881, %min3A_4878 : vector<32x128xi1>, vector<32x128xf32>
    %roll3A_4885 = arith.constant 124 : i32
    %roll3A_4886 = tpu.dynamic_rotate %select_n3A_4815 by %roll3A_4885 dim 1 : vector<32x128xf32>, i32 -> vector<32x128xf32>
    %min3A_4887 = arith.minimumf %select_n3A_4815, %roll3A_4886 : vector<32x128xf32>
    %max3A_4888 = arith.maximumf %select_n3A_4815, %roll3A_4886 : vector<32x128xf32>
    %roll3A_4889 = arith.constant 4 : i32
    %roll3A_4890 = tpu.dynamic_rotate %max3A_4888 by %roll3A_4889 dim 1 : vector<32x128xf32>, i32 -> vector<32x128xf32>
    %broadcast_in_dim3A_4891 = vector.shape_cast %ne3A_4839 : vector<1x128xi1> to vector<1x128xi1>
    %broadcast_in_dim3A_4892 = vector.broadcast %broadcast_in_dim3A_4891 : vector<1x128xi1> to vector<32x128xi1>
    %select_n3A_4893 = arith.select %broadcast_in_dim3A_4892, %roll3A_4890, %min3A_4887 : vector<32x128xi1>, vector<32x128xf32>
    %roll3A_4894 = arith.constant 124 : i32
    %roll3A_4895 = tpu.dynamic_rotate %select_n3A_4824 by %roll3A_4894 dim 1 : vector<32x128xf32>, i32 -> vector<32x128xf32>
    %min3A_4896 = arith.minimumf %select_n3A_4824, %roll3A_4895 : vector<32x128xf32>
    %max3A_4897 = arith.maximumf %select_n3A_4824, %roll3A_4895 : vector<32x128xf32>
    %roll3A_4898 = arith.constant 4 : i32
    %roll3A_4899 = tpu.dynamic_rotate %max3A_4897 by %roll3A_4898 dim 1 : vector<32x128xf32>, i32 -> vector<32x128xf32>
    %broadcast_in_dim3A_4900 = vector.shape_cast %ne3A_4839 : vector<1x128xi1> to vector<1x128xi1>
    %broadcast_in_dim3A_4901 = vector.broadcast %broadcast_in_dim3A_4900 : vector<1x128xi1> to vector<32x128xi1>
    %select_n3A_4902 = arith.select %broadcast_in_dim3A_4901, %roll3A_4899, %min3A_4896 : vector<32x128xi1>, vector<32x128xf32>
    %roll3A_4903 = arith.constant 124 : i32
    %roll3A_4904 = tpu.dynamic_rotate %select_n3A_4833 by %roll3A_4903 dim 1 : vector<32x128xf32>, i32 -> vector<32x128xf32>
    %min3A_4905 = arith.minimumf %select_n3A_4833, %roll3A_4904 : vector<32x128xf32>
    %max3A_4906 = arith.maximumf %select_n3A_4833, %roll3A_4904 : vector<32x128xf32>
    %roll3A_4907 = arith.constant 4 : i32
    %roll3A_4908 = tpu.dynamic_rotate %max3A_4906 by %roll3A_4907 dim 1 : vector<32x128xf32>, i32 -> vector<32x128xf32>
    %broadcast_in_dim3A_4909 = vector.shape_cast %ne3A_4839 : vector<1x128xi1> to vector<1x128xi1>
    %broadcast_in_dim3A_4910 = vector.broadcast %broadcast_in_dim3A_4909 : vector<1x128xi1> to vector<32x128xi1>
    %select_n3A_4911 = arith.select %broadcast_in_dim3A_4910, %roll3A_4908, %min3A_4905 : vector<32x128xi1>, vector<32x128xf32>
    %and3A_4912 = arith.constant 2 : i32
    %and3A_4913 = vector.broadcast %and3A_4912 : i32 to vector<1x128xi32>
    %and3A_4914 = arith.andi %iota3A_2862, %and3A_4913 : vector<1x128xi32>
    %ne3A_4915 = arith.constant 0 : i32
    %ne3A_4916 = vector.broadcast %ne3A_4915 : i32 to vector<1x128xi32>
    %ne3A_4917 = arith.cmpi ne, %and3A_4914, %ne3A_4916 : vector<1x128xi32>
    %roll3A_4918 = arith.constant 126 : i32
    %roll3A_4919 = tpu.dynamic_rotate %select_n3A_4848 by %roll3A_4918 dim 1 : vector<32x128xf32>, i32 -> vector<32x128xf32>
    %min3A_4920 = arith.minimumf %select_n3A_4848, %roll3A_4919 : vector<32x128xf32>
    %max3A_4921 = arith.maximumf %select_n3A_4848, %roll3A_4919 : vector<32x128xf32>
    %roll3A_4922 = arith.constant 2 : i32
    %roll3A_4923 = tpu.dynamic_rotate %max3A_4921 by %roll3A_4922 dim 1 : vector<32x128xf32>, i32 -> vector<32x128xf32>
    %broadcast_in_dim3A_4924 = vector.shape_cast %ne3A_4917 : vector<1x128xi1> to vector<1x128xi1>
    %broadcast_in_dim3A_4925 = vector.broadcast %broadcast_in_dim3A_4924 : vector<1x128xi1> to vector<32x128xi1>
    %select_n3A_4926 = arith.select %broadcast_in_dim3A_4925, %roll3A_4923, %min3A_4920 : vector<32x128xi1>, vector<32x128xf32>
    %roll3A_4927 = arith.constant 126 : i32
    %roll3A_4928 = tpu.dynamic_rotate %select_n3A_4857 by %roll3A_4927 dim 1 : vector<32x128xf32>, i32 -> vector<32x128xf32>
    %min3A_4929 = arith.minimumf %select_n3A_4857, %roll3A_4928 : vector<32x128xf32>
    %max3A_4930 = arith.maximumf %select_n3A_4857, %roll3A_4928 : vector<32x128xf32>
    %roll3A_4931 = arith.constant 2 : i32
    %roll3A_4932 = tpu.dynamic_rotate %max3A_4930 by %roll3A_4931 dim 1 : vector<32x128xf32>, i32 -> vector<32x128xf32>
    %broadcast_in_dim3A_4933 = vector.shape_cast %ne3A_4917 : vector<1x128xi1> to vector<1x128xi1>
    %broadcast_in_dim3A_4934 = vector.broadcast %broadcast_in_dim3A_4933 : vector<1x128xi1> to vector<32x128xi1>
    %select_n3A_4935 = arith.select %broadcast_in_dim3A_4934, %roll3A_4932, %min3A_4929 : vector<32x128xi1>, vector<32x128xf32>
    %roll3A_4936 = arith.constant 126 : i32
    %roll3A_4937 = tpu.dynamic_rotate %select_n3A_4866 by %roll3A_4936 dim 1 : vector<32x128xf32>, i32 -> vector<32x128xf32>
    %min3A_4938 = arith.minimumf %select_n3A_4866, %roll3A_4937 : vector<32x128xf32>
    %max3A_4939 = arith.maximumf %select_n3A_4866, %roll3A_4937 : vector<32x128xf32>
    %roll3A_4940 = arith.constant 2 : i32
    %roll3A_4941 = tpu.dynamic_rotate %max3A_4939 by %roll3A_4940 dim 1 : vector<32x128xf32>, i32 -> vector<32x128xf32>
    %broadcast_in_dim3A_4942 = vector.shape_cast %ne3A_4917 : vector<1x128xi1> to vector<1x128xi1>
    %broadcast_in_dim3A_4943 = vector.broadcast %broadcast_in_dim3A_4942 : vector<1x128xi1> to vector<32x128xi1>
    %select_n3A_4944 = arith.select %broadcast_in_dim3A_4943, %roll3A_4941, %min3A_4938 : vector<32x128xi1>, vector<32x128xf32>
    %roll3A_4945 = arith.constant 126 : i32
    %roll3A_4946 = tpu.dynamic_rotate %select_n3A_4875 by %roll3A_4945 dim 1 : vector<32x128xf32>, i32 -> vector<32x128xf32>
    %min3A_4947 = arith.minimumf %select_n3A_4875, %roll3A_4946 : vector<32x128xf32>
    %max3A_4948 = arith.maximumf %select_n3A_4875, %roll3A_4946 : vector<32x128xf32>
    %roll3A_4949 = arith.constant 2 : i32
    %roll3A_4950 = tpu.dynamic_rotate %max3A_4948 by %roll3A_4949 dim 1 : vector<32x128xf32>, i32 -> vector<32x128xf32>
    %broadcast_in_dim3A_4951 = vector.shape_cast %ne3A_4917 : vector<1x128xi1> to vector<1x128xi1>
    %broadcast_in_dim3A_4952 = vector.broadcast %broadcast_in_dim3A_4951 : vector<1x128xi1> to vector<32x128xi1>
    %select_n3A_4953 = arith.select %broadcast_in_dim3A_4952, %roll3A_4950, %min3A_4947 : vector<32x128xi1>, vector<32x128xf32>
    %roll3A_4954 = arith.constant 126 : i32
    %roll3A_4955 = tpu.dynamic_rotate %select_n3A_4884 by %roll3A_4954 dim 1 : vector<32x128xf32>, i32 -> vector<32x128xf32>
    %min3A_4956 = arith.minimumf %select_n3A_4884, %roll3A_4955 : vector<32x128xf32>
    %max3A_4957 = arith.maximumf %select_n3A_4884, %roll3A_4955 : vector<32x128xf32>
    %roll3A_4958 = arith.constant 2 : i32
    %roll3A_4959 = tpu.dynamic_rotate %max3A_4957 by %roll3A_4958 dim 1 : vector<32x128xf32>, i32 -> vector<32x128xf32>
    %broadcast_in_dim3A_4960 = vector.shape_cast %ne3A_4917 : vector<1x128xi1> to vector<1x128xi1>
    %broadcast_in_dim3A_4961 = vector.broadcast %broadcast_in_dim3A_4960 : vector<1x128xi1> to vector<32x128xi1>
    %select_n3A_4962 = arith.select %broadcast_in_dim3A_4961, %roll3A_4959, %min3A_4956 : vector<32x128xi1>, vector<32x128xf32>
    %roll3A_4963 = arith.constant 126 : i32
    %roll3A_4964 = tpu.dynamic_rotate %select_n3A_4893 by %roll3A_4963 dim 1 : vector<32x128xf32>, i32 -> vector<32x128xf32>
    %min3A_4965 = arith.minimumf %select_n3A_4893, %roll3A_4964 : vector<32x128xf32>
    %max3A_4966 = arith.maximumf %select_n3A_4893, %roll3A_4964 : vector<32x128xf32>
    %roll3A_4967 = arith.constant 2 : i32
    %roll3A_4968 = tpu.dynamic_rotate %max3A_4966 by %roll3A_4967 dim 1 : vector<32x128xf32>, i32 -> vector<32x128xf32>
    %broadcast_in_dim3A_4969 = vector.shape_cast %ne3A_4917 : vector<1x128xi1> to vector<1x128xi1>
    %broadcast_in_dim3A_4970 = vector.broadcast %broadcast_in_dim3A_4969 : vector<1x128xi1> to vector<32x128xi1>
    %select_n3A_4971 = arith.select %broadcast_in_dim3A_4970, %roll3A_4968, %min3A_4965 : vector<32x128xi1>, vector<32x128xf32>
    %roll3A_4972 = arith.constant 126 : i32
    %roll3A_4973 = tpu.dynamic_rotate %select_n3A_4902 by %roll3A_4972 dim 1 : vector<32x128xf32>, i32 -> vector<32x128xf32>
    %min3A_4974 = arith.minimumf %select_n3A_4902, %roll3A_4973 : vector<32x128xf32>
    %max3A_4975 = arith.maximumf %select_n3A_4902, %roll3A_4973 : vector<32x128xf32>
    %roll3A_4976 = arith.constant 2 : i32
    %roll3A_4977 = tpu.dynamic_rotate %max3A_4975 by %roll3A_4976 dim 1 : vector<32x128xf32>, i32 -> vector<32x128xf32>
    %broadcast_in_dim3A_4978 = vector.shape_cast %ne3A_4917 : vector<1x128xi1> to vector<1x128xi1>
    %broadcast_in_dim3A_4979 = vector.broadcast %broadcast_in_dim3A_4978 : vector<1x128xi1> to vector<32x128xi1>
    %select_n3A_4980 = arith.select %broadcast_in_dim3A_4979, %roll3A_4977, %min3A_4974 : vector<32x128xi1>, vector<32x128xf32>
    %roll3A_4981 = arith.constant 126 : i32
    %roll3A_4982 = tpu.dynamic_rotate %select_n3A_4911 by %roll3A_4981 dim 1 : vector<32x128xf32>, i32 -> vector<32x128xf32>
    %min3A_4983 = arith.minimumf %select_n3A_4911, %roll3A_4982 : vector<32x128xf32>
    %max3A_4984 = arith.maximumf %select_n3A_4911, %roll3A_4982 : vector<32x128xf32>
    %roll3A_4985 = arith.constant 2 : i32
    %roll3A_4986 = tpu.dynamic_rotate %max3A_4984 by %roll3A_4985 dim 1 : vector<32x128xf32>, i32 -> vector<32x128xf32>
    %broadcast_in_dim3A_4987 = vector.shape_cast %ne3A_4917 : vector<1x128xi1> to vector<1x128xi1>
    %broadcast_in_dim3A_4988 = vector.broadcast %broadcast_in_dim3A_4987 : vector<1x128xi1> to vector<32x128xi1>
    %select_n3A_4989 = arith.select %broadcast_in_dim3A_4988, %roll3A_4986, %min3A_4983 : vector<32x128xi1>, vector<32x128xf32>
    %and3A_4990 = arith.constant 1 : i32
    %and3A_4991 = vector.broadcast %and3A_4990 : i32 to vector<1x128xi32>
    %and3A_4992 = arith.andi %iota3A_2862, %and3A_4991 : vector<1x128xi32>
    %ne3A_4993 = arith.constant 0 : i32
    %ne3A_4994 = vector.broadcast %ne3A_4993 : i32 to vector<1x128xi32>
    %ne3A_4995 = arith.cmpi ne, %and3A_4992, %ne3A_4994 : vector<1x128xi32>
    %roll3A_4996 = arith.constant 127 : i32
    %roll3A_4997 = tpu.dynamic_rotate %select_n3A_4926 by %roll3A_4996 dim 1 : vector<32x128xf32>, i32 -> vector<32x128xf32>
    %min3A_4998 = arith.minimumf %select_n3A_4926, %roll3A_4997 : vector<32x128xf32>
    %max3A_4999 = arith.maximumf %select_n3A_4926, %roll3A_4997 : vector<32x128xf32>
    %roll3A_5000 = arith.constant 1 : i32
    %roll3A_5001 = tpu.dynamic_rotate %max3A_4999 by %roll3A_5000 dim 1 : vector<32x128xf32>, i32 -> vector<32x128xf32>
    %broadcast_in_dim3A_5002 = vector.shape_cast %ne3A_4995 : vector<1x128xi1> to vector<1x128xi1>
    %broadcast_in_dim3A_5003 = vector.broadcast %broadcast_in_dim3A_5002 : vector<1x128xi1> to vector<32x128xi1>
    %select_n3A_5004 = arith.select %broadcast_in_dim3A_5003, %roll3A_5001, %min3A_4998 : vector<32x128xi1>, vector<32x128xf32>
    %roll3A_5005 = arith.constant 127 : i32
    %roll3A_5006 = tpu.dynamic_rotate %select_n3A_4935 by %roll3A_5005 dim 1 : vector<32x128xf32>, i32 -> vector<32x128xf32>
    %min3A_5007 = arith.minimumf %select_n3A_4935, %roll3A_5006 : vector<32x128xf32>
    %max3A_5008 = arith.maximumf %select_n3A_4935, %roll3A_5006 : vector<32x128xf32>
    %roll3A_5009 = arith.constant 1 : i32
    %roll3A_5010 = tpu.dynamic_rotate %max3A_5008 by %roll3A_5009 dim 1 : vector<32x128xf32>, i32 -> vector<32x128xf32>
    %broadcast_in_dim3A_5011 = vector.shape_cast %ne3A_4995 : vector<1x128xi1> to vector<1x128xi1>
    %broadcast_in_dim3A_5012 = vector.broadcast %broadcast_in_dim3A_5011 : vector<1x128xi1> to vector<32x128xi1>
    %select_n3A_5013 = arith.select %broadcast_in_dim3A_5012, %roll3A_5010, %min3A_5007 : vector<32x128xi1>, vector<32x128xf32>
    %roll3A_5014 = arith.constant 127 : i32
    %roll3A_5015 = tpu.dynamic_rotate %select_n3A_4944 by %roll3A_5014 dim 1 : vector<32x128xf32>, i32 -> vector<32x128xf32>
    %min3A_5016 = arith.minimumf %select_n3A_4944, %roll3A_5015 : vector<32x128xf32>
    %max3A_5017 = arith.maximumf %select_n3A_4944, %roll3A_5015 : vector<32x128xf32>
    %roll3A_5018 = arith.constant 1 : i32
    %roll3A_5019 = tpu.dynamic_rotate %max3A_5017 by %roll3A_5018 dim 1 : vector<32x128xf32>, i32 -> vector<32x128xf32>
    %broadcast_in_dim3A_5020 = vector.shape_cast %ne3A_4995 : vector<1x128xi1> to vector<1x128xi1>
    %broadcast_in_dim3A_5021 = vector.broadcast %broadcast_in_dim3A_5020 : vector<1x128xi1> to vector<32x128xi1>
    %select_n3A_5022 = arith.select %broadcast_in_dim3A_5021, %roll3A_5019, %min3A_5016 : vector<32x128xi1>, vector<32x128xf32>
    %roll3A_5023 = arith.constant 127 : i32
    %roll3A_5024 = tpu.dynamic_rotate %select_n3A_4953 by %roll3A_5023 dim 1 : vector<32x128xf32>, i32 -> vector<32x128xf32>
    %min3A_5025 = arith.minimumf %select_n3A_4953, %roll3A_5024 : vector<32x128xf32>
    %max3A_5026 = arith.maximumf %select_n3A_4953, %roll3A_5024 : vector<32x128xf32>
    %roll3A_5027 = arith.constant 1 : i32
    %roll3A_5028 = tpu.dynamic_rotate %max3A_5026 by %roll3A_5027 dim 1 : vector<32x128xf32>, i32 -> vector<32x128xf32>
    %broadcast_in_dim3A_5029 = vector.shape_cast %ne3A_4995 : vector<1x128xi1> to vector<1x128xi1>
    %broadcast_in_dim3A_5030 = vector.broadcast %broadcast_in_dim3A_5029 : vector<1x128xi1> to vector<32x128xi1>
    %select_n3A_5031 = arith.select %broadcast_in_dim3A_5030, %roll3A_5028, %min3A_5025 : vector<32x128xi1>, vector<32x128xf32>
    %roll3A_5032 = arith.constant 127 : i32
    %roll3A_5033 = tpu.dynamic_rotate %select_n3A_4962 by %roll3A_5032 dim 1 : vector<32x128xf32>, i32 -> vector<32x128xf32>
    %min3A_5034 = arith.minimumf %select_n3A_4962, %roll3A_5033 : vector<32x128xf32>
    %max3A_5035 = arith.maximumf %select_n3A_4962, %roll3A_5033 : vector<32x128xf32>
    %roll3A_5036 = arith.constant 1 : i32
    %roll3A_5037 = tpu.dynamic_rotate %max3A_5035 by %roll3A_5036 dim 1 : vector<32x128xf32>, i32 -> vector<32x128xf32>
    %broadcast_in_dim3A_5038 = vector.shape_cast %ne3A_4995 : vector<1x128xi1> to vector<1x128xi1>
    %broadcast_in_dim3A_5039 = vector.broadcast %broadcast_in_dim3A_5038 : vector<1x128xi1> to vector<32x128xi1>
    %select_n3A_5040 = arith.select %broadcast_in_dim3A_5039, %roll3A_5037, %min3A_5034 : vector<32x128xi1>, vector<32x128xf32>
    %roll3A_5041 = arith.constant 127 : i32
    %roll3A_5042 = tpu.dynamic_rotate %select_n3A_4971 by %roll3A_5041 dim 1 : vector<32x128xf32>, i32 -> vector<32x128xf32>
    %min3A_5043 = arith.minimumf %select_n3A_4971, %roll3A_5042 : vector<32x128xf32>
    %max3A_5044 = arith.maximumf %select_n3A_4971, %roll3A_5042 : vector<32x128xf32>
    %roll3A_5045 = arith.constant 1 : i32
    %roll3A_5046 = tpu.dynamic_rotate %max3A_5044 by %roll3A_5045 dim 1 : vector<32x128xf32>, i32 -> vector<32x128xf32>
    %broadcast_in_dim3A_5047 = vector.shape_cast %ne3A_4995 : vector<1x128xi1> to vector<1x128xi1>
    %broadcast_in_dim3A_5048 = vector.broadcast %broadcast_in_dim3A_5047 : vector<1x128xi1> to vector<32x128xi1>
    %select_n3A_5049 = arith.select %broadcast_in_dim3A_5048, %roll3A_5046, %min3A_5043 : vector<32x128xi1>, vector<32x128xf32>
    %roll3A_5050 = arith.constant 127 : i32
    %roll3A_5051 = tpu.dynamic_rotate %select_n3A_4980 by %roll3A_5050 dim 1 : vector<32x128xf32>, i32 -> vector<32x128xf32>
    %min3A_5052 = arith.minimumf %select_n3A_4980, %roll3A_5051 : vector<32x128xf32>
    %max3A_5053 = arith.maximumf %select_n3A_4980, %roll3A_5051 : vector<32x128xf32>
    %roll3A_5054 = arith.constant 1 : i32
    %roll3A_5055 = tpu.dynamic_rotate %max3A_5053 by %roll3A_5054 dim 1 : vector<32x128xf32>, i32 -> vector<32x128xf32>
    %broadcast_in_dim3A_5056 = vector.shape_cast %ne3A_4995 : vector<1x128xi1> to vector<1x128xi1>
    %broadcast_in_dim3A_5057 = vector.broadcast %broadcast_in_dim3A_5056 : vector<1x128xi1> to vector<32x128xi1>
    %select_n3A_5058 = arith.select %broadcast_in_dim3A_5057, %roll3A_5055, %min3A_5052 : vector<32x128xi1>, vector<32x128xf32>
    %roll3A_5059 = arith.constant 127 : i32
    %roll3A_5060 = tpu.dynamic_rotate %select_n3A_4989 by %roll3A_5059 dim 1 : vector<32x128xf32>, i32 -> vector<32x128xf32>
    %min3A_5061 = arith.minimumf %select_n3A_4989, %roll3A_5060 : vector<32x128xf32>
    %max3A_5062 = arith.maximumf %select_n3A_4989, %roll3A_5060 : vector<32x128xf32>
    %roll3A_5063 = arith.constant 1 : i32
    %roll3A_5064 = tpu.dynamic_rotate %max3A_5062 by %roll3A_5063 dim 1 : vector<32x128xf32>, i32 -> vector<32x128xf32>
    %broadcast_in_dim3A_5065 = vector.shape_cast %ne3A_4995 : vector<1x128xi1> to vector<1x128xi1>
    %broadcast_in_dim3A_5066 = vector.broadcast %broadcast_in_dim3A_5065 : vector<1x128xi1> to vector<32x128xi1>
    %select_n3A_5067 = arith.select %broadcast_in_dim3A_5066, %roll3A_5064, %min3A_5061 : vector<32x128xi1>, vector<32x128xf32>
    %min3A_5068 = arith.minimumf %select_n3A_5004, %select_n3A_5040 : vector<32x128xf32>
    %max3A_5069 = arith.maximumf %select_n3A_5004, %select_n3A_5040 : vector<32x128xf32>
    %min3A_5070 = arith.minimumf %select_n3A_5013, %select_n3A_5049 : vector<32x128xf32>
    %max3A_5071 = arith.maximumf %select_n3A_5013, %select_n3A_5049 : vector<32x128xf32>
    %min3A_5072 = arith.minimumf %select_n3A_5022, %select_n3A_5058 : vector<32x128xf32>
    %max3A_5073 = arith.maximumf %select_n3A_5022, %select_n3A_5058 : vector<32x128xf32>
    %min3A_5074 = arith.minimumf %select_n3A_5031, %select_n3A_5067 : vector<32x128xf32>
    %max3A_5075 = arith.maximumf %select_n3A_5031, %select_n3A_5067 : vector<32x128xf32>
    %min3A_5076 = arith.minimumf %min3A_5068, %min3A_5072 : vector<32x128xf32>
    %max3A_5077 = arith.maximumf %min3A_5068, %min3A_5072 : vector<32x128xf32>
    %min3A_5078 = arith.minimumf %min3A_5070, %min3A_5074 : vector<32x128xf32>
    %max3A_5079 = arith.maximumf %min3A_5070, %min3A_5074 : vector<32x128xf32>
    %min3A_5080 = arith.minimumf %max3A_5069, %max3A_5073 : vector<32x128xf32>
    %max3A_5081 = arith.maximumf %max3A_5069, %max3A_5073 : vector<32x128xf32>
    %min3A_5082 = arith.minimumf %max3A_5071, %max3A_5075 : vector<32x128xf32>
    %max3A_5083 = arith.maximumf %max3A_5071, %max3A_5075 : vector<32x128xf32>
    %min3A_5084 = arith.minimumf %min3A_5076, %min3A_5078 : vector<32x128xf32>
    %max3A_5085 = arith.maximumf %min3A_5076, %min3A_5078 : vector<32x128xf32>
    %min3A_5086 = arith.minimumf %max3A_5077, %max3A_5079 : vector<32x128xf32>
    %max3A_5087 = arith.maximumf %max3A_5077, %max3A_5079 : vector<32x128xf32>
    %min3A_5088 = arith.minimumf %min3A_5080, %min3A_5082 : vector<32x128xf32>
    %max3A_5089 = arith.maximumf %min3A_5080, %min3A_5082 : vector<32x128xf32>
    %min3A_5090 = arith.minimumf %max3A_5081, %max3A_5083 : vector<32x128xf32>
    %max3A_5091 = arith.maximumf %max3A_5081, %max3A_5083 : vector<32x128xf32>
    %and3A_5092 = arith.constant 64 : i32
    %and3A_5093 = vector.broadcast %and3A_5092 : i32 to vector<1x128xi32>
    %and3A_5094 = arith.andi %iota3A_2862, %and3A_5093 : vector<1x128xi32>
    %eq3A_5095 = arith.constant 0 : i32
    %eq3A_5096 = vector.broadcast %eq3A_5095 : i32 to vector<1x128xi32>
    %eq3A_5097 = arith.cmpi eq, %and3A_5094, %eq3A_5096 : vector<1x128xi32>
    %jit3A_5098 = arith.constant 1.000000e+00 : f32
    %jit3A_5099 = arith.constant -1.000000e+00 : f32
    %broadcast_in_dim3A_5100 = vector.broadcast %jit3A_5098 : f32 to vector<1x128xf32>
    %broadcast_in_dim3A_5101 = vector.broadcast %jit3A_5099 : f32 to vector<1x128xf32>
    %select_n3A_5102 = arith.select %eq3A_5097, %broadcast_in_dim3A_5100, %broadcast_in_dim3A_5101 : vector<1x128xi1>, vector<1x128xf32>
    %mul3A_5103 = vector.broadcast %select_n3A_5102 : vector<1x128xf32> to vector<32x128xf32>
    %mul3A_5104 = arith.mulf %min3A_5084, %mul3A_5103 : vector<32x128xf32>
    %mul3A_5105 = vector.broadcast %select_n3A_5102 : vector<1x128xf32> to vector<32x128xf32>
    %mul3A_5106 = arith.mulf %max3A_5085, %mul3A_5105 : vector<32x128xf32>
    %mul3A_5107 = vector.broadcast %select_n3A_5102 : vector<1x128xf32> to vector<32x128xf32>
    %mul3A_5108 = arith.mulf %min3A_5086, %mul3A_5107 : vector<32x128xf32>
    %mul3A_5109 = vector.broadcast %select_n3A_5102 : vector<1x128xf32> to vector<32x128xf32>
    %mul3A_5110 = arith.mulf %max3A_5087, %mul3A_5109 : vector<32x128xf32>
    %mul3A_5111 = vector.broadcast %select_n3A_5102 : vector<1x128xf32> to vector<32x128xf32>
    %mul3A_5112 = arith.mulf %min3A_5088, %mul3A_5111 : vector<32x128xf32>
    %mul3A_5113 = vector.broadcast %select_n3A_5102 : vector<1x128xf32> to vector<32x128xf32>
    %mul3A_5114 = arith.mulf %max3A_5089, %mul3A_5113 : vector<32x128xf32>
    %mul3A_5115 = vector.broadcast %select_n3A_5102 : vector<1x128xf32> to vector<32x128xf32>
    %mul3A_5116 = arith.mulf %min3A_5090, %mul3A_5115 : vector<32x128xf32>
    %mul3A_5117 = vector.broadcast %select_n3A_5102 : vector<1x128xf32> to vector<32x128xf32>
    %mul3A_5118 = arith.mulf %max3A_5091, %mul3A_5117 : vector<32x128xf32>
    %and3A_5119 = arith.constant 64 : i32
    %and3A_5120 = vector.broadcast %and3A_5119 : i32 to vector<1x128xi32>
    %and3A_5121 = arith.andi %iota3A_2862, %and3A_5120 : vector<1x128xi32>
    %ne3A_5122 = arith.constant 0 : i32
    %ne3A_5123 = vector.broadcast %ne3A_5122 : i32 to vector<1x128xi32>
    %ne3A_5124 = arith.cmpi ne, %and3A_5121, %ne3A_5123 : vector<1x128xi32>
    %roll3A_5125 = arith.constant 64 : i32
    %roll3A_5126 = tpu.dynamic_rotate %mul3A_5104 by %roll3A_5125 dim 1 : vector<32x128xf32>, i32 -> vector<32x128xf32>
    %min3A_5127 = arith.minimumf %mul3A_5104, %roll3A_5126 : vector<32x128xf32>
    %max3A_5128 = arith.maximumf %mul3A_5104, %roll3A_5126 : vector<32x128xf32>
    %roll3A_5129 = arith.constant 64 : i32
    %roll3A_5130 = tpu.dynamic_rotate %max3A_5128 by %roll3A_5129 dim 1 : vector<32x128xf32>, i32 -> vector<32x128xf32>
    %broadcast_in_dim3A_5131 = vector.shape_cast %ne3A_5124 : vector<1x128xi1> to vector<1x128xi1>
    %broadcast_in_dim3A_5132 = vector.broadcast %broadcast_in_dim3A_5131 : vector<1x128xi1> to vector<32x128xi1>
    %select_n3A_5133 = arith.select %broadcast_in_dim3A_5132, %roll3A_5130, %min3A_5127 : vector<32x128xi1>, vector<32x128xf32>
    %roll3A_5134 = arith.constant 64 : i32
    %roll3A_5135 = tpu.dynamic_rotate %mul3A_5106 by %roll3A_5134 dim 1 : vector<32x128xf32>, i32 -> vector<32x128xf32>
    %min3A_5136 = arith.minimumf %mul3A_5106, %roll3A_5135 : vector<32x128xf32>
    %max3A_5137 = arith.maximumf %mul3A_5106, %roll3A_5135 : vector<32x128xf32>
    %roll3A_5138 = arith.constant 64 : i32
    %roll3A_5139 = tpu.dynamic_rotate %max3A_5137 by %roll3A_5138 dim 1 : vector<32x128xf32>, i32 -> vector<32x128xf32>
    %broadcast_in_dim3A_5140 = vector.shape_cast %ne3A_5124 : vector<1x128xi1> to vector<1x128xi1>
    %broadcast_in_dim3A_5141 = vector.broadcast %broadcast_in_dim3A_5140 : vector<1x128xi1> to vector<32x128xi1>
    %select_n3A_5142 = arith.select %broadcast_in_dim3A_5141, %roll3A_5139, %min3A_5136 : vector<32x128xi1>, vector<32x128xf32>
    %roll3A_5143 = arith.constant 64 : i32
    %roll3A_5144 = tpu.dynamic_rotate %mul3A_5108 by %roll3A_5143 dim 1 : vector<32x128xf32>, i32 -> vector<32x128xf32>
    %min3A_5145 = arith.minimumf %mul3A_5108, %roll3A_5144 : vector<32x128xf32>
    %max3A_5146 = arith.maximumf %mul3A_5108, %roll3A_5144 : vector<32x128xf32>
    %roll3A_5147 = arith.constant 64 : i32
    %roll3A_5148 = tpu.dynamic_rotate %max3A_5146 by %roll3A_5147 dim 1 : vector<32x128xf32>, i32 -> vector<32x128xf32>
    %broadcast_in_dim3A_5149 = vector.shape_cast %ne3A_5124 : vector<1x128xi1> to vector<1x128xi1>
    %broadcast_in_dim3A_5150 = vector.broadcast %broadcast_in_dim3A_5149 : vector<1x128xi1> to vector<32x128xi1>
    %select_n3A_5151 = arith.select %broadcast_in_dim3A_5150, %roll3A_5148, %min3A_5145 : vector<32x128xi1>, vector<32x128xf32>
    %roll3A_5152 = arith.constant 64 : i32
    %roll3A_5153 = tpu.dynamic_rotate %mul3A_5110 by %roll3A_5152 dim 1 : vector<32x128xf32>, i32 -> vector<32x128xf32>
    %min3A_5154 = arith.minimumf %mul3A_5110, %roll3A_5153 : vector<32x128xf32>
    %max3A_5155 = arith.maximumf %mul3A_5110, %roll3A_5153 : vector<32x128xf32>
    %roll3A_5156 = arith.constant 64 : i32
    %roll3A_5157 = tpu.dynamic_rotate %max3A_5155 by %roll3A_5156 dim 1 : vector<32x128xf32>, i32 -> vector<32x128xf32>
    %broadcast_in_dim3A_5158 = vector.shape_cast %ne3A_5124 : vector<1x128xi1> to vector<1x128xi1>
    %broadcast_in_dim3A_5159 = vector.broadcast %broadcast_in_dim3A_5158 : vector<1x128xi1> to vector<32x128xi1>
    %select_n3A_5160 = arith.select %broadcast_in_dim3A_5159, %roll3A_5157, %min3A_5154 : vector<32x128xi1>, vector<32x128xf32>
    %roll3A_5161 = arith.constant 64 : i32
    %roll3A_5162 = tpu.dynamic_rotate %mul3A_5112 by %roll3A_5161 dim 1 : vector<32x128xf32>, i32 -> vector<32x128xf32>
    %min3A_5163 = arith.minimumf %mul3A_5112, %roll3A_5162 : vector<32x128xf32>
    %max3A_5164 = arith.maximumf %mul3A_5112, %roll3A_5162 : vector<32x128xf32>
    %roll3A_5165 = arith.constant 64 : i32
    %roll3A_5166 = tpu.dynamic_rotate %max3A_5164 by %roll3A_5165 dim 1 : vector<32x128xf32>, i32 -> vector<32x128xf32>
    %broadcast_in_dim3A_5167 = vector.shape_cast %ne3A_5124 : vector<1x128xi1> to vector<1x128xi1>
    %broadcast_in_dim3A_5168 = vector.broadcast %broadcast_in_dim3A_5167 : vector<1x128xi1> to vector<32x128xi1>
    %select_n3A_5169 = arith.select %broadcast_in_dim3A_5168, %roll3A_5166, %min3A_5163 : vector<32x128xi1>, vector<32x128xf32>
    %roll3A_5170 = arith.constant 64 : i32
    %roll3A_5171 = tpu.dynamic_rotate %mul3A_5114 by %roll3A_5170 dim 1 : vector<32x128xf32>, i32 -> vector<32x128xf32>
    %min3A_5172 = arith.minimumf %mul3A_5114, %roll3A_5171 : vector<32x128xf32>
    %max3A_5173 = arith.maximumf %mul3A_5114, %roll3A_5171 : vector<32x128xf32>
    %roll3A_5174 = arith.constant 64 : i32
    %roll3A_5175 = tpu.dynamic_rotate %max3A_5173 by %roll3A_5174 dim 1 : vector<32x128xf32>, i32 -> vector<32x128xf32>
    %broadcast_in_dim3A_5176 = vector.shape_cast %ne3A_5124 : vector<1x128xi1> to vector<1x128xi1>
    %broadcast_in_dim3A_5177 = vector.broadcast %broadcast_in_dim3A_5176 : vector<1x128xi1> to vector<32x128xi1>
    %select_n3A_5178 = arith.select %broadcast_in_dim3A_5177, %roll3A_5175, %min3A_5172 : vector<32x128xi1>, vector<32x128xf32>
    %roll3A_5179 = arith.constant 64 : i32
    %roll3A_5180 = tpu.dynamic_rotate %mul3A_5116 by %roll3A_5179 dim 1 : vector<32x128xf32>, i32 -> vector<32x128xf32>
    %min3A_5181 = arith.minimumf %mul3A_5116, %roll3A_5180 : vector<32x128xf32>
    %max3A_5182 = arith.maximumf %mul3A_5116, %roll3A_5180 : vector<32x128xf32>
    %roll3A_5183 = arith.constant 64 : i32
    %roll3A_5184 = tpu.dynamic_rotate %max3A_5182 by %roll3A_5183 dim 1 : vector<32x128xf32>, i32 -> vector<32x128xf32>
    %broadcast_in_dim3A_5185 = vector.shape_cast %ne3A_5124 : vector<1x128xi1> to vector<1x128xi1>
    %broadcast_in_dim3A_5186 = vector.broadcast %broadcast_in_dim3A_5185 : vector<1x128xi1> to vector<32x128xi1>
    %select_n3A_5187 = arith.select %broadcast_in_dim3A_5186, %roll3A_5184, %min3A_5181 : vector<32x128xi1>, vector<32x128xf32>
    %roll3A_5188 = arith.constant 64 : i32
    %roll3A_5189 = tpu.dynamic_rotate %mul3A_5118 by %roll3A_5188 dim 1 : vector<32x128xf32>, i32 -> vector<32x128xf32>
    %min3A_5190 = arith.minimumf %mul3A_5118, %roll3A_5189 : vector<32x128xf32>
    %max3A_5191 = arith.maximumf %mul3A_5118, %roll3A_5189 : vector<32x128xf32>
    %roll3A_5192 = arith.constant 64 : i32
    %roll3A_5193 = tpu.dynamic_rotate %max3A_5191 by %roll3A_5192 dim 1 : vector<32x128xf32>, i32 -> vector<32x128xf32>
    %broadcast_in_dim3A_5194 = vector.shape_cast %ne3A_5124 : vector<1x128xi1> to vector<1x128xi1>
    %broadcast_in_dim3A_5195 = vector.broadcast %broadcast_in_dim3A_5194 : vector<1x128xi1> to vector<32x128xi1>
    %select_n3A_5196 = arith.select %broadcast_in_dim3A_5195, %roll3A_5193, %min3A_5190 : vector<32x128xi1>, vector<32x128xf32>
    %and3A_5197 = arith.constant 32 : i32
    %and3A_5198 = vector.broadcast %and3A_5197 : i32 to vector<1x128xi32>
    %and3A_5199 = arith.andi %iota3A_2862, %and3A_5198 : vector<1x128xi32>
    %ne3A_5200 = arith.constant 0 : i32
    %ne3A_5201 = vector.broadcast %ne3A_5200 : i32 to vector<1x128xi32>
    %ne3A_5202 = arith.cmpi ne, %and3A_5199, %ne3A_5201 : vector<1x128xi32>
    %roll3A_5203 = arith.constant 96 : i32
    %roll3A_5204 = tpu.dynamic_rotate %select_n3A_5133 by %roll3A_5203 dim 1 : vector<32x128xf32>, i32 -> vector<32x128xf32>
    %min3A_5205 = arith.minimumf %select_n3A_5133, %roll3A_5204 : vector<32x128xf32>
    %max3A_5206 = arith.maximumf %select_n3A_5133, %roll3A_5204 : vector<32x128xf32>
    %roll3A_5207 = arith.constant 32 : i32
    %roll3A_5208 = tpu.dynamic_rotate %max3A_5206 by %roll3A_5207 dim 1 : vector<32x128xf32>, i32 -> vector<32x128xf32>
    %broadcast_in_dim3A_5209 = vector.shape_cast %ne3A_5202 : vector<1x128xi1> to vector<1x128xi1>
    %broadcast_in_dim3A_5210 = vector.broadcast %broadcast_in_dim3A_5209 : vector<1x128xi1> to vector<32x128xi1>
    %select_n3A_5211 = arith.select %broadcast_in_dim3A_5210, %roll3A_5208, %min3A_5205 : vector<32x128xi1>, vector<32x128xf32>
    %roll3A_5212 = arith.constant 96 : i32
    %roll3A_5213 = tpu.dynamic_rotate %select_n3A_5142 by %roll3A_5212 dim 1 : vector<32x128xf32>, i32 -> vector<32x128xf32>
    %min3A_5214 = arith.minimumf %select_n3A_5142, %roll3A_5213 : vector<32x128xf32>
    %max3A_5215 = arith.maximumf %select_n3A_5142, %roll3A_5213 : vector<32x128xf32>
    %roll3A_5216 = arith.constant 32 : i32
    %roll3A_5217 = tpu.dynamic_rotate %max3A_5215 by %roll3A_5216 dim 1 : vector<32x128xf32>, i32 -> vector<32x128xf32>
    %broadcast_in_dim3A_5218 = vector.shape_cast %ne3A_5202 : vector<1x128xi1> to vector<1x128xi1>
    %broadcast_in_dim3A_5219 = vector.broadcast %broadcast_in_dim3A_5218 : vector<1x128xi1> to vector<32x128xi1>
    %select_n3A_5220 = arith.select %broadcast_in_dim3A_5219, %roll3A_5217, %min3A_5214 : vector<32x128xi1>, vector<32x128xf32>
    %roll3A_5221 = arith.constant 96 : i32
    %roll3A_5222 = tpu.dynamic_rotate %select_n3A_5151 by %roll3A_5221 dim 1 : vector<32x128xf32>, i32 -> vector<32x128xf32>
    %min3A_5223 = arith.minimumf %select_n3A_5151, %roll3A_5222 : vector<32x128xf32>
    %max3A_5224 = arith.maximumf %select_n3A_5151, %roll3A_5222 : vector<32x128xf32>
    %roll3A_5225 = arith.constant 32 : i32
    %roll3A_5226 = tpu.dynamic_rotate %max3A_5224 by %roll3A_5225 dim 1 : vector<32x128xf32>, i32 -> vector<32x128xf32>
    %broadcast_in_dim3A_5227 = vector.shape_cast %ne3A_5202 : vector<1x128xi1> to vector<1x128xi1>
    %broadcast_in_dim3A_5228 = vector.broadcast %broadcast_in_dim3A_5227 : vector<1x128xi1> to vector<32x128xi1>
    %select_n3A_5229 = arith.select %broadcast_in_dim3A_5228, %roll3A_5226, %min3A_5223 : vector<32x128xi1>, vector<32x128xf32>
    %roll3A_5230 = arith.constant 96 : i32
    %roll3A_5231 = tpu.dynamic_rotate %select_n3A_5160 by %roll3A_5230 dim 1 : vector<32x128xf32>, i32 -> vector<32x128xf32>
    %min3A_5232 = arith.minimumf %select_n3A_5160, %roll3A_5231 : vector<32x128xf32>
    %max3A_5233 = arith.maximumf %select_n3A_5160, %roll3A_5231 : vector<32x128xf32>
    %roll3A_5234 = arith.constant 32 : i32
    %roll3A_5235 = tpu.dynamic_rotate %max3A_5233 by %roll3A_5234 dim 1 : vector<32x128xf32>, i32 -> vector<32x128xf32>
    %broadcast_in_dim3A_5236 = vector.shape_cast %ne3A_5202 : vector<1x128xi1> to vector<1x128xi1>
    %broadcast_in_dim3A_5237 = vector.broadcast %broadcast_in_dim3A_5236 : vector<1x128xi1> to vector<32x128xi1>
    %select_n3A_5238 = arith.select %broadcast_in_dim3A_5237, %roll3A_5235, %min3A_5232 : vector<32x128xi1>, vector<32x128xf32>
    %roll3A_5239 = arith.constant 96 : i32
    %roll3A_5240 = tpu.dynamic_rotate %select_n3A_5169 by %roll3A_5239 dim 1 : vector<32x128xf32>, i32 -> vector<32x128xf32>
    %min3A_5241 = arith.minimumf %select_n3A_5169, %roll3A_5240 : vector<32x128xf32>
    %max3A_5242 = arith.maximumf %select_n3A_5169, %roll3A_5240 : vector<32x128xf32>
    %roll3A_5243 = arith.constant 32 : i32
    %roll3A_5244 = tpu.dynamic_rotate %max3A_5242 by %roll3A_5243 dim 1 : vector<32x128xf32>, i32 -> vector<32x128xf32>
    %broadcast_in_dim3A_5245 = vector.shape_cast %ne3A_5202 : vector<1x128xi1> to vector<1x128xi1>
    %broadcast_in_dim3A_5246 = vector.broadcast %broadcast_in_dim3A_5245 : vector<1x128xi1> to vector<32x128xi1>
    %select_n3A_5247 = arith.select %broadcast_in_dim3A_5246, %roll3A_5244, %min3A_5241 : vector<32x128xi1>, vector<32x128xf32>
    %roll3A_5248 = arith.constant 96 : i32
    %roll3A_5249 = tpu.dynamic_rotate %select_n3A_5178 by %roll3A_5248 dim 1 : vector<32x128xf32>, i32 -> vector<32x128xf32>
    %min3A_5250 = arith.minimumf %select_n3A_5178, %roll3A_5249 : vector<32x128xf32>
    %max3A_5251 = arith.maximumf %select_n3A_5178, %roll3A_5249 : vector<32x128xf32>
    %roll3A_5252 = arith.constant 32 : i32
    %roll3A_5253 = tpu.dynamic_rotate %max3A_5251 by %roll3A_5252 dim 1 : vector<32x128xf32>, i32 -> vector<32x128xf32>
    %broadcast_in_dim3A_5254 = vector.shape_cast %ne3A_5202 : vector<1x128xi1> to vector<1x128xi1>
    %broadcast_in_dim3A_5255 = vector.broadcast %broadcast_in_dim3A_5254 : vector<1x128xi1> to vector<32x128xi1>
    %select_n3A_5256 = arith.select %broadcast_in_dim3A_5255, %roll3A_5253, %min3A_5250 : vector<32x128xi1>, vector<32x128xf32>
    %roll3A_5257 = arith.constant 96 : i32
    %roll3A_5258 = tpu.dynamic_rotate %select_n3A_5187 by %roll3A_5257 dim 1 : vector<32x128xf32>, i32 -> vector<32x128xf32>
    %min3A_5259 = arith.minimumf %select_n3A_5187, %roll3A_5258 : vector<32x128xf32>
    %max3A_5260 = arith.maximumf %select_n3A_5187, %roll3A_5258 : vector<32x128xf32>
    %roll3A_5261 = arith.constant 32 : i32
    %roll3A_5262 = tpu.dynamic_rotate %max3A_5260 by %roll3A_5261 dim 1 : vector<32x128xf32>, i32 -> vector<32x128xf32>
    %broadcast_in_dim3A_5263 = vector.shape_cast %ne3A_5202 : vector<1x128xi1> to vector<1x128xi1>
    %broadcast_in_dim3A_5264 = vector.broadcast %broadcast_in_dim3A_5263 : vector<1x128xi1> to vector<32x128xi1>
    %select_n3A_5265 = arith.select %broadcast_in_dim3A_5264, %roll3A_5262, %min3A_5259 : vector<32x128xi1>, vector<32x128xf32>
    %roll3A_5266 = arith.constant 96 : i32
    %roll3A_5267 = tpu.dynamic_rotate %select_n3A_5196 by %roll3A_5266 dim 1 : vector<32x128xf32>, i32 -> vector<32x128xf32>
    %min3A_5268 = arith.minimumf %select_n3A_5196, %roll3A_5267 : vector<32x128xf32>
    %max3A_5269 = arith.maximumf %select_n3A_5196, %roll3A_5267 : vector<32x128xf32>
    %roll3A_5270 = arith.constant 32 : i32
    %roll3A_5271 = tpu.dynamic_rotate %max3A_5269 by %roll3A_5270 dim 1 : vector<32x128xf32>, i32 -> vector<32x128xf32>
    %broadcast_in_dim3A_5272 = vector.shape_cast %ne3A_5202 : vector<1x128xi1> to vector<1x128xi1>
    %broadcast_in_dim3A_5273 = vector.broadcast %broadcast_in_dim3A_5272 : vector<1x128xi1> to vector<32x128xi1>
    %select_n3A_5274 = arith.select %broadcast_in_dim3A_5273, %roll3A_5271, %min3A_5268 : vector<32x128xi1>, vector<32x128xf32>
    %and3A_5275 = arith.constant 16 : i32
    %and3A_5276 = vector.broadcast %and3A_5275 : i32 to vector<1x128xi32>
    %and3A_5277 = arith.andi %iota3A_2862, %and3A_5276 : vector<1x128xi32>
    %ne3A_5278 = arith.constant 0 : i32
    %ne3A_5279 = vector.broadcast %ne3A_5278 : i32 to vector<1x128xi32>
    %ne3A_5280 = arith.cmpi ne, %and3A_5277, %ne3A_5279 : vector<1x128xi32>
    %roll3A_5281 = arith.constant 112 : i32
    %roll3A_5282 = tpu.dynamic_rotate %select_n3A_5211 by %roll3A_5281 dim 1 : vector<32x128xf32>, i32 -> vector<32x128xf32>
    %min3A_5283 = arith.minimumf %select_n3A_5211, %roll3A_5282 : vector<32x128xf32>
    %max3A_5284 = arith.maximumf %select_n3A_5211, %roll3A_5282 : vector<32x128xf32>
    %roll3A_5285 = arith.constant 16 : i32
    %roll3A_5286 = tpu.dynamic_rotate %max3A_5284 by %roll3A_5285 dim 1 : vector<32x128xf32>, i32 -> vector<32x128xf32>
    %broadcast_in_dim3A_5287 = vector.shape_cast %ne3A_5280 : vector<1x128xi1> to vector<1x128xi1>
    %broadcast_in_dim3A_5288 = vector.broadcast %broadcast_in_dim3A_5287 : vector<1x128xi1> to vector<32x128xi1>
    %select_n3A_5289 = arith.select %broadcast_in_dim3A_5288, %roll3A_5286, %min3A_5283 : vector<32x128xi1>, vector<32x128xf32>
    %roll3A_5290 = arith.constant 112 : i32
    %roll3A_5291 = tpu.dynamic_rotate %select_n3A_5220 by %roll3A_5290 dim 1 : vector<32x128xf32>, i32 -> vector<32x128xf32>
    %min3A_5292 = arith.minimumf %select_n3A_5220, %roll3A_5291 : vector<32x128xf32>
    %max3A_5293 = arith.maximumf %select_n3A_5220, %roll3A_5291 : vector<32x128xf32>
    %roll3A_5294 = arith.constant 16 : i32
    %roll3A_5295 = tpu.dynamic_rotate %max3A_5293 by %roll3A_5294 dim 1 : vector<32x128xf32>, i32 -> vector<32x128xf32>
    %broadcast_in_dim3A_5296 = vector.shape_cast %ne3A_5280 : vector<1x128xi1> to vector<1x128xi1>
    %broadcast_in_dim3A_5297 = vector.broadcast %broadcast_in_dim3A_5296 : vector<1x128xi1> to vector<32x128xi1>
    %select_n3A_5298 = arith.select %broadcast_in_dim3A_5297, %roll3A_5295, %min3A_5292 : vector<32x128xi1>, vector<32x128xf32>
    %roll3A_5299 = arith.constant 112 : i32
    %roll3A_5300 = tpu.dynamic_rotate %select_n3A_5229 by %roll3A_5299 dim 1 : vector<32x128xf32>, i32 -> vector<32x128xf32>
    %min3A_5301 = arith.minimumf %select_n3A_5229, %roll3A_5300 : vector<32x128xf32>
    %max3A_5302 = arith.maximumf %select_n3A_5229, %roll3A_5300 : vector<32x128xf32>
    %roll3A_5303 = arith.constant 16 : i32
    %roll3A_5304 = tpu.dynamic_rotate %max3A_5302 by %roll3A_5303 dim 1 : vector<32x128xf32>, i32 -> vector<32x128xf32>
    %broadcast_in_dim3A_5305 = vector.shape_cast %ne3A_5280 : vector<1x128xi1> to vector<1x128xi1>
    %broadcast_in_dim3A_5306 = vector.broadcast %broadcast_in_dim3A_5305 : vector<1x128xi1> to vector<32x128xi1>
    %select_n3A_5307 = arith.select %broadcast_in_dim3A_5306, %roll3A_5304, %min3A_5301 : vector<32x128xi1>, vector<32x128xf32>
    %roll3A_5308 = arith.constant 112 : i32
    %roll3A_5309 = tpu.dynamic_rotate %select_n3A_5238 by %roll3A_5308 dim 1 : vector<32x128xf32>, i32 -> vector<32x128xf32>
    %min3A_5310 = arith.minimumf %select_n3A_5238, %roll3A_5309 : vector<32x128xf32>
    %max3A_5311 = arith.maximumf %select_n3A_5238, %roll3A_5309 : vector<32x128xf32>
    %roll3A_5312 = arith.constant 16 : i32
    %roll3A_5313 = tpu.dynamic_rotate %max3A_5311 by %roll3A_5312 dim 1 : vector<32x128xf32>, i32 -> vector<32x128xf32>
    %broadcast_in_dim3A_5314 = vector.shape_cast %ne3A_5280 : vector<1x128xi1> to vector<1x128xi1>
    %broadcast_in_dim3A_5315 = vector.broadcast %broadcast_in_dim3A_5314 : vector<1x128xi1> to vector<32x128xi1>
    %select_n3A_5316 = arith.select %broadcast_in_dim3A_5315, %roll3A_5313, %min3A_5310 : vector<32x128xi1>, vector<32x128xf32>
    %roll3A_5317 = arith.constant 112 : i32
    %roll3A_5318 = tpu.dynamic_rotate %select_n3A_5247 by %roll3A_5317 dim 1 : vector<32x128xf32>, i32 -> vector<32x128xf32>
    %min3A_5319 = arith.minimumf %select_n3A_5247, %roll3A_5318 : vector<32x128xf32>
    %max3A_5320 = arith.maximumf %select_n3A_5247, %roll3A_5318 : vector<32x128xf32>
    %roll3A_5321 = arith.constant 16 : i32
    %roll3A_5322 = tpu.dynamic_rotate %max3A_5320 by %roll3A_5321 dim 1 : vector<32x128xf32>, i32 -> vector<32x128xf32>
    %broadcast_in_dim3A_5323 = vector.shape_cast %ne3A_5280 : vector<1x128xi1> to vector<1x128xi1>
    %broadcast_in_dim3A_5324 = vector.broadcast %broadcast_in_dim3A_5323 : vector<1x128xi1> to vector<32x128xi1>
    %select_n3A_5325 = arith.select %broadcast_in_dim3A_5324, %roll3A_5322, %min3A_5319 : vector<32x128xi1>, vector<32x128xf32>
    %roll3A_5326 = arith.constant 112 : i32
    %roll3A_5327 = tpu.dynamic_rotate %select_n3A_5256 by %roll3A_5326 dim 1 : vector<32x128xf32>, i32 -> vector<32x128xf32>
    %min3A_5328 = arith.minimumf %select_n3A_5256, %roll3A_5327 : vector<32x128xf32>
    %max3A_5329 = arith.maximumf %select_n3A_5256, %roll3A_5327 : vector<32x128xf32>
    %roll3A_5330 = arith.constant 16 : i32
    %roll3A_5331 = tpu.dynamic_rotate %max3A_5329 by %roll3A_5330 dim 1 : vector<32x128xf32>, i32 -> vector<32x128xf32>
    %broadcast_in_dim3A_5332 = vector.shape_cast %ne3A_5280 : vector<1x128xi1> to vector<1x128xi1>
    %broadcast_in_dim3A_5333 = vector.broadcast %broadcast_in_dim3A_5332 : vector<1x128xi1> to vector<32x128xi1>
    %select_n3A_5334 = arith.select %broadcast_in_dim3A_5333, %roll3A_5331, %min3A_5328 : vector<32x128xi1>, vector<32x128xf32>
    %roll3A_5335 = arith.constant 112 : i32
    %roll3A_5336 = tpu.dynamic_rotate %select_n3A_5265 by %roll3A_5335 dim 1 : vector<32x128xf32>, i32 -> vector<32x128xf32>
    %min3A_5337 = arith.minimumf %select_n3A_5265, %roll3A_5336 : vector<32x128xf32>
    %max3A_5338 = arith.maximumf %select_n3A_5265, %roll3A_5336 : vector<32x128xf32>
    %roll3A_5339 = arith.constant 16 : i32
    %roll3A_5340 = tpu.dynamic_rotate %max3A_5338 by %roll3A_5339 dim 1 : vector<32x128xf32>, i32 -> vector<32x128xf32>
    %broadcast_in_dim3A_5341 = vector.shape_cast %ne3A_5280 : vector<1x128xi1> to vector<1x128xi1>
    %broadcast_in_dim3A_5342 = vector.broadcast %broadcast_in_dim3A_5341 : vector<1x128xi1> to vector<32x128xi1>
    %select_n3A_5343 = arith.select %broadcast_in_dim3A_5342, %roll3A_5340, %min3A_5337 : vector<32x128xi1>, vector<32x128xf32>
    %roll3A_5344 = arith.constant 112 : i32
    %roll3A_5345 = tpu.dynamic_rotate %select_n3A_5274 by %roll3A_5344 dim 1 : vector<32x128xf32>, i32 -> vector<32x128xf32>
    %min3A_5346 = arith.minimumf %select_n3A_5274, %roll3A_5345 : vector<32x128xf32>
    %max3A_5347 = arith.maximumf %select_n3A_5274, %roll3A_5345 : vector<32x128xf32>
    %roll3A_5348 = arith.constant 16 : i32
    %roll3A_5349 = tpu.dynamic_rotate %max3A_5347 by %roll3A_5348 dim 1 : vector<32x128xf32>, i32 -> vector<32x128xf32>
    %broadcast_in_dim3A_5350 = vector.shape_cast %ne3A_5280 : vector<1x128xi1> to vector<1x128xi1>
    %broadcast_in_dim3A_5351 = vector.broadcast %broadcast_in_dim3A_5350 : vector<1x128xi1> to vector<32x128xi1>
    %select_n3A_5352 = arith.select %broadcast_in_dim3A_5351, %roll3A_5349, %min3A_5346 : vector<32x128xi1>, vector<32x128xf32>
    %and3A_5353 = arith.constant 8 : i32
    %and3A_5354 = vector.broadcast %and3A_5353 : i32 to vector<1x128xi32>
    %and3A_5355 = arith.andi %iota3A_2862, %and3A_5354 : vector<1x128xi32>
    %ne3A_5356 = arith.constant 0 : i32
    %ne3A_5357 = vector.broadcast %ne3A_5356 : i32 to vector<1x128xi32>
    %ne3A_5358 = arith.cmpi ne, %and3A_5355, %ne3A_5357 : vector<1x128xi32>
    %roll3A_5359 = arith.constant 120 : i32
    %roll3A_5360 = tpu.dynamic_rotate %select_n3A_5289 by %roll3A_5359 dim 1 : vector<32x128xf32>, i32 -> vector<32x128xf32>
    %min3A_5361 = arith.minimumf %select_n3A_5289, %roll3A_5360 : vector<32x128xf32>
    %max3A_5362 = arith.maximumf %select_n3A_5289, %roll3A_5360 : vector<32x128xf32>
    %roll3A_5363 = arith.constant 8 : i32
    %roll3A_5364 = tpu.dynamic_rotate %max3A_5362 by %roll3A_5363 dim 1 : vector<32x128xf32>, i32 -> vector<32x128xf32>
    %broadcast_in_dim3A_5365 = vector.shape_cast %ne3A_5358 : vector<1x128xi1> to vector<1x128xi1>
    %broadcast_in_dim3A_5366 = vector.broadcast %broadcast_in_dim3A_5365 : vector<1x128xi1> to vector<32x128xi1>
    %select_n3A_5367 = arith.select %broadcast_in_dim3A_5366, %roll3A_5364, %min3A_5361 : vector<32x128xi1>, vector<32x128xf32>
    %roll3A_5368 = arith.constant 120 : i32
    %roll3A_5369 = tpu.dynamic_rotate %select_n3A_5298 by %roll3A_5368 dim 1 : vector<32x128xf32>, i32 -> vector<32x128xf32>
    %min3A_5370 = arith.minimumf %select_n3A_5298, %roll3A_5369 : vector<32x128xf32>
    %max3A_5371 = arith.maximumf %select_n3A_5298, %roll3A_5369 : vector<32x128xf32>
    %roll3A_5372 = arith.constant 8 : i32
    %roll3A_5373 = tpu.dynamic_rotate %max3A_5371 by %roll3A_5372 dim 1 : vector<32x128xf32>, i32 -> vector<32x128xf32>
    %broadcast_in_dim3A_5374 = vector.shape_cast %ne3A_5358 : vector<1x128xi1> to vector<1x128xi1>
    %broadcast_in_dim3A_5375 = vector.broadcast %broadcast_in_dim3A_5374 : vector<1x128xi1> to vector<32x128xi1>
    %select_n3A_5376 = arith.select %broadcast_in_dim3A_5375, %roll3A_5373, %min3A_5370 : vector<32x128xi1>, vector<32x128xf32>
    %roll3A_5377 = arith.constant 120 : i32
    %roll3A_5378 = tpu.dynamic_rotate %select_n3A_5307 by %roll3A_5377 dim 1 : vector<32x128xf32>, i32 -> vector<32x128xf32>
    %min3A_5379 = arith.minimumf %select_n3A_5307, %roll3A_5378 : vector<32x128xf32>
    %max3A_5380 = arith.maximumf %select_n3A_5307, %roll3A_5378 : vector<32x128xf32>
    %roll3A_5381 = arith.constant 8 : i32
    %roll3A_5382 = tpu.dynamic_rotate %max3A_5380 by %roll3A_5381 dim 1 : vector<32x128xf32>, i32 -> vector<32x128xf32>
    %broadcast_in_dim3A_5383 = vector.shape_cast %ne3A_5358 : vector<1x128xi1> to vector<1x128xi1>
    %broadcast_in_dim3A_5384 = vector.broadcast %broadcast_in_dim3A_5383 : vector<1x128xi1> to vector<32x128xi1>
    %select_n3A_5385 = arith.select %broadcast_in_dim3A_5384, %roll3A_5382, %min3A_5379 : vector<32x128xi1>, vector<32x128xf32>
    %roll3A_5386 = arith.constant 120 : i32
    %roll3A_5387 = tpu.dynamic_rotate %select_n3A_5316 by %roll3A_5386 dim 1 : vector<32x128xf32>, i32 -> vector<32x128xf32>
    %min3A_5388 = arith.minimumf %select_n3A_5316, %roll3A_5387 : vector<32x128xf32>
    %max3A_5389 = arith.maximumf %select_n3A_5316, %roll3A_5387 : vector<32x128xf32>
    %roll3A_5390 = arith.constant 8 : i32
    %roll3A_5391 = tpu.dynamic_rotate %max3A_5389 by %roll3A_5390 dim 1 : vector<32x128xf32>, i32 -> vector<32x128xf32>
    %broadcast_in_dim3A_5392 = vector.shape_cast %ne3A_5358 : vector<1x128xi1> to vector<1x128xi1>
    %broadcast_in_dim3A_5393 = vector.broadcast %broadcast_in_dim3A_5392 : vector<1x128xi1> to vector<32x128xi1>
    %select_n3A_5394 = arith.select %broadcast_in_dim3A_5393, %roll3A_5391, %min3A_5388 : vector<32x128xi1>, vector<32x128xf32>
    %roll3A_5395 = arith.constant 120 : i32
    %roll3A_5396 = tpu.dynamic_rotate %select_n3A_5325 by %roll3A_5395 dim 1 : vector<32x128xf32>, i32 -> vector<32x128xf32>
    %min3A_5397 = arith.minimumf %select_n3A_5325, %roll3A_5396 : vector<32x128xf32>
    %max3A_5398 = arith.maximumf %select_n3A_5325, %roll3A_5396 : vector<32x128xf32>
    %roll3A_5399 = arith.constant 8 : i32
    %roll3A_5400 = tpu.dynamic_rotate %max3A_5398 by %roll3A_5399 dim 1 : vector<32x128xf32>, i32 -> vector<32x128xf32>
    %broadcast_in_dim3A_5401 = vector.shape_cast %ne3A_5358 : vector<1x128xi1> to vector<1x128xi1>
    %broadcast_in_dim3A_5402 = vector.broadcast %broadcast_in_dim3A_5401 : vector<1x128xi1> to vector<32x128xi1>
    %select_n3A_5403 = arith.select %broadcast_in_dim3A_5402, %roll3A_5400, %min3A_5397 : vector<32x128xi1>, vector<32x128xf32>
    %roll3A_5404 = arith.constant 120 : i32
    %roll3A_5405 = tpu.dynamic_rotate %select_n3A_5334 by %roll3A_5404 dim 1 : vector<32x128xf32>, i32 -> vector<32x128xf32>
    %min3A_5406 = arith.minimumf %select_n3A_5334, %roll3A_5405 : vector<32x128xf32>
    %max3A_5407 = arith.maximumf %select_n3A_5334, %roll3A_5405 : vector<32x128xf32>
    %roll3A_5408 = arith.constant 8 : i32
    %roll3A_5409 = tpu.dynamic_rotate %max3A_5407 by %roll3A_5408 dim 1 : vector<32x128xf32>, i32 -> vector<32x128xf32>
    %broadcast_in_dim3A_5410 = vector.shape_cast %ne3A_5358 : vector<1x128xi1> to vector<1x128xi1>
    %broadcast_in_dim3A_5411 = vector.broadcast %broadcast_in_dim3A_5410 : vector<1x128xi1> to vector<32x128xi1>
    %select_n3A_5412 = arith.select %broadcast_in_dim3A_5411, %roll3A_5409, %min3A_5406 : vector<32x128xi1>, vector<32x128xf32>
    %roll3A_5413 = arith.constant 120 : i32
    %roll3A_5414 = tpu.dynamic_rotate %select_n3A_5343 by %roll3A_5413 dim 1 : vector<32x128xf32>, i32 -> vector<32x128xf32>
    %min3A_5415 = arith.minimumf %select_n3A_5343, %roll3A_5414 : vector<32x128xf32>
    %max3A_5416 = arith.maximumf %select_n3A_5343, %roll3A_5414 : vector<32x128xf32>
    %roll3A_5417 = arith.constant 8 : i32
    %roll3A_5418 = tpu.dynamic_rotate %max3A_5416 by %roll3A_5417 dim 1 : vector<32x128xf32>, i32 -> vector<32x128xf32>
    %broadcast_in_dim3A_5419 = vector.shape_cast %ne3A_5358 : vector<1x128xi1> to vector<1x128xi1>
    %broadcast_in_dim3A_5420 = vector.broadcast %broadcast_in_dim3A_5419 : vector<1x128xi1> to vector<32x128xi1>
    %select_n3A_5421 = arith.select %broadcast_in_dim3A_5420, %roll3A_5418, %min3A_5415 : vector<32x128xi1>, vector<32x128xf32>
    %roll3A_5422 = arith.constant 120 : i32
    %roll3A_5423 = tpu.dynamic_rotate %select_n3A_5352 by %roll3A_5422 dim 1 : vector<32x128xf32>, i32 -> vector<32x128xf32>
    %min3A_5424 = arith.minimumf %select_n3A_5352, %roll3A_5423 : vector<32x128xf32>
    %max3A_5425 = arith.maximumf %select_n3A_5352, %roll3A_5423 : vector<32x128xf32>
    %roll3A_5426 = arith.constant 8 : i32
    %roll3A_5427 = tpu.dynamic_rotate %max3A_5425 by %roll3A_5426 dim 1 : vector<32x128xf32>, i32 -> vector<32x128xf32>
    %broadcast_in_dim3A_5428 = vector.shape_cast %ne3A_5358 : vector<1x128xi1> to vector<1x128xi1>
    %broadcast_in_dim3A_5429 = vector.broadcast %broadcast_in_dim3A_5428 : vector<1x128xi1> to vector<32x128xi1>
    %select_n3A_5430 = arith.select %broadcast_in_dim3A_5429, %roll3A_5427, %min3A_5424 : vector<32x128xi1>, vector<32x128xf32>
    %and3A_5431 = arith.constant 4 : i32
    %and3A_5432 = vector.broadcast %and3A_5431 : i32 to vector<1x128xi32>
    %and3A_5433 = arith.andi %iota3A_2862, %and3A_5432 : vector<1x128xi32>
    %ne3A_5434 = arith.constant 0 : i32
    %ne3A_5435 = vector.broadcast %ne3A_5434 : i32 to vector<1x128xi32>
    %ne3A_5436 = arith.cmpi ne, %and3A_5433, %ne3A_5435 : vector<1x128xi32>
    %roll3A_5437 = arith.constant 124 : i32
    %roll3A_5438 = tpu.dynamic_rotate %select_n3A_5367 by %roll3A_5437 dim 1 : vector<32x128xf32>, i32 -> vector<32x128xf32>
    %min3A_5439 = arith.minimumf %select_n3A_5367, %roll3A_5438 : vector<32x128xf32>
    %max3A_5440 = arith.maximumf %select_n3A_5367, %roll3A_5438 : vector<32x128xf32>
    %roll3A_5441 = arith.constant 4 : i32
    %roll3A_5442 = tpu.dynamic_rotate %max3A_5440 by %roll3A_5441 dim 1 : vector<32x128xf32>, i32 -> vector<32x128xf32>
    %broadcast_in_dim3A_5443 = vector.shape_cast %ne3A_5436 : vector<1x128xi1> to vector<1x128xi1>
    %broadcast_in_dim3A_5444 = vector.broadcast %broadcast_in_dim3A_5443 : vector<1x128xi1> to vector<32x128xi1>
    %select_n3A_5445 = arith.select %broadcast_in_dim3A_5444, %roll3A_5442, %min3A_5439 : vector<32x128xi1>, vector<32x128xf32>
    %roll3A_5446 = arith.constant 124 : i32
    %roll3A_5447 = tpu.dynamic_rotate %select_n3A_5376 by %roll3A_5446 dim 1 : vector<32x128xf32>, i32 -> vector<32x128xf32>
    %min3A_5448 = arith.minimumf %select_n3A_5376, %roll3A_5447 : vector<32x128xf32>
    %max3A_5449 = arith.maximumf %select_n3A_5376, %roll3A_5447 : vector<32x128xf32>
    %roll3A_5450 = arith.constant 4 : i32
    %roll3A_5451 = tpu.dynamic_rotate %max3A_5449 by %roll3A_5450 dim 1 : vector<32x128xf32>, i32 -> vector<32x128xf32>
    %broadcast_in_dim3A_5452 = vector.shape_cast %ne3A_5436 : vector<1x128xi1> to vector<1x128xi1>
    %broadcast_in_dim3A_5453 = vector.broadcast %broadcast_in_dim3A_5452 : vector<1x128xi1> to vector<32x128xi1>
    %select_n3A_5454 = arith.select %broadcast_in_dim3A_5453, %roll3A_5451, %min3A_5448 : vector<32x128xi1>, vector<32x128xf32>
    %roll3A_5455 = arith.constant 124 : i32
    %roll3A_5456 = tpu.dynamic_rotate %select_n3A_5385 by %roll3A_5455 dim 1 : vector<32x128xf32>, i32 -> vector<32x128xf32>
    %min3A_5457 = arith.minimumf %select_n3A_5385, %roll3A_5456 : vector<32x128xf32>
    %max3A_5458 = arith.maximumf %select_n3A_5385, %roll3A_5456 : vector<32x128xf32>
    %roll3A_5459 = arith.constant 4 : i32
    %roll3A_5460 = tpu.dynamic_rotate %max3A_5458 by %roll3A_5459 dim 1 : vector<32x128xf32>, i32 -> vector<32x128xf32>
    %broadcast_in_dim3A_5461 = vector.shape_cast %ne3A_5436 : vector<1x128xi1> to vector<1x128xi1>
    %broadcast_in_dim3A_5462 = vector.broadcast %broadcast_in_dim3A_5461 : vector<1x128xi1> to vector<32x128xi1>
    %select_n3A_5463 = arith.select %broadcast_in_dim3A_5462, %roll3A_5460, %min3A_5457 : vector<32x128xi1>, vector<32x128xf32>
    %roll3A_5464 = arith.constant 124 : i32
    %roll3A_5465 = tpu.dynamic_rotate %select_n3A_5394 by %roll3A_5464 dim 1 : vector<32x128xf32>, i32 -> vector<32x128xf32>
    %min3A_5466 = arith.minimumf %select_n3A_5394, %roll3A_5465 : vector<32x128xf32>
    %max3A_5467 = arith.maximumf %select_n3A_5394, %roll3A_5465 : vector<32x128xf32>
    %roll3A_5468 = arith.constant 4 : i32
    %roll3A_5469 = tpu.dynamic_rotate %max3A_5467 by %roll3A_5468 dim 1 : vector<32x128xf32>, i32 -> vector<32x128xf32>
    %broadcast_in_dim3A_5470 = vector.shape_cast %ne3A_5436 : vector<1x128xi1> to vector<1x128xi1>
    %broadcast_in_dim3A_5471 = vector.broadcast %broadcast_in_dim3A_5470 : vector<1x128xi1> to vector<32x128xi1>
    %select_n3A_5472 = arith.select %broadcast_in_dim3A_5471, %roll3A_5469, %min3A_5466 : vector<32x128xi1>, vector<32x128xf32>
    %roll3A_5473 = arith.constant 124 : i32
    %roll3A_5474 = tpu.dynamic_rotate %select_n3A_5403 by %roll3A_5473 dim 1 : vector<32x128xf32>, i32 -> vector<32x128xf32>
    %min3A_5475 = arith.minimumf %select_n3A_5403, %roll3A_5474 : vector<32x128xf32>
    %max3A_5476 = arith.maximumf %select_n3A_5403, %roll3A_5474 : vector<32x128xf32>
    %roll3A_5477 = arith.constant 4 : i32
    %roll3A_5478 = tpu.dynamic_rotate %max3A_5476 by %roll3A_5477 dim 1 : vector<32x128xf32>, i32 -> vector<32x128xf32>
    %broadcast_in_dim3A_5479 = vector.shape_cast %ne3A_5436 : vector<1x128xi1> to vector<1x128xi1>
    %broadcast_in_dim3A_5480 = vector.broadcast %broadcast_in_dim3A_5479 : vector<1x128xi1> to vector<32x128xi1>
    %select_n3A_5481 = arith.select %broadcast_in_dim3A_5480, %roll3A_5478, %min3A_5475 : vector<32x128xi1>, vector<32x128xf32>
    %roll3A_5482 = arith.constant 124 : i32
    %roll3A_5483 = tpu.dynamic_rotate %select_n3A_5412 by %roll3A_5482 dim 1 : vector<32x128xf32>, i32 -> vector<32x128xf32>
    %min3A_5484 = arith.minimumf %select_n3A_5412, %roll3A_5483 : vector<32x128xf32>
    %max3A_5485 = arith.maximumf %select_n3A_5412, %roll3A_5483 : vector<32x128xf32>
    %roll3A_5486 = arith.constant 4 : i32
    %roll3A_5487 = tpu.dynamic_rotate %max3A_5485 by %roll3A_5486 dim 1 : vector<32x128xf32>, i32 -> vector<32x128xf32>
    %broadcast_in_dim3A_5488 = vector.shape_cast %ne3A_5436 : vector<1x128xi1> to vector<1x128xi1>
    %broadcast_in_dim3A_5489 = vector.broadcast %broadcast_in_dim3A_5488 : vector<1x128xi1> to vector<32x128xi1>
    %select_n3A_5490 = arith.select %broadcast_in_dim3A_5489, %roll3A_5487, %min3A_5484 : vector<32x128xi1>, vector<32x128xf32>
    %roll3A_5491 = arith.constant 124 : i32
    %roll3A_5492 = tpu.dynamic_rotate %select_n3A_5421 by %roll3A_5491 dim 1 : vector<32x128xf32>, i32 -> vector<32x128xf32>
    %min3A_5493 = arith.minimumf %select_n3A_5421, %roll3A_5492 : vector<32x128xf32>
    %max3A_5494 = arith.maximumf %select_n3A_5421, %roll3A_5492 : vector<32x128xf32>
    %roll3A_5495 = arith.constant 4 : i32
    %roll3A_5496 = tpu.dynamic_rotate %max3A_5494 by %roll3A_5495 dim 1 : vector<32x128xf32>, i32 -> vector<32x128xf32>
    %broadcast_in_dim3A_5497 = vector.shape_cast %ne3A_5436 : vector<1x128xi1> to vector<1x128xi1>
    %broadcast_in_dim3A_5498 = vector.broadcast %broadcast_in_dim3A_5497 : vector<1x128xi1> to vector<32x128xi1>
    %select_n3A_5499 = arith.select %broadcast_in_dim3A_5498, %roll3A_5496, %min3A_5493 : vector<32x128xi1>, vector<32x128xf32>
    %roll3A_5500 = arith.constant 124 : i32
    %roll3A_5501 = tpu.dynamic_rotate %select_n3A_5430 by %roll3A_5500 dim 1 : vector<32x128xf32>, i32 -> vector<32x128xf32>
    %min3A_5502 = arith.minimumf %select_n3A_5430, %roll3A_5501 : vector<32x128xf32>
    %max3A_5503 = arith.maximumf %select_n3A_5430, %roll3A_5501 : vector<32x128xf32>
    %roll3A_5504 = arith.constant 4 : i32
    %roll3A_5505 = tpu.dynamic_rotate %max3A_5503 by %roll3A_5504 dim 1 : vector<32x128xf32>, i32 -> vector<32x128xf32>
    %broadcast_in_dim3A_5506 = vector.shape_cast %ne3A_5436 : vector<1x128xi1> to vector<1x128xi1>
    %broadcast_in_dim3A_5507 = vector.broadcast %broadcast_in_dim3A_5506 : vector<1x128xi1> to vector<32x128xi1>
    %select_n3A_5508 = arith.select %broadcast_in_dim3A_5507, %roll3A_5505, %min3A_5502 : vector<32x128xi1>, vector<32x128xf32>
    %and3A_5509 = arith.constant 2 : i32
    %and3A_5510 = vector.broadcast %and3A_5509 : i32 to vector<1x128xi32>
    %and3A_5511 = arith.andi %iota3A_2862, %and3A_5510 : vector<1x128xi32>
    %ne3A_5512 = arith.constant 0 : i32
    %ne3A_5513 = vector.broadcast %ne3A_5512 : i32 to vector<1x128xi32>
    %ne3A_5514 = arith.cmpi ne, %and3A_5511, %ne3A_5513 : vector<1x128xi32>
    %roll3A_5515 = arith.constant 126 : i32
    %roll3A_5516 = tpu.dynamic_rotate %select_n3A_5445 by %roll3A_5515 dim 1 : vector<32x128xf32>, i32 -> vector<32x128xf32>
    %min3A_5517 = arith.minimumf %select_n3A_5445, %roll3A_5516 : vector<32x128xf32>
    %max3A_5518 = arith.maximumf %select_n3A_5445, %roll3A_5516 : vector<32x128xf32>
    %roll3A_5519 = arith.constant 2 : i32
    %roll3A_5520 = tpu.dynamic_rotate %max3A_5518 by %roll3A_5519 dim 1 : vector<32x128xf32>, i32 -> vector<32x128xf32>
    %broadcast_in_dim3A_5521 = vector.shape_cast %ne3A_5514 : vector<1x128xi1> to vector<1x128xi1>
    %broadcast_in_dim3A_5522 = vector.broadcast %broadcast_in_dim3A_5521 : vector<1x128xi1> to vector<32x128xi1>
    %select_n3A_5523 = arith.select %broadcast_in_dim3A_5522, %roll3A_5520, %min3A_5517 : vector<32x128xi1>, vector<32x128xf32>
    %roll3A_5524 = arith.constant 126 : i32
    %roll3A_5525 = tpu.dynamic_rotate %select_n3A_5454 by %roll3A_5524 dim 1 : vector<32x128xf32>, i32 -> vector<32x128xf32>
    %min3A_5526 = arith.minimumf %select_n3A_5454, %roll3A_5525 : vector<32x128xf32>
    %max3A_5527 = arith.maximumf %select_n3A_5454, %roll3A_5525 : vector<32x128xf32>
    %roll3A_5528 = arith.constant 2 : i32
    %roll3A_5529 = tpu.dynamic_rotate %max3A_5527 by %roll3A_5528 dim 1 : vector<32x128xf32>, i32 -> vector<32x128xf32>
    %broadcast_in_dim3A_5530 = vector.shape_cast %ne3A_5514 : vector<1x128xi1> to vector<1x128xi1>
    %broadcast_in_dim3A_5531 = vector.broadcast %broadcast_in_dim3A_5530 : vector<1x128xi1> to vector<32x128xi1>
    %select_n3A_5532 = arith.select %broadcast_in_dim3A_5531, %roll3A_5529, %min3A_5526 : vector<32x128xi1>, vector<32x128xf32>
    %roll3A_5533 = arith.constant 126 : i32
    %roll3A_5534 = tpu.dynamic_rotate %select_n3A_5463 by %roll3A_5533 dim 1 : vector<32x128xf32>, i32 -> vector<32x128xf32>
    %min3A_5535 = arith.minimumf %select_n3A_5463, %roll3A_5534 : vector<32x128xf32>
    %max3A_5536 = arith.maximumf %select_n3A_5463, %roll3A_5534 : vector<32x128xf32>
    %roll3A_5537 = arith.constant 2 : i32
    %roll3A_5538 = tpu.dynamic_rotate %max3A_5536 by %roll3A_5537 dim 1 : vector<32x128xf32>, i32 -> vector<32x128xf32>
    %broadcast_in_dim3A_5539 = vector.shape_cast %ne3A_5514 : vector<1x128xi1> to vector<1x128xi1>
    %broadcast_in_dim3A_5540 = vector.broadcast %broadcast_in_dim3A_5539 : vector<1x128xi1> to vector<32x128xi1>
    %select_n3A_5541 = arith.select %broadcast_in_dim3A_5540, %roll3A_5538, %min3A_5535 : vector<32x128xi1>, vector<32x128xf32>
    %roll3A_5542 = arith.constant 126 : i32
    %roll3A_5543 = tpu.dynamic_rotate %select_n3A_5472 by %roll3A_5542 dim 1 : vector<32x128xf32>, i32 -> vector<32x128xf32>
    %min3A_5544 = arith.minimumf %select_n3A_5472, %roll3A_5543 : vector<32x128xf32>
    %max3A_5545 = arith.maximumf %select_n3A_5472, %roll3A_5543 : vector<32x128xf32>
    %roll3A_5546 = arith.constant 2 : i32
    %roll3A_5547 = tpu.dynamic_rotate %max3A_5545 by %roll3A_5546 dim 1 : vector<32x128xf32>, i32 -> vector<32x128xf32>
    %broadcast_in_dim3A_5548 = vector.shape_cast %ne3A_5514 : vector<1x128xi1> to vector<1x128xi1>
    %broadcast_in_dim3A_5549 = vector.broadcast %broadcast_in_dim3A_5548 : vector<1x128xi1> to vector<32x128xi1>
    %select_n3A_5550 = arith.select %broadcast_in_dim3A_5549, %roll3A_5547, %min3A_5544 : vector<32x128xi1>, vector<32x128xf32>
    %roll3A_5551 = arith.constant 126 : i32
    %roll3A_5552 = tpu.dynamic_rotate %select_n3A_5481 by %roll3A_5551 dim 1 : vector<32x128xf32>, i32 -> vector<32x128xf32>
    %min3A_5553 = arith.minimumf %select_n3A_5481, %roll3A_5552 : vector<32x128xf32>
    %max3A_5554 = arith.maximumf %select_n3A_5481, %roll3A_5552 : vector<32x128xf32>
    %roll3A_5555 = arith.constant 2 : i32
    %roll3A_5556 = tpu.dynamic_rotate %max3A_5554 by %roll3A_5555 dim 1 : vector<32x128xf32>, i32 -> vector<32x128xf32>
    %broadcast_in_dim3A_5557 = vector.shape_cast %ne3A_5514 : vector<1x128xi1> to vector<1x128xi1>
    %broadcast_in_dim3A_5558 = vector.broadcast %broadcast_in_dim3A_5557 : vector<1x128xi1> to vector<32x128xi1>
    %select_n3A_5559 = arith.select %broadcast_in_dim3A_5558, %roll3A_5556, %min3A_5553 : vector<32x128xi1>, vector<32x128xf32>
    %roll3A_5560 = arith.constant 126 : i32
    %roll3A_5561 = tpu.dynamic_rotate %select_n3A_5490 by %roll3A_5560 dim 1 : vector<32x128xf32>, i32 -> vector<32x128xf32>
    %min3A_5562 = arith.minimumf %select_n3A_5490, %roll3A_5561 : vector<32x128xf32>
    %max3A_5563 = arith.maximumf %select_n3A_5490, %roll3A_5561 : vector<32x128xf32>
    %roll3A_5564 = arith.constant 2 : i32
    %roll3A_5565 = tpu.dynamic_rotate %max3A_5563 by %roll3A_5564 dim 1 : vector<32x128xf32>, i32 -> vector<32x128xf32>
    %broadcast_in_dim3A_5566 = vector.shape_cast %ne3A_5514 : vector<1x128xi1> to vector<1x128xi1>
    %broadcast_in_dim3A_5567 = vector.broadcast %broadcast_in_dim3A_5566 : vector<1x128xi1> to vector<32x128xi1>
    %select_n3A_5568 = arith.select %broadcast_in_dim3A_5567, %roll3A_5565, %min3A_5562 : vector<32x128xi1>, vector<32x128xf32>
    %roll3A_5569 = arith.constant 126 : i32
    %roll3A_5570 = tpu.dynamic_rotate %select_n3A_5499 by %roll3A_5569 dim 1 : vector<32x128xf32>, i32 -> vector<32x128xf32>
    %min3A_5571 = arith.minimumf %select_n3A_5499, %roll3A_5570 : vector<32x128xf32>
    %max3A_5572 = arith.maximumf %select_n3A_5499, %roll3A_5570 : vector<32x128xf32>
    %roll3A_5573 = arith.constant 2 : i32
    %roll3A_5574 = tpu.dynamic_rotate %max3A_5572 by %roll3A_5573 dim 1 : vector<32x128xf32>, i32 -> vector<32x128xf32>
    %broadcast_in_dim3A_5575 = vector.shape_cast %ne3A_5514 : vector<1x128xi1> to vector<1x128xi1>
    %broadcast_in_dim3A_5576 = vector.broadcast %broadcast_in_dim3A_5575 : vector<1x128xi1> to vector<32x128xi1>
    %select_n3A_5577 = arith.select %broadcast_in_dim3A_5576, %roll3A_5574, %min3A_5571 : vector<32x128xi1>, vector<32x128xf32>
    %roll3A_5578 = arith.constant 126 : i32
    %roll3A_5579 = tpu.dynamic_rotate %select_n3A_5508 by %roll3A_5578 dim 1 : vector<32x128xf32>, i32 -> vector<32x128xf32>
    %min3A_5580 = arith.minimumf %select_n3A_5508, %roll3A_5579 : vector<32x128xf32>
    %max3A_5581 = arith.maximumf %select_n3A_5508, %roll3A_5579 : vector<32x128xf32>
    %roll3A_5582 = arith.constant 2 : i32
    %roll3A_5583 = tpu.dynamic_rotate %max3A_5581 by %roll3A_5582 dim 1 : vector<32x128xf32>, i32 -> vector<32x128xf32>
    %broadcast_in_dim3A_5584 = vector.shape_cast %ne3A_5514 : vector<1x128xi1> to vector<1x128xi1>
    %broadcast_in_dim3A_5585 = vector.broadcast %broadcast_in_dim3A_5584 : vector<1x128xi1> to vector<32x128xi1>
    %select_n3A_5586 = arith.select %broadcast_in_dim3A_5585, %roll3A_5583, %min3A_5580 : vector<32x128xi1>, vector<32x128xf32>
    %and3A_5587 = arith.constant 1 : i32
    %and3A_5588 = vector.broadcast %and3A_5587 : i32 to vector<1x128xi32>
    %and3A_5589 = arith.andi %iota3A_2862, %and3A_5588 : vector<1x128xi32>
    %ne3A_5590 = arith.constant 0 : i32
    %ne3A_5591 = vector.broadcast %ne3A_5590 : i32 to vector<1x128xi32>
    %ne3A_5592 = arith.cmpi ne, %and3A_5589, %ne3A_5591 : vector<1x128xi32>
    %roll3A_5593 = arith.constant 127 : i32
    %roll3A_5594 = tpu.dynamic_rotate %select_n3A_5523 by %roll3A_5593 dim 1 : vector<32x128xf32>, i32 -> vector<32x128xf32>
    %min3A_5595 = arith.minimumf %select_n3A_5523, %roll3A_5594 : vector<32x128xf32>
    %max3A_5596 = arith.maximumf %select_n3A_5523, %roll3A_5594 : vector<32x128xf32>
    %roll3A_5597 = arith.constant 1 : i32
    %roll3A_5598 = tpu.dynamic_rotate %max3A_5596 by %roll3A_5597 dim 1 : vector<32x128xf32>, i32 -> vector<32x128xf32>
    %broadcast_in_dim3A_5599 = vector.shape_cast %ne3A_5592 : vector<1x128xi1> to vector<1x128xi1>
    %broadcast_in_dim3A_5600 = vector.broadcast %broadcast_in_dim3A_5599 : vector<1x128xi1> to vector<32x128xi1>
    %select_n3A_5601 = arith.select %broadcast_in_dim3A_5600, %roll3A_5598, %min3A_5595 : vector<32x128xi1>, vector<32x128xf32>
    %roll3A_5602 = arith.constant 127 : i32
    %roll3A_5603 = tpu.dynamic_rotate %select_n3A_5532 by %roll3A_5602 dim 1 : vector<32x128xf32>, i32 -> vector<32x128xf32>
    %min3A_5604 = arith.minimumf %select_n3A_5532, %roll3A_5603 : vector<32x128xf32>
    %max3A_5605 = arith.maximumf %select_n3A_5532, %roll3A_5603 : vector<32x128xf32>
    %roll3A_5606 = arith.constant 1 : i32
    %roll3A_5607 = tpu.dynamic_rotate %max3A_5605 by %roll3A_5606 dim 1 : vector<32x128xf32>, i32 -> vector<32x128xf32>
    %broadcast_in_dim3A_5608 = vector.shape_cast %ne3A_5592 : vector<1x128xi1> to vector<1x128xi1>
    %broadcast_in_dim3A_5609 = vector.broadcast %broadcast_in_dim3A_5608 : vector<1x128xi1> to vector<32x128xi1>
    %select_n3A_5610 = arith.select %broadcast_in_dim3A_5609, %roll3A_5607, %min3A_5604 : vector<32x128xi1>, vector<32x128xf32>
    %roll3A_5611 = arith.constant 127 : i32
    %roll3A_5612 = tpu.dynamic_rotate %select_n3A_5541 by %roll3A_5611 dim 1 : vector<32x128xf32>, i32 -> vector<32x128xf32>
    %min3A_5613 = arith.minimumf %select_n3A_5541, %roll3A_5612 : vector<32x128xf32>
    %max3A_5614 = arith.maximumf %select_n3A_5541, %roll3A_5612 : vector<32x128xf32>
    %roll3A_5615 = arith.constant 1 : i32
    %roll3A_5616 = tpu.dynamic_rotate %max3A_5614 by %roll3A_5615 dim 1 : vector<32x128xf32>, i32 -> vector<32x128xf32>
    %broadcast_in_dim3A_5617 = vector.shape_cast %ne3A_5592 : vector<1x128xi1> to vector<1x128xi1>
    %broadcast_in_dim3A_5618 = vector.broadcast %broadcast_in_dim3A_5617 : vector<1x128xi1> to vector<32x128xi1>
    %select_n3A_5619 = arith.select %broadcast_in_dim3A_5618, %roll3A_5616, %min3A_5613 : vector<32x128xi1>, vector<32x128xf32>
    %roll3A_5620 = arith.constant 127 : i32
    %roll3A_5621 = tpu.dynamic_rotate %select_n3A_5550 by %roll3A_5620 dim 1 : vector<32x128xf32>, i32 -> vector<32x128xf32>
    %min3A_5622 = arith.minimumf %select_n3A_5550, %roll3A_5621 : vector<32x128xf32>
    %max3A_5623 = arith.maximumf %select_n3A_5550, %roll3A_5621 : vector<32x128xf32>
    %roll3A_5624 = arith.constant 1 : i32
    %roll3A_5625 = tpu.dynamic_rotate %max3A_5623 by %roll3A_5624 dim 1 : vector<32x128xf32>, i32 -> vector<32x128xf32>
    %broadcast_in_dim3A_5626 = vector.shape_cast %ne3A_5592 : vector<1x128xi1> to vector<1x128xi1>
    %broadcast_in_dim3A_5627 = vector.broadcast %broadcast_in_dim3A_5626 : vector<1x128xi1> to vector<32x128xi1>
    %select_n3A_5628 = arith.select %broadcast_in_dim3A_5627, %roll3A_5625, %min3A_5622 : vector<32x128xi1>, vector<32x128xf32>
    %roll3A_5629 = arith.constant 127 : i32
    %roll3A_5630 = tpu.dynamic_rotate %select_n3A_5559 by %roll3A_5629 dim 1 : vector<32x128xf32>, i32 -> vector<32x128xf32>
    %min3A_5631 = arith.minimumf %select_n3A_5559, %roll3A_5630 : vector<32x128xf32>
    %max3A_5632 = arith.maximumf %select_n3A_5559, %roll3A_5630 : vector<32x128xf32>
    %roll3A_5633 = arith.constant 1 : i32
    %roll3A_5634 = tpu.dynamic_rotate %max3A_5632 by %roll3A_5633 dim 1 : vector<32x128xf32>, i32 -> vector<32x128xf32>
    %broadcast_in_dim3A_5635 = vector.shape_cast %ne3A_5592 : vector<1x128xi1> to vector<1x128xi1>
    %broadcast_in_dim3A_5636 = vector.broadcast %broadcast_in_dim3A_5635 : vector<1x128xi1> to vector<32x128xi1>
    %select_n3A_5637 = arith.select %broadcast_in_dim3A_5636, %roll3A_5634, %min3A_5631 : vector<32x128xi1>, vector<32x128xf32>
    %roll3A_5638 = arith.constant 127 : i32
    %roll3A_5639 = tpu.dynamic_rotate %select_n3A_5568 by %roll3A_5638 dim 1 : vector<32x128xf32>, i32 -> vector<32x128xf32>
    %min3A_5640 = arith.minimumf %select_n3A_5568, %roll3A_5639 : vector<32x128xf32>
    %max3A_5641 = arith.maximumf %select_n3A_5568, %roll3A_5639 : vector<32x128xf32>
    %roll3A_5642 = arith.constant 1 : i32
    %roll3A_5643 = tpu.dynamic_rotate %max3A_5641 by %roll3A_5642 dim 1 : vector<32x128xf32>, i32 -> vector<32x128xf32>
    %broadcast_in_dim3A_5644 = vector.shape_cast %ne3A_5592 : vector<1x128xi1> to vector<1x128xi1>
    %broadcast_in_dim3A_5645 = vector.broadcast %broadcast_in_dim3A_5644 : vector<1x128xi1> to vector<32x128xi1>
    %select_n3A_5646 = arith.select %broadcast_in_dim3A_5645, %roll3A_5643, %min3A_5640 : vector<32x128xi1>, vector<32x128xf32>
    %roll3A_5647 = arith.constant 127 : i32
    %roll3A_5648 = tpu.dynamic_rotate %select_n3A_5577 by %roll3A_5647 dim 1 : vector<32x128xf32>, i32 -> vector<32x128xf32>
    %min3A_5649 = arith.minimumf %select_n3A_5577, %roll3A_5648 : vector<32x128xf32>
    %max3A_5650 = arith.maximumf %select_n3A_5577, %roll3A_5648 : vector<32x128xf32>
    %roll3A_5651 = arith.constant 1 : i32
    %roll3A_5652 = tpu.dynamic_rotate %max3A_5650 by %roll3A_5651 dim 1 : vector<32x128xf32>, i32 -> vector<32x128xf32>
    %broadcast_in_dim3A_5653 = vector.shape_cast %ne3A_5592 : vector<1x128xi1> to vector<1x128xi1>
    %broadcast_in_dim3A_5654 = vector.broadcast %broadcast_in_dim3A_5653 : vector<1x128xi1> to vector<32x128xi1>
    %select_n3A_5655 = arith.select %broadcast_in_dim3A_5654, %roll3A_5652, %min3A_5649 : vector<32x128xi1>, vector<32x128xf32>
    %roll3A_5656 = arith.constant 127 : i32
    %roll3A_5657 = tpu.dynamic_rotate %select_n3A_5586 by %roll3A_5656 dim 1 : vector<32x128xf32>, i32 -> vector<32x128xf32>
    %min3A_5658 = arith.minimumf %select_n3A_5586, %roll3A_5657 : vector<32x128xf32>
    %max3A_5659 = arith.maximumf %select_n3A_5586, %roll3A_5657 : vector<32x128xf32>
    %roll3A_5660 = arith.constant 1 : i32
    %roll3A_5661 = tpu.dynamic_rotate %max3A_5659 by %roll3A_5660 dim 1 : vector<32x128xf32>, i32 -> vector<32x128xf32>
    %broadcast_in_dim3A_5662 = vector.shape_cast %ne3A_5592 : vector<1x128xi1> to vector<1x128xi1>
    %broadcast_in_dim3A_5663 = vector.broadcast %broadcast_in_dim3A_5662 : vector<1x128xi1> to vector<32x128xi1>
    %select_n3A_5664 = arith.select %broadcast_in_dim3A_5663, %roll3A_5661, %min3A_5658 : vector<32x128xi1>, vector<32x128xf32>
    %min3A_5665 = arith.minimumf %select_n3A_5601, %select_n3A_5637 : vector<32x128xf32>
    %max3A_5666 = arith.maximumf %select_n3A_5601, %select_n3A_5637 : vector<32x128xf32>
    %min3A_5667 = arith.minimumf %select_n3A_5610, %select_n3A_5646 : vector<32x128xf32>
    %max3A_5668 = arith.maximumf %select_n3A_5610, %select_n3A_5646 : vector<32x128xf32>
    %min3A_5669 = arith.minimumf %select_n3A_5619, %select_n3A_5655 : vector<32x128xf32>
    %max3A_5670 = arith.maximumf %select_n3A_5619, %select_n3A_5655 : vector<32x128xf32>
    %min3A_5671 = arith.minimumf %select_n3A_5628, %select_n3A_5664 : vector<32x128xf32>
    %max3A_5672 = arith.maximumf %select_n3A_5628, %select_n3A_5664 : vector<32x128xf32>
    %min3A_5673 = arith.minimumf %min3A_5665, %min3A_5669 : vector<32x128xf32>
    %max3A_5674 = arith.maximumf %min3A_5665, %min3A_5669 : vector<32x128xf32>
    %min3A_5675 = arith.minimumf %min3A_5667, %min3A_5671 : vector<32x128xf32>
    %max3A_5676 = arith.maximumf %min3A_5667, %min3A_5671 : vector<32x128xf32>
    %min3A_5677 = arith.minimumf %max3A_5666, %max3A_5670 : vector<32x128xf32>
    %max3A_5678 = arith.maximumf %max3A_5666, %max3A_5670 : vector<32x128xf32>
    %min3A_5679 = arith.minimumf %max3A_5668, %max3A_5672 : vector<32x128xf32>
    %max3A_5680 = arith.maximumf %max3A_5668, %max3A_5672 : vector<32x128xf32>
    %min3A_5681 = arith.minimumf %min3A_5673, %min3A_5675 : vector<32x128xf32>
    %max3A_5682 = arith.maximumf %min3A_5673, %min3A_5675 : vector<32x128xf32>
    %min3A_5683 = arith.minimumf %max3A_5674, %max3A_5676 : vector<32x128xf32>
    %max3A_5684 = arith.maximumf %max3A_5674, %max3A_5676 : vector<32x128xf32>
    %min3A_5685 = arith.minimumf %min3A_5677, %min3A_5679 : vector<32x128xf32>
    %max3A_5686 = arith.maximumf %min3A_5677, %min3A_5679 : vector<32x128xf32>
    %min3A_5687 = arith.minimumf %max3A_5678, %max3A_5680 : vector<32x128xf32>
    %max3A_5688 = arith.maximumf %max3A_5678, %max3A_5680 : vector<32x128xf32>
    %sub3A = arith.subf %min3A_5681, %min3A_2830 : vector<32x128xf32>
    %mul3A_5689 = arith.constant 2.000000e+00 : f32
    %mul3A_5690 = vector.broadcast %mul3A_5689 : f32 to vector<32x128xf32>
    %mul3A_5691 = arith.mulf %mul3A_5690, %sub3A : vector<32x128xf32>
    %logistic3A = arith.negf %mul3A_5691 : vector<32x128xf32>
    %logistic3A_5692 = math.exp %logistic3A : vector<32x128xf32>
    %logistic3A_5693 = arith.constant 1.000000e+00 : f32
    %logistic3A_5694 = vector.broadcast %logistic3A_5693 : f32 to vector<32x128xf32>
    %logistic3A_5695 = arith.addf %logistic3A_5694, %logistic3A_5692 : vector<32x128xf32>
    %logistic3A_5696 = arith.divf %logistic3A_5694, %logistic3A_5695 : vector<32x128xf32>
    %mul3A_5697 = arith.constant 4.000000e+00 : f32
    %mul3A_5698 = vector.broadcast %mul3A_5697 : f32 to vector<32x128xf32>
    %mul3A_5699 = arith.mulf %mul3A_5698, %logistic3A_5696 : vector<32x128xf32>
    %mul3A_5700 = arith.constant -2.000000e+00 : f32
    %mul3A_5701 = vector.broadcast %mul3A_5700 : f32 to vector<32x128xf32>
    %mul3A_5702 = arith.mulf %mul3A_5701, %sub3A : vector<32x128xf32>
    %logistic3A_5703 = arith.negf %mul3A_5702 : vector<32x128xf32>
    %logistic3A_5704 = math.exp %logistic3A_5703 : vector<32x128xf32>
    %logistic3A_5705 = arith.constant 1.000000e+00 : f32
    %logistic3A_5706 = vector.broadcast %logistic3A_5705 : f32 to vector<32x128xf32>
    %logistic3A_5707 = arith.addf %logistic3A_5706, %logistic3A_5704 : vector<32x128xf32>
    %logistic3A_5708 = arith.divf %logistic3A_5706, %logistic3A_5707 : vector<32x128xf32>
    %mul3A_5709 = arith.mulf %mul3A_5699, %logistic3A_5708 : vector<32x128xf32>
    %swap3A = arith.constant 0 : index
    %swap3A_5710 = arith.constant 0 : index
    %swap3A_5711 = arith.constant 0 : index
    %swap3A_5712 = vector.load %arg3[%swap3A, %swap3A_5710, %swap3A_5711] : memref<8x32x128xf32, #tpu.memory_space<vmem>>, vector<1x32x128xf32>
    %swap3A_5713 = vector.shape_cast %swap3A_5712 : vector<1x32x128xf32> to vector<32x128xf32>
    %swap3A_5714 = vector.shape_cast %mul3A_5709 : vector<32x128xf32> to vector<1x32x128xf32>
    tpu.vector_store %arg3[%swap3A, %swap3A_5710, %swap3A_5711], %swap3A_5714 {strides = array<i32>} : memref<8x32x128xf32, #tpu.memory_space<vmem>>, vector<1x32x128xf32>,
    %sub3A_5715 = arith.subf %max3A_5682, %max3A_2831 : vector<32x128xf32>
    %mul3A_5716 = arith.constant 2.000000e+00 : f32
    %mul3A_5717 = vector.broadcast %mul3A_5716 : f32 to vector<32x128xf32>
    %mul3A_5718 = arith.mulf %mul3A_5717, %sub3A_5715 : vector<32x128xf32>
    %logistic3A_5719 = arith.negf %mul3A_5718 : vector<32x128xf32>
    %logistic3A_5720 = math.exp %logistic3A_5719 : vector<32x128xf32>
    %logistic3A_5721 = arith.constant 1.000000e+00 : f32
    %logistic3A_5722 = vector.broadcast %logistic3A_5721 : f32 to vector<32x128xf32>
    %logistic3A_5723 = arith.addf %logistic3A_5722, %logistic3A_5720 : vector<32x128xf32>
    %logistic3A_5724 = arith.divf %logistic3A_5722, %logistic3A_5723 : vector<32x128xf32>
    %mul3A_5725 = arith.constant 4.000000e+00 : f32
    %mul3A_5726 = vector.broadcast %mul3A_5725 : f32 to vector<32x128xf32>
    %mul3A_5727 = arith.mulf %mul3A_5726, %logistic3A_5724 : vector<32x128xf32>
    %mul3A_5728 = arith.constant -2.000000e+00 : f32
    %mul3A_5729 = vector.broadcast %mul3A_5728 : f32 to vector<32x128xf32>
    %mul3A_5730 = arith.mulf %mul3A_5729, %sub3A_5715 : vector<32x128xf32>
    %logistic3A_5731 = arith.negf %mul3A_5730 : vector<32x128xf32>
    %logistic3A_5732 = math.exp %logistic3A_5731 : vector<32x128xf32>
    %logistic3A_5733 = arith.constant 1.000000e+00 : f32
    %logistic3A_5734 = vector.broadcast %logistic3A_5733 : f32 to vector<32x128xf32>
    %logistic3A_5735 = arith.addf %logistic3A_5734, %logistic3A_5732 : vector<32x128xf32>
    %logistic3A_5736 = arith.divf %logistic3A_5734, %logistic3A_5735 : vector<32x128xf32>
    %mul3A_5737 = arith.mulf %mul3A_5727, %logistic3A_5736 : vector<32x128xf32>
    %swap3A_5738 = arith.constant 1 : index
    %swap3A_5739 = arith.constant 0 : index
    %swap3A_5740 = arith.constant 0 : index
    %swap3A_5741 = vector.load %arg3[%swap3A_5738, %swap3A_5739, %swap3A_5740] : memref<8x32x128xf32, #tpu.memory_space<vmem>>, vector<1x32x128xf32>
    %swap3A_5742 = vector.shape_cast %swap3A_5741 : vector<1x32x128xf32> to vector<32x128xf32>
    %swap3A_5743 = vector.shape_cast %mul3A_5737 : vector<32x128xf32> to vector<1x32x128xf32>
    tpu.vector_store %arg3[%swap3A_5738, %swap3A_5739, %swap3A_5740], %swap3A_5743 {strides = array<i32>} : memref<8x32x128xf32, #tpu.memory_space<vmem>>, vector<1x32x128xf32>,
    %sub3A_5744 = arith.subf %min3A_5683, %min3A_2832 : vector<32x128xf32>
    %mul3A_5745 = arith.constant 2.000000e+00 : f32
    %mul3A_5746 = vector.broadcast %mul3A_5745 : f32 to vector<32x128xf32>
    %mul3A_5747 = arith.mulf %mul3A_5746, %sub3A_5744 : vector<32x128xf32>
    %logistic3A_5748 = arith.negf %mul3A_5747 : vector<32x128xf32>
    %logistic3A_5749 = math.exp %logistic3A_5748 : vector<32x128xf32>
    %logistic3A_5750 = arith.constant 1.000000e+00 : f32
    %logistic3A_5751 = vector.broadcast %logistic3A_5750 : f32 to vector<32x128xf32>
    %logistic3A_5752 = arith.addf %logistic3A_5751, %logistic3A_5749 : vector<32x128xf32>
    %logistic3A_5753 = arith.divf %logistic3A_5751, %logistic3A_5752 : vector<32x128xf32>
    %mul3A_5754 = arith.constant 4.000000e+00 : f32
    %mul3A_5755 = vector.broadcast %mul3A_5754 : f32 to vector<32x128xf32>
    %mul3A_5756 = arith.mulf %mul3A_5755, %logistic3A_5753 : vector<32x128xf32>
    %mul3A_5757 = arith.constant -2.000000e+00 : f32
    %mul3A_5758 = vector.broadcast %mul3A_5757 : f32 to vector<32x128xf32>
    %mul3A_5759 = arith.mulf %mul3A_5758, %sub3A_5744 : vector<32x128xf32>
    %logistic3A_5760 = arith.negf %mul3A_5759 : vector<32x128xf32>
    %logistic3A_5761 = math.exp %logistic3A_5760 : vector<32x128xf32>
    %logistic3A_5762 = arith.constant 1.000000e+00 : f32
    %logistic3A_5763 = vector.broadcast %logistic3A_5762 : f32 to vector<32x128xf32>
    %logistic3A_5764 = arith.addf %logistic3A_5763, %logistic3A_5761 : vector<32x128xf32>
    %logistic3A_5765 = arith.divf %logistic3A_5763, %logistic3A_5764 : vector<32x128xf32>
    %mul3A_5766 = arith.mulf %mul3A_5756, %logistic3A_5765 : vector<32x128xf32>
    %swap3A_5767 = arith.constant 2 : index
    %swap3A_5768 = arith.constant 0 : index
    %swap3A_5769 = arith.constant 0 : index
    %swap3A_5770 = vector.load %arg3[%swap3A_5767, %swap3A_5768, %swap3A_5769] : memref<8x32x128xf32, #tpu.memory_space<vmem>>, vector<1x32x128xf32>
    %swap3A_5771 = vector.shape_cast %swap3A_5770 : vector<1x32x128xf32> to vector<32x128xf32>
    %swap3A_5772 = vector.shape_cast %mul3A_5766 : vector<32x128xf32> to vector<1x32x128xf32>
    tpu.vector_store %arg3[%swap3A_5767, %swap3A_5768, %swap3A_5769], %swap3A_5772 {strides = array<i32>} : memref<8x32x128xf32, #tpu.memory_space<vmem>>, vector<1x32x128xf32>,
    %sub3A_5773 = arith.subf %max3A_5684, %max3A_2833 : vector<32x128xf32>
    %mul3A_5774 = arith.constant 2.000000e+00 : f32
    %mul3A_5775 = vector.broadcast %mul3A_5774 : f32 to vector<32x128xf32>
    %mul3A_5776 = arith.mulf %mul3A_5775, %sub3A_5773 : vector<32x128xf32>
    %logistic3A_5777 = arith.negf %mul3A_5776 : vector<32x128xf32>
    %logistic3A_5778 = math.exp %logistic3A_5777 : vector<32x128xf32>
    %logistic3A_5779 = arith.constant 1.000000e+00 : f32
    %logistic3A_5780 = vector.broadcast %logistic3A_5779 : f32 to vector<32x128xf32>
    %logistic3A_5781 = arith.addf %logistic3A_5780, %logistic3A_5778 : vector<32x128xf32>
    %logistic3A_5782 = arith.divf %logistic3A_5780, %logistic3A_5781 : vector<32x128xf32>
    %mul3A_5783 = arith.constant 4.000000e+00 : f32
    %mul3A_5784 = vector.broadcast %mul3A_5783 : f32 to vector<32x128xf32>
    %mul3A_5785 = arith.mulf %mul3A_5784, %logistic3A_5782 : vector<32x128xf32>
    %mul3A_5786 = arith.constant -2.000000e+00 : f32
    %mul3A_5787 = vector.broadcast %mul3A_5786 : f32 to vector<32x128xf32>
    %mul3A_5788 = arith.mulf %mul3A_5787, %sub3A_5773 : vector<32x128xf32>
    %logistic3A_5789 = arith.negf %mul3A_5788 : vector<32x128xf32>
    %logistic3A_5790 = math.exp %logistic3A_5789 : vector<32x128xf32>
    %logistic3A_5791 = arith.constant 1.000000e+00 : f32
    %logistic3A_5792 = vector.broadcast %logistic3A_5791 : f32 to vector<32x128xf32>
    %logistic3A_5793 = arith.addf %logistic3A_5792, %logistic3A_5790 : vector<32x128xf32>
    %logistic3A_5794 = arith.divf %logistic3A_5792, %logistic3A_5793 : vector<32x128xf32>
    %mul3A_5795 = arith.mulf %mul3A_5785, %logistic3A_5794 : vector<32x128xf32>
    %swap3A_5796 = arith.constant 3 : index
    %swap3A_5797 = arith.constant 0 : index
    %swap3A_5798 = arith.constant 0 : index
    %swap3A_5799 = vector.load %arg3[%swap3A_5796, %swap3A_5797, %swap3A_5798] : memref<8x32x128xf32, #tpu.memory_space<vmem>>, vector<1x32x128xf32>
    %swap3A_5800 = vector.shape_cast %swap3A_5799 : vector<1x32x128xf32> to vector<32x128xf32>
    %swap3A_5801 = vector.shape_cast %mul3A_5795 : vector<32x128xf32> to vector<1x32x128xf32>
    tpu.vector_store %arg3[%swap3A_5796, %swap3A_5797, %swap3A_5798], %swap3A_5801 {strides = array<i32>} : memref<8x32x128xf32, #tpu.memory_space<vmem>>, vector<1x32x128xf32>,
    %sub3A_5802 = arith.subf %min3A_5685, %min3A_2834 : vector<32x128xf32>
    %mul3A_5803 = arith.constant 2.000000e+00 : f32
    %mul3A_5804 = vector.broadcast %mul3A_5803 : f32 to vector<32x128xf32>
    %mul3A_5805 = arith.mulf %mul3A_5804, %sub3A_5802 : vector<32x128xf32>
    %logistic3A_5806 = arith.negf %mul3A_5805 : vector<32x128xf32>
    %logistic3A_5807 = math.exp %logistic3A_5806 : vector<32x128xf32>
    %logistic3A_5808 = arith.constant 1.000000e+00 : f32
    %logistic3A_5809 = vector.broadcast %logistic3A_5808 : f32 to vector<32x128xf32>
    %logistic3A_5810 = arith.addf %logistic3A_5809, %logistic3A_5807 : vector<32x128xf32>
    %logistic3A_5811 = arith.divf %logistic3A_5809, %logistic3A_5810 : vector<32x128xf32>
    %mul3A_5812 = arith.constant 4.000000e+00 : f32
    %mul3A_5813 = vector.broadcast %mul3A_5812 : f32 to vector<32x128xf32>
    %mul3A_5814 = arith.mulf %mul3A_5813, %logistic3A_5811 : vector<32x128xf32>
    %mul3A_5815 = arith.constant -2.000000e+00 : f32
    %mul3A_5816 = vector.broadcast %mul3A_5815 : f32 to vector<32x128xf32>
    %mul3A_5817 = arith.mulf %mul3A_5816, %sub3A_5802 : vector<32x128xf32>
    %logistic3A_5818 = arith.negf %mul3A_5817 : vector<32x128xf32>
    %logistic3A_5819 = math.exp %logistic3A_5818 : vector<32x128xf32>
    %logistic3A_5820 = arith.constant 1.000000e+00 : f32
    %logistic3A_5821 = vector.broadcast %logistic3A_5820 : f32 to vector<32x128xf32>
    %logistic3A_5822 = arith.addf %logistic3A_5821, %logistic3A_5819 : vector<32x128xf32>
    %logistic3A_5823 = arith.divf %logistic3A_5821, %logistic3A_5822 : vector<32x128xf32>
    %mul3A_5824 = arith.mulf %mul3A_5814, %logistic3A_5823 : vector<32x128xf32>
    %swap3A_5825 = arith.constant 4 : index
    %swap3A_5826 = arith.constant 0 : index
    %swap3A_5827 = arith.constant 0 : index
    %swap3A_5828 = vector.load %arg3[%swap3A_5825, %swap3A_5826, %swap3A_5827] : memref<8x32x128xf32, #tpu.memory_space<vmem>>, vector<1x32x128xf32>
    %swap3A_5829 = vector.shape_cast %swap3A_5828 : vector<1x32x128xf32> to vector<32x128xf32>
    %swap3A_5830 = vector.shape_cast %mul3A_5824 : vector<32x128xf32> to vector<1x32x128xf32>
    tpu.vector_store %arg3[%swap3A_5825, %swap3A_5826, %swap3A_5827], %swap3A_5830 {strides = array<i32>} : memref<8x32x128xf32, #tpu.memory_space<vmem>>, vector<1x32x128xf32>,
    %sub3A_5831 = arith.subf %max3A_5686, %max3A_2835 : vector<32x128xf32>
    %mul3A_5832 = arith.constant 2.000000e+00 : f32
    %mul3A_5833 = vector.broadcast %mul3A_5832 : f32 to vector<32x128xf32>
    %mul3A_5834 = arith.mulf %mul3A_5833, %sub3A_5831 : vector<32x128xf32>
    %logistic3A_5835 = arith.negf %mul3A_5834 : vector<32x128xf32>
    %logistic3A_5836 = math.exp %logistic3A_5835 : vector<32x128xf32>
    %logistic3A_5837 = arith.constant 1.000000e+00 : f32
    %logistic3A_5838 = vector.broadcast %logistic3A_5837 : f32 to vector<32x128xf32>
    %logistic3A_5839 = arith.addf %logistic3A_5838, %logistic3A_5836 : vector<32x128xf32>
    %logistic3A_5840 = arith.divf %logistic3A_5838, %logistic3A_5839 : vector<32x128xf32>
    %mul3A_5841 = arith.constant 4.000000e+00 : f32
    %mul3A_5842 = vector.broadcast %mul3A_5841 : f32 to vector<32x128xf32>
    %mul3A_5843 = arith.mulf %mul3A_5842, %logistic3A_5840 : vector<32x128xf32>
    %mul3A_5844 = arith.constant -2.000000e+00 : f32
    %mul3A_5845 = vector.broadcast %mul3A_5844 : f32 to vector<32x128xf32>
    %mul3A_5846 = arith.mulf %mul3A_5845, %sub3A_5831 : vector<32x128xf32>
    %logistic3A_5847 = arith.negf %mul3A_5846 : vector<32x128xf32>
    %logistic3A_5848 = math.exp %logistic3A_5847 : vector<32x128xf32>
    %logistic3A_5849 = arith.constant 1.000000e+00 : f32
    %logistic3A_5850 = vector.broadcast %logistic3A_5849 : f32 to vector<32x128xf32>
    %logistic3A_5851 = arith.addf %logistic3A_5850, %logistic3A_5848 : vector<32x128xf32>
    %logistic3A_5852 = arith.divf %logistic3A_5850, %logistic3A_5851 : vector<32x128xf32>
    %mul3A_5853 = arith.mulf %mul3A_5843, %logistic3A_5852 : vector<32x128xf32>
    %swap3A_5854 = arith.constant 5 : index
    %swap3A_5855 = arith.constant 0 : index
    %swap3A_5856 = arith.constant 0 : index
    %swap3A_5857 = vector.load %arg3[%swap3A_5854, %swap3A_5855, %swap3A_5856] : memref<8x32x128xf32, #tpu.memory_space<vmem>>, vector<1x32x128xf32>
    %swap3A_5858 = vector.shape_cast %swap3A_5857 : vector<1x32x128xf32> to vector<32x128xf32>
    %swap3A_5859 = vector.shape_cast %mul3A_5853 : vector<32x128xf32> to vector<1x32x128xf32>
    tpu.vector_store %arg3[%swap3A_5854, %swap3A_5855, %swap3A_5856], %swap3A_5859 {strides = array<i32>} : memref<8x32x128xf32, #tpu.memory_space<vmem>>, vector<1x32x128xf32>,
    %sub3A_5860 = arith.subf %min3A_5687, %min3A_2836 : vector<32x128xf32>
    %mul3A_5861 = arith.constant 2.000000e+00 : f32
    %mul3A_5862 = vector.broadcast %mul3A_5861 : f32 to vector<32x128xf32>
    %mul3A_5863 = arith.mulf %mul3A_5862, %sub3A_5860 : vector<32x128xf32>
    %logistic3A_5864 = arith.negf %mul3A_5863 : vector<32x128xf32>
    %logistic3A_5865 = math.exp %logistic3A_5864 : vector<32x128xf32>
    %logistic3A_5866 = arith.constant 1.000000e+00 : f32
    %logistic3A_5867 = vector.broadcast %logistic3A_5866 : f32 to vector<32x128xf32>
    %logistic3A_5868 = arith.addf %logistic3A_5867, %logistic3A_5865 : vector<32x128xf32>
    %logistic3A_5869 = arith.divf %logistic3A_5867, %logistic3A_5868 : vector<32x128xf32>
    %mul3A_5870 = arith.constant 4.000000e+00 : f32
    %mul3A_5871 = vector.broadcast %mul3A_5870 : f32 to vector<32x128xf32>
    %mul3A_5872 = arith.mulf %mul3A_5871, %logistic3A_5869 : vector<32x128xf32>
    %mul3A_5873 = arith.constant -2.000000e+00 : f32
    %mul3A_5874 = vector.broadcast %mul3A_5873 : f32 to vector<32x128xf32>
    %mul3A_5875 = arith.mulf %mul3A_5874, %sub3A_5860 : vector<32x128xf32>
    %logistic3A_5876 = arith.negf %mul3A_5875 : vector<32x128xf32>
    %logistic3A_5877 = math.exp %logistic3A_5876 : vector<32x128xf32>
    %logistic3A_5878 = arith.constant 1.000000e+00 : f32
    %logistic3A_5879 = vector.broadcast %logistic3A_5878 : f32 to vector<32x128xf32>
    %logistic3A_5880 = arith.addf %logistic3A_5879, %logistic3A_5877 : vector<32x128xf32>
    %logistic3A_5881 = arith.divf %logistic3A_5879, %logistic3A_5880 : vector<32x128xf32>
    %mul3A_5882 = arith.mulf %mul3A_5872, %logistic3A_5881 : vector<32x128xf32>
    %swap3A_5883 = arith.constant 6 : index
    %swap3A_5884 = arith.constant 0 : index
    %swap3A_5885 = arith.constant 0 : index
    %swap3A_5886 = vector.load %arg3[%swap3A_5883, %swap3A_5884, %swap3A_5885] : memref<8x32x128xf32, #tpu.memory_space<vmem>>, vector<1x32x128xf32>
    %swap3A_5887 = vector.shape_cast %swap3A_5886 : vector<1x32x128xf32> to vector<32x128xf32>
    %swap3A_5888 = vector.shape_cast %mul3A_5882 : vector<32x128xf32> to vector<1x32x128xf32>
    tpu.vector_store %arg3[%swap3A_5883, %swap3A_5884, %swap3A_5885], %swap3A_5888 {strides = array<i32>} : memref<8x32x128xf32, #tpu.memory_space<vmem>>, vector<1x32x128xf32>,
    %sub3A_5889 = arith.subf %max3A_5688, %max3A_2837 : vector<32x128xf32>
    %mul3A_5890 = arith.constant 2.000000e+00 : f32
    %mul3A_5891 = vector.broadcast %mul3A_5890 : f32 to vector<32x128xf32>
    %mul3A_5892 = arith.mulf %mul3A_5891, %sub3A_5889 : vector<32x128xf32>
    %logistic3A_5893 = arith.negf %mul3A_5892 : vector<32x128xf32>
    %logistic3A_5894 = math.exp %logistic3A_5893 : vector<32x128xf32>
    %logistic3A_5895 = arith.constant 1.000000e+00 : f32
    %logistic3A_5896 = vector.broadcast %logistic3A_5895 : f32 to vector<32x128xf32>
    %logistic3A_5897 = arith.addf %logistic3A_5896, %logistic3A_5894 : vector<32x128xf32>
    %logistic3A_5898 = arith.divf %logistic3A_5896, %logistic3A_5897 : vector<32x128xf32>
    %mul3A_5899 = arith.constant 4.000000e+00 : f32
    %mul3A_5900 = vector.broadcast %mul3A_5899 : f32 to vector<32x128xf32>
    %mul3A_5901 = arith.mulf %mul3A_5900, %logistic3A_5898 : vector<32x128xf32>
    %mul3A_5902 = arith.constant -2.000000e+00 : f32
    %mul3A_5903 = vector.broadcast %mul3A_5902 : f32 to vector<32x128xf32>
    %mul3A_5904 = arith.mulf %mul3A_5903, %sub3A_5889 : vector<32x128xf32>
    %logistic3A_5905 = arith.negf %mul3A_5904 : vector<32x128xf32>
    %logistic3A_5906 = math.exp %logistic3A_5905 : vector<32x128xf32>
    %logistic3A_5907 = arith.constant 1.000000e+00 : f32
    %logistic3A_5908 = vector.broadcast %logistic3A_5907 : f32 to vector<32x128xf32>
    %logistic3A_5909 = arith.addf %logistic3A_5908, %logistic3A_5906 : vector<32x128xf32>
    %logistic3A_5910 = arith.divf %logistic3A_5908, %logistic3A_5909 : vector<32x128xf32>
    %mul3A_5911 = arith.mulf %mul3A_5901, %logistic3A_5910 : vector<32x128xf32>
    %swap3A_5912 = arith.constant 7 : index
    %swap3A_5913 = arith.constant 0 : index
    %swap3A_5914 = arith.constant 0 : index
    %swap3A_5915 = vector.load %arg3[%swap3A_5912, %swap3A_5913, %swap3A_5914] : memref<8x32x128xf32, #tpu.memory_space<vmem>>, vector<1x32x128xf32>
    %swap3A_5916 = vector.shape_cast %swap3A_5915 : vector<1x32x128xf32> to vector<32x128xf32>
    %swap3A_5917 = vector.shape_cast %mul3A_5911 : vector<32x128xf32> to vector<1x32x128xf32>
    tpu.vector_store %arg3[%swap3A_5912, %swap3A_5913, %swap3A_5914], %swap3A_5917 {strides = array<i32>} : memref<8x32x128xf32, #tpu.memory_space<vmem>>, vector<1x32x128xf32>,
    return
  }
  func.func @transform_0(%arg0: i32) -> (i32, i32) {
    %c0_i32 = arith.constant 0 : i32
    %c0_i32_0 = arith.constant 0 : i32
    return %arg0, %c0_i32 : i32, i32
  }
  func.func @transform_1(%arg0: i32) -> (i32, i32) {
    %c0_i32 = arith.constant 0 : i32
    %c0_i32_0 = arith.constant 0 : i32
    return %arg0, %c0_i32 : i32, i32
  }
  func.func @transform_2(%arg0: i32) -> (i32, i32, i32) {
    %c0_i32 = arith.constant 0 : i32
    %c0_i32_0 = arith.constant 0 : i32
    %c0_i32_1 = arith.constant 0 : i32
    return %c0_i32, %arg0, %c0_i32_0 : i32, i32, i32
  }
}

</mosaic_0001>

<sc_bundles>
// kernel: sparse-core-data-format-call.1.cloned.1.call-start
scs
called_computation.1_lowered:
.L_overlay_start_0:
0x0: {  	s2 =	sld [smem:$0x3FD9]  }
0x1: {  	s3 =	sld [smem:$0x3FFE];
	_ =	sdelay $0x1  }
0x2: {  	s1 =	srdreg.scid  }
0x3: {  	s0 =	sand.u32 $0x1, s1  }
0x4: {  	s18 =	sshll.u32 s0, $0xA;
	s2 =	sadd.s32 s3, s2  }
0x5: {  	s2 =	sadd.s32 s2, s18  }
0x6: {  	[smem:$0x3FC6] =	sst s2  }
0x7: {  	_ = 	snop  }
0x8: {  	s2 =	sld [smem:$0x3FD0];
	(tm) =	ssettm $0x1  }
0x9: {  	s19 =	sld [smem:$0x3FFB];
	_ =	sdelay $0x3  }
0xa: {  	_ =	strace s19  }
0xb: {  	s3 =	sld [smem:$0x3FFC];
	_ =	sdelay $0x3  }
0xc: {  	_ =	strace s3  }
0xd: {  	s3 =	sld [smem:$0x3FFD];
	_ =	sdelay $0x3  }
0xe: {  	_ =	strace s3  }
0xf: {  	_ =	strace $0x8FFFFFFF  }
0x10: {  	s20 =	sld [smem:$0x3FDB];
	_ =	sdelay $0x1  }
0x11: {  	s4 =	simm.s32 $_scs_section_size  }
0x12: {  	s5 =	simm.s32 $_size__tile_overlayer_lowered;
	s6 =	simm.s32 $_tile_overlayer_lowered  }
0x13: {  	s23 =	simm.s32 $0x1BFF;
	s22 =	sshll.u32 s6, $0x1;
	s3 =	sadd.s32 s4, s20  }
0x14: {  	s7 =	simm.s32 $0x0;
	s21 =	sshll.u32 s5, $0x1;
	s5 =	sadd.s32 s22, s3  }
0x15: {  	[timem:s7], [sflag:s23] =	dma.local [hbm:s5], s21  }
0x16: {  	_ =	swait.ge [sflag:s23], s21  }
0x17: {  	s4 =	ssub.s32 $0x0, s21;
	[sflag:s23] =	ssyncset.done $0x0  }
0x18: {  	[sflag:s23] =	ssyncadd.s32 s4;
	_ =	sdelay $0x1  }
0x19: {  	s24 =	simm.s32 $0x1B8B  }
0x1a: {  	_ =	swait.ge [sflag:s24], $0x1  }
0x1b: {  	[sflag:s24] =	ssyncset.done $0x0  }
0x1c: {  	s26 =	simm.s32 $0x1B8E;
	s25 =	sld [smem:$0x3FFE];
	[sflag:s24] =	ssyncadd.s32 $0xFFFFFFFF  }
0x1d: {  	s27 =	simm.s32 $execute0_lowered;
	[smem:$0x3FD2] =	sst s26  }
0x1e: {  	s5 =	sshll.u32 s27, $0x1;
	_ =	strace $0x80000046;
	[dreg:$0x1] =	wrdreg $0xFFFFFFFF  }
0x1f: {  	s28 =	simm.s32 $_size_execute0_lowered;
	s3 =	sadd.s32 s3, s5;
	[dreg:$0x0] =	wrdreg $0x0  }
0x20: {  	s5 =	sshll.u32 s28, $0x1;
	[dreg:$0x2] =	wrdreg s3  }
0x21: {  	[dreg:$0x3] =	wrdreg s5  }
0x22: {  	[dreg:$0x4] =	wrdreg $0xC0  }
0x23: {  	_ =	task [dreg:s7], $0x5FFFF  }
0x24: {  	[dreg:$0x1] =	wrdreg $0xFFFFFFFF  }
0x25: {  	[dreg:$0x0] =	wrdreg $0x60  }
0x26: {  	[dreg:$0x2] =	wrdreg s2  }
0x27: {  	[dreg:$0x3] =	wrdreg s25  }
0x28: {  	[dreg:$0x4] =	wrdreg $0x9  }
0x29: {  	_ =	task.clear_ibuf [dreg:s7], $0x5FFFF;
	_ =	strace $0x90000046  }
0x2a: {  	s29 =	simm.s32 $0x9;
	_ =	strace $0x80000048  }
0x2b: {  	_ =	swait.ge [sflag:s29], $0x1  }
0x2c: {  	[sflag:s29] =	ssyncadd.s32 $0xFFFFFFFF  }
0x2d: {  	_ =	strace $0x90000048  }
0x2e: {  	_ =	sfence  }
0x2f: {  	s30 =	sld [smem:$0x0];
	_ =	sdelay $0x2  }
0x30: {  	s31 =	sshll.u32 s1, $0xD;
	s1 =	sshrl.u32 s1, $0x2  }
0x31: {  	s3 =	sand.u32 $0x4000, s31;
	s1 =	sadd.s32 s1, s30  }
0x32: {  	s0 =	sor.u32 s3, s0;
	s1 =	sshll.u32 s1, $0x11  }
0x33: {  	s0 =	sor.u32 s1, s0  }
0x34: {  	s0 =	sadd.s32 $0x8F2B, s0  }
0x35: {  	[sflag:s0] =	ssyncadd.remote.s32 $0x1  }
0x36: {  	_ =	sfence.sel $0xFFFF  }
0x37: {  	[dreg:$0x0] =	wrdreg $0xFFFFFFFF;
	(pc) =	sbr.abs _section_cstart, $3  }
0x38: {  	[dreg:$0x1] =	wrdreg $0xFFFFFFFF  }
0x39: {  	_ =	task.clear_ibuf [dreg:s7], $0x2FFFF;
	_ =	strace $0x9FFFFFFF  }
0x3a: {  	(tm) =	ssettm $0x7FFFFFFF  }
0x3b: {  	_ =	shalt  }
tec
execute0_lowered:
.L_overlay_start_1:
0x0: {  	(tag) =	ssettag $0x1  }
0x1: {  	s0 =	stileid.u32;
	s2 =	rddreg [dreg:$0x0]  }
0x2: {  	s1 =	srdreg.scid;
	s4 =	rddreg [dreg:$0x1];
	s5 =	simm.s32 $0x1  }
0x3: {  	s8 =	simm.s32 $0x2;
	s3 =	sshll.u32 s0, $0x4;
	s1 =	sshll.u32 s1, $0x8  }
0x4: {  	s13 =	simm.s32 $0x0;
	s14 =	simm.s32 $0x0;
	s3 =	sor.u32 s3, s1  }
0x5: {  	s12 =	simm.s32 $0x0;
	s4 =	sadd.s32 $0x800, s4;
	s3 =	sand.u32 $0x180, s3  }
0x6: {  	s1 =	rddreg [dreg:$0x2];
	_ =	strace $0x80000047;
	s6 =	ssub.s32 $0x8000, s3  }
.Ltmp0:
0x7: {  	[sflag:s5] =	ssyncpa.u1 $0x0;
	s7 =	sand.u32 $0x180, s6;
	(pc) =	sbr.rel .LBB1_1-.Ltmp0, $4  }
0x8: {  	[sflag:s8] =	ssyncpa.u1 $0x0;
	p0 =	sne.s32 s7, $0x0;
	s7 =	simm.s32 $0x1  }
0x9: {  	s9 =	sshrl.u32 s6, $0x9;
	s6 =	sand.u32 $0x7, s0;
	s7 =	simm.s32 @!p0 $0x0  }
0xa: {  	s10 =	smov.u32 s3;
	s11 =	smov.u32 s6;
	s7 =	sadd.s32 s7, s9  }
0xb: {  	p0 =	por $0x0, $0x0;
	s9 =	simm.s32 $0x40000;
	s8 =	sadd.s32 $0x1, s7  }
.LBB1_4:
0xc: {  	v5 =	vld [tilespmem:s18+$0xFFFFFFD0];
	[tilespmem:s17+$0x2040 ss:$0x81] =	vst.msk $0xffff, v1  }
0xd: {  	v58 =	vld [tilespmem:s18+$0xFFFFFFE0];
	[tilespmem:s17+$0x2850 ss:$0x81] =	vst.msk $0xffff, v2  }
0xe: {  	s19 =	sshra.s32 s19, $0x2;
	v59 =	vld [tilespmem:s18+$0xFFFFFFF0];
	[tilespmem:s17+$0x3060 ss:$0x81] =	vst.msk $0xffff, v3  }
0xf: {  	v60 =	vld [tilespmem:s18+$0x0];
	[tilespmem:s17+$0x0 ss:$0x81] =	vst.msk $0xffff, v0;
	s16 =	sadd.s32 s19, s16  }
0x10: {  	v61 =	vld [tilespmem:s18+$0x10];
	[tilespmem:s16+$0x3870 ss:$0x81] =	vst.msk $0xffff, v4  }
0x11: {  	v62 =	vld [tilespmem:s18+$0x20];
	[tilespmem:s16+$0x810 ss:$0x81] =	vst.msk $0xffff, v5  }
0x12: {  	v63 =	vld [tilespmem:s18+$0xFFFFFFC0];
	s14 =	sshll.u32 s14, $0x7;
	[tilespmem:s16+$0x1020 ss:$0x81] =	vst.msk $0xffff, v58  }
0x13: {  	s28 =	sand.u32 $0x78, s13;
	s29 =	sshll.u32 s13, $0x3;
	s14 =	sand.u32 $0x380, s14;
	[tilespmem:s16+$0x1830 ss:$0x81] =	vst.msk $0xffff, v59  }
0x14: {  	s18 =	sand.u32 $0x7C00, s29;
	s14 =	sor.u32 s14, s28;
	[tilespmem:s16+$0x2040 ss:$0x81] =	vst.msk $0xffff, v60  }
0x15: {  	s30 =	sand.u32 $0x7000, s13;
	s31 =	sand.u32 $0x7, s13;
	s14 =	sor.u32 s18, s14;
	[tilespmem:s16+$0x2850 ss:$0x81] =	vst.msk $0xffff, v61  }
0x16: {  	s17 =	sadd.s32 s4, s30;
	s13 =	sshll.u32 s31, $0x12;
	s14 =	sshrl.u32 s14, $0x3;
	[tilespmem:s16+$0x3060 ss:$0x81] =	vst.msk $0xffff, v62  }
0x17: {  	s13 =	sor.u32 $0x80, s13;
	[tilespmem:s16+$0x0 ss:$0x81] =	vst.msk $0xffff, v63;
	s14 =	sadd.s32 s14, s17  }
0x18: {  	[hbm4b:s14+s13] =	stream.strided.scatter [tilespmem:s15], [sflag:$0x2], $0x4000, s9, s13, $0x20;
	[tilespmem:$0x10100] =	vst v63  }
.LBB1_5:
0x19: {  	s15 =	sadd.s32 $0x200, s10  }
0x1a: {  	s13 =	sadd.s32 $0x8, s11;
	s17 =	smov.u32 s11;
	p2 =	sgt.s32 s15, $0x7FFF  }
0x1b: {  	s17 =	smov.u32 @p2 s13  }
0x1c: {  	s15 =	smov.u32 @p2 s3;
	p2 =	sgt.s32 s17, $0x7  }
0x1d: {  	s17 =	smov.u32 @p2 s6;
	p2 =	sne.s32 s12, s8  }
.Ltmp1:
0x1e: {  	p1 =	slt.u32 s12, $0x2;
	(pc) =	sbr.rel @!p2 .LBB1_6-.Ltmp1, $4  }
0x1f: {  	s16 =	simm.s32 @!p1 $0x2  }
0x20: {  	s14 =	smov.u32 s11;
	p0 =	por !p0, !p0;
	_ =	swait.ge @!p1 [sflag:s16], $0x4000  }
0x21: {  	s13 =	smov.u32 s10;
	[sflag:s16] =	ssyncset.done @!p1 $0x0;
	s10 =	smov.u32 s15  }
0x22: {  	s12 =	sadd.s32 $0x1, s12;
	[sflag:s16] =	ssyncadd.s32 @!p1 $0xFFFFC000;
	s11 =	smov.u32 s17  }
.LBB1_1:
0x23: {  	p1 =	sge.u32 s12, s7;
	s31 =	sadd.s32 $0xFFFFFFFF, s12  }
0x24: {  	s15 =	sxor.u32 @!p1 $0xFFFFFFFF, s12;
	s16 =	sshll.u32 @!p1 s11, $0x13;
	s17 =	sshll.u32 @!p1 s10, $0x4  }
0x25: {  	s15 =	sshll.u32 @!p1 s15, $0xE;
	s17 =	sand.u32 @!p1 $0x7FFF0, s17;
	s16 =	sadd.s32 @!p1 s2, s16  }
0x26: {  	s15 =	sand.u32 @!p1 $0x4000, s15;
	s16 =	sadd.s32 @!p1 s17, s16;
	s17 =	simm.s32 @!p1 $0x0  }
0x27: {  	[tilespmem:s15], [sflag:$0x1] =	stream.linear.gather @!p1 [hbm4b:s16+s17], $0x4000, $0x38;
	[tilespmem:$0x10100] =	vst v63  }
0x28: {  	p1 =	sge.u32 s31, s7  }
.Ltmp2:
0x29: {  	_ = 	snop;
	(pc) =	sbr.rel @p1 .LBB1_5-.Ltmp2, $1  }
0x2a: {  	_ =	sdelay $0x3  }
0x2b: {  	s15 =	simm.s32 $0x1  }
0x2c: {  	_ =	swait.ge [sflag:s5], $0x4000;
	s15 =	simm.s32 @!p0 $0x0  }
0x2d: {  	[sflag:s5] =	ssyncset.done $0x0;
	s16 =	sshll.u32 s15, $0xE  }
0x2e: {  	[sflag:s5] =	ssyncadd.s32 $0xFFFFC000;
	s18 =	sor.u32 $0x40, s16  }
0x2f: {  	s15 =	smul.u32 $0x10200, s15;
	v0 =	vld [tilespmem:s18+$0x30]  }
0x30: {  	v3 =	vld [tilespmem:s18+$0xFFFFFFD0]  }
0x31: {  	s15 =	sshrl.u32 s15, $0x2;
	v4 =	vld [tilespmem:s18+$0xFFFFFFE0]  }
0x32: {  	v5 =	vld [tilespmem:s18+$0xFFFFFFF0];
	s16 =	sor.u32 $0x8000, s15  }
0x33: {  	s31 =	sand.u32 $0x1, s12;
	v1 =	vld [tilespmem:s18+$0x0];
	s17 =	sadd.s32 $0x0, s16  }
0x34: {  	v2 =	vld [tilespmem:s18+$0x10];
	s15 =	smul.u32 $0x10200, s31;
	[tilespmem:s17+$0x3870 ss:$0x81] =	vst.msk $0xffff, v0  }
0x35: {  	[tilespmem:s17+$0x810 ss:$0x81] =	vst.msk $0xffff, v3;
	v3 =	vld [tilespmem:s18+$0x20]  }
0x36: {  	s15 =	sshrl.u32 s15, $0x2;
	v0 =	vld [tilespmem:s18+$0xFFFFFFC0];
	[tilespmem:s17+$0x1020 ss:$0x81] =	vst.msk $0xffff, v4;
	s18 =	sadd.s32 $0x80, s18  }
0x37: {  	s19 =	simm.s32 $0x4;
	s20 =	simm.s32 $0x8;
	s15 =	sor.u32 $0x8000, s15;
	[tilespmem:s17+$0x1830 ss:$0x81] =	vst.msk $0xffff, v5;
	v4 =	vld [tilespmem:s18+$0x30]  }
.LBB1_3:
0x38: {  	p1 =	sne.s32 s20, $0x1FC;
	v5 =	vld [tilespmem:s18+$0xFFFFFFD0];
	[tilespmem:s17+$0x2040 ss:$0x81] =	vst.msk $0xffff, v1  }
0x39: {  	v6 =	vld [tilespmem:s18+$0xFFFFFFE0];
	[tilespmem:s17+$0x2850 ss:$0x81] =	vst.msk $0xffff, v2  }
0x3a: {  	s21 =	sshra.s32 s19, $0x2;
	s19 =	smov.u32 s20;
	v7 =	vld [tilespmem:s18+$0xFFFFFFF0];
	[tilespmem:s17+$0x3060 ss:$0x81] =	vst.msk $0xffff, v3  }
.Ltmp3:
0x3b: {  	v1 =	vld [tilespmem:s18+$0x0];
	[tilespmem:s17+$0x0 ss:$0x81] =	vst.msk $0xffff, v0;
	s17 =	sadd.s32 s21, s16;
	(pc) =	sbr.rel @p1 .LBB1_3-.Ltmp3, $4  }
0x3c: {  	v2 =	vld [tilespmem:s18+$0x10];
	[tilespmem:s17+$0x3870 ss:$0x81] =	vst.msk $0xffff, v4  }
0x3d: {  	[tilespmem:s17+$0x810 ss:$0x81] =	vst.msk $0xffff, v5;
	v3 =	vld [tilespmem:s18+$0x20]  }
0x3e: {  	v0 =	vld [tilespmem:s18+$0xFFFFFFC0];
	[tilespmem:s17+$0x1020 ss:$0x81] =	vst.msk $0xffff, v6;
	s18 =	sadd.s32 $0x80, s18  }
0x3f: {  	s20 =	sadd.s32 $0x4, s20;
	v4 =	vld [tilespmem:s18+$0x30];
	[tilespmem:s17+$0x1830 ss:$0x81] =	vst.msk $0xffff, v7  }
.Ltmp4:
0x40: {  	_ = 	snop;
	(pc) =	sbr.rel .LBB1_4-.Ltmp4, $1  }
0x41: {  	_ =	sdelay $0x3  }
.LBB1_6:
0x42: {  	_ =	sfence.sel $0x180000  }
0x43: {  	s2 =	simm.s32 $0x1;
	[bflag:$0x0] =	sbarrier.arrive $0xFFFF  }
0x44: {  	s31 =	simm.s32 $0x2;
	[sflag:s2] =	ssyncpa.u1 $0x1  }
0x45: {  	[sflag:s31] =	ssyncpa.u1 $0x1  }
0x46: {  	p0 =	sne.s32 s0, $0x0;
	_ =	strace $0x90000047  }
0x47: {  	s0 =	sadd.s32 @!p0 $0x100000, s1;
	[bflag:$0x2] =	sbarrier.arrive $0xFFFF  }
0x48: {  	[sflag:s0] =	ssyncadd.tile.s32 @!p0 $0x1;
	_ =	shalt  }
.Lfunc_end1:
_tile_overlayer_lowered:
.L_overlay_start_2:
0x49: {  	(tag) =	ssettag $0x2  }
0x4a: {  	s0 =	rddreg [dreg:$0x0];
	s2 =	stileid.u32  }
0x4b: {  	s1 =	rddreg [dreg:$0x1];
	p0 =	sne.s32 s2, $0x0  }
0x4c: {  	s3 =	rddreg [dreg:$0x2];
	[bflag:$0x3] =	sbarrier.arrive $0xFFFF;
	s2 =	simm.s32 @!p0 $0x1C01  }
0x4d: {  	[timem:s3], [sflag:s2] =	dma.local @!p0 [hbm:s0], s1  }
0x4e: {  	s0 =	simm.s32 @!p0 $0x1  }
0x4f: {  	_ =	swait.ge @!p0 [sflag:s0], s1  }
0x50: {  	s1 =	ssub.s32 @!p0 $0x0, s1;
	[sflag:s0] =	ssyncset.done @!p0 $0x0  }
0x51: {  	[sflag:s0] =	ssyncadd.s32 @!p0 s1  }
0x52: {  	[bflag:$0x3] =	sbarrier.arrive $0xFFFF  }
0x53: {  	_ =	shalt  }

// kernel: sparse-core-data-format-call.cloned.1.call-start
scs
called_computation_lowered:
.L_overlay_start_0:
0x0: {  	s2 =	sld [smem:$0x3FD9]  }
0x1: {  	s3 =	sld [smem:$0x3FFE];
	_ =	sdelay $0x1  }
0x2: {  	s1 =	srdreg.scid  }
0x3: {  	s0 =	sand.u32 $0x1, s1  }
0x4: {  	s18 =	sshll.u32 s0, $0xA;
	s2 =	sadd.s32 s3, s2  }
0x5: {  	s2 =	sadd.s32 s2, s18  }
0x6: {  	[smem:$0x3FC6] =	sst s2  }
0x7: {  	_ = 	snop  }
0x8: {  	s2 =	sld [smem:$0x3FD0];
	(tm) =	ssettm $0x1  }
0x9: {  	s19 =	sld [smem:$0x3FFB];
	_ =	sdelay $0x3  }
0xa: {  	_ =	strace s19  }
0xb: {  	s3 =	sld [smem:$0x3FFC];
	_ =	sdelay $0x3  }
0xc: {  	_ =	strace s3  }
0xd: {  	s3 =	sld [smem:$0x3FFD];
	_ =	sdelay $0x3  }
0xe: {  	_ =	strace s3  }
0xf: {  	_ =	strace $0x8FFFFFFF  }
0x10: {  	s20 =	sld [smem:$0x3FDB];
	_ =	sdelay $0x1  }
0x11: {  	s4 =	simm.s32 $_scs_section_size  }
0x12: {  	s5 =	simm.s32 $_size__tile_overlayer_lowered;
	s6 =	simm.s32 $_tile_overlayer_lowered  }
0x13: {  	s23 =	simm.s32 $0x1BFF;
	s22 =	sshll.u32 s6, $0x1;
	s3 =	sadd.s32 s4, s20  }
0x14: {  	s7 =	simm.s32 $0x0;
	s21 =	sshll.u32 s5, $0x1;
	s5 =	sadd.s32 s22, s3  }
0x15: {  	[timem:s7], [sflag:s23] =	dma.local [hbm:s5], s21  }
0x16: {  	_ =	swait.ge [sflag:s23], s21  }
0x17: {  	s4 =	ssub.s32 $0x0, s21;
	[sflag:s23] =	ssyncset.done $0x0  }
0x18: {  	[sflag:s23] =	ssyncadd.s32 s4;
	_ =	sdelay $0x1  }
0x19: {  	s24 =	simm.s32 $0x1B8B  }
0x1a: {  	_ =	swait.ge [sflag:s24], $0x1  }
0x1b: {  	[sflag:s24] =	ssyncset.done $0x0  }
0x1c: {  	s26 =	simm.s32 $0x1B8E;
	s25 =	sld [smem:$0x3FFE];
	[sflag:s24] =	ssyncadd.s32 $0xFFFFFFFF  }
0x1d: {  	s27 =	simm.s32 $execute0_lowered;
	[smem:$0x3FD2] =	sst s26  }
0x1e: {  	s5 =	sshll.u32 s27, $0x1;
	_ =	strace $0x80000049;
	[dreg:$0x1] =	wrdreg $0xFFFFFFFF  }
0x1f: {  	s28 =	simm.s32 $_size_execute0_lowered;
	s3 =	sadd.s32 s3, s5;
	[dreg:$0x0] =	wrdreg $0x0  }
0x20: {  	s5 =	sshll.u32 s28, $0x1;
	[dreg:$0x2] =	wrdreg s3  }
0x21: {  	[dreg:$0x3] =	wrdreg s5  }
0x22: {  	[dreg:$0x4] =	wrdreg $0xC0  }
0x23: {  	_ =	task [dreg:s7], $0x5FFFF  }
0x24: {  	[dreg:$0x1] =	wrdreg $0xFFFFFFFF  }
0x25: {  	[dreg:$0x0] =	wrdreg $0x60  }
0x26: {  	[dreg:$0x2] =	wrdreg s25  }
0x27: {  	[dreg:$0x3] =	wrdreg s2  }
0x28: {  	[dreg:$0x4] =	wrdreg $0x9  }
0x29: {  	_ =	task.clear_ibuf [dreg:s7], $0x5FFFF;
	_ =	strace $0x90000049  }
0x2a: {  	s29 =	simm.s32 $0x9;
	_ =	strace $0x8000004B  }
0x2b: {  	_ =	swait.ge [sflag:s29], $0x1  }
0x2c: {  	[sflag:s29] =	ssyncadd.s32 $0xFFFFFFFF  }
0x2d: {  	_ =	strace $0x9000004B  }
0x2e: {  	_ =	sfence  }
0x2f: {  	s30 =	sld [smem:$0x0];
	_ =	sdelay $0x2  }
0x30: {  	s31 =	sshll.u32 s1, $0xD;
	s1 =	sshrl.u32 s1, $0x2  }
0x31: {  	s3 =	sand.u32 $0x4000, s31;
	s1 =	sadd.s32 s1, s30  }
0x32: {  	s0 =	sor.u32 s3, s0;
	s1 =	sshll.u32 s1, $0x11  }
0x33: {  	s0 =	sor.u32 s1, s0  }
0x34: {  	s0 =	sadd.s32 $0x8F2B, s0  }
0x35: {  	[sflag:s0] =	ssyncadd.remote.s32 $0x1  }
0x36: {  	_ =	sfence.sel $0xFFFF  }
0x37: {  	[dreg:$0x0] =	wrdreg $0xFFFFFFFF;
	(pc) =	sbr.abs _section_cstart, $3  }
0x38: {  	[dreg:$0x1] =	wrdreg $0xFFFFFFFF  }
0x39: {  	_ =	task.clear_ibuf [dreg:s7], $0x2FFFF;
	_ =	strace $0x9FFFFFFF  }
0x3a: {  	(tm) =	ssettm $0x7FFFFFFF  }
0x3b: {  	_ =	shalt  }
tec
execute0_lowered:
.L_overlay_start_1:
0x0: {  	(tag) =	ssettag $0x1  }
0x1: {  	s4 =	rddreg [dreg:$0x0]  }
0x2: {  	s0 =	stileid.u32;
	s2 =	rddreg [dreg:$0x1]  }
0x3: {  	s1 =	rddreg [dreg:$0x2];
	_ =	strace $0x8000004A;
	s5 =	srdreg.scid  }
0x4: {  	s31 =	simm.s32 $0x2;
	s16 =	simm.s32 $0x0;
	s9 =	simm.s32 $0x2000  }
0x5: {  	s15 =	simm.s32 $0x0;
	s14 =	simm.s32 $0x0;
	s3 =	sshll.u32 s0, $0x7  }
0x6: {  	s10 =	simm.s32 $0x0;
	s5 =	sshll.u32 s5, $0x4;
	s3 =	sand.u32 $0x380, s3  }
0x7: {  	s13 =	simm.s32 $0x0;
	s5 =	sand.u32 $0x10, s5;
	s6 =	ssub.s32 $0x400, s3  }
0x8: {  	s4 =	sadd.s32 $0x400800, s4;
	s5 =	sor.u32 s0, s5;
	s7 =	sand.u32 $0x380, s6  }
.Ltmp0:
0x9: {  	p0 =	sne.s32 s7, $0x0;
	s7 =	simm.s32 $0x1;
	(pc) =	sbr.rel .LBB1_1-.Ltmp0, $4  }
0xa: {  	s12 =	smov.u32 s3;
	s8 =	sshrl.u32 s6, $0xA;
	s7 =	simm.s32 @!p0 $0x0  }
0xb: {  	s5 =	sshrl.u32 s5, $0x3;
	s6 =	simm.s32 $0x1;
	s7 =	sadd.s32 s7, s8  }
0xc: {  	[sflag:s6] =	ssyncpa.u1 $0x0;
	s11 =	smov.u32 s5;
	s7 =	sshll.u32 s7, $0x6  }
0xd: {  	[sflag:s31] =	ssyncpa.u1 $0x0;
	p0 =	por $0x0, $0x0;
	s8 =	sor.u32 $0x1, s7  }
.LBB1_4:
0xe: {  	v5 =	vld [tilespmem:s20+$0xFFFFFFD0];
	[tilespmem:s19+$0x2040 ss:$0x81] =	vst.msk $0xffff, v1  }
0xf: {  	v58 =	vld [tilespmem:s20+$0xFFFFFFE0];
	[tilespmem:s19+$0x2850 ss:$0x81] =	vst.msk $0xffff, v2  }
0x10: {  	s21 =	sshra.s32 s21, $0x2;
	v59 =	vld [tilespmem:s20+$0xFFFFFFF0];
	[tilespmem:s19+$0x3060 ss:$0x81] =	vst.msk $0xffff, v3  }
0x11: {  	v60 =	vld [tilespmem:s20+$0x0];
	[tilespmem:s19+$0x0 ss:$0x81] =	vst.msk $0xffff, v0;
	s18 =	sadd.s32 s21, s18  }
0x12: {  	v61 =	vld [tilespmem:s20+$0x10];
	[tilespmem:s18+$0x3870 ss:$0x81] =	vst.msk $0xffff, v4  }
0x13: {  	v62 =	vld [tilespmem:s20+$0x20];
	s26 =	sshll.u32 s16, $0xA;
	s27 =	sshll.u32 s14, $0x3;
	[tilespmem:s18+$0x810 ss:$0x81] =	vst.msk $0xffff, v5  }
0x14: {  	v63 =	vld [tilespmem:s20+$0xFFFFFFC0];
	s29 =	sshll.u32 s16, $0x7;
	s30 =	sand.u32 $0x78, s14;
	s15 =	sshll.u32 s15, $0x14;
	[tilespmem:s18+$0x1020 ss:$0x81] =	vst.msk $0xffff, v58  }
0x15: {  	s19 =	sand.u32 $0x7FE000, s26;
	s28 =	sand.u32 $0x7FFC00, s27;
	s16 =	sand.u32 $0x380, s29;
	[tilespmem:s18+$0x1830 ss:$0x81] =	vst.msk $0xffff, v59  }
0x16: {  	s31 =	sand.u32 $0x7, s14;
	s19 =	sadd.s32 s28, s19;
	s16 =	sor.u32 s30, s16;
	[tilespmem:s18+$0x2040 ss:$0x81] =	vst.msk $0xffff, v60  }
0x17: {  	s15 =	sadd.s32 s2, s15;
	s19 =	sshrl.u32 s19, $0x3;
	s16 =	sshrl.u32 s16, $0x3;
	[tilespmem:s18+$0x2850 ss:$0x81] =	vst.msk $0xffff, v61  }
0x18: {  	s14 =	sshll.u32 s31, $0x12;
	s19 =	sand.u32 $0xFFF80, s19;
	s15 =	sadd.s32 s16, s15;
	[tilespmem:s18+$0x3060 ss:$0x81] =	vst.msk $0xffff, v62  }
0x19: {  	s14 =	sor.u32 $0x400, s14;
	[tilespmem:s18+$0x0 ss:$0x81] =	vst.msk $0xffff, v63;
	s15 =	sadd.s32 s19, s15  }
0x1a: {  	[hbm4b:s15+s14] =	stream.strided.scatter [tilespmem:s17], [sflag:$0x2], $0x4000, s9, s14, $0x20;
	[tilespmem:$0x10100] =	vst v63  }
.LBB1_5:
0x1b: {  	s17 =	sadd.s32 $0x80, s10  }
0x1c: {  	s14 =	sadd.s32 $0x4, s11;
	s18 =	smov.u32 s11;
	p2 =	sgt.s32 s17, $0x1FFF  }
0x1d: {  	s18 =	smov.u32 @p2 s14  }
0x1e: {  	s20 =	smov.u32 s12;
	s14 =	sadd.s32 $0x400, s12;
	p3 =	sgt.s32 s18, $0x3  }
0x1f: {  	s20 =	smov.u32 @p3 s14  }
0x20: {  	s17 =	simm.s32 @p2 $0x0;
	p2 =	sgt.s32 s20, $0x3FF  }
0x21: {  	p1 =	slt.u32 s13, $0x2;
	s20 =	smov.u32 @p2 s3;
	p2 =	sne.s32 s13, s8  }
.Ltmp1:
0x22: {  	s19 =	simm.s32 @!p1 $0x2;
	(pc) =	sbr.rel @!p2 .LBB1_6-.Ltmp1, $4  }
0x23: {  	s16 =	smov.u32 s10;
	s15 =	smov.u32 s11;
	_ =	swait.ge @!p1 [sflag:s19], $0x4000  }
0x24: {  	p0 =	por !p0, !p0;
	[sflag:s19] =	ssyncset.done @!p1 $0x0;
	s10 =	smov.u32 s17  }
0x25: {  	s18 =	smov.u32 @p3 s5;
	s14 =	smov.u32 s12;
	[sflag:s19] =	ssyncadd.s32 @!p1 $0xFFFFC000  }
0x26: {  	s11 =	smov.u32 s18;
	s13 =	sadd.s32 $0x1, s13;
	s12 =	smov.u32 s20  }
.LBB1_1:
0x27: {  	p1 =	sge.u32 s13, s7  }
0x28: {  	s17 =	sshll.u32 @!p1 s11, $0x7  }
0x29: {  	s18 =	sand.u32 @!p1 $0x78, s10;
	s19 =	sshll.u32 @!p1 s10, $0x2;
	s17 =	sand.u32 @!p1 $0x180, s17  }
0x2a: {  	s31 =	sadd.s32 $0xFFFFFFFF, s13;
	s19 =	sand.u32 @!p1 $0x1E00, s19;
	s17 =	sor.u32 @!p1 s17, s18  }
0x2b: {  	s18 =	sshll.u32 @!p1 s12, $0xC;
	s17 =	sor.u32 @!p1 s19, s17;
	s19 =	sshrl.u32 @!p1 s10, $0x1  }
0x2c: {  	s20 =	sxor.u32 @!p1 $0xFFFFFFFF, s13;
	s18 =	sadd.s32 @!p1 s4, s18;
	s19 =	sand.u32 @!p1 $0xC00, s19  }
0x2d: {  	s20 =	sshll.u32 @!p1 s20, $0xE;
	s18 =	sadd.s32 @!p1 s19, s18;
	s19 =	sand.u32 @!p1 $0x7, s10  }
0x2e: {  	s20 =	sand.u32 @!p1 $0x4000, s20;
	s17 =	sshrl.u32 @!p1 s17, $0x3;
	s19 =	sshll.u32 @!p1 s19, $0x12  }
0x2f: {  	s17 =	sadd.s32 @!p1 s17, s18;
	s18 =	sor.u32 @!p1 $0x80, s19;
	s19 =	simm.s32 @!p1 $0x8000  }
0x30: {  	[tilespmem:s20], [sflag:$0x1] =	stream.strided.gather @!p1 [hbm4b:s17+s18], $0x4000, s19, s18, $0x38;
	[tilespmem:$0x10100] =	vst v63  }
0x31: {  	p1 =	sge.u32 s31, s7  }
.Ltmp2:
0x32: {  	_ = 	snop;
	(pc) =	sbr.rel @p1 .LBB1_5-.Ltmp2, $1  }
0x33: {  	_ =	sdelay $0x3  }
0x34: {  	s17 =	simm.s32 $0x1  }
0x35: {  	_ =	swait.ge [sflag:s6], $0x4000;
	s17 =	simm.s32 @!p0 $0x0  }
0x36: {  	[sflag:s6] =	ssyncset.done $0x0;
	s18 =	sshll.u32 s17, $0xE  }
0x37: {  	[sflag:s6] =	ssyncadd.s32 $0xFFFFC000;
	s20 =	sor.u32 $0x40, s18  }
0x38: {  	s17 =	smul.u32 $0x10200, s17;
	v0 =	vld [tilespmem:s20+$0x30]  }
0x39: {  	v3 =	vld [tilespmem:s20+$0xFFFFFFD0]  }
0x3a: {  	s17 =	sshrl.u32 s17, $0x2;
	v4 =	vld [tilespmem:s20+$0xFFFFFFE0]  }
0x3b: {  	v5 =	vld [tilespmem:s20+$0xFFFFFFF0];
	s18 =	sor.u32 $0x8000, s17  }
0x3c: {  	s31 =	sand.u32 $0x1, s13;
	v1 =	vld [tilespmem:s20+$0x0];
	s19 =	sadd.s32 $0x0, s18  }
0x3d: {  	v2 =	vld [tilespmem:s20+$0x10];
	s17 =	smul.u32 $0x10200, s31;
	[tilespmem:s19+$0x3870 ss:$0x81] =	vst.msk $0xffff, v0  }
0x3e: {  	[tilespmem:s19+$0x810 ss:$0x81] =	vst.msk $0xffff, v3;
	v3 =	vld [tilespmem:s20+$0x20]  }
0x3f: {  	s17 =	sshrl.u32 s17, $0x2;
	v0 =	vld [tilespmem:s20+$0xFFFFFFC0];
	[tilespmem:s19+$0x1020 ss:$0x81] =	vst.msk $0xffff, v4;
	s20 =	sadd.s32 $0x80, s20  }
0x40: {  	s21 =	simm.s32 $0x4;
	s22 =	simm.s32 $0x8;
	s17 =	sor.u32 $0x8000, s17;
	[tilespmem:s19+$0x1830 ss:$0x81] =	vst.msk $0xffff, v5;
	v4 =	vld [tilespmem:s20+$0x30]  }
.LBB1_3:
0x41: {  	p1 =	sne.s32 s22, $0x1FC;
	v5 =	vld [tilespmem:s20+$0xFFFFFFD0];
	[tilespmem:s19+$0x2040 ss:$0x81] =	vst.msk $0xffff, v1  }
0x42: {  	v6 =	vld [tilespmem:s20+$0xFFFFFFE0];
	[tilespmem:s19+$0x2850 ss:$0x81] =	vst.msk $0xffff, v2  }
0x43: {  	s23 =	sshra.s32 s21, $0x2;
	s21 =	smov.u32 s22;
	v7 =	vld [tilespmem:s20+$0xFFFFFFF0];
	[tilespmem:s19+$0x3060 ss:$0x81] =	vst.msk $0xffff, v3  }
.Ltmp3:
0x44: {  	v1 =	vld [tilespmem:s20+$0x0];
	[tilespmem:s19+$0x0 ss:$0x81] =	vst.msk $0xffff, v0;
	s19 =	sadd.s32 s23, s18;
	(pc) =	sbr.rel @p1 .LBB1_3-.Ltmp3, $4  }
0x45: {  	v2 =	vld [tilespmem:s20+$0x10];
	[tilespmem:s19+$0x3870 ss:$0x81] =	vst.msk $0xffff, v4  }
0x46: {  	[tilespmem:s19+$0x810 ss:$0x81] =	vst.msk $0xffff, v5;
	v3 =	vld [tilespmem:s20+$0x20]  }
0x47: {  	v0 =	vld [tilespmem:s20+$0xFFFFFFC0];
	[tilespmem:s19+$0x1020 ss:$0x81] =	vst.msk $0xffff, v6;
	s20 =	sadd.s32 $0x80, s20  }
0x48: {  	s22 =	sadd.s32 $0x4, s22;
	v4 =	vld [tilespmem:s20+$0x30];
	[tilespmem:s19+$0x1830 ss:$0x81] =	vst.msk $0xffff, v7  }
.Ltmp4:
0x49: {  	_ = 	snop;
	(pc) =	sbr.rel .LBB1_4-.Ltmp4, $1  }
0x4a: {  	_ =	sdelay $0x3  }
.LBB1_6:
0x4b: {  	_ =	sfence.sel $0x180000  }
0x4c: {  	s2 =	simm.s32 $0x1;
	[bflag:$0x0] =	sbarrier.arrive $0xFFFF  }
0x4d: {  	s31 =	simm.s32 $0x2;
	[sflag:s2] =	ssyncpa.u1 $0x1  }
0x4e: {  	[sflag:s31] =	ssyncpa.u1 $0x1  }
0x4f: {  	p0 =	sne.s32 s0, $0x0;
	_ =	strace $0x9000004A  }
0x50: {  	s0 =	sadd.s32 @!p0 $0x100000, s1;
	[bflag:$0x2] =	sbarrier.arrive $0xFFFF  }
0x51: {  	[sflag:s0] =	ssyncadd.tile.s32 @!p0 $0x1;
	_ =	shalt  }
.Lfunc_end1:
_tile_overlayer_lowered:
.L_overlay_start_2:
0x52: {  	(tag) =	ssettag $0x2  }
0x53: {  	s0 =	rddreg [dreg:$0x0];
	s2 =	stileid.u32  }
0x54: {  	s1 =	rddreg [dreg:$0x1];
	p0 =	sne.s32 s2, $0x0  }
0x55: {  	s3 =	rddreg [dreg:$0x2];
	[bflag:$0x3] =	sbarrier.arrive $0xFFFF;
	s2 =	simm.s32 @!p0 $0x1C01  }
0x56: {  	[timem:s3], [sflag:s2] =	dma.local @!p0 [hbm:s0], s1  }
0x57: {  	s0 =	simm.s32 @!p0 $0x1  }
0x58: {  	_ =	swait.ge @!p0 [sflag:s0], s1  }
0x59: {  	s1 =	ssub.s32 @!p0 $0x0, s1;
	[sflag:s0] =	ssyncset.done @!p0 $0x0  }
0x5a: {  	[sflag:s0] =	ssyncadd.s32 @!p0 s1  }
0x5b: {  	[bflag:$0x3] =	sbarrier.arrive $0xFFFF  }
0x5c: {  	_ =	shalt  }

</sc_bundles>
